<compile_context>
chip_gen: v7x
topology: tpu7x:2x2x1
jax: 0.10.2.dev20260603
libtpu: 0.0.44.dev20260713+nightly
codegen_flags: <defaults>
</compile_context>

<pallas_src>
import jax
import jax.numpy as jnp
from jax import lax
from jax.experimental import pallas as pl
from jax.experimental.pallas import tpu as pltpu
from jax.experimental.pallas import tpu_sc as plsc

H, W = 512, 512
NUM_COLORS = 10
EMB = 3
LANES = 16

_info = plsc.get_sparse_core_info()
_NC, _NS = _info.num_cores, _info.num_subcores
_NW = _NC * _NS
_ROWS = H // _NW
_VECS = W // LANES

_GATHER_DNUMS = lax.GatherDimensionNumbers(
    offset_dims=(), collapsed_slice_dims=(0,), start_index_map=(0,))


def _vreg_gather(table_vreg, idx_vreg):
    return lax.gather(
        table_vreg, idx_vreg[:, None], dimension_numbers=_GATHER_DNUMS,
        slice_sizes=(1,), mode=lax.GatherScatterMode.PROMISE_IN_BOUNDS)


def _sc_body(frame_hbm, tab_hbm, out_hbm, idx_v, tab_v, out_v):
    wid = lax.axis_index("s") * _NC + lax.axis_index("c")
    row0 = wid * _ROWS

    pltpu.sync_copy(tab_hbm, tab_v)
    pltpu.sync_copy(frame_hbm.at[pl.ds(row0, _ROWS), :], idx_v)

    tabs = [tab_v[e, :] for e in range(EMB)]

    for r in range(_ROWS):
        def step(c, carry, r=r):
            v = idx_v[r, pl.ds(c * LANES, LANES)]
            out_v[0, r, pl.ds(c * LANES, LANES)] = _vreg_gather(tabs[0], v)
            out_v[1, r, pl.ds(c * LANES, LANES)] = _vreg_gather(tabs[1], v)
            out_v[2, r, pl.ds(c * LANES, LANES)] = _vreg_gather(tabs[2], v)
            return carry

        lax.fori_loop(0, _VECS, step, 0, unroll=4)

    for e in range(EMB):
        pltpu.sync_copy(out_v.at[e], out_hbm.at[0, e, pl.ds(row0, _ROWS), :])


@jax.jit
def _lookup(frame, tab):
    mesh = plsc.VectorSubcoreMesh(core_axis_name="c", subcore_axis_name="s")
    f = pl.kernel(
        _sc_body,
        out_type=jax.ShapeDtypeStruct((1, EMB, H, W), jnp.float32),
        mesh=mesh,
        compiler_params=pltpu.CompilerParams(use_tc_tiling_on_sc=True),
        scratch_types=[
            pltpu.VMEM((_ROWS, W), jnp.int32),
            pltpu.VMEM((EMB, LANES), jnp.float32),
            pltpu.VMEM((EMB, _ROWS, W), jnp.float32),
        ],
    )
    return f(frame, tab)


def kernel(arc_frame, color_embedding):
    tab_padded = lax.pad(color_embedding.astype(jnp.float32).T, 0.0,
                         [(0, 0, 0), (0, LANES - NUM_COLORS, 0)])
    return _lookup(arc_frame.astype(jnp.int32).reshape(H, W), tab_padded)

# --- scband reference (transcript-rebuilt; emitter-appended) ---
"""Pipeline reference for scband-arcvisual-processor-53300544143528 (READ-ONLY COPY).

The authoritative reference and input builder live on the scoring server;
editing this copy changes nothing except your own understanding.
"""

import jax, jax.numpy as jnp
import numpy as np

H, W, C = 512, 512, 1
NUM_COLORS, EMB_DIM = 10, 3

def setup_inputs(seed: int = 0) -> dict:
    key = jax.random.key(seed)
    k1, k2 = jax.random.split(key)
    arc_frame = jax.random.randint(k1, (H, W, C), 0, NUM_COLORS, dtype=jnp.int64 if jax.config.jax_enable_x64 else jnp.int32)
    color_embedding = jax.random.normal(k2, (NUM_COLORS, EMB_DIM), dtype=jnp.float32)
    return {"arc_frame": arc_frame, "color_embedding": color_embedding}

def reference(arc_frame, color_embedding):
    # frame_tensor is 3D [H, W, C] -> embedding lookup -> [H, W, C, 3]
    embedded = jnp.take(color_embedding, arc_frame, axis=0)
    # mean over channel dim -> [H, W, 3]
    embedded = embedded.mean(axis=2)
    # permute(2, 0, 1) -> [3, H, W]
    embedded = jnp.transpose(embedded, (2, 0, 1))
    # embedded.shape[1:] == target_size[1:] == (512, 512) -> no interpolation
    # unsqueeze(0) -> [1, 3, H, W]
    return embedded[None, ...]

if __name__ == "__main__":
    import jax
    _d = setup_inputs()
    print(jax.jit(kernel)(*tuple(_d.values())))

</pallas_src>

<mosaic_0001>
#map = affine_map<(d0, d1) -> (0, 0)>
#map1 = affine_map<(d0, d1) -> (0, 0, 0, 0)>
module attributes {stable_mosaic.version = 14 : i64} {
  func.func @_sc_body(%arg0: i32, %arg1: i32, %arg2: memref<512x512xi32, #tpu.memory_space<hbm>>, %arg3: memref<3x16xf32, #tpu.memory_space<hbm>>, %arg4: memref<1x3x512x512xf32, #tpu.memory_space<hbm>>, %arg5: memref<16x512xi32, #tpu.memory_space<vmem>>, %arg6: memref<3x16xf32, #tpu.memory_space<vmem>>, %arg7: memref<3x16x512xf32, #tpu.memory_space<vmem>>) attributes {dimension_semantics = [#tpu.dimension_semantics<core_parallel>, #tpu.dimension_semantics<subcore_parallel>], iteration_bounds = array<i64: 2, 16>, scalar_prefetch = 0 : i64, scratch_operands = 3 : i64, tpu.core_type = #tpu.core_type<sc_vector_subcore>, window_params = [{transform_indices = #map}, {transform_indices = #map}, {transform_indices = #map1}]} {
    %mul3A = arith.constant 2 : i32
    %mul3A_0 = arith.muli %arg1, %mul3A : i32
    %add3A = arith.addi %mul3A_0, %arg0 : i32
    %mul3A_1 = arith.constant 16 : i32
    %mul3A_2 = arith.muli %add3A, %mul3A_1 : i32
    "tpu.region"() ({
      %run_scoped3A_120 = tpu.sem_alloc : memref<!tpu.dma_semaphore, #tpu.memory_space<semaphore_mem>>
      tpu.enqueue_dma source(%arg3 : memref<3x16xf32, #tpu.memory_space<hbm>>) target(%arg6 : memref<3x16xf32, #tpu.memory_space<vmem>>) target_semaphore(%run_scoped3A_120 : memref<!tpu.dma_semaphore, #tpu.memory_space<semaphore_mem>>)
      tpu.wait_dma2 semaphore(%run_scoped3A_120 : memref<!tpu.dma_semaphore, #tpu.memory_space<semaphore_mem>>) src(%arg3 : memref<3x16xf32, #tpu.memory_space<hbm>>) dst(%arg6 : memref<3x16xf32, #tpu.memory_space<vmem>>)
      tpu.yield
    }) : () -> ()
    "tpu.region"() ({
      %run_scoped3A_120 = tpu.sem_alloc : memref<!tpu.dma_semaphore, #tpu.memory_space<semaphore_mem>>
      %dma_start3A = arith.constant 0 : i32
      %dma_start3A_121 = tpu.memref_slice %arg2[%mul3A_2, %dma_start3A] : memref<512x512xi32, #tpu.memory_space<hbm>> -> memref<16x512xi32, #tpu.memory_space<hbm>>
      %dma_start3A_122 = arith.constant 0 : i32
      %dma_start3A_123 = tpu.memref_slice %arg2[%mul3A_2, %dma_start3A_122] : memref<512x512xi32, #tpu.memory_space<hbm>> -> memref<16x512xi32, #tpu.memory_space<hbm>>
      tpu.enqueue_dma source(%dma_start3A_123 : memref<16x512xi32, #tpu.memory_space<hbm>>) target(%arg5 : memref<16x512xi32, #tpu.memory_space<vmem>>) target_semaphore(%run_scoped3A_120 : memref<!tpu.dma_semaphore, #tpu.memory_space<semaphore_mem>>)
      %dma_wait3A = arith.constant 0 : i32
      %dma_wait3A_124 = tpu.memref_slice %arg2[%mul3A_2, %dma_wait3A] : memref<512x512xi32, #tpu.memory_space<hbm>> -> memref<16x512xi32, #tpu.memory_space<hbm>>
      %dma_wait3A_125 = arith.constant 0 : i32
      %dma_wait3A_126 = tpu.memref_slice %arg2[%mul3A_2, %dma_wait3A_125] : memref<512x512xi32, #tpu.memory_space<hbm>> -> memref<16x512xi32, #tpu.memory_space<hbm>>
      tpu.wait_dma2 semaphore(%run_scoped3A_120 : memref<!tpu.dma_semaphore, #tpu.memory_space<semaphore_mem>>) src(%dma_wait3A_126 : memref<16x512xi32, #tpu.memory_space<hbm>>) dst(%arg5 : memref<16x512xi32, #tpu.memory_space<vmem>>)
      tpu.yield
    }) : () -> ()
    %get3A = arith.constant 0 : i32
    %get3A_3 = arith.index_cast %get3A : i32 to index
    %get3A_4 = arith.constant 0 : index
    %get3A_5 = tpu.vector_load %arg6[%get3A_3, %get3A_4] {strides = array<i32>} : memref<3x16xf32, #tpu.memory_space<vmem>>, vector<1x16xf32>,
    %get3A_6 = vector.shape_cast %get3A_5 : vector<1x16xf32> to vector<16xf32>
    %get3A_7 = arith.constant 1 : i32
    %get3A_8 = arith.index_cast %get3A_7 : i32 to index
    %get3A_9 = arith.constant 0 : index
    %get3A_10 = tpu.vector_load %arg6[%get3A_8, %get3A_9] {strides = array<i32>} : memref<3x16xf32, #tpu.memory_space<vmem>>, vector<1x16xf32>,
    %get3A_11 = vector.shape_cast %get3A_10 : vector<1x16xf32> to vector<16xf32>
    %get3A_12 = arith.constant 2 : i32
    %get3A_13 = arith.index_cast %get3A_12 : i32 to index
    %get3A_14 = arith.constant 0 : index
    %get3A_15 = tpu.vector_load %arg6[%get3A_13, %get3A_14] {strides = array<i32>} : memref<3x16xf32, #tpu.memory_space<vmem>>, vector<1x16xf32>,
    %get3A_16 = vector.shape_cast %get3A_15 : vector<1x16xf32> to vector<16xf32>
    %scan3A = arith.constant 0 : i32
    %scan3A_17 = arith.constant 0 : i32
    %scan3A_18 = arith.constant 32 : i32
    %scan3A_19 = arith.addi %scan3A_17, %scan3A_18 : i32
    %scan3A_20 = arith.constant 4 : i32
    scf.for %scan3A_120 = %scan3A_17 to %scan3A_19 step %scan3A_20  : i32 {
      %mul3A_121 = arith.constant 16 : i32
      %mul3A_122 = arith.muli %scan3A_120, %mul3A_121 : i32
      %get3A_123 = arith.constant 0 : i32
      %get3A_124 = arith.index_cast %get3A_123 : i32 to index
      %get3A_125 = arith.index_cast %mul3A_122 : i32 to index
      %get3A_126 = tpu.vector_load %arg5[%get3A_124, %get3A_125] {strides = array<i32>} : memref<16x512xi32, #tpu.memory_space<vmem>>, vector<1x16xi32>,
      %get3A_127 = vector.shape_cast %get3A_126 : vector<1x16xi32> to vector<16xi32>
      %broadcast_in_dim3A = vector.shape_cast %get3A_127 : vector<16xi32> to vector<16x1xi32>
      %gather3A = vector.shape_cast %broadcast_in_dim3A : vector<16x1xi32> to vector<16xi32>
      %gather3A_128 = tpu.dynamic_gather %get3A_6[%gather3A] in [0] : vector<16xf32>, vector<16xi32> -> vector<16xf32>
      %mul3A_129 = arith.constant 16 : i32
      %mul3A_130 = arith.muli %scan3A_120, %mul3A_129 : i32
      %swap3A = arith.constant 0 : i32
      %swap3A_131 = arith.constant 0 : i32
      %swap3A_132 = arith.index_cast %swap3A : i32 to index
      %swap3A_133 = arith.index_cast %swap3A_131 : i32 to index
      %swap3A_134 = arith.index_cast %mul3A_130 : i32 to index
      %swap3A_135 = tpu.vector_load %arg7[%swap3A_132, %swap3A_133, %swap3A_134] {strides = array<i32>} : memref<3x16x512xf32, #tpu.memory_space<vmem>>, vector<1x1x16xf32>,
      %swap3A_136 = vector.shape_cast %swap3A_135 : vector<1x1x16xf32> to vector<16xf32>
      %swap3A_137 = vector.shape_cast %gather3A_128 : vector<16xf32> to vector<1x1x16xf32>
      tpu.vector_store %arg7[%swap3A_132, %swap3A_133, %swap3A_134], %swap3A_137 {strides = array<i32>} : memref<3x16x512xf32, #tpu.memory_space<vmem>>, vector<1x1x16xf32>,
      %broadcast_in_dim3A_138 = vector.shape_cast %get3A_127 : vector<16xi32> to vector<16x1xi32>
      %gather3A_139 = vector.shape_cast %broadcast_in_dim3A_138 : vector<16x1xi32> to vector<16xi32>
      %gather3A_140 = tpu.dynamic_gather %get3A_11[%gather3A_139] in [0] : vector<16xf32>, vector<16xi32> -> vector<16xf32>
      %mul3A_141 = arith.constant 16 : i32
      %mul3A_142 = arith.muli %scan3A_120, %mul3A_141 : i32
      %swap3A_143 = arith.constant 1 : i32
      %swap3A_144 = arith.constant 0 : i32
      %swap3A_145 = arith.index_cast %swap3A_143 : i32 to index
      %swap3A_146 = arith.index_cast %swap3A_144 : i32 to index
      %swap3A_147 = arith.index_cast %mul3A_142 : i32 to index
      %swap3A_148 = tpu.vector_load %arg7[%swap3A_145, %swap3A_146, %swap3A_147] {strides = array<i32>} : memref<3x16x512xf32, #tpu.memory_space<vmem>>, vector<1x1x16xf32>,
      %swap3A_149 = vector.shape_cast %swap3A_148 : vector<1x1x16xf32> to vector<16xf32>
      %swap3A_150 = vector.shape_cast %gather3A_140 : vector<16xf32> to vector<1x1x16xf32>
      tpu.vector_store %arg7[%swap3A_145, %swap3A_146, %swap3A_147], %swap3A_150 {strides = array<i32>} : memref<3x16x512xf32, #tpu.memory_space<vmem>>, vector<1x1x16xf32>,
      %broadcast_in_dim3A_151 = vector.shape_cast %get3A_127 : vector<16xi32> to vector<16x1xi32>
      %gather3A_152 = vector.shape_cast %broadcast_in_dim3A_151 : vector<16x1xi32> to vector<16xi32>
      %gather3A_153 = tpu.dynamic_gather %get3A_16[%gather3A_152] in [0] : vector<16xf32>, vector<16xi32> -> vector<16xf32>
      %mul3A_154 = arith.constant 16 : i32
      %mul3A_155 = arith.muli %scan3A_120, %mul3A_154 : i32
      %swap3A_156 = arith.constant 2 : i32
      %swap3A_157 = arith.constant 0 : i32
      %swap3A_158 = arith.index_cast %swap3A_156 : i32 to index
      %swap3A_159 = arith.index_cast %swap3A_157 : i32 to index
      %swap3A_160 = arith.index_cast %mul3A_155 : i32 to index
      %swap3A_161 = tpu.vector_load %arg7[%swap3A_158, %swap3A_159, %swap3A_160] {strides = array<i32>} : memref<3x16x512xf32, #tpu.memory_space<vmem>>, vector<1x1x16xf32>,
      %swap3A_162 = vector.shape_cast %swap3A_161 : vector<1x1x16xf32> to vector<16xf32>
      %swap3A_163 = vector.shape_cast %gather3A_153 : vector<16xf32> to vector<1x1x16xf32>
      tpu.vector_store %arg7[%swap3A_158, %swap3A_159, %swap3A_160], %swap3A_163 {strides = array<i32>} : memref<3x16x512xf32, #tpu.memory_space<vmem>>, vector<1x1x16xf32>,
      %scan3A_164 = arith.constant 1 : i32
      %scan3A_165 = arith.addi %scan3A_120, %scan3A_164 : i32
      %mul3A_166 = arith.constant 16 : i32
      %mul3A_167 = arith.muli %scan3A_165, %mul3A_166 : i32
      %get3A_168 = arith.constant 0 : i32
      %get3A_169 = arith.index_cast %get3A_168 : i32 to index
      %get3A_170 = arith.index_cast %mul3A_167 : i32 to index
      %get3A_171 = tpu.vector_load %arg5[%get3A_169, %get3A_170] {strides = array<i32>} : memref<16x512xi32, #tpu.memory_space<vmem>>, vector<1x16xi32>,
      %get3A_172 = vector.shape_cast %get3A_171 : vector<1x16xi32> to vector<16xi32>
      %broadcast_in_dim3A_173 = vector.shape_cast %get3A_172 : vector<16xi32> to vector<16x1xi32>
      %gather3A_174 = vector.shape_cast %broadcast_in_dim3A_173 : vector<16x1xi32> to vector<16xi32>
      %gather3A_175 = tpu.dynamic_gather %get3A_6[%gather3A_174] in [0] : vector<16xf32>, vector<16xi32> -> vector<16xf32>
      %mul3A_176 = arith.constant 16 : i32
      %mul3A_177 = arith.muli %scan3A_165, %mul3A_176 : i32
      %swap3A_178 = arith.constant 0 : i32
      %swap3A_179 = arith.constant 0 : i32
      %swap3A_180 = arith.index_cast %swap3A_178 : i32 to index
      %swap3A_181 = arith.index_cast %swap3A_179 : i32 to index
      %swap3A_182 = arith.index_cast %mul3A_177 : i32 to index
      %swap3A_183 = tpu.vector_load %arg7[%swap3A_180, %swap3A_181, %swap3A_182] {strides = array<i32>} : memref<3x16x512xf32, #tpu.memory_space<vmem>>, vector<1x1x16xf32>,
      %swap3A_184 = vector.shape_cast %swap3A_183 : vector<1x1x16xf32> to vector<16xf32>
      %swap3A_185 = vector.shape_cast %gather3A_175 : vector<16xf32> to vector<1x1x16xf32>
      tpu.vector_store %arg7[%swap3A_180, %swap3A_181, %swap3A_182], %swap3A_185 {strides = array<i32>} : memref<3x16x512xf32, #tpu.memory_space<vmem>>, vector<1x1x16xf32>,
      %broadcast_in_dim3A_186 = vector.shape_cast %get3A_172 : vector<16xi32> to vector<16x1xi32>
      %gather3A_187 = vector.shape_cast %broadcast_in_dim3A_186 : vector<16x1xi32> to vector<16xi32>
      %gather3A_188 = tpu.dynamic_gather %get3A_11[%gather3A_187] in [0] : vector<16xf32>, vector<16xi32> -> vector<16xf32>
      %mul3A_189 = arith.constant 16 : i32
      %mul3A_190 = arith.muli %scan3A_165, %mul3A_189 : i32
      %swap3A_191 = arith.constant 1 : i32
      %swap3A_192 = arith.constant 0 : i32
      %swap3A_193 = arith.index_cast %swap3A_191 : i32 to index
      %swap3A_194 = arith.index_cast %swap3A_192 : i32 to index
      %swap3A_195 = arith.index_cast %mul3A_190 : i32 to index
      %swap3A_196 = tpu.vector_load %arg7[%swap3A_193, %swap3A_194, %swap3A_195] {strides = array<i32>} : memref<3x16x512xf32, #tpu.memory_space<vmem>>, vector<1x1x16xf32>,
      %swap3A_197 = vector.shape_cast %swap3A_196 : vector<1x1x16xf32> to vector<16xf32>
      %swap3A_198 = vector.shape_cast %gather3A_188 : vector<16xf32> to vector<1x1x16xf32>
      tpu.vector_store %arg7[%swap3A_193, %swap3A_194, %swap3A_195], %swap3A_198 {strides = array<i32>} : memref<3x16x512xf32, #tpu.memory_space<vmem>>, vector<1x1x16xf32>,
      %broadcast_in_dim3A_199 = vector.shape_cast %get3A_172 : vector<16xi32> to vector<16x1xi32>
      %gather3A_200 = vector.shape_cast %broadcast_in_dim3A_199 : vector<16x1xi32> to vector<16xi32>
      %gather3A_201 = tpu.dynamic_gather %get3A_16[%gather3A_200] in [0] : vector<16xf32>, vector<16xi32> -> vector<16xf32>
      %mul3A_202 = arith.constant 16 : i32
      %mul3A_203 = arith.muli %scan3A_165, %mul3A_202 : i32
      %swap3A_204 = arith.constant 2 : i32
      %swap3A_205 = arith.constant 0 : i32
      %swap3A_206 = arith.index_cast %swap3A_204 : i32 to index
      %swap3A_207 = arith.index_cast %swap3A_205 : i32 to index
      %swap3A_208 = arith.index_cast %mul3A_203 : i32 to index
      %swap3A_209 = tpu.vector_load %arg7[%swap3A_206, %swap3A_207, %swap3A_208] {strides = array<i32>} : memref<3x16x512xf32, #tpu.memory_space<vmem>>, vector<1x1x16xf32>,
      %swap3A_210 = vector.shape_cast %swap3A_209 : vector<1x1x16xf32> to vector<16xf32>
      %swap3A_211 = vector.shape_cast %gather3A_201 : vector<16xf32> to vector<1x1x16xf32>
      tpu.vector_store %arg7[%swap3A_206, %swap3A_207, %swap3A_208], %swap3A_211 {strides = array<i32>} : memref<3x16x512xf32, #tpu.memory_space<vmem>>, vector<1x1x16xf32>,
      %scan3A_212 = arith.constant 2 : i32
      %scan3A_213 = arith.addi %scan3A_120, %scan3A_212 : i32
      %mul3A_214 = arith.constant 16 : i32
      %mul3A_215 = arith.muli %scan3A_213, %mul3A_214 : i32
      %get3A_216 = arith.constant 0 : i32
      %get3A_217 = arith.index_cast %get3A_216 : i32 to index
      %get3A_218 = arith.index_cast %mul3A_215 : i32 to index
      %get3A_219 = tpu.vector_load %arg5[%get3A_217, %get3A_218] {strides = array<i32>} : memref<16x512xi32, #tpu.memory_space<vmem>>, vector<1x16xi32>,
      %get3A_220 = vector.shape_cast %get3A_219 : vector<1x16xi32> to vector<16xi32>
      %broadcast_in_dim3A_221 = vector.shape_cast %get3A_220 : vector<16xi32> to vector<16x1xi32>
      %gather3A_222 = vector.shape_cast %broadcast_in_dim3A_221 : vector<16x1xi32> to vector<16xi32>
      %gather3A_223 = tpu.dynamic_gather %get3A_6[%gather3A_222] in [0] : vector<16xf32>, vector<16xi32> -> vector<16xf32>
      %mul3A_224 = arith.constant 16 : i32
      %mul3A_225 = arith.muli %scan3A_213, %mul3A_224 : i32
      %swap3A_226 = arith.constant 0 : i32
      %swap3A_227 = arith.constant 0 : i32
      %swap3A_228 = arith.index_cast %swap3A_226 : i32 to index
      %swap3A_229 = arith.index_cast %swap3A_227 : i32 to index
      %swap3A_230 = arith.index_cast %mul3A_225 : i32 to index
      %swap3A_231 = tpu.vector_load %arg7[%swap3A_228, %swap3A_229, %swap3A_230] {strides = array<i32>} : memref<3x16x512xf32, #tpu.memory_space<vmem>>, vector<1x1x16xf32>,
      %swap3A_232 = vector.shape_cast %swap3A_231 : vector<1x1x16xf32> to vector<16xf32>
      %swap3A_233 = vector.shape_cast %gather3A_223 : vector<16xf32> to vector<1x1x16xf32>
      tpu.vector_store %arg7[%swap3A_228, %swap3A_229, %swap3A_230], %swap3A_233 {strides = array<i32>} : memref<3x16x512xf32, #tpu.memory_space<vmem>>, vector<1x1x16xf32>,
      %broadcast_in_dim3A_234 = vector.shape_cast %get3A_220 : vector<16xi32> to vector<16x1xi32>
      %gather3A_235 = vector.shape_cast %broadcast_in_dim3A_234 : vector<16x1xi32> to vector<16xi32>
      %gather3A_236 = tpu.dynamic_gather %get3A_11[%gather3A_235] in [0] : vector<16xf32>, vector<16xi32> -> vector<16xf32>
      %mul3A_237 = arith.constant 16 : i32
      %mul3A_238 = arith.muli %scan3A_213, %mul3A_237 : i32
      %swap3A_239 = arith.constant 1 : i32
      %swap3A_240 = arith.constant 0 : i32
      %swap3A_241 = arith.index_cast %swap3A_239 : i32 to index
      %swap3A_242 = arith.index_cast %swap3A_240 : i32 to index
      %swap3A_243 = arith.index_cast %mul3A_238 : i32 to index
      %swap3A_244 = tpu.vector_load %arg7[%swap3A_241, %swap3A_242, %swap3A_243] {strides = array<i32>} : memref<3x16x512xf32, #tpu.memory_space<vmem>>, vector<1x1x16xf32>,
      %swap3A_245 = vector.shape_cast %swap3A_244 : vector<1x1x16xf32> to vector<16xf32>
      %swap3A_246 = vector.shape_cast %gather3A_236 : vector<16xf32> to vector<1x1x16xf32>
      tpu.vector_store %arg7[%swap3A_241, %swap3A_242, %swap3A_243], %swap3A_246 {strides = array<i32>} : memref<3x16x512xf32, #tpu.memory_space<vmem>>, vector<1x1x16xf32>,
      %broadcast_in_dim3A_247 = vector.shape_cast %get3A_220 : vector<16xi32> to vector<16x1xi32>
      %gather3A_248 = vector.shape_cast %broadcast_in_dim3A_247 : vector<16x1xi32> to vector<16xi32>
      %gather3A_249 = tpu.dynamic_gather %get3A_16[%gather3A_248] in [0] : vector<16xf32>, vector<16xi32> -> vector<16xf32>
      %mul3A_250 = arith.constant 16 : i32
      %mul3A_251 = arith.muli %scan3A_213, %mul3A_250 : i32
      %swap3A_252 = arith.constant 2 : i32
      %swap3A_253 = arith.constant 0 : i32
      %swap3A_254 = arith.index_cast %swap3A_252 : i32 to index
      %swap3A_255 = arith.index_cast %swap3A_253 : i32 to index
      %swap3A_256 = arith.index_cast %mul3A_251 : i32 to index
      %swap3A_257 = tpu.vector_load %arg7[%swap3A_254, %swap3A_255, %swap3A_256] {strides = array<i32>} : memref<3x16x512xf32, #tpu.memory_space<vmem>>, vector<1x1x16xf32>,
      %swap3A_258 = vector.shape_cast %swap3A_257 : vector<1x1x16xf32> to vector<16xf32>
      %swap3A_259 = vector.shape_cast %gather3A_249 : vector<16xf32> to vector<1x1x16xf32>
      tpu.vector_store %arg7[%swap3A_254, %swap3A_255, %swap3A_256], %swap3A_259 {strides = array<i32>} : memref<3x16x512xf32, #tpu.memory_space<vmem>>, vector<1x1x16xf32>,
      %scan3A_260 = arith.constant 3 : i32
      %scan3A_261 = arith.addi %scan3A_120, %scan3A_260 : i32
      %mul3A_262 = arith.constant 16 : i32
      %mul3A_263 = arith.muli %scan3A_261, %mul3A_262 : i32
      %get3A_264 = arith.constant 0 : i32
      %get3A_265 = arith.index_cast %get3A_264 : i32 to index
      %get3A_266 = arith.index_cast %mul3A_263 : i32 to index
      %get3A_267 = tpu.vector_load %arg5[%get3A_265, %get3A_266] {strides = array<i32>} : memref<16x512xi32, #tpu.memory_space<vmem>>, vector<1x16xi32>,
      %get3A_268 = vector.shape_cast %get3A_267 : vector<1x16xi32> to vector<16xi32>
      %broadcast_in_dim3A_269 = vector.shape_cast %get3A_268 : vector<16xi32> to vector<16x1xi32>
      %gather3A_270 = vector.shape_cast %broadcast_in_dim3A_269 : vector<16x1xi32> to vector<16xi32>
      %gather3A_271 = tpu.dynamic_gather %get3A_6[%gather3A_270] in [0] : vector<16xf32>, vector<16xi32> -> vector<16xf32>
      %mul3A_272 = arith.constant 16 : i32
      %mul3A_273 = arith.muli %scan3A_261, %mul3A_272 : i32
      %swap3A_274 = arith.constant 0 : i32
      %swap3A_275 = arith.constant 0 : i32
      %swap3A_276 = arith.index_cast %swap3A_274 : i32 to index
      %swap3A_277 = arith.index_cast %swap3A_275 : i32 to index
      %swap3A_278 = arith.index_cast %mul3A_273 : i32 to index
      %swap3A_279 = tpu.vector_load %arg7[%swap3A_276, %swap3A_277, %swap3A_278] {strides = array<i32>} : memref<3x16x512xf32, #tpu.memory_space<vmem>>, vector<1x1x16xf32>,
      %swap3A_280 = vector.shape_cast %swap3A_279 : vector<1x1x16xf32> to vector<16xf32>
      %swap3A_281 = vector.shape_cast %gather3A_271 : vector<16xf32> to vector<1x1x16xf32>
      tpu.vector_store %arg7[%swap3A_276, %swap3A_277, %swap3A_278], %swap3A_281 {strides = array<i32>} : memref<3x16x512xf32, #tpu.memory_space<vmem>>, vector<1x1x16xf32>,
      %broadcast_in_dim3A_282 = vector.shape_cast %get3A_268 : vector<16xi32> to vector<16x1xi32>
      %gather3A_283 = vector.shape_cast %broadcast_in_dim3A_282 : vector<16x1xi32> to vector<16xi32>
      %gather3A_284 = tpu.dynamic_gather %get3A_11[%gather3A_283] in [0] : vector<16xf32>, vector<16xi32> -> vector<16xf32>
      %mul3A_285 = arith.constant 16 : i32
      %mul3A_286 = arith.muli %scan3A_261, %mul3A_285 : i32
      %swap3A_287 = arith.constant 1 : i32
      %swap3A_288 = arith.constant 0 : i32
      %swap3A_289 = arith.index_cast %swap3A_287 : i32 to index
      %swap3A_290 = arith.index_cast %swap3A_288 : i32 to index
      %swap3A_291 = arith.index_cast %mul3A_286 : i32 to index
      %swap3A_292 = tpu.vector_load %arg7[%swap3A_289, %swap3A_290, %swap3A_291] {strides = array<i32>} : memref<3x16x512xf32, #tpu.memory_space<vmem>>, vector<1x1x16xf32>,
      %swap3A_293 = vector.shape_cast %swap3A_292 : vector<1x1x16xf32> to vector<16xf32>
      %swap3A_294 = vector.shape_cast %gather3A_284 : vector<16xf32> to vector<1x1x16xf32>
      tpu.vector_store %arg7[%swap3A_289, %swap3A_290, %swap3A_291], %swap3A_294 {strides = array<i32>} : memref<3x16x512xf32, #tpu.memory_space<vmem>>, vector<1x1x16xf32>,
      %broadcast_in_dim3A_295 = vector.shape_cast %get3A_268 : vector<16xi32> to vector<16x1xi32>
      %gather3A_296 = vector.shape_cast %broadcast_in_dim3A_295 : vector<16x1xi32> to vector<16xi32>
      %gather3A_297 = tpu.dynamic_gather %get3A_16[%gather3A_296] in [0] : vector<16xf32>, vector<16xi32> -> vector<16xf32>
      %mul3A_298 = arith.constant 16 : i32
      %mul3A_299 = arith.muli %scan3A_261, %mul3A_298 : i32
      %swap3A_300 = arith.constant 2 : i32
      %swap3A_301 = arith.constant 0 : i32
      %swap3A_302 = arith.index_cast %swap3A_300 : i32 to index
      %swap3A_303 = arith.index_cast %swap3A_301 : i32 to index
      %swap3A_304 = arith.index_cast %mul3A_299 : i32 to index
      %swap3A_305 = tpu.vector_load %arg7[%swap3A_302, %swap3A_303, %swap3A_304] {strides = array<i32>} : memref<3x16x512xf32, #tpu.memory_space<vmem>>, vector<1x1x16xf32>,
      %swap3A_306 = vector.shape_cast %swap3A_305 : vector<1x1x16xf32> to vector<16xf32>
      %swap3A_307 = vector.shape_cast %gather3A_297 : vector<16xf32> to vector<1x1x16xf32>
      tpu.vector_store %arg7[%swap3A_302, %swap3A_303, %swap3A_304], %swap3A_307 {strides = array<i32>} : memref<3x16x512xf32, #tpu.memory_space<vmem>>, vector<1x1x16xf32>,
    }
    %scan3A_21 = arith.constant 32 : i32
    %scan3A_22 = arith.constant 0 : i32
    %scan3A_23 = arith.constant 0 : i32
    %scan3A_24 = arith.constant 32 : i32
    %scan3A_25 = arith.addi %scan3A_23, %scan3A_24 : i32
    %scan3A_26 = arith.constant 4 : i32
    scf.for %scan3A_120 = %scan3A_23 to %scan3A_25 step %scan3A_26  : i32 {
      %mul3A_121 = arith.constant 16 : i32
      %mul3A_122 = arith.muli %scan3A_120, %mul3A_121 : i32
      %get3A_123 = arith.constant 1 : i32
      %get3A_124 = arith.index_cast %get3A_123 : i32 to index
      %get3A_125 = arith.index_cast %mul3A_122 : i32 to index
      %get3A_126 = tpu.vector_load %arg5[%get3A_124, %get3A_125] {strides = array<i32>} : memref<16x512xi32, #tpu.memory_space<vmem>>, vector<1x16xi32>,
      %get3A_127 = vector.shape_cast %get3A_126 : vector<1x16xi32> to vector<16xi32>
      %broadcast_in_dim3A = vector.shape_cast %get3A_127 : vector<16xi32> to vector<16x1xi32>
      %gather3A = vector.shape_cast %broadcast_in_dim3A : vector<16x1xi32> to vector<16xi32>
      %gather3A_128 = tpu.dynamic_gather %get3A_6[%gather3A] in [0] : vector<16xf32>, vector<16xi32> -> vector<16xf32>
      %mul3A_129 = arith.constant 16 : i32
      %mul3A_130 = arith.muli %scan3A_120, %mul3A_129 : i32
      %swap3A = arith.constant 0 : i32
      %swap3A_131 = arith.constant 1 : i32
      %swap3A_132 = arith.index_cast %swap3A : i32 to index
      %swap3A_133 = arith.index_cast %swap3A_131 : i32 to index
      %swap3A_134 = arith.index_cast %mul3A_130 : i32 to index
      %swap3A_135 = tpu.vector_load %arg7[%swap3A_132, %swap3A_133, %swap3A_134] {strides = array<i32>} : memref<3x16x512xf32, #tpu.memory_space<vmem>>, vector<1x1x16xf32>,
      %swap3A_136 = vector.shape_cast %swap3A_135 : vector<1x1x16xf32> to vector<16xf32>
      %swap3A_137 = vector.shape_cast %gather3A_128 : vector<16xf32> to vector<1x1x16xf32>
      tpu.vector_store %arg7[%swap3A_132, %swap3A_133, %swap3A_134], %swap3A_137 {strides = array<i32>} : memref<3x16x512xf32, #tpu.memory_space<vmem>>, vector<1x1x16xf32>,
      %broadcast_in_dim3A_138 = vector.shape_cast %get3A_127 : vector<16xi32> to vector<16x1xi32>
      %gather3A_139 = vector.shape_cast %broadcast_in_dim3A_138 : vector<16x1xi32> to vector<16xi32>
      %gather3A_140 = tpu.dynamic_gather %get3A_11[%gather3A_139] in [0] : vector<16xf32>, vector<16xi32> -> vector<16xf32>
      %mul3A_141 = arith.constant 16 : i32
      %mul3A_142 = arith.muli %scan3A_120, %mul3A_141 : i32
      %swap3A_143 = arith.constant 1 : i32
      %swap3A_144 = arith.constant 1 : i32
      %swap3A_145 = arith.index_cast %swap3A_143 : i32 to index
      %swap3A_146 = arith.index_cast %swap3A_144 : i32 to index
      %swap3A_147 = arith.index_cast %mul3A_142 : i32 to index
      %swap3A_148 = tpu.vector_load %arg7[%swap3A_145, %swap3A_146, %swap3A_147] {strides = array<i32>} : memref<3x16x512xf32, #tpu.memory_space<vmem>>, vector<1x1x16xf32>,
      %swap3A_149 = vector.shape_cast %swap3A_148 : vector<1x1x16xf32> to vector<16xf32>
      %swap3A_150 = vector.shape_cast %gather3A_140 : vector<16xf32> to vector<1x1x16xf32>
      tpu.vector_store %arg7[%swap3A_145, %swap3A_146, %swap3A_147], %swap3A_150 {strides = array<i32>} : memref<3x16x512xf32, #tpu.memory_space<vmem>>, vector<1x1x16xf32>,
      %broadcast_in_dim3A_151 = vector.shape_cast %get3A_127 : vector<16xi32> to vector<16x1xi32>
      %gather3A_152 = vector.shape_cast %broadcast_in_dim3A_151 : vector<16x1xi32> to vector<16xi32>
      %gather3A_153 = tpu.dynamic_gather %get3A_16[%gather3A_152] in [0] : vector<16xf32>, vector<16xi32> -> vector<16xf32>
      %mul3A_154 = arith.constant 16 : i32
      %mul3A_155 = arith.muli %scan3A_120, %mul3A_154 : i32
      %swap3A_156 = arith.constant 2 : i32
      %swap3A_157 = arith.constant 1 : i32
      %swap3A_158 = arith.index_cast %swap3A_156 : i32 to index
      %swap3A_159 = arith.index_cast %swap3A_157 : i32 to index
      %swap3A_160 = arith.index_cast %mul3A_155 : i32 to index
      %swap3A_161 = tpu.vector_load %arg7[%swap3A_158, %swap3A_159, %swap3A_160] {strides = array<i32>} : memref<3x16x512xf32, #tpu.memory_space<vmem>>, vector<1x1x16xf32>,
      %swap3A_162 = vector.shape_cast %swap3A_161 : vector<1x1x16xf32> to vector<16xf32>
      %swap3A_163 = vector.shape_cast %gather3A_153 : vector<16xf32> to vector<1x1x16xf32>
      tpu.vector_store %arg7[%swap3A_158, %swap3A_159, %swap3A_160], %swap3A_163 {strides = array<i32>} : memref<3x16x512xf32, #tpu.memory_space<vmem>>, vector<1x1x16xf32>,
      %scan3A_164 = arith.constant 1 : i32
      %scan3A_165 = arith.addi %scan3A_120, %scan3A_164 : i32
      %mul3A_166 = arith.constant 16 : i32
      %mul3A_167 = arith.muli %scan3A_165, %mul3A_166 : i32
      %get3A_168 = arith.constant 1 : i32
      %get3A_169 = arith.index_cast %get3A_168 : i32 to index
      %get3A_170 = arith.index_cast %mul3A_167 : i32 to index
      %get3A_171 = tpu.vector_load %arg5[%get3A_169, %get3A_170] {strides = array<i32>} : memref<16x512xi32, #tpu.memory_space<vmem>>, vector<1x16xi32>,
      %get3A_172 = vector.shape_cast %get3A_171 : vector<1x16xi32> to vector<16xi32>
      %broadcast_in_dim3A_173 = vector.shape_cast %get3A_172 : vector<16xi32> to vector<16x1xi32>
      %gather3A_174 = vector.shape_cast %broadcast_in_dim3A_173 : vector<16x1xi32> to vector<16xi32>
      %gather3A_175 = tpu.dynamic_gather %get3A_6[%gather3A_174] in [0] : vector<16xf32>, vector<16xi32> -> vector<16xf32>
      %mul3A_176 = arith.constant 16 : i32
      %mul3A_177 = arith.muli %scan3A_165, %mul3A_176 : i32
      %swap3A_178 = arith.constant 0 : i32
      %swap3A_179 = arith.constant 1 : i32
      %swap3A_180 = arith.index_cast %swap3A_178 : i32 to index
      %swap3A_181 = arith.index_cast %swap3A_179 : i32 to index
      %swap3A_182 = arith.index_cast %mul3A_177 : i32 to index
      %swap3A_183 = tpu.vector_load %arg7[%swap3A_180, %swap3A_181, %swap3A_182] {strides = array<i32>} : memref<3x16x512xf32, #tpu.memory_space<vmem>>, vector<1x1x16xf32>,
      %swap3A_184 = vector.shape_cast %swap3A_183 : vector<1x1x16xf32> to vector<16xf32>
      %swap3A_185 = vector.shape_cast %gather3A_175 : vector<16xf32> to vector<1x1x16xf32>
      tpu.vector_store %arg7[%swap3A_180, %swap3A_181, %swap3A_182], %swap3A_185 {strides = array<i32>} : memref<3x16x512xf32, #tpu.memory_space<vmem>>, vector<1x1x16xf32>,
      %broadcast_in_dim3A_186 = vector.shape_cast %get3A_172 : vector<16xi32> to vector<16x1xi32>
      %gather3A_187 = vector.shape_cast %broadcast_in_dim3A_186 : vector<16x1xi32> to vector<16xi32>
      %gather3A_188 = tpu.dynamic_gather %get3A_11[%gather3A_187] in [0] : vector<16xf32>, vector<16xi32> -> vector<16xf32>
      %mul3A_189 = arith.constant 16 : i32
      %mul3A_190 = arith.muli %scan3A_165, %mul3A_189 : i32
      %swap3A_191 = arith.constant 1 : i32
      %swap3A_192 = arith.constant 1 : i32
      %swap3A_193 = arith.index_cast %swap3A_191 : i32 to index
      %swap3A_194 = arith.index_cast %swap3A_192 : i32 to index
      %swap3A_195 = arith.index_cast %mul3A_190 : i32 to index
      %swap3A_196 = tpu.vector_load %arg7[%swap3A_193, %swap3A_194, %swap3A_195] {strides = array<i32>} : memref<3x16x512xf32, #tpu.memory_space<vmem>>, vector<1x1x16xf32>,
      %swap3A_197 = vector.shape_cast %swap3A_196 : vector<1x1x16xf32> to vector<16xf32>
      %swap3A_198 = vector.shape_cast %gather3A_188 : vector<16xf32> to vector<1x1x16xf32>
      tpu.vector_store %arg7[%swap3A_193, %swap3A_194, %swap3A_195], %swap3A_198 {strides = array<i32>} : memref<3x16x512xf32, #tpu.memory_space<vmem>>, vector<1x1x16xf32>,
      %broadcast_in_dim3A_199 = vector.shape_cast %get3A_172 : vector<16xi32> to vector<16x1xi32>
      %gather3A_200 = vector.shape_cast %broadcast_in_dim3A_199 : vector<16x1xi32> to vector<16xi32>
      %gather3A_201 = tpu.dynamic_gather %get3A_16[%gather3A_200] in [0] : vector<16xf32>, vector<16xi32> -> vector<16xf32>
      %mul3A_202 = arith.constant 16 : i32
      %mul3A_203 = arith.muli %scan3A_165, %mul3A_202 : i32
      %swap3A_204 = arith.constant 2 : i32
      %swap3A_205 = arith.constant 1 : i32
      %swap3A_206 = arith.index_cast %swap3A_204 : i32 to index
      %swap3A_207 = arith.index_cast %swap3A_205 : i32 to index
      %swap3A_208 = arith.index_cast %mul3A_203 : i32 to index
      %swap3A_209 = tpu.vector_load %arg7[%swap3A_206, %swap3A_207, %swap3A_208] {strides = array<i32>} : memref<3x16x512xf32, #tpu.memory_space<vmem>>, vector<1x1x16xf32>,
      %swap3A_210 = vector.shape_cast %swap3A_209 : vector<1x1x16xf32> to vector<16xf32>
      %swap3A_211 = vector.shape_cast %gather3A_201 : vector<16xf32> to vector<1x1x16xf32>
      tpu.vector_store %arg7[%swap3A_206, %swap3A_207, %swap3A_208], %swap3A_211 {strides = array<i32>} : memref<3x16x512xf32, #tpu.memory_space<vmem>>, vector<1x1x16xf32>,
      %scan3A_212 = arith.constant 2 : i32
      %scan3A_213 = arith.addi %scan3A_120, %scan3A_212 : i32
      %mul3A_214 = arith.constant 16 : i32
      %mul3A_215 = arith.muli %scan3A_213, %mul3A_214 : i32
      %get3A_216 = arith.constant 1 : i32
      %get3A_217 = arith.index_cast %get3A_216 : i32 to index
      %get3A_218 = arith.index_cast %mul3A_215 : i32 to index
      %get3A_219 = tpu.vector_load %arg5[%get3A_217, %get3A_218] {strides = array<i32>} : memref<16x512xi32, #tpu.memory_space<vmem>>, vector<1x16xi32>,
      %get3A_220 = vector.shape_cast %get3A_219 : vector<1x16xi32> to vector<16xi32>
      %broadcast_in_dim3A_221 = vector.shape_cast %get3A_220 : vector<16xi32> to vector<16x1xi32>
      %gather3A_222 = vector.shape_cast %broadcast_in_dim3A_221 : vector<16x1xi32> to vector<16xi32>
      %gather3A_223 = tpu.dynamic_gather %get3A_6[%gather3A_222] in [0] : vector<16xf32>, vector<16xi32> -> vector<16xf32>
      %mul3A_224 = arith.constant 16 : i32
      %mul3A_225 = arith.muli %scan3A_213, %mul3A_224 : i32
      %swap3A_226 = arith.constant 0 : i32
      %swap3A_227 = arith.constant 1 : i32
      %swap3A_228 = arith.index_cast %swap3A_226 : i32 to index
      %swap3A_229 = arith.index_cast %swap3A_227 : i32 to index
      %swap3A_230 = arith.index_cast %mul3A_225 : i32 to index
      %swap3A_231 = tpu.vector_load %arg7[%swap3A_228, %swap3A_229, %swap3A_230] {strides = array<i32>} : memref<3x16x512xf32, #tpu.memory_space<vmem>>, vector<1x1x16xf32>,
      %swap3A_232 = vector.shape_cast %swap3A_231 : vector<1x1x16xf32> to vector<16xf32>
      %swap3A_233 = vector.shape_cast %gather3A_223 : vector<16xf32> to vector<1x1x16xf32>
      tpu.vector_store %arg7[%swap3A_228, %swap3A_229, %swap3A_230], %swap3A_233 {strides = array<i32>} : memref<3x16x512xf32, #tpu.memory_space<vmem>>, vector<1x1x16xf32>,
      %broadcast_in_dim3A_234 = vector.shape_cast %get3A_220 : vector<16xi32> to vector<16x1xi32>
      %gather3A_235 = vector.shape_cast %broadcast_in_dim3A_234 : vector<16x1xi32> to vector<16xi32>
      %gather3A_236 = tpu.dynamic_gather %get3A_11[%gather3A_235] in [0] : vector<16xf32>, vector<16xi32> -> vector<16xf32>
      %mul3A_237 = arith.constant 16 : i32
      %mul3A_238 = arith.muli %scan3A_213, %mul3A_237 : i32
      %swap3A_239 = arith.constant 1 : i32
      %swap3A_240 = arith.constant 1 : i32
      %swap3A_241 = arith.index_cast %swap3A_239 : i32 to index
      %swap3A_242 = arith.index_cast %swap3A_240 : i32 to index
      %swap3A_243 = arith.index_cast %mul3A_238 : i32 to index
      %swap3A_244 = tpu.vector_load %arg7[%swap3A_241, %swap3A_242, %swap3A_243] {strides = array<i32>} : memref<3x16x512xf32, #tpu.memory_space<vmem>>, vector<1x1x16xf32>,
      %swap3A_245 = vector.shape_cast %swap3A_244 : vector<1x1x16xf32> to vector<16xf32>
      %swap3A_246 = vector.shape_cast %gather3A_236 : vector<16xf32> to vector<1x1x16xf32>
      tpu.vector_store %arg7[%swap3A_241, %swap3A_242, %swap3A_243], %swap3A_246 {strides = array<i32>} : memref<3x16x512xf32, #tpu.memory_space<vmem>>, vector<1x1x16xf32>,
      %broadcast_in_dim3A_247 = vector.shape_cast %get3A_220 : vector<16xi32> to vector<16x1xi32>
      %gather3A_248 = vector.shape_cast %broadcast_in_dim3A_247 : vector<16x1xi32> to vector<16xi32>
      %gather3A_249 = tpu.dynamic_gather %get3A_16[%gather3A_248] in [0] : vector<16xf32>, vector<16xi32> -> vector<16xf32>
      %mul3A_250 = arith.constant 16 : i32
      %mul3A_251 = arith.muli %scan3A_213, %mul3A_250 : i32
      %swap3A_252 = arith.constant 2 : i32
      %swap3A_253 = arith.constant 1 : i32
      %swap3A_254 = arith.index_cast %swap3A_252 : i32 to index
      %swap3A_255 = arith.index_cast %swap3A_253 : i32 to index
      %swap3A_256 = arith.index_cast %mul3A_251 : i32 to index
      %swap3A_257 = tpu.vector_load %arg7[%swap3A_254, %swap3A_255, %swap3A_256] {strides = array<i32>} : memref<3x16x512xf32, #tpu.memory_space<vmem>>, vector<1x1x16xf32>,
      %swap3A_258 = vector.shape_cast %swap3A_257 : vector<1x1x16xf32> to vector<16xf32>
      %swap3A_259 = vector.shape_cast %gather3A_249 : vector<16xf32> to vector<1x1x16xf32>
      tpu.vector_store %arg7[%swap3A_254, %swap3A_255, %swap3A_256], %swap3A_259 {strides = array<i32>} : memref<3x16x512xf32, #tpu.memory_space<vmem>>, vector<1x1x16xf32>,
      %scan3A_260 = arith.constant 3 : i32
      %scan3A_261 = arith.addi %scan3A_120, %scan3A_260 : i32
      %mul3A_262 = arith.constant 16 : i32
      %mul3A_263 = arith.muli %scan3A_261, %mul3A_262 : i32
      %get3A_264 = arith.constant 1 : i32
      %get3A_265 = arith.index_cast %get3A_264 : i32 to index
      %get3A_266 = arith.index_cast %mul3A_263 : i32 to index
      %get3A_267 = tpu.vector_load %arg5[%get3A_265, %get3A_266] {strides = array<i32>} : memref<16x512xi32, #tpu.memory_space<vmem>>, vector<1x16xi32>,
      %get3A_268 = vector.shape_cast %get3A_267 : vector<1x16xi32> to vector<16xi32>
      %broadcast_in_dim3A_269 = vector.shape_cast %get3A_268 : vector<16xi32> to vector<16x1xi32>
      %gather3A_270 = vector.shape_cast %broadcast_in_dim3A_269 : vector<16x1xi32> to vector<16xi32>
      %gather3A_271 = tpu.dynamic_gather %get3A_6[%gather3A_270] in [0] : vector<16xf32>, vector<16xi32> -> vector<16xf32>
      %mul3A_272 = arith.constant 16 : i32
      %mul3A_273 = arith.muli %scan3A_261, %mul3A_272 : i32
      %swap3A_274 = arith.constant 0 : i32
      %swap3A_275 = arith.constant 1 : i32
      %swap3A_276 = arith.index_cast %swap3A_274 : i32 to index
      %swap3A_277 = arith.index_cast %swap3A_275 : i32 to index
      %swap3A_278 = arith.index_cast %mul3A_273 : i32 to index
      %swap3A_279 = tpu.vector_load %arg7[%swap3A_276, %swap3A_277, %swap3A_278] {strides = array<i32>} : memref<3x16x512xf32, #tpu.memory_space<vmem>>, vector<1x1x16xf32>,
      %swap3A_280 = vector.shape_cast %swap3A_279 : vector<1x1x16xf32> to vector<16xf32>
      %swap3A_281 = vector.shape_cast %gather3A_271 : vector<16xf32> to vector<1x1x16xf32>
      tpu.vector_store %arg7[%swap3A_276, %swap3A_277, %swap3A_278], %swap3A_281 {strides = array<i32>} : memref<3x16x512xf32, #tpu.memory_space<vmem>>, vector<1x1x16xf32>,
      %broadcast_in_dim3A_282 = vector.shape_cast %get3A_268 : vector<16xi32> to vector<16x1xi32>
      %gather3A_283 = vector.shape_cast %broadcast_in_dim3A_282 : vector<16x1xi32> to vector<16xi32>
      %gather3A_284 = tpu.dynamic_gather %get3A_11[%gather3A_283] in [0] : vector<16xf32>, vector<16xi32> -> vector<16xf32>
      %mul3A_285 = arith.constant 16 : i32
      %mul3A_286 = arith.muli %scan3A_261, %mul3A_285 : i32
      %swap3A_287 = arith.constant 1 : i32
      %swap3A_288 = arith.constant 1 : i32
      %swap3A_289 = arith.index_cast %swap3A_287 : i32 to index
      %swap3A_290 = arith.index_cast %swap3A_288 : i32 to index
      %swap3A_291 = arith.index_cast %mul3A_286 : i32 to index
      %swap3A_292 = tpu.vector_load %arg7[%swap3A_289, %swap3A_290, %swap3A_291] {strides = array<i32>} : memref<3x16x512xf32, #tpu.memory_space<vmem>>, vector<1x1x16xf32>,
      %swap3A_293 = vector.shape_cast %swap3A_292 : vector<1x1x16xf32> to vector<16xf32>
      %swap3A_294 = vector.shape_cast %gather3A_284 : vector<16xf32> to vector<1x1x16xf32>
      tpu.vector_store %arg7[%swap3A_289, %swap3A_290, %swap3A_291], %swap3A_294 {strides = array<i32>} : memref<3x16x512xf32, #tpu.memory_space<vmem>>, vector<1x1x16xf32>,
      %broadcast_in_dim3A_295 = vector.shape_cast %get3A_268 : vector<16xi32> to vector<16x1xi32>
      %gather3A_296 = vector.shape_cast %broadcast_in_dim3A_295 : vector<16x1xi32> to vector<16xi32>
      %gather3A_297 = tpu.dynamic_gather %get3A_16[%gather3A_296] in [0] : vector<16xf32>, vector<16xi32> -> vector<16xf32>
      %mul3A_298 = arith.constant 16 : i32
      %mul3A_299 = arith.muli %scan3A_261, %mul3A_298 : i32
      %swap3A_300 = arith.constant 2 : i32
      %swap3A_301 = arith.constant 1 : i32
      %swap3A_302 = arith.index_cast %swap3A_300 : i32 to index
      %swap3A_303 = arith.index_cast %swap3A_301 : i32 to index
      %swap3A_304 = arith.index_cast %mul3A_299 : i32 to index
      %swap3A_305 = tpu.vector_load %arg7[%swap3A_302, %swap3A_303, %swap3A_304] {strides = array<i32>} : memref<3x16x512xf32, #tpu.memory_space<vmem>>, vector<1x1x16xf32>,
      %swap3A_306 = vector.shape_cast %swap3A_305 : vector<1x1x16xf32> to vector<16xf32>
      %swap3A_307 = vector.shape_cast %gather3A_297 : vector<16xf32> to vector<1x1x16xf32>
      tpu.vector_store %arg7[%swap3A_302, %swap3A_303, %swap3A_304], %swap3A_307 {strides = array<i32>} : memref<3x16x512xf32, #tpu.memory_space<vmem>>, vector<1x1x16xf32>,
    }
    %scan3A_27 = arith.constant 32 : i32
    %scan3A_28 = arith.constant 0 : i32
    %scan3A_29 = arith.constant 0 : i32
    %scan3A_30 = arith.constant 32 : i32
    %scan3A_31 = arith.addi %scan3A_29, %scan3A_30 : i32
    %scan3A_32 = arith.constant 4 : i32
    scf.for %scan3A_120 = %scan3A_29 to %scan3A_31 step %scan3A_32  : i32 {
      %mul3A_121 = arith.constant 16 : i32
      %mul3A_122 = arith.muli %scan3A_120, %mul3A_121 : i32
      %get3A_123 = arith.constant 2 : i32
      %get3A_124 = arith.index_cast %get3A_123 : i32 to index
      %get3A_125 = arith.index_cast %mul3A_122 : i32 to index
      %get3A_126 = tpu.vector_load %arg5[%get3A_124, %get3A_125] {strides = array<i32>} : memref<16x512xi32, #tpu.memory_space<vmem>>, vector<1x16xi32>,
      %get3A_127 = vector.shape_cast %get3A_126 : vector<1x16xi32> to vector<16xi32>
      %broadcast_in_dim3A = vector.shape_cast %get3A_127 : vector<16xi32> to vector<16x1xi32>
      %gather3A = vector.shape_cast %broadcast_in_dim3A : vector<16x1xi32> to vector<16xi32>
      %gather3A_128 = tpu.dynamic_gather %get3A_6[%gather3A] in [0] : vector<16xf32>, vector<16xi32> -> vector<16xf32>
      %mul3A_129 = arith.constant 16 : i32
      %mul3A_130 = arith.muli %scan3A_120, %mul3A_129 : i32
      %swap3A = arith.constant 0 : i32
      %swap3A_131 = arith.constant 2 : i32
      %swap3A_132 = arith.index_cast %swap3A : i32 to index
      %swap3A_133 = arith.index_cast %swap3A_131 : i32 to index
      %swap3A_134 = arith.index_cast %mul3A_130 : i32 to index
      %swap3A_135 = tpu.vector_load %arg7[%swap3A_132, %swap3A_133, %swap3A_134] {strides = array<i32>} : memref<3x16x512xf32, #tpu.memory_space<vmem>>, vector<1x1x16xf32>,
      %swap3A_136 = vector.shape_cast %swap3A_135 : vector<1x1x16xf32> to vector<16xf32>
      %swap3A_137 = vector.shape_cast %gather3A_128 : vector<16xf32> to vector<1x1x16xf32>
      tpu.vector_store %arg7[%swap3A_132, %swap3A_133, %swap3A_134], %swap3A_137 {strides = array<i32>} : memref<3x16x512xf32, #tpu.memory_space<vmem>>, vector<1x1x16xf32>,
      %broadcast_in_dim3A_138 = vector.shape_cast %get3A_127 : vector<16xi32> to vector<16x1xi32>
      %gather3A_139 = vector.shape_cast %broadcast_in_dim3A_138 : vector<16x1xi32> to vector<16xi32>
      %gather3A_140 = tpu.dynamic_gather %get3A_11[%gather3A_139] in [0] : vector<16xf32>, vector<16xi32> -> vector<16xf32>
      %mul3A_141 = arith.constant 16 : i32
      %mul3A_142 = arith.muli %scan3A_120, %mul3A_141 : i32
      %swap3A_143 = arith.constant 1 : i32
      %swap3A_144 = arith.constant 2 : i32
      %swap3A_145 = arith.index_cast %swap3A_143 : i32 to index
      %swap3A_146 = arith.index_cast %swap3A_144 : i32 to index
      %swap3A_147 = arith.index_cast %mul3A_142 : i32 to index
      %swap3A_148 = tpu.vector_load %arg7[%swap3A_145, %swap3A_146, %swap3A_147] {strides = array<i32>} : memref<3x16x512xf32, #tpu.memory_space<vmem>>, vector<1x1x16xf32>,
      %swap3A_149 = vector.shape_cast %swap3A_148 : vector<1x1x16xf32> to vector<16xf32>
      %swap3A_150 = vector.shape_cast %gather3A_140 : vector<16xf32> to vector<1x1x16xf32>
      tpu.vector_store %arg7[%swap3A_145, %swap3A_146, %swap3A_147], %swap3A_150 {strides = array<i32>} : memref<3x16x512xf32, #tpu.memory_space<vmem>>, vector<1x1x16xf32>,
      %broadcast_in_dim3A_151 = vector.shape_cast %get3A_127 : vector<16xi32> to vector<16x1xi32>
      %gather3A_152 = vector.shape_cast %broadcast_in_dim3A_151 : vector<16x1xi32> to vector<16xi32>
      %gather3A_153 = tpu.dynamic_gather %get3A_16[%gather3A_152] in [0] : vector<16xf32>, vector<16xi32> -> vector<16xf32>
      %mul3A_154 = arith.constant 16 : i32
      %mul3A_155 = arith.muli %scan3A_120, %mul3A_154 : i32
      %swap3A_156 = arith.constant 2 : i32
      %swap3A_157 = arith.constant 2 : i32
      %swap3A_158 = arith.index_cast %swap3A_156 : i32 to index
      %swap3A_159 = arith.index_cast %swap3A_157 : i32 to index
      %swap3A_160 = arith.index_cast %mul3A_155 : i32 to index
      %swap3A_161 = tpu.vector_load %arg7[%swap3A_158, %swap3A_159, %swap3A_160] {strides = array<i32>} : memref<3x16x512xf32, #tpu.memory_space<vmem>>, vector<1x1x16xf32>,
      %swap3A_162 = vector.shape_cast %swap3A_161 : vector<1x1x16xf32> to vector<16xf32>
      %swap3A_163 = vector.shape_cast %gather3A_153 : vector<16xf32> to vector<1x1x16xf32>
      tpu.vector_store %arg7[%swap3A_158, %swap3A_159, %swap3A_160], %swap3A_163 {strides = array<i32>} : memref<3x16x512xf32, #tpu.memory_space<vmem>>, vector<1x1x16xf32>,
      %scan3A_164 = arith.constant 1 : i32
      %scan3A_165 = arith.addi %scan3A_120, %scan3A_164 : i32
      %mul3A_166 = arith.constant 16 : i32
      %mul3A_167 = arith.muli %scan3A_165, %mul3A_166 : i32
      %get3A_168 = arith.constant 2 : i32
      %get3A_169 = arith.index_cast %get3A_168 : i32 to index
      %get3A_170 = arith.index_cast %mul3A_167 : i32 to index
      %get3A_171 = tpu.vector_load %arg5[%get3A_169, %get3A_170] {strides = array<i32>} : memref<16x512xi32, #tpu.memory_space<vmem>>, vector<1x16xi32>,
      %get3A_172 = vector.shape_cast %get3A_171 : vector<1x16xi32> to vector<16xi32>
      %broadcast_in_dim3A_173 = vector.shape_cast %get3A_172 : vector<16xi32> to vector<16x1xi32>
      %gather3A_174 = vector.shape_cast %broadcast_in_dim3A_173 : vector<16x1xi32> to vector<16xi32>
      %gather3A_175 = tpu.dynamic_gather %get3A_6[%gather3A_174] in [0] : vector<16xf32>, vector<16xi32> -> vector<16xf32>
      %mul3A_176 = arith.constant 16 : i32
      %mul3A_177 = arith.muli %scan3A_165, %mul3A_176 : i32
      %swap3A_178 = arith.constant 0 : i32
      %swap3A_179 = arith.constant 2 : i32
      %swap3A_180 = arith.index_cast %swap3A_178 : i32 to index
      %swap3A_181 = arith.index_cast %swap3A_179 : i32 to index
      %swap3A_182 = arith.index_cast %mul3A_177 : i32 to index
      %swap3A_183 = tpu.vector_load %arg7[%swap3A_180, %swap3A_181, %swap3A_182] {strides = array<i32>} : memref<3x16x512xf32, #tpu.memory_space<vmem>>, vector<1x1x16xf32>,
      %swap3A_184 = vector.shape_cast %swap3A_183 : vector<1x1x16xf32> to vector<16xf32>
      %swap3A_185 = vector.shape_cast %gather3A_175 : vector<16xf32> to vector<1x1x16xf32>
      tpu.vector_store %arg7[%swap3A_180, %swap3A_181, %swap3A_182], %swap3A_185 {strides = array<i32>} : memref<3x16x512xf32, #tpu.memory_space<vmem>>, vector<1x1x16xf32>,
      %broadcast_in_dim3A_186 = vector.shape_cast %get3A_172 : vector<16xi32> to vector<16x1xi32>
      %gather3A_187 = vector.shape_cast %broadcast_in_dim3A_186 : vector<16x1xi32> to vector<16xi32>
      %gather3A_188 = tpu.dynamic_gather %get3A_11[%gather3A_187] in [0] : vector<16xf32>, vector<16xi32> -> vector<16xf32>
      %mul3A_189 = arith.constant 16 : i32
      %mul3A_190 = arith.muli %scan3A_165, %mul3A_189 : i32
      %swap3A_191 = arith.constant 1 : i32
      %swap3A_192 = arith.constant 2 : i32
      %swap3A_193 = arith.index_cast %swap3A_191 : i32 to index
      %swap3A_194 = arith.index_cast %swap3A_192 : i32 to index
      %swap3A_195 = arith.index_cast %mul3A_190 : i32 to index
      %swap3A_196 = tpu.vector_load %arg7[%swap3A_193, %swap3A_194, %swap3A_195] {strides = array<i32>} : memref<3x16x512xf32, #tpu.memory_space<vmem>>, vector<1x1x16xf32>,
      %swap3A_197 = vector.shape_cast %swap3A_196 : vector<1x1x16xf32> to vector<16xf32>
      %swap3A_198 = vector.shape_cast %gather3A_188 : vector<16xf32> to vector<1x1x16xf32>
      tpu.vector_store %arg7[%swap3A_193, %swap3A_194, %swap3A_195], %swap3A_198 {strides = array<i32>} : memref<3x16x512xf32, #tpu.memory_space<vmem>>, vector<1x1x16xf32>,
      %broadcast_in_dim3A_199 = vector.shape_cast %get3A_172 : vector<16xi32> to vector<16x1xi32>
      %gather3A_200 = vector.shape_cast %broadcast_in_dim3A_199 : vector<16x1xi32> to vector<16xi32>
      %gather3A_201 = tpu.dynamic_gather %get3A_16[%gather3A_200] in [0] : vector<16xf32>, vector<16xi32> -> vector<16xf32>
      %mul3A_202 = arith.constant 16 : i32
      %mul3A_203 = arith.muli %scan3A_165, %mul3A_202 : i32
      %swap3A_204 = arith.constant 2 : i32
      %swap3A_205 = arith.constant 2 : i32
      %swap3A_206 = arith.index_cast %swap3A_204 : i32 to index
      %swap3A_207 = arith.index_cast %swap3A_205 : i32 to index
      %swap3A_208 = arith.index_cast %mul3A_203 : i32 to index
      %swap3A_209 = tpu.vector_load %arg7[%swap3A_206, %swap3A_207, %swap3A_208] {strides = array<i32>} : memref<3x16x512xf32, #tpu.memory_space<vmem>>, vector<1x1x16xf32>,
      %swap3A_210 = vector.shape_cast %swap3A_209 : vector<1x1x16xf32> to vector<16xf32>
      %swap3A_211 = vector.shape_cast %gather3A_201 : vector<16xf32> to vector<1x1x16xf32>
      tpu.vector_store %arg7[%swap3A_206, %swap3A_207, %swap3A_208], %swap3A_211 {strides = array<i32>} : memref<3x16x512xf32, #tpu.memory_space<vmem>>, vector<1x1x16xf32>,
      %scan3A_212 = arith.constant 2 : i32
      %scan3A_213 = arith.addi %scan3A_120, %scan3A_212 : i32
      %mul3A_214 = arith.constant 16 : i32
      %mul3A_215 = arith.muli %scan3A_213, %mul3A_214 : i32
      %get3A_216 = arith.constant 2 : i32
      %get3A_217 = arith.index_cast %get3A_216 : i32 to index
      %get3A_218 = arith.index_cast %mul3A_215 : i32 to index
      %get3A_219 = tpu.vector_load %arg5[%get3A_217, %get3A_218] {strides = array<i32>} : memref<16x512xi32, #tpu.memory_space<vmem>>, vector<1x16xi32>,
      %get3A_220 = vector.shape_cast %get3A_219 : vector<1x16xi32> to vector<16xi32>
      %broadcast_in_dim3A_221 = vector.shape_cast %get3A_220 : vector<16xi32> to vector<16x1xi32>
      %gather3A_222 = vector.shape_cast %broadcast_in_dim3A_221 : vector<16x1xi32> to vector<16xi32>
      %gather3A_223 = tpu.dynamic_gather %get3A_6[%gather3A_222] in [0] : vector<16xf32>, vector<16xi32> -> vector<16xf32>
      %mul3A_224 = arith.constant 16 : i32
      %mul3A_225 = arith.muli %scan3A_213, %mul3A_224 : i32
      %swap3A_226 = arith.constant 0 : i32
      %swap3A_227 = arith.constant 2 : i32
      %swap3A_228 = arith.index_cast %swap3A_226 : i32 to index
      %swap3A_229 = arith.index_cast %swap3A_227 : i32 to index
      %swap3A_230 = arith.index_cast %mul3A_225 : i32 to index
      %swap3A_231 = tpu.vector_load %arg7[%swap3A_228, %swap3A_229, %swap3A_230] {strides = array<i32>} : memref<3x16x512xf32, #tpu.memory_space<vmem>>, vector<1x1x16xf32>,
      %swap3A_232 = vector.shape_cast %swap3A_231 : vector<1x1x16xf32> to vector<16xf32>
      %swap3A_233 = vector.shape_cast %gather3A_223 : vector<16xf32> to vector<1x1x16xf32>
      tpu.vector_store %arg7[%swap3A_228, %swap3A_229, %swap3A_230], %swap3A_233 {strides = array<i32>} : memref<3x16x512xf32, #tpu.memory_space<vmem>>, vector<1x1x16xf32>,
      %broadcast_in_dim3A_234 = vector.shape_cast %get3A_220 : vector<16xi32> to vector<16x1xi32>
      %gather3A_235 = vector.shape_cast %broadcast_in_dim3A_234 : vector<16x1xi32> to vector<16xi32>
      %gather3A_236 = tpu.dynamic_gather %get3A_11[%gather3A_235] in [0] : vector<16xf32>, vector<16xi32> -> vector<16xf32>
      %mul3A_237 = arith.constant 16 : i32
      %mul3A_238 = arith.muli %scan3A_213, %mul3A_237 : i32
      %swap3A_239 = arith.constant 1 : i32
      %swap3A_240 = arith.constant 2 : i32
      %swap3A_241 = arith.index_cast %swap3A_239 : i32 to index
      %swap3A_242 = arith.index_cast %swap3A_240 : i32 to index
      %swap3A_243 = arith.index_cast %mul3A_238 : i32 to index
      %swap3A_244 = tpu.vector_load %arg7[%swap3A_241, %swap3A_242, %swap3A_243] {strides = array<i32>} : memref<3x16x512xf32, #tpu.memory_space<vmem>>, vector<1x1x16xf32>,
      %swap3A_245 = vector.shape_cast %swap3A_244 : vector<1x1x16xf32> to vector<16xf32>
      %swap3A_246 = vector.shape_cast %gather3A_236 : vector<16xf32> to vector<1x1x16xf32>
      tpu.vector_store %arg7[%swap3A_241, %swap3A_242, %swap3A_243], %swap3A_246 {strides = array<i32>} : memref<3x16x512xf32, #tpu.memory_space<vmem>>, vector<1x1x16xf32>,
      %broadcast_in_dim3A_247 = vector.shape_cast %get3A_220 : vector<16xi32> to vector<16x1xi32>
      %gather3A_248 = vector.shape_cast %broadcast_in_dim3A_247 : vector<16x1xi32> to vector<16xi32>
      %gather3A_249 = tpu.dynamic_gather %get3A_16[%gather3A_248] in [0] : vector<16xf32>, vector<16xi32> -> vector<16xf32>
      %mul3A_250 = arith.constant 16 : i32
      %mul3A_251 = arith.muli %scan3A_213, %mul3A_250 : i32
      %swap3A_252 = arith.constant 2 : i32
      %swap3A_253 = arith.constant 2 : i32
      %swap3A_254 = arith.index_cast %swap3A_252 : i32 to index
      %swap3A_255 = arith.index_cast %swap3A_253 : i32 to index
      %swap3A_256 = arith.index_cast %mul3A_251 : i32 to index
      %swap3A_257 = tpu.vector_load %arg7[%swap3A_254, %swap3A_255, %swap3A_256] {strides = array<i32>} : memref<3x16x512xf32, #tpu.memory_space<vmem>>, vector<1x1x16xf32>,
      %swap3A_258 = vector.shape_cast %swap3A_257 : vector<1x1x16xf32> to vector<16xf32>
      %swap3A_259 = vector.shape_cast %gather3A_249 : vector<16xf32> to vector<1x1x16xf32>
      tpu.vector_store %arg7[%swap3A_254, %swap3A_255, %swap3A_256], %swap3A_259 {strides = array<i32>} : memref<3x16x512xf32, #tpu.memory_space<vmem>>, vector<1x1x16xf32>,
      %scan3A_260 = arith.constant 3 : i32
      %scan3A_261 = arith.addi %scan3A_120, %scan3A_260 : i32
      %mul3A_262 = arith.constant 16 : i32
      %mul3A_263 = arith.muli %scan3A_261, %mul3A_262 : i32
      %get3A_264 = arith.constant 2 : i32
      %get3A_265 = arith.index_cast %get3A_264 : i32 to index
      %get3A_266 = arith.index_cast %mul3A_263 : i32 to index
      %get3A_267 = tpu.vector_load %arg5[%get3A_265, %get3A_266] {strides = array<i32>} : memref<16x512xi32, #tpu.memory_space<vmem>>, vector<1x16xi32>,
      %get3A_268 = vector.shape_cast %get3A_267 : vector<1x16xi32> to vector<16xi32>
      %broadcast_in_dim3A_269 = vector.shape_cast %get3A_268 : vector<16xi32> to vector<16x1xi32>
      %gather3A_270 = vector.shape_cast %broadcast_in_dim3A_269 : vector<16x1xi32> to vector<16xi32>
      %gather3A_271 = tpu.dynamic_gather %get3A_6[%gather3A_270] in [0] : vector<16xf32>, vector<16xi32> -> vector<16xf32>
      %mul3A_272 = arith.constant 16 : i32
      %mul3A_273 = arith.muli %scan3A_261, %mul3A_272 : i32
      %swap3A_274 = arith.constant 0 : i32
      %swap3A_275 = arith.constant 2 : i32
      %swap3A_276 = arith.index_cast %swap3A_274 : i32 to index
      %swap3A_277 = arith.index_cast %swap3A_275 : i32 to index
      %swap3A_278 = arith.index_cast %mul3A_273 : i32 to index
      %swap3A_279 = tpu.vector_load %arg7[%swap3A_276, %swap3A_277, %swap3A_278] {strides = array<i32>} : memref<3x16x512xf32, #tpu.memory_space<vmem>>, vector<1x1x16xf32>,
      %swap3A_280 = vector.shape_cast %swap3A_279 : vector<1x1x16xf32> to vector<16xf32>
      %swap3A_281 = vector.shape_cast %gather3A_271 : vector<16xf32> to vector<1x1x16xf32>
      tpu.vector_store %arg7[%swap3A_276, %swap3A_277, %swap3A_278], %swap3A_281 {strides = array<i32>} : memref<3x16x512xf32, #tpu.memory_space<vmem>>, vector<1x1x16xf32>,
      %broadcast_in_dim3A_282 = vector.shape_cast %get3A_268 : vector<16xi32> to vector<16x1xi32>
      %gather3A_283 = vector.shape_cast %broadcast_in_dim3A_282 : vector<16x1xi32> to vector<16xi32>
      %gather3A_284 = tpu.dynamic_gather %get3A_11[%gather3A_283] in [0] : vector<16xf32>, vector<16xi32> -> vector<16xf32>
      %mul3A_285 = arith.constant 16 : i32
      %mul3A_286 = arith.muli %scan3A_261, %mul3A_285 : i32
      %swap3A_287 = arith.constant 1 : i32
      %swap3A_288 = arith.constant 2 : i32
      %swap3A_289 = arith.index_cast %swap3A_287 : i32 to index
      %swap3A_290 = arith.index_cast %swap3A_288 : i32 to index
      %swap3A_291 = arith.index_cast %mul3A_286 : i32 to index
      %swap3A_292 = tpu.vector_load %arg7[%swap3A_289, %swap3A_290, %swap3A_291] {strides = array<i32>} : memref<3x16x512xf32, #tpu.memory_space<vmem>>, vector<1x1x16xf32>,
      %swap3A_293 = vector.shape_cast %swap3A_292 : vector<1x1x16xf32> to vector<16xf32>
      %swap3A_294 = vector.shape_cast %gather3A_284 : vector<16xf32> to vector<1x1x16xf32>
      tpu.vector_store %arg7[%swap3A_289, %swap3A_290, %swap3A_291], %swap3A_294 {strides = array<i32>} : memref<3x16x512xf32, #tpu.memory_space<vmem>>, vector<1x1x16xf32>,
      %broadcast_in_dim3A_295 = vector.shape_cast %get3A_268 : vector<16xi32> to vector<16x1xi32>
      %gather3A_296 = vector.shape_cast %broadcast_in_dim3A_295 : vector<16x1xi32> to vector<16xi32>
      %gather3A_297 = tpu.dynamic_gather %get3A_16[%gather3A_296] in [0] : vector<16xf32>, vector<16xi32> -> vector<16xf32>
      %mul3A_298 = arith.constant 16 : i32
      %mul3A_299 = arith.muli %scan3A_261, %mul3A_298 : i32
      %swap3A_300 = arith.constant 2 : i32
      %swap3A_301 = arith.constant 2 : i32
      %swap3A_302 = arith.index_cast %swap3A_300 : i32 to index
      %swap3A_303 = arith.index_cast %swap3A_301 : i32 to index
      %swap3A_304 = arith.index_cast %mul3A_299 : i32 to index
      %swap3A_305 = tpu.vector_load %arg7[%swap3A_302, %swap3A_303, %swap3A_304] {strides = array<i32>} : memref<3x16x512xf32, #tpu.memory_space<vmem>>, vector<1x1x16xf32>,
      %swap3A_306 = vector.shape_cast %swap3A_305 : vector<1x1x16xf32> to vector<16xf32>
      %swap3A_307 = vector.shape_cast %gather3A_297 : vector<16xf32> to vector<1x1x16xf32>
      tpu.vector_store %arg7[%swap3A_302, %swap3A_303, %swap3A_304], %swap3A_307 {strides = array<i32>} : memref<3x16x512xf32, #tpu.memory_space<vmem>>, vector<1x1x16xf32>,
    }
    %scan3A_33 = arith.constant 32 : i32
    %scan3A_34 = arith.constant 0 : i32
    %scan3A_35 = arith.constant 0 : i32
    %scan3A_36 = arith.constant 32 : i32
    %scan3A_37 = arith.addi %scan3A_35, %scan3A_36 : i32
    %scan3A_38 = arith.constant 4 : i32
    scf.for %scan3A_120 = %scan3A_35 to %scan3A_37 step %scan3A_38  : i32 {
      %mul3A_121 = arith.constant 16 : i32
      %mul3A_122 = arith.muli %scan3A_120, %mul3A_121 : i32
      %get3A_123 = arith.constant 3 : i32
      %get3A_124 = arith.index_cast %get3A_123 : i32 to index
      %get3A_125 = arith.index_cast %mul3A_122 : i32 to index
      %get3A_126 = tpu.vector_load %arg5[%get3A_124, %get3A_125] {strides = array<i32>} : memref<16x512xi32, #tpu.memory_space<vmem>>, vector<1x16xi32>,
      %get3A_127 = vector.shape_cast %get3A_126 : vector<1x16xi32> to vector<16xi32>
      %broadcast_in_dim3A = vector.shape_cast %get3A_127 : vector<16xi32> to vector<16x1xi32>
      %gather3A = vector.shape_cast %broadcast_in_dim3A : vector<16x1xi32> to vector<16xi32>
      %gather3A_128 = tpu.dynamic_gather %get3A_6[%gather3A] in [0] : vector<16xf32>, vector<16xi32> -> vector<16xf32>
      %mul3A_129 = arith.constant 16 : i32
      %mul3A_130 = arith.muli %scan3A_120, %mul3A_129 : i32
      %swap3A = arith.constant 0 : i32
      %swap3A_131 = arith.constant 3 : i32
      %swap3A_132 = arith.index_cast %swap3A : i32 to index
      %swap3A_133 = arith.index_cast %swap3A_131 : i32 to index
      %swap3A_134 = arith.index_cast %mul3A_130 : i32 to index
      %swap3A_135 = tpu.vector_load %arg7[%swap3A_132, %swap3A_133, %swap3A_134] {strides = array<i32>} : memref<3x16x512xf32, #tpu.memory_space<vmem>>, vector<1x1x16xf32>,
      %swap3A_136 = vector.shape_cast %swap3A_135 : vector<1x1x16xf32> to vector<16xf32>
      %swap3A_137 = vector.shape_cast %gather3A_128 : vector<16xf32> to vector<1x1x16xf32>
      tpu.vector_store %arg7[%swap3A_132, %swap3A_133, %swap3A_134], %swap3A_137 {strides = array<i32>} : memref<3x16x512xf32, #tpu.memory_space<vmem>>, vector<1x1x16xf32>,
      %broadcast_in_dim3A_138 = vector.shape_cast %get3A_127 : vector<16xi32> to vector<16x1xi32>
      %gather3A_139 = vector.shape_cast %broadcast_in_dim3A_138 : vector<16x1xi32> to vector<16xi32>
      %gather3A_140 = tpu.dynamic_gather %get3A_11[%gather3A_139] in [0] : vector<16xf32>, vector<16xi32> -> vector<16xf32>
      %mul3A_141 = arith.constant 16 : i32
      %mul3A_142 = arith.muli %scan3A_120, %mul3A_141 : i32
      %swap3A_143 = arith.constant 1 : i32
      %swap3A_144 = arith.constant 3 : i32
      %swap3A_145 = arith.index_cast %swap3A_143 : i32 to index
      %swap3A_146 = arith.index_cast %swap3A_144 : i32 to index
      %swap3A_147 = arith.index_cast %mul3A_142 : i32 to index
      %swap3A_148 = tpu.vector_load %arg7[%swap3A_145, %swap3A_146, %swap3A_147] {strides = array<i32>} : memref<3x16x512xf32, #tpu.memory_space<vmem>>, vector<1x1x16xf32>,
      %swap3A_149 = vector.shape_cast %swap3A_148 : vector<1x1x16xf32> to vector<16xf32>
      %swap3A_150 = vector.shape_cast %gather3A_140 : vector<16xf32> to vector<1x1x16xf32>
      tpu.vector_store %arg7[%swap3A_145, %swap3A_146, %swap3A_147], %swap3A_150 {strides = array<i32>} : memref<3x16x512xf32, #tpu.memory_space<vmem>>, vector<1x1x16xf32>,
      %broadcast_in_dim3A_151 = vector.shape_cast %get3A_127 : vector<16xi32> to vector<16x1xi32>
      %gather3A_152 = vector.shape_cast %broadcast_in_dim3A_151 : vector<16x1xi32> to vector<16xi32>
      %gather3A_153 = tpu.dynamic_gather %get3A_16[%gather3A_152] in [0] : vector<16xf32>, vector<16xi32> -> vector<16xf32>
      %mul3A_154 = arith.constant 16 : i32
      %mul3A_155 = arith.muli %scan3A_120, %mul3A_154 : i32
      %swap3A_156 = arith.constant 2 : i32
      %swap3A_157 = arith.constant 3 : i32
      %swap3A_158 = arith.index_cast %swap3A_156 : i32 to index
      %swap3A_159 = arith.index_cast %swap3A_157 : i32 to index
      %swap3A_160 = arith.index_cast %mul3A_155 : i32 to index
      %swap3A_161 = tpu.vector_load %arg7[%swap3A_158, %swap3A_159, %swap3A_160] {strides = array<i32>} : memref<3x16x512xf32, #tpu.memory_space<vmem>>, vector<1x1x16xf32>,
      %swap3A_162 = vector.shape_cast %swap3A_161 : vector<1x1x16xf32> to vector<16xf32>
      %swap3A_163 = vector.shape_cast %gather3A_153 : vector<16xf32> to vector<1x1x16xf32>
      tpu.vector_store %arg7[%swap3A_158, %swap3A_159, %swap3A_160], %swap3A_163 {strides = array<i32>} : memref<3x16x512xf32, #tpu.memory_space<vmem>>, vector<1x1x16xf32>,
      %scan3A_164 = arith.constant 1 : i32
      %scan3A_165 = arith.addi %scan3A_120, %scan3A_164 : i32
      %mul3A_166 = arith.constant 16 : i32
      %mul3A_167 = arith.muli %scan3A_165, %mul3A_166 : i32
      %get3A_168 = arith.constant 3 : i32
      %get3A_169 = arith.index_cast %get3A_168 : i32 to index
      %get3A_170 = arith.index_cast %mul3A_167 : i32 to index
      %get3A_171 = tpu.vector_load %arg5[%get3A_169, %get3A_170] {strides = array<i32>} : memref<16x512xi32, #tpu.memory_space<vmem>>, vector<1x16xi32>,
      %get3A_172 = vector.shape_cast %get3A_171 : vector<1x16xi32> to vector<16xi32>
      %broadcast_in_dim3A_173 = vector.shape_cast %get3A_172 : vector<16xi32> to vector<16x1xi32>
      %gather3A_174 = vector.shape_cast %broadcast_in_dim3A_173 : vector<16x1xi32> to vector<16xi32>
      %gather3A_175 = tpu.dynamic_gather %get3A_6[%gather3A_174] in [0] : vector<16xf32>, vector<16xi32> -> vector<16xf32>
      %mul3A_176 = arith.constant 16 : i32
      %mul3A_177 = arith.muli %scan3A_165, %mul3A_176 : i32
      %swap3A_178 = arith.constant 0 : i32
      %swap3A_179 = arith.constant 3 : i32
      %swap3A_180 = arith.index_cast %swap3A_178 : i32 to index
      %swap3A_181 = arith.index_cast %swap3A_179 : i32 to index
      %swap3A_182 = arith.index_cast %mul3A_177 : i32 to index
      %swap3A_183 = tpu.vector_load %arg7[%swap3A_180, %swap3A_181, %swap3A_182] {strides = array<i32>} : memref<3x16x512xf32, #tpu.memory_space<vmem>>, vector<1x1x16xf32>,
      %swap3A_184 = vector.shape_cast %swap3A_183 : vector<1x1x16xf32> to vector<16xf32>
      %swap3A_185 = vector.shape_cast %gather3A_175 : vector<16xf32> to vector<1x1x16xf32>
      tpu.vector_store %arg7[%swap3A_180, %swap3A_181, %swap3A_182], %swap3A_185 {strides = array<i32>} : memref<3x16x512xf32, #tpu.memory_space<vmem>>, vector<1x1x16xf32>,
      %broadcast_in_dim3A_186 = vector.shape_cast %get3A_172 : vector<16xi32> to vector<16x1xi32>
      %gather3A_187 = vector.shape_cast %broadcast_in_dim3A_186 : vector<16x1xi32> to vector<16xi32>
      %gather3A_188 = tpu.dynamic_gather %get3A_11[%gather3A_187] in [0] : vector<16xf32>, vector<16xi32> -> vector<16xf32>
      %mul3A_189 = arith.constant 16 : i32
      %mul3A_190 = arith.muli %scan3A_165, %mul3A_189 : i32
      %swap3A_191 = arith.constant 1 : i32
      %swap3A_192 = arith.constant 3 : i32
      %swap3A_193 = arith.index_cast %swap3A_191 : i32 to index
      %swap3A_194 = arith.index_cast %swap3A_192 : i32 to index
      %swap3A_195 = arith.index_cast %mul3A_190 : i32 to index
      %swap3A_196 = tpu.vector_load %arg7[%swap3A_193, %swap3A_194, %swap3A_195] {strides = array<i32>} : memref<3x16x512xf32, #tpu.memory_space<vmem>>, vector<1x1x16xf32>,
      %swap3A_197 = vector.shape_cast %swap3A_196 : vector<1x1x16xf32> to vector<16xf32>
      %swap3A_198 = vector.shape_cast %gather3A_188 : vector<16xf32> to vector<1x1x16xf32>
      tpu.vector_store %arg7[%swap3A_193, %swap3A_194, %swap3A_195], %swap3A_198 {strides = array<i32>} : memref<3x16x512xf32, #tpu.memory_space<vmem>>, vector<1x1x16xf32>,
      %broadcast_in_dim3A_199 = vector.shape_cast %get3A_172 : vector<16xi32> to vector<16x1xi32>
      %gather3A_200 = vector.shape_cast %broadcast_in_dim3A_199 : vector<16x1xi32> to vector<16xi32>
      %gather3A_201 = tpu.dynamic_gather %get3A_16[%gather3A_200] in [0] : vector<16xf32>, vector<16xi32> -> vector<16xf32>
      %mul3A_202 = arith.constant 16 : i32
      %mul3A_203 = arith.muli %scan3A_165, %mul3A_202 : i32
      %swap3A_204 = arith.constant 2 : i32
      %swap3A_205 = arith.constant 3 : i32
      %swap3A_206 = arith.index_cast %swap3A_204 : i32 to index
      %swap3A_207 = arith.index_cast %swap3A_205 : i32 to index
      %swap3A_208 = arith.index_cast %mul3A_203 : i32 to index
      %swap3A_209 = tpu.vector_load %arg7[%swap3A_206, %swap3A_207, %swap3A_208] {strides = array<i32>} : memref<3x16x512xf32, #tpu.memory_space<vmem>>, vector<1x1x16xf32>,
      %swap3A_210 = vector.shape_cast %swap3A_209 : vector<1x1x16xf32> to vector<16xf32>
      %swap3A_211 = vector.shape_cast %gather3A_201 : vector<16xf32> to vector<1x1x16xf32>
      tpu.vector_store %arg7[%swap3A_206, %swap3A_207, %swap3A_208], %swap3A_211 {strides = array<i32>} : memref<3x16x512xf32, #tpu.memory_space<vmem>>, vector<1x1x16xf32>,
      %scan3A_212 = arith.constant 2 : i32
      %scan3A_213 = arith.addi %scan3A_120, %scan3A_212 : i32
      %mul3A_214 = arith.constant 16 : i32
      %mul3A_215 = arith.muli %scan3A_213, %mul3A_214 : i32
      %get3A_216 = arith.constant 3 : i32
      %get3A_217 = arith.index_cast %get3A_216 : i32 to index
      %get3A_218 = arith.index_cast %mul3A_215 : i32 to index
      %get3A_219 = tpu.vector_load %arg5[%get3A_217, %get3A_218] {strides = array<i32>} : memref<16x512xi32, #tpu.memory_space<vmem>>, vector<1x16xi32>,
      %get3A_220 = vector.shape_cast %get3A_219 : vector<1x16xi32> to vector<16xi32>
      %broadcast_in_dim3A_221 = vector.shape_cast %get3A_220 : vector<16xi32> to vector<16x1xi32>
      %gather3A_222 = vector.shape_cast %broadcast_in_dim3A_221 : vector<16x1xi32> to vector<16xi32>
      %gather3A_223 = tpu.dynamic_gather %get3A_6[%gather3A_222] in [0] : vector<16xf32>, vector<16xi32> -> vector<16xf32>
      %mul3A_224 = arith.constant 16 : i32
      %mul3A_225 = arith.muli %scan3A_213, %mul3A_224 : i32
      %swap3A_226 = arith.constant 0 : i32
      %swap3A_227 = arith.constant 3 : i32
      %swap3A_228 = arith.index_cast %swap3A_226 : i32 to index
      %swap3A_229 = arith.index_cast %swap3A_227 : i32 to index
      %swap3A_230 = arith.index_cast %mul3A_225 : i32 to index
      %swap3A_231 = tpu.vector_load %arg7[%swap3A_228, %swap3A_229, %swap3A_230] {strides = array<i32>} : memref<3x16x512xf32, #tpu.memory_space<vmem>>, vector<1x1x16xf32>,
      %swap3A_232 = vector.shape_cast %swap3A_231 : vector<1x1x16xf32> to vector<16xf32>
      %swap3A_233 = vector.shape_cast %gather3A_223 : vector<16xf32> to vector<1x1x16xf32>
      tpu.vector_store %arg7[%swap3A_228, %swap3A_229, %swap3A_230], %swap3A_233 {strides = array<i32>} : memref<3x16x512xf32, #tpu.memory_space<vmem>>, vector<1x1x16xf32>,
      %broadcast_in_dim3A_234 = vector.shape_cast %get3A_220 : vector<16xi32> to vector<16x1xi32>
      %gather3A_235 = vector.shape_cast %broadcast_in_dim3A_234 : vector<16x1xi32> to vector<16xi32>
      %gather3A_236 = tpu.dynamic_gather %get3A_11[%gather3A_235] in [0] : vector<16xf32>, vector<16xi32> -> vector<16xf32>
      %mul3A_237 = arith.constant 16 : i32
      %mul3A_238 = arith.muli %scan3A_213, %mul3A_237 : i32
      %swap3A_239 = arith.constant 1 : i32
      %swap3A_240 = arith.constant 3 : i32
      %swap3A_241 = arith.index_cast %swap3A_239 : i32 to index
      %swap3A_242 = arith.index_cast %swap3A_240 : i32 to index
      %swap3A_243 = arith.index_cast %mul3A_238 : i32 to index
      %swap3A_244 = tpu.vector_load %arg7[%swap3A_241, %swap3A_242, %swap3A_243] {strides = array<i32>} : memref<3x16x512xf32, #tpu.memory_space<vmem>>, vector<1x1x16xf32>,
      %swap3A_245 = vector.shape_cast %swap3A_244 : vector<1x1x16xf32> to vector<16xf32>
      %swap3A_246 = vector.shape_cast %gather3A_236 : vector<16xf32> to vector<1x1x16xf32>
      tpu.vector_store %arg7[%swap3A_241, %swap3A_242, %swap3A_243], %swap3A_246 {strides = array<i32>} : memref<3x16x512xf32, #tpu.memory_space<vmem>>, vector<1x1x16xf32>,
      %broadcast_in_dim3A_247 = vector.shape_cast %get3A_220 : vector<16xi32> to vector<16x1xi32>
      %gather3A_248 = vector.shape_cast %broadcast_in_dim3A_247 : vector<16x1xi32> to vector<16xi32>
      %gather3A_249 = tpu.dynamic_gather %get3A_16[%gather3A_248] in [0] : vector<16xf32>, vector<16xi32> -> vector<16xf32>
      %mul3A_250 = arith.constant 16 : i32
      %mul3A_251 = arith.muli %scan3A_213, %mul3A_250 : i32
      %swap3A_252 = arith.constant 2 : i32
      %swap3A_253 = arith.constant 3 : i32
      %swap3A_254 = arith.index_cast %swap3A_252 : i32 to index
      %swap3A_255 = arith.index_cast %swap3A_253 : i32 to index
      %swap3A_256 = arith.index_cast %mul3A_251 : i32 to index
      %swap3A_257 = tpu.vector_load %arg7[%swap3A_254, %swap3A_255, %swap3A_256] {strides = array<i32>} : memref<3x16x512xf32, #tpu.memory_space<vmem>>, vector<1x1x16xf32>,
      %swap3A_258 = vector.shape_cast %swap3A_257 : vector<1x1x16xf32> to vector<16xf32>
      %swap3A_259 = vector.shape_cast %gather3A_249 : vector<16xf32> to vector<1x1x16xf32>
      tpu.vector_store %arg7[%swap3A_254, %swap3A_255, %swap3A_256], %swap3A_259 {strides = array<i32>} : memref<3x16x512xf32, #tpu.memory_space<vmem>>, vector<1x1x16xf32>,
      %scan3A_260 = arith.constant 3 : i32
      %scan3A_261 = arith.addi %scan3A_120, %scan3A_260 : i32
      %mul3A_262 = arith.constant 16 : i32
      %mul3A_263 = arith.muli %scan3A_261, %mul3A_262 : i32
      %get3A_264 = arith.constant 3 : i32
      %get3A_265 = arith.index_cast %get3A_264 : i32 to index
      %get3A_266 = arith.index_cast %mul3A_263 : i32 to index
      %get3A_267 = tpu.vector_load %arg5[%get3A_265, %get3A_266] {strides = array<i32>} : memref<16x512xi32, #tpu.memory_space<vmem>>, vector<1x16xi32>,
      %get3A_268 = vector.shape_cast %get3A_267 : vector<1x16xi32> to vector<16xi32>
      %broadcast_in_dim3A_269 = vector.shape_cast %get3A_268 : vector<16xi32> to vector<16x1xi32>
      %gather3A_270 = vector.shape_cast %broadcast_in_dim3A_269 : vector<16x1xi32> to vector<16xi32>
      %gather3A_271 = tpu.dynamic_gather %get3A_6[%gather3A_270] in [0] : vector<16xf32>, vector<16xi32> -> vector<16xf32>
      %mul3A_272 = arith.constant 16 : i32
      %mul3A_273 = arith.muli %scan3A_261, %mul3A_272 : i32
      %swap3A_274 = arith.constant 0 : i32
      %swap3A_275 = arith.constant 3 : i32
      %swap3A_276 = arith.index_cast %swap3A_274 : i32 to index
      %swap3A_277 = arith.index_cast %swap3A_275 : i32 to index
      %swap3A_278 = arith.index_cast %mul3A_273 : i32 to index
      %swap3A_279 = tpu.vector_load %arg7[%swap3A_276, %swap3A_277, %swap3A_278] {strides = array<i32>} : memref<3x16x512xf32, #tpu.memory_space<vmem>>, vector<1x1x16xf32>,
      %swap3A_280 = vector.shape_cast %swap3A_279 : vector<1x1x16xf32> to vector<16xf32>
      %swap3A_281 = vector.shape_cast %gather3A_271 : vector<16xf32> to vector<1x1x16xf32>
      tpu.vector_store %arg7[%swap3A_276, %swap3A_277, %swap3A_278], %swap3A_281 {strides = array<i32>} : memref<3x16x512xf32, #tpu.memory_space<vmem>>, vector<1x1x16xf32>,
      %broadcast_in_dim3A_282 = vector.shape_cast %get3A_268 : vector<16xi32> to vector<16x1xi32>
      %gather3A_283 = vector.shape_cast %broadcast_in_dim3A_282 : vector<16x1xi32> to vector<16xi32>
      %gather3A_284 = tpu.dynamic_gather %get3A_11[%gather3A_283] in [0] : vector<16xf32>, vector<16xi32> -> vector<16xf32>
      %mul3A_285 = arith.constant 16 : i32
      %mul3A_286 = arith.muli %scan3A_261, %mul3A_285 : i32
      %swap3A_287 = arith.constant 1 : i32
      %swap3A_288 = arith.constant 3 : i32
      %swap3A_289 = arith.index_cast %swap3A_287 : i32 to index
      %swap3A_290 = arith.index_cast %swap3A_288 : i32 to index
      %swap3A_291 = arith.index_cast %mul3A_286 : i32 to index
      %swap3A_292 = tpu.vector_load %arg7[%swap3A_289, %swap3A_290, %swap3A_291] {strides = array<i32>} : memref<3x16x512xf32, #tpu.memory_space<vmem>>, vector<1x1x16xf32>,
      %swap3A_293 = vector.shape_cast %swap3A_292 : vector<1x1x16xf32> to vector<16xf32>
      %swap3A_294 = vector.shape_cast %gather3A_284 : vector<16xf32> to vector<1x1x16xf32>
      tpu.vector_store %arg7[%swap3A_289, %swap3A_290, %swap3A_291], %swap3A_294 {strides = array<i32>} : memref<3x16x512xf32, #tpu.memory_space<vmem>>, vector<1x1x16xf32>,
      %broadcast_in_dim3A_295 = vector.shape_cast %get3A_268 : vector<16xi32> to vector<16x1xi32>
      %gather3A_296 = vector.shape_cast %broadcast_in_dim3A_295 : vector<16x1xi32> to vector<16xi32>
      %gather3A_297 = tpu.dynamic_gather %get3A_16[%gather3A_296] in [0] : vector<16xf32>, vector<16xi32> -> vector<16xf32>
      %mul3A_298 = arith.constant 16 : i32
      %mul3A_299 = arith.muli %scan3A_261, %mul3A_298 : i32
      %swap3A_300 = arith.constant 2 : i32
      %swap3A_301 = arith.constant 3 : i32
      %swap3A_302 = arith.index_cast %swap3A_300 : i32 to index
      %swap3A_303 = arith.index_cast %swap3A_301 : i32 to index
      %swap3A_304 = arith.index_cast %mul3A_299 : i32 to index
      %swap3A_305 = tpu.vector_load %arg7[%swap3A_302, %swap3A_303, %swap3A_304] {strides = array<i32>} : memref<3x16x512xf32, #tpu.memory_space<vmem>>, vector<1x1x16xf32>,
      %swap3A_306 = vector.shape_cast %swap3A_305 : vector<1x1x16xf32> to vector<16xf32>
      %swap3A_307 = vector.shape_cast %gather3A_297 : vector<16xf32> to vector<1x1x16xf32>
      tpu.vector_store %arg7[%swap3A_302, %swap3A_303, %swap3A_304], %swap3A_307 {strides = array<i32>} : memref<3x16x512xf32, #tpu.memory_space<vmem>>, vector<1x1x16xf32>,
    }
    %scan3A_39 = arith.constant 32 : i32
    %scan3A_40 = arith.constant 0 : i32
    %scan3A_41 = arith.constant 0 : i32
    %scan3A_42 = arith.constant 32 : i32
    %scan3A_43 = arith.addi %scan3A_41, %scan3A_42 : i32
    %scan3A_44 = arith.constant 4 : i32
    scf.for %scan3A_120 = %scan3A_41 to %scan3A_43 step %scan3A_44  : i32 {
      %mul3A_121 = arith.constant 16 : i32
      %mul3A_122 = arith.muli %scan3A_120, %mul3A_121 : i32
      %get3A_123 = arith.constant 4 : i32
      %get3A_124 = arith.index_cast %get3A_123 : i32 to index
      %get3A_125 = arith.index_cast %mul3A_122 : i32 to index
      %get3A_126 = tpu.vector_load %arg5[%get3A_124, %get3A_125] {strides = array<i32>} : memref<16x512xi32, #tpu.memory_space<vmem>>, vector<1x16xi32>,
      %get3A_127 = vector.shape_cast %get3A_126 : vector<1x16xi32> to vector<16xi32>
      %broadcast_in_dim3A = vector.shape_cast %get3A_127 : vector<16xi32> to vector<16x1xi32>
      %gather3A = vector.shape_cast %broadcast_in_dim3A : vector<16x1xi32> to vector<16xi32>
      %gather3A_128 = tpu.dynamic_gather %get3A_6[%gather3A] in [0] : vector<16xf32>, vector<16xi32> -> vector<16xf32>
      %mul3A_129 = arith.constant 16 : i32
      %mul3A_130 = arith.muli %scan3A_120, %mul3A_129 : i32
      %swap3A = arith.constant 0 : i32
      %swap3A_131 = arith.constant 4 : i32
      %swap3A_132 = arith.index_cast %swap3A : i32 to index
      %swap3A_133 = arith.index_cast %swap3A_131 : i32 to index
      %swap3A_134 = arith.index_cast %mul3A_130 : i32 to index
      %swap3A_135 = tpu.vector_load %arg7[%swap3A_132, %swap3A_133, %swap3A_134] {strides = array<i32>} : memref<3x16x512xf32, #tpu.memory_space<vmem>>, vector<1x1x16xf32>,
      %swap3A_136 = vector.shape_cast %swap3A_135 : vector<1x1x16xf32> to vector<16xf32>
      %swap3A_137 = vector.shape_cast %gather3A_128 : vector<16xf32> to vector<1x1x16xf32>
      tpu.vector_store %arg7[%swap3A_132, %swap3A_133, %swap3A_134], %swap3A_137 {strides = array<i32>} : memref<3x16x512xf32, #tpu.memory_space<vmem>>, vector<1x1x16xf32>,
      %broadcast_in_dim3A_138 = vector.shape_cast %get3A_127 : vector<16xi32> to vector<16x1xi32>
      %gather3A_139 = vector.shape_cast %broadcast_in_dim3A_138 : vector<16x1xi32> to vector<16xi32>
      %gather3A_140 = tpu.dynamic_gather %get3A_11[%gather3A_139] in [0] : vector<16xf32>, vector<16xi32> -> vector<16xf32>
      %mul3A_141 = arith.constant 16 : i32
      %mul3A_142 = arith.muli %scan3A_120, %mul3A_141 : i32
      %swap3A_143 = arith.constant 1 : i32
      %swap3A_144 = arith.constant 4 : i32
      %swap3A_145 = arith.index_cast %swap3A_143 : i32 to index
      %swap3A_146 = arith.index_cast %swap3A_144 : i32 to index
      %swap3A_147 = arith.index_cast %mul3A_142 : i32 to index
      %swap3A_148 = tpu.vector_load %arg7[%swap3A_145, %swap3A_146, %swap3A_147] {strides = array<i32>} : memref<3x16x512xf32, #tpu.memory_space<vmem>>, vector<1x1x16xf32>,
      %swap3A_149 = vector.shape_cast %swap3A_148 : vector<1x1x16xf32> to vector<16xf32>
      %swap3A_150 = vector.shape_cast %gather3A_140 : vector<16xf32> to vector<1x1x16xf32>
      tpu.vector_store %arg7[%swap3A_145, %swap3A_146, %swap3A_147], %swap3A_150 {strides = array<i32>} : memref<3x16x512xf32, #tpu.memory_space<vmem>>, vector<1x1x16xf32>,
      %broadcast_in_dim3A_151 = vector.shape_cast %get3A_127 : vector<16xi32> to vector<16x1xi32>
      %gather3A_152 = vector.shape_cast %broadcast_in_dim3A_151 : vector<16x1xi32> to vector<16xi32>
      %gather3A_153 = tpu.dynamic_gather %get3A_16[%gather3A_152] in [0] : vector<16xf32>, vector<16xi32> -> vector<16xf32>
      %mul3A_154 = arith.constant 16 : i32
      %mul3A_155 = arith.muli %scan3A_120, %mul3A_154 : i32
      %swap3A_156 = arith.constant 2 : i32
      %swap3A_157 = arith.constant 4 : i32
      %swap3A_158 = arith.index_cast %swap3A_156 : i32 to index
      %swap3A_159 = arith.index_cast %swap3A_157 : i32 to index
      %swap3A_160 = arith.index_cast %mul3A_155 : i32 to index
      %swap3A_161 = tpu.vector_load %arg7[%swap3A_158, %swap3A_159, %swap3A_160] {strides = array<i32>} : memref<3x16x512xf32, #tpu.memory_space<vmem>>, vector<1x1x16xf32>,
      %swap3A_162 = vector.shape_cast %swap3A_161 : vector<1x1x16xf32> to vector<16xf32>
      %swap3A_163 = vector.shape_cast %gather3A_153 : vector<16xf32> to vector<1x1x16xf32>
      tpu.vector_store %arg7[%swap3A_158, %swap3A_159, %swap3A_160], %swap3A_163 {strides = array<i32>} : memref<3x16x512xf32, #tpu.memory_space<vmem>>, vector<1x1x16xf32>,
      %scan3A_164 = arith.constant 1 : i32
      %scan3A_165 = arith.addi %scan3A_120, %scan3A_164 : i32
      %mul3A_166 = arith.constant 16 : i32
      %mul3A_167 = arith.muli %scan3A_165, %mul3A_166 : i32
      %get3A_168 = arith.constant 4 : i32
      %get3A_169 = arith.index_cast %get3A_168 : i32 to index
      %get3A_170 = arith.index_cast %mul3A_167 : i32 to index
      %get3A_171 = tpu.vector_load %arg5[%get3A_169, %get3A_170] {strides = array<i32>} : memref<16x512xi32, #tpu.memory_space<vmem>>, vector<1x16xi32>,
      %get3A_172 = vector.shape_cast %get3A_171 : vector<1x16xi32> to vector<16xi32>
      %broadcast_in_dim3A_173 = vector.shape_cast %get3A_172 : vector<16xi32> to vector<16x1xi32>
      %gather3A_174 = vector.shape_cast %broadcast_in_dim3A_173 : vector<16x1xi32> to vector<16xi32>
      %gather3A_175 = tpu.dynamic_gather %get3A_6[%gather3A_174] in [0] : vector<16xf32>, vector<16xi32> -> vector<16xf32>
      %mul3A_176 = arith.constant 16 : i32
      %mul3A_177 = arith.muli %scan3A_165, %mul3A_176 : i32
      %swap3A_178 = arith.constant 0 : i32
      %swap3A_179 = arith.constant 4 : i32
      %swap3A_180 = arith.index_cast %swap3A_178 : i32 to index
      %swap3A_181 = arith.index_cast %swap3A_179 : i32 to index
      %swap3A_182 = arith.index_cast %mul3A_177 : i32 to index
      %swap3A_183 = tpu.vector_load %arg7[%swap3A_180, %swap3A_181, %swap3A_182] {strides = array<i32>} : memref<3x16x512xf32, #tpu.memory_space<vmem>>, vector<1x1x16xf32>,
      %swap3A_184 = vector.shape_cast %swap3A_183 : vector<1x1x16xf32> to vector<16xf32>
      %swap3A_185 = vector.shape_cast %gather3A_175 : vector<16xf32> to vector<1x1x16xf32>
      tpu.vector_store %arg7[%swap3A_180, %swap3A_181, %swap3A_182], %swap3A_185 {strides = array<i32>} : memref<3x16x512xf32, #tpu.memory_space<vmem>>, vector<1x1x16xf32>,
      %broadcast_in_dim3A_186 = vector.shape_cast %get3A_172 : vector<16xi32> to vector<16x1xi32>
      %gather3A_187 = vector.shape_cast %broadcast_in_dim3A_186 : vector<16x1xi32> to vector<16xi32>
      %gather3A_188 = tpu.dynamic_gather %get3A_11[%gather3A_187] in [0] : vector<16xf32>, vector<16xi32> -> vector<16xf32>
      %mul3A_189 = arith.constant 16 : i32
      %mul3A_190 = arith.muli %scan3A_165, %mul3A_189 : i32
      %swap3A_191 = arith.constant 1 : i32
      %swap3A_192 = arith.constant 4 : i32
      %swap3A_193 = arith.index_cast %swap3A_191 : i32 to index
      %swap3A_194 = arith.index_cast %swap3A_192 : i32 to index
      %swap3A_195 = arith.index_cast %mul3A_190 : i32 to index
      %swap3A_196 = tpu.vector_load %arg7[%swap3A_193, %swap3A_194, %swap3A_195] {strides = array<i32>} : memref<3x16x512xf32, #tpu.memory_space<vmem>>, vector<1x1x16xf32>,
      %swap3A_197 = vector.shape_cast %swap3A_196 : vector<1x1x16xf32> to vector<16xf32>
      %swap3A_198 = vector.shape_cast %gather3A_188 : vector<16xf32> to vector<1x1x16xf32>
      tpu.vector_store %arg7[%swap3A_193, %swap3A_194, %swap3A_195], %swap3A_198 {strides = array<i32>} : memref<3x16x512xf32, #tpu.memory_space<vmem>>, vector<1x1x16xf32>,
      %broadcast_in_dim3A_199 = vector.shape_cast %get3A_172 : vector<16xi32> to vector<16x1xi32>
      %gather3A_200 = vector.shape_cast %broadcast_in_dim3A_199 : vector<16x1xi32> to vector<16xi32>
      %gather3A_201 = tpu.dynamic_gather %get3A_16[%gather3A_200] in [0] : vector<16xf32>, vector<16xi32> -> vector<16xf32>
      %mul3A_202 = arith.constant 16 : i32
      %mul3A_203 = arith.muli %scan3A_165, %mul3A_202 : i32
      %swap3A_204 = arith.constant 2 : i32
      %swap3A_205 = arith.constant 4 : i32
      %swap3A_206 = arith.index_cast %swap3A_204 : i32 to index
      %swap3A_207 = arith.index_cast %swap3A_205 : i32 to index
      %swap3A_208 = arith.index_cast %mul3A_203 : i32 to index
      %swap3A_209 = tpu.vector_load %arg7[%swap3A_206, %swap3A_207, %swap3A_208] {strides = array<i32>} : memref<3x16x512xf32, #tpu.memory_space<vmem>>, vector<1x1x16xf32>,
      %swap3A_210 = vector.shape_cast %swap3A_209 : vector<1x1x16xf32> to vector<16xf32>
      %swap3A_211 = vector.shape_cast %gather3A_201 : vector<16xf32> to vector<1x1x16xf32>
      tpu.vector_store %arg7[%swap3A_206, %swap3A_207, %swap3A_208], %swap3A_211 {strides = array<i32>} : memref<3x16x512xf32, #tpu.memory_space<vmem>>, vector<1x1x16xf32>,
      %scan3A_212 = arith.constant 2 : i32
      %scan3A_213 = arith.addi %scan3A_120, %scan3A_212 : i32
      %mul3A_214 = arith.constant 16 : i32
      %mul3A_215 = arith.muli %scan3A_213, %mul3A_214 : i32
      %get3A_216 = arith.constant 4 : i32
      %get3A_217 = arith.index_cast %get3A_216 : i32 to index
      %get3A_218 = arith.index_cast %mul3A_215 : i32 to index
      %get3A_219 = tpu.vector_load %arg5[%get3A_217, %get3A_218] {strides = array<i32>} : memref<16x512xi32, #tpu.memory_space<vmem>>, vector<1x16xi32>,
      %get3A_220 = vector.shape_cast %get3A_219 : vector<1x16xi32> to vector<16xi32>
      %broadcast_in_dim3A_221 = vector.shape_cast %get3A_220 : vector<16xi32> to vector<16x1xi32>
      %gather3A_222 = vector.shape_cast %broadcast_in_dim3A_221 : vector<16x1xi32> to vector<16xi32>
      %gather3A_223 = tpu.dynamic_gather %get3A_6[%gather3A_222] in [0] : vector<16xf32>, vector<16xi32> -> vector<16xf32>
      %mul3A_224 = arith.constant 16 : i32
      %mul3A_225 = arith.muli %scan3A_213, %mul3A_224 : i32
      %swap3A_226 = arith.constant 0 : i32
      %swap3A_227 = arith.constant 4 : i32
      %swap3A_228 = arith.index_cast %swap3A_226 : i32 to index
      %swap3A_229 = arith.index_cast %swap3A_227 : i32 to index
      %swap3A_230 = arith.index_cast %mul3A_225 : i32 to index
      %swap3A_231 = tpu.vector_load %arg7[%swap3A_228, %swap3A_229, %swap3A_230] {strides = array<i32>} : memref<3x16x512xf32, #tpu.memory_space<vmem>>, vector<1x1x16xf32>,
      %swap3A_232 = vector.shape_cast %swap3A_231 : vector<1x1x16xf32> to vector<16xf32>
      %swap3A_233 = vector.shape_cast %gather3A_223 : vector<16xf32> to vector<1x1x16xf32>
      tpu.vector_store %arg7[%swap3A_228, %swap3A_229, %swap3A_230], %swap3A_233 {strides = array<i32>} : memref<3x16x512xf32, #tpu.memory_space<vmem>>, vector<1x1x16xf32>,
      %broadcast_in_dim3A_234 = vector.shape_cast %get3A_220 : vector<16xi32> to vector<16x1xi32>
      %gather3A_235 = vector.shape_cast %broadcast_in_dim3A_234 : vector<16x1xi32> to vector<16xi32>
      %gather3A_236 = tpu.dynamic_gather %get3A_11[%gather3A_235] in [0] : vector<16xf32>, vector<16xi32> -> vector<16xf32>
      %mul3A_237 = arith.constant 16 : i32
      %mul3A_238 = arith.muli %scan3A_213, %mul3A_237 : i32
      %swap3A_239 = arith.constant 1 : i32
      %swap3A_240 = arith.constant 4 : i32
      %swap3A_241 = arith.index_cast %swap3A_239 : i32 to index
      %swap3A_242 = arith.index_cast %swap3A_240 : i32 to index
      %swap3A_243 = arith.index_cast %mul3A_238 : i32 to index
      %swap3A_244 = tpu.vector_load %arg7[%swap3A_241, %swap3A_242, %swap3A_243] {strides = array<i32>} : memref<3x16x512xf32, #tpu.memory_space<vmem>>, vector<1x1x16xf32>,
      %swap3A_245 = vector.shape_cast %swap3A_244 : vector<1x1x16xf32> to vector<16xf32>
      %swap3A_246 = vector.shape_cast %gather3A_236 : vector<16xf32> to vector<1x1x16xf32>
      tpu.vector_store %arg7[%swap3A_241, %swap3A_242, %swap3A_243], %swap3A_246 {strides = array<i32>} : memref<3x16x512xf32, #tpu.memory_space<vmem>>, vector<1x1x16xf32>,
      %broadcast_in_dim3A_247 = vector.shape_cast %get3A_220 : vector<16xi32> to vector<16x1xi32>
      %gather3A_248 = vector.shape_cast %broadcast_in_dim3A_247 : vector<16x1xi32> to vector<16xi32>
      %gather3A_249 = tpu.dynamic_gather %get3A_16[%gather3A_248] in [0] : vector<16xf32>, vector<16xi32> -> vector<16xf32>
      %mul3A_250 = arith.constant 16 : i32
      %mul3A_251 = arith.muli %scan3A_213, %mul3A_250 : i32
      %swap3A_252 = arith.constant 2 : i32
      %swap3A_253 = arith.constant 4 : i32
      %swap3A_254 = arith.index_cast %swap3A_252 : i32 to index
      %swap3A_255 = arith.index_cast %swap3A_253 : i32 to index
      %swap3A_256 = arith.index_cast %mul3A_251 : i32 to index
      %swap3A_257 = tpu.vector_load %arg7[%swap3A_254, %swap3A_255, %swap3A_256] {strides = array<i32>} : memref<3x16x512xf32, #tpu.memory_space<vmem>>, vector<1x1x16xf32>,
      %swap3A_258 = vector.shape_cast %swap3A_257 : vector<1x1x16xf32> to vector<16xf32>
      %swap3A_259 = vector.shape_cast %gather3A_249 : vector<16xf32> to vector<1x1x16xf32>
      tpu.vector_store %arg7[%swap3A_254, %swap3A_255, %swap3A_256], %swap3A_259 {strides = array<i32>} : memref<3x16x512xf32, #tpu.memory_space<vmem>>, vector<1x1x16xf32>,
      %scan3A_260 = arith.constant 3 : i32
      %scan3A_261 = arith.addi %scan3A_120, %scan3A_260 : i32
      %mul3A_262 = arith.constant 16 : i32
      %mul3A_263 = arith.muli %scan3A_261, %mul3A_262 : i32
      %get3A_264 = arith.constant 4 : i32
      %get3A_265 = arith.index_cast %get3A_264 : i32 to index
      %get3A_266 = arith.index_cast %mul3A_263 : i32 to index
      %get3A_267 = tpu.vector_load %arg5[%get3A_265, %get3A_266] {strides = array<i32>} : memref<16x512xi32, #tpu.memory_space<vmem>>, vector<1x16xi32>,
      %get3A_268 = vector.shape_cast %get3A_267 : vector<1x16xi32> to vector<16xi32>
      %broadcast_in_dim3A_269 = vector.shape_cast %get3A_268 : vector<16xi32> to vector<16x1xi32>
      %gather3A_270 = vector.shape_cast %broadcast_in_dim3A_269 : vector<16x1xi32> to vector<16xi32>
      %gather3A_271 = tpu.dynamic_gather %get3A_6[%gather3A_270] in [0] : vector<16xf32>, vector<16xi32> -> vector<16xf32>
      %mul3A_272 = arith.constant 16 : i32
      %mul3A_273 = arith.muli %scan3A_261, %mul3A_272 : i32
      %swap3A_274 = arith.constant 0 : i32
      %swap3A_275 = arith.constant 4 : i32
      %swap3A_276 = arith.index_cast %swap3A_274 : i32 to index
      %swap3A_277 = arith.index_cast %swap3A_275 : i32 to index
      %swap3A_278 = arith.index_cast %mul3A_273 : i32 to index
      %swap3A_279 = tpu.vector_load %arg7[%swap3A_276, %swap3A_277, %swap3A_278] {strides = array<i32>} : memref<3x16x512xf32, #tpu.memory_space<vmem>>, vector<1x1x16xf32>,
      %swap3A_280 = vector.shape_cast %swap3A_279 : vector<1x1x16xf32> to vector<16xf32>
      %swap3A_281 = vector.shape_cast %gather3A_271 : vector<16xf32> to vector<1x1x16xf32>
      tpu.vector_store %arg7[%swap3A_276, %swap3A_277, %swap3A_278], %swap3A_281 {strides = array<i32>} : memref<3x16x512xf32, #tpu.memory_space<vmem>>, vector<1x1x16xf32>,
      %broadcast_in_dim3A_282 = vector.shape_cast %get3A_268 : vector<16xi32> to vector<16x1xi32>
      %gather3A_283 = vector.shape_cast %broadcast_in_dim3A_282 : vector<16x1xi32> to vector<16xi32>
      %gather3A_284 = tpu.dynamic_gather %get3A_11[%gather3A_283] in [0] : vector<16xf32>, vector<16xi32> -> vector<16xf32>
      %mul3A_285 = arith.constant 16 : i32
      %mul3A_286 = arith.muli %scan3A_261, %mul3A_285 : i32
      %swap3A_287 = arith.constant 1 : i32
      %swap3A_288 = arith.constant 4 : i32
      %swap3A_289 = arith.index_cast %swap3A_287 : i32 to index
      %swap3A_290 = arith.index_cast %swap3A_288 : i32 to index
      %swap3A_291 = arith.index_cast %mul3A_286 : i32 to index
      %swap3A_292 = tpu.vector_load %arg7[%swap3A_289, %swap3A_290, %swap3A_291] {strides = array<i32>} : memref<3x16x512xf32, #tpu.memory_space<vmem>>, vector<1x1x16xf32>,
      %swap3A_293 = vector.shape_cast %swap3A_292 : vector<1x1x16xf32> to vector<16xf32>
      %swap3A_294 = vector.shape_cast %gather3A_284 : vector<16xf32> to vector<1x1x16xf32>
      tpu.vector_store %arg7[%swap3A_289, %swap3A_290, %swap3A_291], %swap3A_294 {strides = array<i32>} : memref<3x16x512xf32, #tpu.memory_space<vmem>>, vector<1x1x16xf32>,
      %broadcast_in_dim3A_295 = vector.shape_cast %get3A_268 : vector<16xi32> to vector<16x1xi32>
      %gather3A_296 = vector.shape_cast %broadcast_in_dim3A_295 : vector<16x1xi32> to vector<16xi32>
      %gather3A_297 = tpu.dynamic_gather %get3A_16[%gather3A_296] in [0] : vector<16xf32>, vector<16xi32> -> vector<16xf32>
      %mul3A_298 = arith.constant 16 : i32
      %mul3A_299 = arith.muli %scan3A_261, %mul3A_298 : i32
      %swap3A_300 = arith.constant 2 : i32
      %swap3A_301 = arith.constant 4 : i32
      %swap3A_302 = arith.index_cast %swap3A_300 : i32 to index
      %swap3A_303 = arith.index_cast %swap3A_301 : i32 to index
      %swap3A_304 = arith.index_cast %mul3A_299 : i32 to index
      %swap3A_305 = tpu.vector_load %arg7[%swap3A_302, %swap3A_303, %swap3A_304] {strides = array<i32>} : memref<3x16x512xf32, #tpu.memory_space<vmem>>, vector<1x1x16xf32>,
      %swap3A_306 = vector.shape_cast %swap3A_305 : vector<1x1x16xf32> to vector<16xf32>
      %swap3A_307 = vector.shape_cast %gather3A_297 : vector<16xf32> to vector<1x1x16xf32>
      tpu.vector_store %arg7[%swap3A_302, %swap3A_303, %swap3A_304], %swap3A_307 {strides = array<i32>} : memref<3x16x512xf32, #tpu.memory_space<vmem>>, vector<1x1x16xf32>,
    }
    %scan3A_45 = arith.constant 32 : i32
    %scan3A_46 = arith.constant 0 : i32
    %scan3A_47 = arith.constant 0 : i32
    %scan3A_48 = arith.constant 32 : i32
    %scan3A_49 = arith.addi %scan3A_47, %scan3A_48 : i32
    %scan3A_50 = arith.constant 4 : i32
    scf.for %scan3A_120 = %scan3A_47 to %scan3A_49 step %scan3A_50  : i32 {
      %mul3A_121 = arith.constant 16 : i32
      %mul3A_122 = arith.muli %scan3A_120, %mul3A_121 : i32
      %get3A_123 = arith.constant 5 : i32
      %get3A_124 = arith.index_cast %get3A_123 : i32 to index
      %get3A_125 = arith.index_cast %mul3A_122 : i32 to index
      %get3A_126 = tpu.vector_load %arg5[%get3A_124, %get3A_125] {strides = array<i32>} : memref<16x512xi32, #tpu.memory_space<vmem>>, vector<1x16xi32>,
      %get3A_127 = vector.shape_cast %get3A_126 : vector<1x16xi32> to vector<16xi32>
      %broadcast_in_dim3A = vector.shape_cast %get3A_127 : vector<16xi32> to vector<16x1xi32>
      %gather3A = vector.shape_cast %broadcast_in_dim3A : vector<16x1xi32> to vector<16xi32>
      %gather3A_128 = tpu.dynamic_gather %get3A_6[%gather3A] in [0] : vector<16xf32>, vector<16xi32> -> vector<16xf32>
      %mul3A_129 = arith.constant 16 : i32
      %mul3A_130 = arith.muli %scan3A_120, %mul3A_129 : i32
      %swap3A = arith.constant 0 : i32
      %swap3A_131 = arith.constant 5 : i32
      %swap3A_132 = arith.index_cast %swap3A : i32 to index
      %swap3A_133 = arith.index_cast %swap3A_131 : i32 to index
      %swap3A_134 = arith.index_cast %mul3A_130 : i32 to index
      %swap3A_135 = tpu.vector_load %arg7[%swap3A_132, %swap3A_133, %swap3A_134] {strides = array<i32>} : memref<3x16x512xf32, #tpu.memory_space<vmem>>, vector<1x1x16xf32>,
      %swap3A_136 = vector.shape_cast %swap3A_135 : vector<1x1x16xf32> to vector<16xf32>
      %swap3A_137 = vector.shape_cast %gather3A_128 : vector<16xf32> to vector<1x1x16xf32>
      tpu.vector_store %arg7[%swap3A_132, %swap3A_133, %swap3A_134], %swap3A_137 {strides = array<i32>} : memref<3x16x512xf32, #tpu.memory_space<vmem>>, vector<1x1x16xf32>,
      %broadcast_in_dim3A_138 = vector.shape_cast %get3A_127 : vector<16xi32> to vector<16x1xi32>
      %gather3A_139 = vector.shape_cast %broadcast_in_dim3A_138 : vector<16x1xi32> to vector<16xi32>
      %gather3A_140 = tpu.dynamic_gather %get3A_11[%gather3A_139] in [0] : vector<16xf32>, vector<16xi32> -> vector<16xf32>
      %mul3A_141 = arith.constant 16 : i32
      %mul3A_142 = arith.muli %scan3A_120, %mul3A_141 : i32
      %swap3A_143 = arith.constant 1 : i32
      %swap3A_144 = arith.constant 5 : i32
      %swap3A_145 = arith.index_cast %swap3A_143 : i32 to index
      %swap3A_146 = arith.index_cast %swap3A_144 : i32 to index
      %swap3A_147 = arith.index_cast %mul3A_142 : i32 to index
      %swap3A_148 = tpu.vector_load %arg7[%swap3A_145, %swap3A_146, %swap3A_147] {strides = array<i32>} : memref<3x16x512xf32, #tpu.memory_space<vmem>>, vector<1x1x16xf32>,
      %swap3A_149 = vector.shape_cast %swap3A_148 : vector<1x1x16xf32> to vector<16xf32>
      %swap3A_150 = vector.shape_cast %gather3A_140 : vector<16xf32> to vector<1x1x16xf32>
      tpu.vector_store %arg7[%swap3A_145, %swap3A_146, %swap3A_147], %swap3A_150 {strides = array<i32>} : memref<3x16x512xf32, #tpu.memory_space<vmem>>, vector<1x1x16xf32>,
      %broadcast_in_dim3A_151 = vector.shape_cast %get3A_127 : vector<16xi32> to vector<16x1xi32>
      %gather3A_152 = vector.shape_cast %broadcast_in_dim3A_151 : vector<16x1xi32> to vector<16xi32>
      %gather3A_153 = tpu.dynamic_gather %get3A_16[%gather3A_152] in [0] : vector<16xf32>, vector<16xi32> -> vector<16xf32>
      %mul3A_154 = arith.constant 16 : i32
      %mul3A_155 = arith.muli %scan3A_120, %mul3A_154 : i32
      %swap3A_156 = arith.constant 2 : i32
      %swap3A_157 = arith.constant 5 : i32
      %swap3A_158 = arith.index_cast %swap3A_156 : i32 to index
      %swap3A_159 = arith.index_cast %swap3A_157 : i32 to index
      %swap3A_160 = arith.index_cast %mul3A_155 : i32 to index
      %swap3A_161 = tpu.vector_load %arg7[%swap3A_158, %swap3A_159, %swap3A_160] {strides = array<i32>} : memref<3x16x512xf32, #tpu.memory_space<vmem>>, vector<1x1x16xf32>,
      %swap3A_162 = vector.shape_cast %swap3A_161 : vector<1x1x16xf32> to vector<16xf32>
      %swap3A_163 = vector.shape_cast %gather3A_153 : vector<16xf32> to vector<1x1x16xf32>
      tpu.vector_store %arg7[%swap3A_158, %swap3A_159, %swap3A_160], %swap3A_163 {strides = array<i32>} : memref<3x16x512xf32, #tpu.memory_space<vmem>>, vector<1x1x16xf32>,
      %scan3A_164 = arith.constant 1 : i32
      %scan3A_165 = arith.addi %scan3A_120, %scan3A_164 : i32
      %mul3A_166 = arith.constant 16 : i32
      %mul3A_167 = arith.muli %scan3A_165, %mul3A_166 : i32
      %get3A_168 = arith.constant 5 : i32
      %get3A_169 = arith.index_cast %get3A_168 : i32 to index
      %get3A_170 = arith.index_cast %mul3A_167 : i32 to index
      %get3A_171 = tpu.vector_load %arg5[%get3A_169, %get3A_170] {strides = array<i32>} : memref<16x512xi32, #tpu.memory_space<vmem>>, vector<1x16xi32>,
      %get3A_172 = vector.shape_cast %get3A_171 : vector<1x16xi32> to vector<16xi32>
      %broadcast_in_dim3A_173 = vector.shape_cast %get3A_172 : vector<16xi32> to vector<16x1xi32>
      %gather3A_174 = vector.shape_cast %broadcast_in_dim3A_173 : vector<16x1xi32> to vector<16xi32>
      %gather3A_175 = tpu.dynamic_gather %get3A_6[%gather3A_174] in [0] : vector<16xf32>, vector<16xi32> -> vector<16xf32>
      %mul3A_176 = arith.constant 16 : i32
      %mul3A_177 = arith.muli %scan3A_165, %mul3A_176 : i32
      %swap3A_178 = arith.constant 0 : i32
      %swap3A_179 = arith.constant 5 : i32
      %swap3A_180 = arith.index_cast %swap3A_178 : i32 to index
      %swap3A_181 = arith.index_cast %swap3A_179 : i32 to index
      %swap3A_182 = arith.index_cast %mul3A_177 : i32 to index
      %swap3A_183 = tpu.vector_load %arg7[%swap3A_180, %swap3A_181, %swap3A_182] {strides = array<i32>} : memref<3x16x512xf32, #tpu.memory_space<vmem>>, vector<1x1x16xf32>,
      %swap3A_184 = vector.shape_cast %swap3A_183 : vector<1x1x16xf32> to vector<16xf32>
      %swap3A_185 = vector.shape_cast %gather3A_175 : vector<16xf32> to vector<1x1x16xf32>
      tpu.vector_store %arg7[%swap3A_180, %swap3A_181, %swap3A_182], %swap3A_185 {strides = array<i32>} : memref<3x16x512xf32, #tpu.memory_space<vmem>>, vector<1x1x16xf32>,
      %broadcast_in_dim3A_186 = vector.shape_cast %get3A_172 : vector<16xi32> to vector<16x1xi32>
      %gather3A_187 = vector.shape_cast %broadcast_in_dim3A_186 : vector<16x1xi32> to vector<16xi32>
      %gather3A_188 = tpu.dynamic_gather %get3A_11[%gather3A_187] in [0] : vector<16xf32>, vector<16xi32> -> vector<16xf32>
      %mul3A_189 = arith.constant 16 : i32
      %mul3A_190 = arith.muli %scan3A_165, %mul3A_189 : i32
      %swap3A_191 = arith.constant 1 : i32
      %swap3A_192 = arith.constant 5 : i32
      %swap3A_193 = arith.index_cast %swap3A_191 : i32 to index
      %swap3A_194 = arith.index_cast %swap3A_192 : i32 to index
      %swap3A_195 = arith.index_cast %mul3A_190 : i32 to index
      %swap3A_196 = tpu.vector_load %arg7[%swap3A_193, %swap3A_194, %swap3A_195] {strides = array<i32>} : memref<3x16x512xf32, #tpu.memory_space<vmem>>, vector<1x1x16xf32>,
      %swap3A_197 = vector.shape_cast %swap3A_196 : vector<1x1x16xf32> to vector<16xf32>
      %swap3A_198 = vector.shape_cast %gather3A_188 : vector<16xf32> to vector<1x1x16xf32>
      tpu.vector_store %arg7[%swap3A_193, %swap3A_194, %swap3A_195], %swap3A_198 {strides = array<i32>} : memref<3x16x512xf32, #tpu.memory_space<vmem>>, vector<1x1x16xf32>,
      %broadcast_in_dim3A_199 = vector.shape_cast %get3A_172 : vector<16xi32> to vector<16x1xi32>
      %gather3A_200 = vector.shape_cast %broadcast_in_dim3A_199 : vector<16x1xi32> to vector<16xi32>
      %gather3A_201 = tpu.dynamic_gather %get3A_16[%gather3A_200] in [0] : vector<16xf32>, vector<16xi32> -> vector<16xf32>
      %mul3A_202 = arith.constant 16 : i32
      %mul3A_203 = arith.muli %scan3A_165, %mul3A_202 : i32
      %swap3A_204 = arith.constant 2 : i32
      %swap3A_205 = arith.constant 5 : i32
      %swap3A_206 = arith.index_cast %swap3A_204 : i32 to index
      %swap3A_207 = arith.index_cast %swap3A_205 : i32 to index
      %swap3A_208 = arith.index_cast %mul3A_203 : i32 to index
      %swap3A_209 = tpu.vector_load %arg7[%swap3A_206, %swap3A_207, %swap3A_208] {strides = array<i32>} : memref<3x16x512xf32, #tpu.memory_space<vmem>>, vector<1x1x16xf32>,
      %swap3A_210 = vector.shape_cast %swap3A_209 : vector<1x1x16xf32> to vector<16xf32>
      %swap3A_211 = vector.shape_cast %gather3A_201 : vector<16xf32> to vector<1x1x16xf32>
      tpu.vector_store %arg7[%swap3A_206, %swap3A_207, %swap3A_208], %swap3A_211 {strides = array<i32>} : memref<3x16x512xf32, #tpu.memory_space<vmem>>, vector<1x1x16xf32>,
      %scan3A_212 = arith.constant 2 : i32
      %scan3A_213 = arith.addi %scan3A_120, %scan3A_212 : i32
      %mul3A_214 = arith.constant 16 : i32
      %mul3A_215 = arith.muli %scan3A_213, %mul3A_214 : i32
      %get3A_216 = arith.constant 5 : i32
      %get3A_217 = arith.index_cast %get3A_216 : i32 to index
      %get3A_218 = arith.index_cast %mul3A_215 : i32 to index
      %get3A_219 = tpu.vector_load %arg5[%get3A_217, %get3A_218] {strides = array<i32>} : memref<16x512xi32, #tpu.memory_space<vmem>>, vector<1x16xi32>,
      %get3A_220 = vector.shape_cast %get3A_219 : vector<1x16xi32> to vector<16xi32>
      %broadcast_in_dim3A_221 = vector.shape_cast %get3A_220 : vector<16xi32> to vector<16x1xi32>
      %gather3A_222 = vector.shape_cast %broadcast_in_dim3A_221 : vector<16x1xi32> to vector<16xi32>
      %gather3A_223 = tpu.dynamic_gather %get3A_6[%gather3A_222] in [0] : vector<16xf32>, vector<16xi32> -> vector<16xf32>
      %mul3A_224 = arith.constant 16 : i32
      %mul3A_225 = arith.muli %scan3A_213, %mul3A_224 : i32
      %swap3A_226 = arith.constant 0 : i32
      %swap3A_227 = arith.constant 5 : i32
      %swap3A_228 = arith.index_cast %swap3A_226 : i32 to index
      %swap3A_229 = arith.index_cast %swap3A_227 : i32 to index
      %swap3A_230 = arith.index_cast %mul3A_225 : i32 to index
      %swap3A_231 = tpu.vector_load %arg7[%swap3A_228, %swap3A_229, %swap3A_230] {strides = array<i32>} : memref<3x16x512xf32, #tpu.memory_space<vmem>>, vector<1x1x16xf32>,
      %swap3A_232 = vector.shape_cast %swap3A_231 : vector<1x1x16xf32> to vector<16xf32>
      %swap3A_233 = vector.shape_cast %gather3A_223 : vector<16xf32> to vector<1x1x16xf32>
      tpu.vector_store %arg7[%swap3A_228, %swap3A_229, %swap3A_230], %swap3A_233 {strides = array<i32>} : memref<3x16x512xf32, #tpu.memory_space<vmem>>, vector<1x1x16xf32>,
      %broadcast_in_dim3A_234 = vector.shape_cast %get3A_220 : vector<16xi32> to vector<16x1xi32>
      %gather3A_235 = vector.shape_cast %broadcast_in_dim3A_234 : vector<16x1xi32> to vector<16xi32>
      %gather3A_236 = tpu.dynamic_gather %get3A_11[%gather3A_235] in [0] : vector<16xf32>, vector<16xi32> -> vector<16xf32>
      %mul3A_237 = arith.constant 16 : i32
      %mul3A_238 = arith.muli %scan3A_213, %mul3A_237 : i32
      %swap3A_239 = arith.constant 1 : i32
      %swap3A_240 = arith.constant 5 : i32
      %swap3A_241 = arith.index_cast %swap3A_239 : i32 to index
      %swap3A_242 = arith.index_cast %swap3A_240 : i32 to index
      %swap3A_243 = arith.index_cast %mul3A_238 : i32 to index
      %swap3A_244 = tpu.vector_load %arg7[%swap3A_241, %swap3A_242, %swap3A_243] {strides = array<i32>} : memref<3x16x512xf32, #tpu.memory_space<vmem>>, vector<1x1x16xf32>,
      %swap3A_245 = vector.shape_cast %swap3A_244 : vector<1x1x16xf32> to vector<16xf32>
      %swap3A_246 = vector.shape_cast %gather3A_236 : vector<16xf32> to vector<1x1x16xf32>
      tpu.vector_store %arg7[%swap3A_241, %swap3A_242, %swap3A_243], %swap3A_246 {strides = array<i32>} : memref<3x16x512xf32, #tpu.memory_space<vmem>>, vector<1x1x16xf32>,
      %broadcast_in_dim3A_247 = vector.shape_cast %get3A_220 : vector<16xi32> to vector<16x1xi32>
      %gather3A_248 = vector.shape_cast %broadcast_in_dim3A_247 : vector<16x1xi32> to vector<16xi32>
      %gather3A_249 = tpu.dynamic_gather %get3A_16[%gather3A_248] in [0] : vector<16xf32>, vector<16xi32> -> vector<16xf32>
      %mul3A_250 = arith.constant 16 : i32
      %mul3A_251 = arith.muli %scan3A_213, %mul3A_250 : i32
      %swap3A_252 = arith.constant 2 : i32
      %swap3A_253 = arith.constant 5 : i32
      %swap3A_254 = arith.index_cast %swap3A_252 : i32 to index
      %swap3A_255 = arith.index_cast %swap3A_253 : i32 to index
      %swap3A_256 = arith.index_cast %mul3A_251 : i32 to index
      %swap3A_257 = tpu.vector_load %arg7[%swap3A_254, %swap3A_255, %swap3A_256] {strides = array<i32>} : memref<3x16x512xf32, #tpu.memory_space<vmem>>, vector<1x1x16xf32>,
      %swap3A_258 = vector.shape_cast %swap3A_257 : vector<1x1x16xf32> to vector<16xf32>
      %swap3A_259 = vector.shape_cast %gather3A_249 : vector<16xf32> to vector<1x1x16xf32>
      tpu.vector_store %arg7[%swap3A_254, %swap3A_255, %swap3A_256], %swap3A_259 {strides = array<i32>} : memref<3x16x512xf32, #tpu.memory_space<vmem>>, vector<1x1x16xf32>,
      %scan3A_260 = arith.constant 3 : i32
      %scan3A_261 = arith.addi %scan3A_120, %scan3A_260 : i32
      %mul3A_262 = arith.constant 16 : i32
      %mul3A_263 = arith.muli %scan3A_261, %mul3A_262 : i32
      %get3A_264 = arith.constant 5 : i32
      %get3A_265 = arith.index_cast %get3A_264 : i32 to index
      %get3A_266 = arith.index_cast %mul3A_263 : i32 to index
      %get3A_267 = tpu.vector_load %arg5[%get3A_265, %get3A_266] {strides = array<i32>} : memref<16x512xi32, #tpu.memory_space<vmem>>, vector<1x16xi32>,
      %get3A_268 = vector.shape_cast %get3A_267 : vector<1x16xi32> to vector<16xi32>
      %broadcast_in_dim3A_269 = vector.shape_cast %get3A_268 : vector<16xi32> to vector<16x1xi32>
      %gather3A_270 = vector.shape_cast %broadcast_in_dim3A_269 : vector<16x1xi32> to vector<16xi32>
      %gather3A_271 = tpu.dynamic_gather %get3A_6[%gather3A_270] in [0] : vector<16xf32>, vector<16xi32> -> vector<16xf32>
      %mul3A_272 = arith.constant 16 : i32
      %mul3A_273 = arith.muli %scan3A_261, %mul3A_272 : i32
      %swap3A_274 = arith.constant 0 : i32
      %swap3A_275 = arith.constant 5 : i32
      %swap3A_276 = arith.index_cast %swap3A_274 : i32 to index
      %swap3A_277 = arith.index_cast %swap3A_275 : i32 to index
      %swap3A_278 = arith.index_cast %mul3A_273 : i32 to index
      %swap3A_279 = tpu.vector_load %arg7[%swap3A_276, %swap3A_277, %swap3A_278] {strides = array<i32>} : memref<3x16x512xf32, #tpu.memory_space<vmem>>, vector<1x1x16xf32>,
      %swap3A_280 = vector.shape_cast %swap3A_279 : vector<1x1x16xf32> to vector<16xf32>
      %swap3A_281 = vector.shape_cast %gather3A_271 : vector<16xf32> to vector<1x1x16xf32>
      tpu.vector_store %arg7[%swap3A_276, %swap3A_277, %swap3A_278], %swap3A_281 {strides = array<i32>} : memref<3x16x512xf32, #tpu.memory_space<vmem>>, vector<1x1x16xf32>,
      %broadcast_in_dim3A_282 = vector.shape_cast %get3A_268 : vector<16xi32> to vector<16x1xi32>
      %gather3A_283 = vector.shape_cast %broadcast_in_dim3A_282 : vector<16x1xi32> to vector<16xi32>
      %gather3A_284 = tpu.dynamic_gather %get3A_11[%gather3A_283] in [0] : vector<16xf32>, vector<16xi32> -> vector<16xf32>
      %mul3A_285 = arith.constant 16 : i32
      %mul3A_286 = arith.muli %scan3A_261, %mul3A_285 : i32
      %swap3A_287 = arith.constant 1 : i32
      %swap3A_288 = arith.constant 5 : i32
      %swap3A_289 = arith.index_cast %swap3A_287 : i32 to index
      %swap3A_290 = arith.index_cast %swap3A_288 : i32 to index
      %swap3A_291 = arith.index_cast %mul3A_286 : i32 to index
      %swap3A_292 = tpu.vector_load %arg7[%swap3A_289, %swap3A_290, %swap3A_291] {strides = array<i32>} : memref<3x16x512xf32, #tpu.memory_space<vmem>>, vector<1x1x16xf32>,
      %swap3A_293 = vector.shape_cast %swap3A_292 : vector<1x1x16xf32> to vector<16xf32>
      %swap3A_294 = vector.shape_cast %gather3A_284 : vector<16xf32> to vector<1x1x16xf32>
      tpu.vector_store %arg7[%swap3A_289, %swap3A_290, %swap3A_291], %swap3A_294 {strides = array<i32>} : memref<3x16x512xf32, #tpu.memory_space<vmem>>, vector<1x1x16xf32>,
      %broadcast_in_dim3A_295 = vector.shape_cast %get3A_268 : vector<16xi32> to vector<16x1xi32>
      %gather3A_296 = vector.shape_cast %broadcast_in_dim3A_295 : vector<16x1xi32> to vector<16xi32>
      %gather3A_297 = tpu.dynamic_gather %get3A_16[%gather3A_296] in [0] : vector<16xf32>, vector<16xi32> -> vector<16xf32>
      %mul3A_298 = arith.constant 16 : i32
      %mul3A_299 = arith.muli %scan3A_261, %mul3A_298 : i32
      %swap3A_300 = arith.constant 2 : i32
      %swap3A_301 = arith.constant 5 : i32
      %swap3A_302 = arith.index_cast %swap3A_300 : i32 to index
      %swap3A_303 = arith.index_cast %swap3A_301 : i32 to index
      %swap3A_304 = arith.index_cast %mul3A_299 : i32 to index
      %swap3A_305 = tpu.vector_load %arg7[%swap3A_302, %swap3A_303, %swap3A_304] {strides = array<i32>} : memref<3x16x512xf32, #tpu.memory_space<vmem>>, vector<1x1x16xf32>,
      %swap3A_306 = vector.shape_cast %swap3A_305 : vector<1x1x16xf32> to vector<16xf32>
      %swap3A_307 = vector.shape_cast %gather3A_297 : vector<16xf32> to vector<1x1x16xf32>
      tpu.vector_store %arg7[%swap3A_302, %swap3A_303, %swap3A_304], %swap3A_307 {strides = array<i32>} : memref<3x16x512xf32, #tpu.memory_space<vmem>>, vector<1x1x16xf32>,
    }
    %scan3A_51 = arith.constant 32 : i32
    %scan3A_52 = arith.constant 0 : i32
    %scan3A_53 = arith.constant 0 : i32
    %scan3A_54 = arith.constant 32 : i32
    %scan3A_55 = arith.addi %scan3A_53, %scan3A_54 : i32
    %scan3A_56 = arith.constant 4 : i32
    scf.for %scan3A_120 = %scan3A_53 to %scan3A_55 step %scan3A_56  : i32 {
      %mul3A_121 = arith.constant 16 : i32
      %mul3A_122 = arith.muli %scan3A_120, %mul3A_121 : i32
      %get3A_123 = arith.constant 6 : i32
      %get3A_124 = arith.index_cast %get3A_123 : i32 to index
      %get3A_125 = arith.index_cast %mul3A_122 : i32 to index
      %get3A_126 = tpu.vector_load %arg5[%get3A_124, %get3A_125] {strides = array<i32>} : memref<16x512xi32, #tpu.memory_space<vmem>>, vector<1x16xi32>,
      %get3A_127 = vector.shape_cast %get3A_126 : vector<1x16xi32> to vector<16xi32>
      %broadcast_in_dim3A = vector.shape_cast %get3A_127 : vector<16xi32> to vector<16x1xi32>
      %gather3A = vector.shape_cast %broadcast_in_dim3A : vector<16x1xi32> to vector<16xi32>
      %gather3A_128 = tpu.dynamic_gather %get3A_6[%gather3A] in [0] : vector<16xf32>, vector<16xi32> -> vector<16xf32>
      %mul3A_129 = arith.constant 16 : i32
      %mul3A_130 = arith.muli %scan3A_120, %mul3A_129 : i32
      %swap3A = arith.constant 0 : i32
      %swap3A_131 = arith.constant 6 : i32
      %swap3A_132 = arith.index_cast %swap3A : i32 to index
      %swap3A_133 = arith.index_cast %swap3A_131 : i32 to index
      %swap3A_134 = arith.index_cast %mul3A_130 : i32 to index
      %swap3A_135 = tpu.vector_load %arg7[%swap3A_132, %swap3A_133, %swap3A_134] {strides = array<i32>} : memref<3x16x512xf32, #tpu.memory_space<vmem>>, vector<1x1x16xf32>,
      %swap3A_136 = vector.shape_cast %swap3A_135 : vector<1x1x16xf32> to vector<16xf32>
      %swap3A_137 = vector.shape_cast %gather3A_128 : vector<16xf32> to vector<1x1x16xf32>
      tpu.vector_store %arg7[%swap3A_132, %swap3A_133, %swap3A_134], %swap3A_137 {strides = array<i32>} : memref<3x16x512xf32, #tpu.memory_space<vmem>>, vector<1x1x16xf32>,
      %broadcast_in_dim3A_138 = vector.shape_cast %get3A_127 : vector<16xi32> to vector<16x1xi32>
      %gather3A_139 = vector.shape_cast %broadcast_in_dim3A_138 : vector<16x1xi32> to vector<16xi32>
      %gather3A_140 = tpu.dynamic_gather %get3A_11[%gather3A_139] in [0] : vector<16xf32>, vector<16xi32> -> vector<16xf32>
      %mul3A_141 = arith.constant 16 : i32
      %mul3A_142 = arith.muli %scan3A_120, %mul3A_141 : i32
      %swap3A_143 = arith.constant 1 : i32
      %swap3A_144 = arith.constant 6 : i32
      %swap3A_145 = arith.index_cast %swap3A_143 : i32 to index
      %swap3A_146 = arith.index_cast %swap3A_144 : i32 to index
      %swap3A_147 = arith.index_cast %mul3A_142 : i32 to index
      %swap3A_148 = tpu.vector_load %arg7[%swap3A_145, %swap3A_146, %swap3A_147] {strides = array<i32>} : memref<3x16x512xf32, #tpu.memory_space<vmem>>, vector<1x1x16xf32>,
      %swap3A_149 = vector.shape_cast %swap3A_148 : vector<1x1x16xf32> to vector<16xf32>
      %swap3A_150 = vector.shape_cast %gather3A_140 : vector<16xf32> to vector<1x1x16xf32>
      tpu.vector_store %arg7[%swap3A_145, %swap3A_146, %swap3A_147], %swap3A_150 {strides = array<i32>} : memref<3x16x512xf32, #tpu.memory_space<vmem>>, vector<1x1x16xf32>,
      %broadcast_in_dim3A_151 = vector.shape_cast %get3A_127 : vector<16xi32> to vector<16x1xi32>
      %gather3A_152 = vector.shape_cast %broadcast_in_dim3A_151 : vector<16x1xi32> to vector<16xi32>
      %gather3A_153 = tpu.dynamic_gather %get3A_16[%gather3A_152] in [0] : vector<16xf32>, vector<16xi32> -> vector<16xf32>
      %mul3A_154 = arith.constant 16 : i32
      %mul3A_155 = arith.muli %scan3A_120, %mul3A_154 : i32
      %swap3A_156 = arith.constant 2 : i32
      %swap3A_157 = arith.constant 6 : i32
      %swap3A_158 = arith.index_cast %swap3A_156 : i32 to index
      %swap3A_159 = arith.index_cast %swap3A_157 : i32 to index
      %swap3A_160 = arith.index_cast %mul3A_155 : i32 to index
      %swap3A_161 = tpu.vector_load %arg7[%swap3A_158, %swap3A_159, %swap3A_160] {strides = array<i32>} : memref<3x16x512xf32, #tpu.memory_space<vmem>>, vector<1x1x16xf32>,
      %swap3A_162 = vector.shape_cast %swap3A_161 : vector<1x1x16xf32> to vector<16xf32>
      %swap3A_163 = vector.shape_cast %gather3A_153 : vector<16xf32> to vector<1x1x16xf32>
      tpu.vector_store %arg7[%swap3A_158, %swap3A_159, %swap3A_160], %swap3A_163 {strides = array<i32>} : memref<3x16x512xf32, #tpu.memory_space<vmem>>, vector<1x1x16xf32>,
      %scan3A_164 = arith.constant 1 : i32
      %scan3A_165 = arith.addi %scan3A_120, %scan3A_164 : i32
      %mul3A_166 = arith.constant 16 : i32
      %mul3A_167 = arith.muli %scan3A_165, %mul3A_166 : i32
      %get3A_168 = arith.constant 6 : i32
      %get3A_169 = arith.index_cast %get3A_168 : i32 to index
      %get3A_170 = arith.index_cast %mul3A_167 : i32 to index
      %get3A_171 = tpu.vector_load %arg5[%get3A_169, %get3A_170] {strides = array<i32>} : memref<16x512xi32, #tpu.memory_space<vmem>>, vector<1x16xi32>,
      %get3A_172 = vector.shape_cast %get3A_171 : vector<1x16xi32> to vector<16xi32>
      %broadcast_in_dim3A_173 = vector.shape_cast %get3A_172 : vector<16xi32> to vector<16x1xi32>
      %gather3A_174 = vector.shape_cast %broadcast_in_dim3A_173 : vector<16x1xi32> to vector<16xi32>
      %gather3A_175 = tpu.dynamic_gather %get3A_6[%gather3A_174] in [0] : vector<16xf32>, vector<16xi32> -> vector<16xf32>
      %mul3A_176 = arith.constant 16 : i32
      %mul3A_177 = arith.muli %scan3A_165, %mul3A_176 : i32
      %swap3A_178 = arith.constant 0 : i32
      %swap3A_179 = arith.constant 6 : i32
      %swap3A_180 = arith.index_cast %swap3A_178 : i32 to index
      %swap3A_181 = arith.index_cast %swap3A_179 : i32 to index
      %swap3A_182 = arith.index_cast %mul3A_177 : i32 to index
      %swap3A_183 = tpu.vector_load %arg7[%swap3A_180, %swap3A_181, %swap3A_182] {strides = array<i32>} : memref<3x16x512xf32, #tpu.memory_space<vmem>>, vector<1x1x16xf32>,
      %swap3A_184 = vector.shape_cast %swap3A_183 : vector<1x1x16xf32> to vector<16xf32>
      %swap3A_185 = vector.shape_cast %gather3A_175 : vector<16xf32> to vector<1x1x16xf32>
      tpu.vector_store %arg7[%swap3A_180, %swap3A_181, %swap3A_182], %swap3A_185 {strides = array<i32>} : memref<3x16x512xf32, #tpu.memory_space<vmem>>, vector<1x1x16xf32>,
      %broadcast_in_dim3A_186 = vector.shape_cast %get3A_172 : vector<16xi32> to vector<16x1xi32>
      %gather3A_187 = vector.shape_cast %broadcast_in_dim3A_186 : vector<16x1xi32> to vector<16xi32>
      %gather3A_188 = tpu.dynamic_gather %get3A_11[%gather3A_187] in [0] : vector<16xf32>, vector<16xi32> -> vector<16xf32>
      %mul3A_189 = arith.constant 16 : i32
      %mul3A_190 = arith.muli %scan3A_165, %mul3A_189 : i32
      %swap3A_191 = arith.constant 1 : i32
      %swap3A_192 = arith.constant 6 : i32
      %swap3A_193 = arith.index_cast %swap3A_191 : i32 to index
      %swap3A_194 = arith.index_cast %swap3A_192 : i32 to index
      %swap3A_195 = arith.index_cast %mul3A_190 : i32 to index
      %swap3A_196 = tpu.vector_load %arg7[%swap3A_193, %swap3A_194, %swap3A_195] {strides = array<i32>} : memref<3x16x512xf32, #tpu.memory_space<vmem>>, vector<1x1x16xf32>,
      %swap3A_197 = vector.shape_cast %swap3A_196 : vector<1x1x16xf32> to vector<16xf32>
      %swap3A_198 = vector.shape_cast %gather3A_188 : vector<16xf32> to vector<1x1x16xf32>
      tpu.vector_store %arg7[%swap3A_193, %swap3A_194, %swap3A_195], %swap3A_198 {strides = array<i32>} : memref<3x16x512xf32, #tpu.memory_space<vmem>>, vector<1x1x16xf32>,
      %broadcast_in_dim3A_199 = vector.shape_cast %get3A_172 : vector<16xi32> to vector<16x1xi32>
      %gather3A_200 = vector.shape_cast %broadcast_in_dim3A_199 : vector<16x1xi32> to vector<16xi32>
      %gather3A_201 = tpu.dynamic_gather %get3A_16[%gather3A_200] in [0] : vector<16xf32>, vector<16xi32> -> vector<16xf32>
      %mul3A_202 = arith.constant 16 : i32
      %mul3A_203 = arith.muli %scan3A_165, %mul3A_202 : i32
      %swap3A_204 = arith.constant 2 : i32
      %swap3A_205 = arith.constant 6 : i32
      %swap3A_206 = arith.index_cast %swap3A_204 : i32 to index
      %swap3A_207 = arith.index_cast %swap3A_205 : i32 to index
      %swap3A_208 = arith.index_cast %mul3A_203 : i32 to index
      %swap3A_209 = tpu.vector_load %arg7[%swap3A_206, %swap3A_207, %swap3A_208] {strides = array<i32>} : memref<3x16x512xf32, #tpu.memory_space<vmem>>, vector<1x1x16xf32>,
      %swap3A_210 = vector.shape_cast %swap3A_209 : vector<1x1x16xf32> to vector<16xf32>
      %swap3A_211 = vector.shape_cast %gather3A_201 : vector<16xf32> to vector<1x1x16xf32>
      tpu.vector_store %arg7[%swap3A_206, %swap3A_207, %swap3A_208], %swap3A_211 {strides = array<i32>} : memref<3x16x512xf32, #tpu.memory_space<vmem>>, vector<1x1x16xf32>,
      %scan3A_212 = arith.constant 2 : i32
      %scan3A_213 = arith.addi %scan3A_120, %scan3A_212 : i32
      %mul3A_214 = arith.constant 16 : i32
      %mul3A_215 = arith.muli %scan3A_213, %mul3A_214 : i32
      %get3A_216 = arith.constant 6 : i32
      %get3A_217 = arith.index_cast %get3A_216 : i32 to index
      %get3A_218 = arith.index_cast %mul3A_215 : i32 to index
      %get3A_219 = tpu.vector_load %arg5[%get3A_217, %get3A_218] {strides = array<i32>} : memref<16x512xi32, #tpu.memory_space<vmem>>, vector<1x16xi32>,
      %get3A_220 = vector.shape_cast %get3A_219 : vector<1x16xi32> to vector<16xi32>
      %broadcast_in_dim3A_221 = vector.shape_cast %get3A_220 : vector<16xi32> to vector<16x1xi32>
      %gather3A_222 = vector.shape_cast %broadcast_in_dim3A_221 : vector<16x1xi32> to vector<16xi32>
      %gather3A_223 = tpu.dynamic_gather %get3A_6[%gather3A_222] in [0] : vector<16xf32>, vector<16xi32> -> vector<16xf32>
      %mul3A_224 = arith.constant 16 : i32
      %mul3A_225 = arith.muli %scan3A_213, %mul3A_224 : i32
      %swap3A_226 = arith.constant 0 : i32
      %swap3A_227 = arith.constant 6 : i32
      %swap3A_228 = arith.index_cast %swap3A_226 : i32 to index
      %swap3A_229 = arith.index_cast %swap3A_227 : i32 to index
      %swap3A_230 = arith.index_cast %mul3A_225 : i32 to index
      %swap3A_231 = tpu.vector_load %arg7[%swap3A_228, %swap3A_229, %swap3A_230] {strides = array<i32>} : memref<3x16x512xf32, #tpu.memory_space<vmem>>, vector<1x1x16xf32>,
      %swap3A_232 = vector.shape_cast %swap3A_231 : vector<1x1x16xf32> to vector<16xf32>
      %swap3A_233 = vector.shape_cast %gather3A_223 : vector<16xf32> to vector<1x1x16xf32>
      tpu.vector_store %arg7[%swap3A_228, %swap3A_229, %swap3A_230], %swap3A_233 {strides = array<i32>} : memref<3x16x512xf32, #tpu.memory_space<vmem>>, vector<1x1x16xf32>,
      %broadcast_in_dim3A_234 = vector.shape_cast %get3A_220 : vector<16xi32> to vector<16x1xi32>
      %gather3A_235 = vector.shape_cast %broadcast_in_dim3A_234 : vector<16x1xi32> to vector<16xi32>
      %gather3A_236 = tpu.dynamic_gather %get3A_11[%gather3A_235] in [0] : vector<16xf32>, vector<16xi32> -> vector<16xf32>
      %mul3A_237 = arith.constant 16 : i32
      %mul3A_238 = arith.muli %scan3A_213, %mul3A_237 : i32
      %swap3A_239 = arith.constant 1 : i32
      %swap3A_240 = arith.constant 6 : i32
      %swap3A_241 = arith.index_cast %swap3A_239 : i32 to index
      %swap3A_242 = arith.index_cast %swap3A_240 : i32 to index
      %swap3A_243 = arith.index_cast %mul3A_238 : i32 to index
      %swap3A_244 = tpu.vector_load %arg7[%swap3A_241, %swap3A_242, %swap3A_243] {strides = array<i32>} : memref<3x16x512xf32, #tpu.memory_space<vmem>>, vector<1x1x16xf32>,
      %swap3A_245 = vector.shape_cast %swap3A_244 : vector<1x1x16xf32> to vector<16xf32>
      %swap3A_246 = vector.shape_cast %gather3A_236 : vector<16xf32> to vector<1x1x16xf32>
      tpu.vector_store %arg7[%swap3A_241, %swap3A_242, %swap3A_243], %swap3A_246 {strides = array<i32>} : memref<3x16x512xf32, #tpu.memory_space<vmem>>, vector<1x1x16xf32>,
      %broadcast_in_dim3A_247 = vector.shape_cast %get3A_220 : vector<16xi32> to vector<16x1xi32>
      %gather3A_248 = vector.shape_cast %broadcast_in_dim3A_247 : vector<16x1xi32> to vector<16xi32>
      %gather3A_249 = tpu.dynamic_gather %get3A_16[%gather3A_248] in [0] : vector<16xf32>, vector<16xi32> -> vector<16xf32>
      %mul3A_250 = arith.constant 16 : i32
      %mul3A_251 = arith.muli %scan3A_213, %mul3A_250 : i32
      %swap3A_252 = arith.constant 2 : i32
      %swap3A_253 = arith.constant 6 : i32
      %swap3A_254 = arith.index_cast %swap3A_252 : i32 to index
      %swap3A_255 = arith.index_cast %swap3A_253 : i32 to index
      %swap3A_256 = arith.index_cast %mul3A_251 : i32 to index
      %swap3A_257 = tpu.vector_load %arg7[%swap3A_254, %swap3A_255, %swap3A_256] {strides = array<i32>} : memref<3x16x512xf32, #tpu.memory_space<vmem>>, vector<1x1x16xf32>,
      %swap3A_258 = vector.shape_cast %swap3A_257 : vector<1x1x16xf32> to vector<16xf32>
      %swap3A_259 = vector.shape_cast %gather3A_249 : vector<16xf32> to vector<1x1x16xf32>
      tpu.vector_store %arg7[%swap3A_254, %swap3A_255, %swap3A_256], %swap3A_259 {strides = array<i32>} : memref<3x16x512xf32, #tpu.memory_space<vmem>>, vector<1x1x16xf32>,
      %scan3A_260 = arith.constant 3 : i32
      %scan3A_261 = arith.addi %scan3A_120, %scan3A_260 : i32
      %mul3A_262 = arith.constant 16 : i32
      %mul3A_263 = arith.muli %scan3A_261, %mul3A_262 : i32
      %get3A_264 = arith.constant 6 : i32
      %get3A_265 = arith.index_cast %get3A_264 : i32 to index
      %get3A_266 = arith.index_cast %mul3A_263 : i32 to index
      %get3A_267 = tpu.vector_load %arg5[%get3A_265, %get3A_266] {strides = array<i32>} : memref<16x512xi32, #tpu.memory_space<vmem>>, vector<1x16xi32>,
      %get3A_268 = vector.shape_cast %get3A_267 : vector<1x16xi32> to vector<16xi32>
      %broadcast_in_dim3A_269 = vector.shape_cast %get3A_268 : vector<16xi32> to vector<16x1xi32>
      %gather3A_270 = vector.shape_cast %broadcast_in_dim3A_269 : vector<16x1xi32> to vector<16xi32>
      %gather3A_271 = tpu.dynamic_gather %get3A_6[%gather3A_270] in [0] : vector<16xf32>, vector<16xi32> -> vector<16xf32>
      %mul3A_272 = arith.constant 16 : i32
      %mul3A_273 = arith.muli %scan3A_261, %mul3A_272 : i32
      %swap3A_274 = arith.constant 0 : i32
      %swap3A_275 = arith.constant 6 : i32
      %swap3A_276 = arith.index_cast %swap3A_274 : i32 to index
      %swap3A_277 = arith.index_cast %swap3A_275 : i32 to index
      %swap3A_278 = arith.index_cast %mul3A_273 : i32 to index
      %swap3A_279 = tpu.vector_load %arg7[%swap3A_276, %swap3A_277, %swap3A_278] {strides = array<i32>} : memref<3x16x512xf32, #tpu.memory_space<vmem>>, vector<1x1x16xf32>,
      %swap3A_280 = vector.shape_cast %swap3A_279 : vector<1x1x16xf32> to vector<16xf32>
      %swap3A_281 = vector.shape_cast %gather3A_271 : vector<16xf32> to vector<1x1x16xf32>
      tpu.vector_store %arg7[%swap3A_276, %swap3A_277, %swap3A_278], %swap3A_281 {strides = array<i32>} : memref<3x16x512xf32, #tpu.memory_space<vmem>>, vector<1x1x16xf32>,
      %broadcast_in_dim3A_282 = vector.shape_cast %get3A_268 : vector<16xi32> to vector<16x1xi32>
      %gather3A_283 = vector.shape_cast %broadcast_in_dim3A_282 : vector<16x1xi32> to vector<16xi32>
      %gather3A_284 = tpu.dynamic_gather %get3A_11[%gather3A_283] in [0] : vector<16xf32>, vector<16xi32> -> vector<16xf32>
      %mul3A_285 = arith.constant 16 : i32
      %mul3A_286 = arith.muli %scan3A_261, %mul3A_285 : i32
      %swap3A_287 = arith.constant 1 : i32
      %swap3A_288 = arith.constant 6 : i32
      %swap3A_289 = arith.index_cast %swap3A_287 : i32 to index
      %swap3A_290 = arith.index_cast %swap3A_288 : i32 to index
      %swap3A_291 = arith.index_cast %mul3A_286 : i32 to index
      %swap3A_292 = tpu.vector_load %arg7[%swap3A_289, %swap3A_290, %swap3A_291] {strides = array<i32>} : memref<3x16x512xf32, #tpu.memory_space<vmem>>, vector<1x1x16xf32>,
      %swap3A_293 = vector.shape_cast %swap3A_292 : vector<1x1x16xf32> to vector<16xf32>
      %swap3A_294 = vector.shape_cast %gather3A_284 : vector<16xf32> to vector<1x1x16xf32>
      tpu.vector_store %arg7[%swap3A_289, %swap3A_290, %swap3A_291], %swap3A_294 {strides = array<i32>} : memref<3x16x512xf32, #tpu.memory_space<vmem>>, vector<1x1x16xf32>,
      %broadcast_in_dim3A_295 = vector.shape_cast %get3A_268 : vector<16xi32> to vector<16x1xi32>
      %gather3A_296 = vector.shape_cast %broadcast_in_dim3A_295 : vector<16x1xi32> to vector<16xi32>
      %gather3A_297 = tpu.dynamic_gather %get3A_16[%gather3A_296] in [0] : vector<16xf32>, vector<16xi32> -> vector<16xf32>
      %mul3A_298 = arith.constant 16 : i32
      %mul3A_299 = arith.muli %scan3A_261, %mul3A_298 : i32
      %swap3A_300 = arith.constant 2 : i32
      %swap3A_301 = arith.constant 6 : i32
      %swap3A_302 = arith.index_cast %swap3A_300 : i32 to index
      %swap3A_303 = arith.index_cast %swap3A_301 : i32 to index
      %swap3A_304 = arith.index_cast %mul3A_299 : i32 to index
      %swap3A_305 = tpu.vector_load %arg7[%swap3A_302, %swap3A_303, %swap3A_304] {strides = array<i32>} : memref<3x16x512xf32, #tpu.memory_space<vmem>>, vector<1x1x16xf32>,
      %swap3A_306 = vector.shape_cast %swap3A_305 : vector<1x1x16xf32> to vector<16xf32>
      %swap3A_307 = vector.shape_cast %gather3A_297 : vector<16xf32> to vector<1x1x16xf32>
      tpu.vector_store %arg7[%swap3A_302, %swap3A_303, %swap3A_304], %swap3A_307 {strides = array<i32>} : memref<3x16x512xf32, #tpu.memory_space<vmem>>, vector<1x1x16xf32>,
    }
    %scan3A_57 = arith.constant 32 : i32
    %scan3A_58 = arith.constant 0 : i32
    %scan3A_59 = arith.constant 0 : i32
    %scan3A_60 = arith.constant 32 : i32
    %scan3A_61 = arith.addi %scan3A_59, %scan3A_60 : i32
    %scan3A_62 = arith.constant 4 : i32
    scf.for %scan3A_120 = %scan3A_59 to %scan3A_61 step %scan3A_62  : i32 {
      %mul3A_121 = arith.constant 16 : i32
      %mul3A_122 = arith.muli %scan3A_120, %mul3A_121 : i32
      %get3A_123 = arith.constant 7 : i32
      %get3A_124 = arith.index_cast %get3A_123 : i32 to index
      %get3A_125 = arith.index_cast %mul3A_122 : i32 to index
      %get3A_126 = tpu.vector_load %arg5[%get3A_124, %get3A_125] {strides = array<i32>} : memref<16x512xi32, #tpu.memory_space<vmem>>, vector<1x16xi32>,
      %get3A_127 = vector.shape_cast %get3A_126 : vector<1x16xi32> to vector<16xi32>
      %broadcast_in_dim3A = vector.shape_cast %get3A_127 : vector<16xi32> to vector<16x1xi32>
      %gather3A = vector.shape_cast %broadcast_in_dim3A : vector<16x1xi32> to vector<16xi32>
      %gather3A_128 = tpu.dynamic_gather %get3A_6[%gather3A] in [0] : vector<16xf32>, vector<16xi32> -> vector<16xf32>
      %mul3A_129 = arith.constant 16 : i32
      %mul3A_130 = arith.muli %scan3A_120, %mul3A_129 : i32
      %swap3A = arith.constant 0 : i32
      %swap3A_131 = arith.constant 7 : i32
      %swap3A_132 = arith.index_cast %swap3A : i32 to index
      %swap3A_133 = arith.index_cast %swap3A_131 : i32 to index
      %swap3A_134 = arith.index_cast %mul3A_130 : i32 to index
      %swap3A_135 = tpu.vector_load %arg7[%swap3A_132, %swap3A_133, %swap3A_134] {strides = array<i32>} : memref<3x16x512xf32, #tpu.memory_space<vmem>>, vector<1x1x16xf32>,
      %swap3A_136 = vector.shape_cast %swap3A_135 : vector<1x1x16xf32> to vector<16xf32>
      %swap3A_137 = vector.shape_cast %gather3A_128 : vector<16xf32> to vector<1x1x16xf32>
      tpu.vector_store %arg7[%swap3A_132, %swap3A_133, %swap3A_134], %swap3A_137 {strides = array<i32>} : memref<3x16x512xf32, #tpu.memory_space<vmem>>, vector<1x1x16xf32>,
      %broadcast_in_dim3A_138 = vector.shape_cast %get3A_127 : vector<16xi32> to vector<16x1xi32>
      %gather3A_139 = vector.shape_cast %broadcast_in_dim3A_138 : vector<16x1xi32> to vector<16xi32>
      %gather3A_140 = tpu.dynamic_gather %get3A_11[%gather3A_139] in [0] : vector<16xf32>, vector<16xi32> -> vector<16xf32>
      %mul3A_141 = arith.constant 16 : i32
      %mul3A_142 = arith.muli %scan3A_120, %mul3A_141 : i32
      %swap3A_143 = arith.constant 1 : i32
      %swap3A_144 = arith.constant 7 : i32
      %swap3A_145 = arith.index_cast %swap3A_143 : i32 to index
      %swap3A_146 = arith.index_cast %swap3A_144 : i32 to index
      %swap3A_147 = arith.index_cast %mul3A_142 : i32 to index
      %swap3A_148 = tpu.vector_load %arg7[%swap3A_145, %swap3A_146, %swap3A_147] {strides = array<i32>} : memref<3x16x512xf32, #tpu.memory_space<vmem>>, vector<1x1x16xf32>,
      %swap3A_149 = vector.shape_cast %swap3A_148 : vector<1x1x16xf32> to vector<16xf32>
      %swap3A_150 = vector.shape_cast %gather3A_140 : vector<16xf32> to vector<1x1x16xf32>
      tpu.vector_store %arg7[%swap3A_145, %swap3A_146, %swap3A_147], %swap3A_150 {strides = array<i32>} : memref<3x16x512xf32, #tpu.memory_space<vmem>>, vector<1x1x16xf32>,
      %broadcast_in_dim3A_151 = vector.shape_cast %get3A_127 : vector<16xi32> to vector<16x1xi32>
      %gather3A_152 = vector.shape_cast %broadcast_in_dim3A_151 : vector<16x1xi32> to vector<16xi32>
      %gather3A_153 = tpu.dynamic_gather %get3A_16[%gather3A_152] in [0] : vector<16xf32>, vector<16xi32> -> vector<16xf32>
      %mul3A_154 = arith.constant 16 : i32
      %mul3A_155 = arith.muli %scan3A_120, %mul3A_154 : i32
      %swap3A_156 = arith.constant 2 : i32
      %swap3A_157 = arith.constant 7 : i32
      %swap3A_158 = arith.index_cast %swap3A_156 : i32 to index
      %swap3A_159 = arith.index_cast %swap3A_157 : i32 to index
      %swap3A_160 = arith.index_cast %mul3A_155 : i32 to index
      %swap3A_161 = tpu.vector_load %arg7[%swap3A_158, %swap3A_159, %swap3A_160] {strides = array<i32>} : memref<3x16x512xf32, #tpu.memory_space<vmem>>, vector<1x1x16xf32>,
      %swap3A_162 = vector.shape_cast %swap3A_161 : vector<1x1x16xf32> to vector<16xf32>
      %swap3A_163 = vector.shape_cast %gather3A_153 : vector<16xf32> to vector<1x1x16xf32>
      tpu.vector_store %arg7[%swap3A_158, %swap3A_159, %swap3A_160], %swap3A_163 {strides = array<i32>} : memref<3x16x512xf32, #tpu.memory_space<vmem>>, vector<1x1x16xf32>,
      %scan3A_164 = arith.constant 1 : i32
      %scan3A_165 = arith.addi %scan3A_120, %scan3A_164 : i32
      %mul3A_166 = arith.constant 16 : i32
      %mul3A_167 = arith.muli %scan3A_165, %mul3A_166 : i32
      %get3A_168 = arith.constant 7 : i32
      %get3A_169 = arith.index_cast %get3A_168 : i32 to index
      %get3A_170 = arith.index_cast %mul3A_167 : i32 to index
      %get3A_171 = tpu.vector_load %arg5[%get3A_169, %get3A_170] {strides = array<i32>} : memref<16x512xi32, #tpu.memory_space<vmem>>, vector<1x16xi32>,
      %get3A_172 = vector.shape_cast %get3A_171 : vector<1x16xi32> to vector<16xi32>
      %broadcast_in_dim3A_173 = vector.shape_cast %get3A_172 : vector<16xi32> to vector<16x1xi32>
      %gather3A_174 = vector.shape_cast %broadcast_in_dim3A_173 : vector<16x1xi32> to vector<16xi32>
      %gather3A_175 = tpu.dynamic_gather %get3A_6[%gather3A_174] in [0] : vector<16xf32>, vector<16xi32> -> vector<16xf32>
      %mul3A_176 = arith.constant 16 : i32
      %mul3A_177 = arith.muli %scan3A_165, %mul3A_176 : i32
      %swap3A_178 = arith.constant 0 : i32
      %swap3A_179 = arith.constant 7 : i32
      %swap3A_180 = arith.index_cast %swap3A_178 : i32 to index
      %swap3A_181 = arith.index_cast %swap3A_179 : i32 to index
      %swap3A_182 = arith.index_cast %mul3A_177 : i32 to index
      %swap3A_183 = tpu.vector_load %arg7[%swap3A_180, %swap3A_181, %swap3A_182] {strides = array<i32>} : memref<3x16x512xf32, #tpu.memory_space<vmem>>, vector<1x1x16xf32>,
      %swap3A_184 = vector.shape_cast %swap3A_183 : vector<1x1x16xf32> to vector<16xf32>
      %swap3A_185 = vector.shape_cast %gather3A_175 : vector<16xf32> to vector<1x1x16xf32>
      tpu.vector_store %arg7[%swap3A_180, %swap3A_181, %swap3A_182], %swap3A_185 {strides = array<i32>} : memref<3x16x512xf32, #tpu.memory_space<vmem>>, vector<1x1x16xf32>,
      %broadcast_in_dim3A_186 = vector.shape_cast %get3A_172 : vector<16xi32> to vector<16x1xi32>
      %gather3A_187 = vector.shape_cast %broadcast_in_dim3A_186 : vector<16x1xi32> to vector<16xi32>
      %gather3A_188 = tpu.dynamic_gather %get3A_11[%gather3A_187] in [0] : vector<16xf32>, vector<16xi32> -> vector<16xf32>
      %mul3A_189 = arith.constant 16 : i32
      %mul3A_190 = arith.muli %scan3A_165, %mul3A_189 : i32
      %swap3A_191 = arith.constant 1 : i32
      %swap3A_192 = arith.constant 7 : i32
      %swap3A_193 = arith.index_cast %swap3A_191 : i32 to index
      %swap3A_194 = arith.index_cast %swap3A_192 : i32 to index
      %swap3A_195 = arith.index_cast %mul3A_190 : i32 to index
      %swap3A_196 = tpu.vector_load %arg7[%swap3A_193, %swap3A_194, %swap3A_195] {strides = array<i32>} : memref<3x16x512xf32, #tpu.memory_space<vmem>>, vector<1x1x16xf32>,
      %swap3A_197 = vector.shape_cast %swap3A_196 : vector<1x1x16xf32> to vector<16xf32>
      %swap3A_198 = vector.shape_cast %gather3A_188 : vector<16xf32> to vector<1x1x16xf32>
      tpu.vector_store %arg7[%swap3A_193, %swap3A_194, %swap3A_195], %swap3A_198 {strides = array<i32>} : memref<3x16x512xf32, #tpu.memory_space<vmem>>, vector<1x1x16xf32>,
      %broadcast_in_dim3A_199 = vector.shape_cast %get3A_172 : vector<16xi32> to vector<16x1xi32>
      %gather3A_200 = vector.shape_cast %broadcast_in_dim3A_199 : vector<16x1xi32> to vector<16xi32>
      %gather3A_201 = tpu.dynamic_gather %get3A_16[%gather3A_200] in [0] : vector<16xf32>, vector<16xi32> -> vector<16xf32>
      %mul3A_202 = arith.constant 16 : i32
      %mul3A_203 = arith.muli %scan3A_165, %mul3A_202 : i32
      %swap3A_204 = arith.constant 2 : i32
      %swap3A_205 = arith.constant 7 : i32
      %swap3A_206 = arith.index_cast %swap3A_204 : i32 to index
      %swap3A_207 = arith.index_cast %swap3A_205 : i32 to index
      %swap3A_208 = arith.index_cast %mul3A_203 : i32 to index
      %swap3A_209 = tpu.vector_load %arg7[%swap3A_206, %swap3A_207, %swap3A_208] {strides = array<i32>} : memref<3x16x512xf32, #tpu.memory_space<vmem>>, vector<1x1x16xf32>,
      %swap3A_210 = vector.shape_cast %swap3A_209 : vector<1x1x16xf32> to vector<16xf32>
      %swap3A_211 = vector.shape_cast %gather3A_201 : vector<16xf32> to vector<1x1x16xf32>
      tpu.vector_store %arg7[%swap3A_206, %swap3A_207, %swap3A_208], %swap3A_211 {strides = array<i32>} : memref<3x16x512xf32, #tpu.memory_space<vmem>>, vector<1x1x16xf32>,
      %scan3A_212 = arith.constant 2 : i32
      %scan3A_213 = arith.addi %scan3A_120, %scan3A_212 : i32
      %mul3A_214 = arith.constant 16 : i32
      %mul3A_215 = arith.muli %scan3A_213, %mul3A_214 : i32
      %get3A_216 = arith.constant 7 : i32
      %get3A_217 = arith.index_cast %get3A_216 : i32 to index
      %get3A_218 = arith.index_cast %mul3A_215 : i32 to index
      %get3A_219 = tpu.vector_load %arg5[%get3A_217, %get3A_218] {strides = array<i32>} : memref<16x512xi32, #tpu.memory_space<vmem>>, vector<1x16xi32>,
      %get3A_220 = vector.shape_cast %get3A_219 : vector<1x16xi32> to vector<16xi32>
      %broadcast_in_dim3A_221 = vector.shape_cast %get3A_220 : vector<16xi32> to vector<16x1xi32>
      %gather3A_222 = vector.shape_cast %broadcast_in_dim3A_221 : vector<16x1xi32> to vector<16xi32>
      %gather3A_223 = tpu.dynamic_gather %get3A_6[%gather3A_222] in [0] : vector<16xf32>, vector<16xi32> -> vector<16xf32>
      %mul3A_224 = arith.constant 16 : i32
      %mul3A_225 = arith.muli %scan3A_213, %mul3A_224 : i32
      %swap3A_226 = arith.constant 0 : i32
      %swap3A_227 = arith.constant 7 : i32
      %swap3A_228 = arith.index_cast %swap3A_226 : i32 to index
      %swap3A_229 = arith.index_cast %swap3A_227 : i32 to index
      %swap3A_230 = arith.index_cast %mul3A_225 : i32 to index
      %swap3A_231 = tpu.vector_load %arg7[%swap3A_228, %swap3A_229, %swap3A_230] {strides = array<i32>} : memref<3x16x512xf32, #tpu.memory_space<vmem>>, vector<1x1x16xf32>,
      %swap3A_232 = vector.shape_cast %swap3A_231 : vector<1x1x16xf32> to vector<16xf32>
      %swap3A_233 = vector.shape_cast %gather3A_223 : vector<16xf32> to vector<1x1x16xf32>
      tpu.vector_store %arg7[%swap3A_228, %swap3A_229, %swap3A_230], %swap3A_233 {strides = array<i32>} : memref<3x16x512xf32, #tpu.memory_space<vmem>>, vector<1x1x16xf32>,
      %broadcast_in_dim3A_234 = vector.shape_cast %get3A_220 : vector<16xi32> to vector<16x1xi32>
      %gather3A_235 = vector.shape_cast %broadcast_in_dim3A_234 : vector<16x1xi32> to vector<16xi32>
      %gather3A_236 = tpu.dynamic_gather %get3A_11[%gather3A_235] in [0] : vector<16xf32>, vector<16xi32> -> vector<16xf32>
      %mul3A_237 = arith.constant 16 : i32
      %mul3A_238 = arith.muli %scan3A_213, %mul3A_237 : i32
      %swap3A_239 = arith.constant 1 : i32
      %swap3A_240 = arith.constant 7 : i32
      %swap3A_241 = arith.index_cast %swap3A_239 : i32 to index
      %swap3A_242 = arith.index_cast %swap3A_240 : i32 to index
      %swap3A_243 = arith.index_cast %mul3A_238 : i32 to index
      %swap3A_244 = tpu.vector_load %arg7[%swap3A_241, %swap3A_242, %swap3A_243] {strides = array<i32>} : memref<3x16x512xf32, #tpu.memory_space<vmem>>, vector<1x1x16xf32>,
      %swap3A_245 = vector.shape_cast %swap3A_244 : vector<1x1x16xf32> to vector<16xf32>
      %swap3A_246 = vector.shape_cast %gather3A_236 : vector<16xf32> to vector<1x1x16xf32>
      tpu.vector_store %arg7[%swap3A_241, %swap3A_242, %swap3A_243], %swap3A_246 {strides = array<i32>} : memref<3x16x512xf32, #tpu.memory_space<vmem>>, vector<1x1x16xf32>,
      %broadcast_in_dim3A_247 = vector.shape_cast %get3A_220 : vector<16xi32> to vector<16x1xi32>
      %gather3A_248 = vector.shape_cast %broadcast_in_dim3A_247 : vector<16x1xi32> to vector<16xi32>
      %gather3A_249 = tpu.dynamic_gather %get3A_16[%gather3A_248] in [0] : vector<16xf32>, vector<16xi32> -> vector<16xf32>
      %mul3A_250 = arith.constant 16 : i32
      %mul3A_251 = arith.muli %scan3A_213, %mul3A_250 : i32
      %swap3A_252 = arith.constant 2 : i32
      %swap3A_253 = arith.constant 7 : i32
      %swap3A_254 = arith.index_cast %swap3A_252 : i32 to index
      %swap3A_255 = arith.index_cast %swap3A_253 : i32 to index
      %swap3A_256 = arith.index_cast %mul3A_251 : i32 to index
      %swap3A_257 = tpu.vector_load %arg7[%swap3A_254, %swap3A_255, %swap3A_256] {strides = array<i32>} : memref<3x16x512xf32, #tpu.memory_space<vmem>>, vector<1x1x16xf32>,
      %swap3A_258 = vector.shape_cast %swap3A_257 : vector<1x1x16xf32> to vector<16xf32>
      %swap3A_259 = vector.shape_cast %gather3A_249 : vector<16xf32> to vector<1x1x16xf32>
      tpu.vector_store %arg7[%swap3A_254, %swap3A_255, %swap3A_256], %swap3A_259 {strides = array<i32>} : memref<3x16x512xf32, #tpu.memory_space<vmem>>, vector<1x1x16xf32>,
      %scan3A_260 = arith.constant 3 : i32
      %scan3A_261 = arith.addi %scan3A_120, %scan3A_260 : i32
      %mul3A_262 = arith.constant 16 : i32
      %mul3A_263 = arith.muli %scan3A_261, %mul3A_262 : i32
      %get3A_264 = arith.constant 7 : i32
      %get3A_265 = arith.index_cast %get3A_264 : i32 to index
      %get3A_266 = arith.index_cast %mul3A_263 : i32 to index
      %get3A_267 = tpu.vector_load %arg5[%get3A_265, %get3A_266] {strides = array<i32>} : memref<16x512xi32, #tpu.memory_space<vmem>>, vector<1x16xi32>,
      %get3A_268 = vector.shape_cast %get3A_267 : vector<1x16xi32> to vector<16xi32>
      %broadcast_in_dim3A_269 = vector.shape_cast %get3A_268 : vector<16xi32> to vector<16x1xi32>
      %gather3A_270 = vector.shape_cast %broadcast_in_dim3A_269 : vector<16x1xi32> to vector<16xi32>
      %gather3A_271 = tpu.dynamic_gather %get3A_6[%gather3A_270] in [0] : vector<16xf32>, vector<16xi32> -> vector<16xf32>
      %mul3A_272 = arith.constant 16 : i32
      %mul3A_273 = arith.muli %scan3A_261, %mul3A_272 : i32
      %swap3A_274 = arith.constant 0 : i32
      %swap3A_275 = arith.constant 7 : i32
      %swap3A_276 = arith.index_cast %swap3A_274 : i32 to index
      %swap3A_277 = arith.index_cast %swap3A_275 : i32 to index
      %swap3A_278 = arith.index_cast %mul3A_273 : i32 to index
      %swap3A_279 = tpu.vector_load %arg7[%swap3A_276, %swap3A_277, %swap3A_278] {strides = array<i32>} : memref<3x16x512xf32, #tpu.memory_space<vmem>>, vector<1x1x16xf32>,
      %swap3A_280 = vector.shape_cast %swap3A_279 : vector<1x1x16xf32> to vector<16xf32>
      %swap3A_281 = vector.shape_cast %gather3A_271 : vector<16xf32> to vector<1x1x16xf32>
      tpu.vector_store %arg7[%swap3A_276, %swap3A_277, %swap3A_278], %swap3A_281 {strides = array<i32>} : memref<3x16x512xf32, #tpu.memory_space<vmem>>, vector<1x1x16xf32>,
      %broadcast_in_dim3A_282 = vector.shape_cast %get3A_268 : vector<16xi32> to vector<16x1xi32>
      %gather3A_283 = vector.shape_cast %broadcast_in_dim3A_282 : vector<16x1xi32> to vector<16xi32>
      %gather3A_284 = tpu.dynamic_gather %get3A_11[%gather3A_283] in [0] : vector<16xf32>, vector<16xi32> -> vector<16xf32>
      %mul3A_285 = arith.constant 16 : i32
      %mul3A_286 = arith.muli %scan3A_261, %mul3A_285 : i32
      %swap3A_287 = arith.constant 1 : i32
      %swap3A_288 = arith.constant 7 : i32
      %swap3A_289 = arith.index_cast %swap3A_287 : i32 to index
      %swap3A_290 = arith.index_cast %swap3A_288 : i32 to index
      %swap3A_291 = arith.index_cast %mul3A_286 : i32 to index
      %swap3A_292 = tpu.vector_load %arg7[%swap3A_289, %swap3A_290, %swap3A_291] {strides = array<i32>} : memref<3x16x512xf32, #tpu.memory_space<vmem>>, vector<1x1x16xf32>,
      %swap3A_293 = vector.shape_cast %swap3A_292 : vector<1x1x16xf32> to vector<16xf32>
      %swap3A_294 = vector.shape_cast %gather3A_284 : vector<16xf32> to vector<1x1x16xf32>
      tpu.vector_store %arg7[%swap3A_289, %swap3A_290, %swap3A_291], %swap3A_294 {strides = array<i32>} : memref<3x16x512xf32, #tpu.memory_space<vmem>>, vector<1x1x16xf32>,
      %broadcast_in_dim3A_295 = vector.shape_cast %get3A_268 : vector<16xi32> to vector<16x1xi32>
      %gather3A_296 = vector.shape_cast %broadcast_in_dim3A_295 : vector<16x1xi32> to vector<16xi32>
      %gather3A_297 = tpu.dynamic_gather %get3A_16[%gather3A_296] in [0] : vector<16xf32>, vector<16xi32> -> vector<16xf32>
      %mul3A_298 = arith.constant 16 : i32
      %mul3A_299 = arith.muli %scan3A_261, %mul3A_298 : i32
      %swap3A_300 = arith.constant 2 : i32
      %swap3A_301 = arith.constant 7 : i32
      %swap3A_302 = arith.index_cast %swap3A_300 : i32 to index
      %swap3A_303 = arith.index_cast %swap3A_301 : i32 to index
      %swap3A_304 = arith.index_cast %mul3A_299 : i32 to index
      %swap3A_305 = tpu.vector_load %arg7[%swap3A_302, %swap3A_303, %swap3A_304] {strides = array<i32>} : memref<3x16x512xf32, #tpu.memory_space<vmem>>, vector<1x1x16xf32>,
      %swap3A_306 = vector.shape_cast %swap3A_305 : vector<1x1x16xf32> to vector<16xf32>
      %swap3A_307 = vector.shape_cast %gather3A_297 : vector<16xf32> to vector<1x1x16xf32>
      tpu.vector_store %arg7[%swap3A_302, %swap3A_303, %swap3A_304], %swap3A_307 {strides = array<i32>} : memref<3x16x512xf32, #tpu.memory_space<vmem>>, vector<1x1x16xf32>,
    }
    %scan3A_63 = arith.constant 32 : i32
    %scan3A_64 = arith.constant 0 : i32
    %scan3A_65 = arith.constant 0 : i32
    %scan3A_66 = arith.constant 32 : i32
    %scan3A_67 = arith.addi %scan3A_65, %scan3A_66 : i32
    %scan3A_68 = arith.constant 4 : i32
    scf.for %scan3A_120 = %scan3A_65 to %scan3A_67 step %scan3A_68  : i32 {
      %mul3A_121 = arith.constant 16 : i32
      %mul3A_122 = arith.muli %scan3A_120, %mul3A_121 : i32
      %get3A_123 = arith.constant 8 : i32
      %get3A_124 = arith.index_cast %get3A_123 : i32 to index
      %get3A_125 = arith.index_cast %mul3A_122 : i32 to index
      %get3A_126 = tpu.vector_load %arg5[%get3A_124, %get3A_125] {strides = array<i32>} : memref<16x512xi32, #tpu.memory_space<vmem>>, vector<1x16xi32>,
      %get3A_127 = vector.shape_cast %get3A_126 : vector<1x16xi32> to vector<16xi32>
      %broadcast_in_dim3A = vector.shape_cast %get3A_127 : vector<16xi32> to vector<16x1xi32>
      %gather3A = vector.shape_cast %broadcast_in_dim3A : vector<16x1xi32> to vector<16xi32>
      %gather3A_128 = tpu.dynamic_gather %get3A_6[%gather3A] in [0] : vector<16xf32>, vector<16xi32> -> vector<16xf32>
      %mul3A_129 = arith.constant 16 : i32
      %mul3A_130 = arith.muli %scan3A_120, %mul3A_129 : i32
      %swap3A = arith.constant 0 : i32
      %swap3A_131 = arith.constant 8 : i32
      %swap3A_132 = arith.index_cast %swap3A : i32 to index
      %swap3A_133 = arith.index_cast %swap3A_131 : i32 to index
      %swap3A_134 = arith.index_cast %mul3A_130 : i32 to index
      %swap3A_135 = tpu.vector_load %arg7[%swap3A_132, %swap3A_133, %swap3A_134] {strides = array<i32>} : memref<3x16x512xf32, #tpu.memory_space<vmem>>, vector<1x1x16xf32>,
      %swap3A_136 = vector.shape_cast %swap3A_135 : vector<1x1x16xf32> to vector<16xf32>
      %swap3A_137 = vector.shape_cast %gather3A_128 : vector<16xf32> to vector<1x1x16xf32>
      tpu.vector_store %arg7[%swap3A_132, %swap3A_133, %swap3A_134], %swap3A_137 {strides = array<i32>} : memref<3x16x512xf32, #tpu.memory_space<vmem>>, vector<1x1x16xf32>,
      %broadcast_in_dim3A_138 = vector.shape_cast %get3A_127 : vector<16xi32> to vector<16x1xi32>
      %gather3A_139 = vector.shape_cast %broadcast_in_dim3A_138 : vector<16x1xi32> to vector<16xi32>
      %gather3A_140 = tpu.dynamic_gather %get3A_11[%gather3A_139] in [0] : vector<16xf32>, vector<16xi32> -> vector<16xf32>
      %mul3A_141 = arith.constant 16 : i32
      %mul3A_142 = arith.muli %scan3A_120, %mul3A_141 : i32
      %swap3A_143 = arith.constant 1 : i32
      %swap3A_144 = arith.constant 8 : i32
      %swap3A_145 = arith.index_cast %swap3A_143 : i32 to index
      %swap3A_146 = arith.index_cast %swap3A_144 : i32 to index
      %swap3A_147 = arith.index_cast %mul3A_142 : i32 to index
      %swap3A_148 = tpu.vector_load %arg7[%swap3A_145, %swap3A_146, %swap3A_147] {strides = array<i32>} : memref<3x16x512xf32, #tpu.memory_space<vmem>>, vector<1x1x16xf32>,
      %swap3A_149 = vector.shape_cast %swap3A_148 : vector<1x1x16xf32> to vector<16xf32>
      %swap3A_150 = vector.shape_cast %gather3A_140 : vector<16xf32> to vector<1x1x16xf32>
      tpu.vector_store %arg7[%swap3A_145, %swap3A_146, %swap3A_147], %swap3A_150 {strides = array<i32>} : memref<3x16x512xf32, #tpu.memory_space<vmem>>, vector<1x1x16xf32>,
      %broadcast_in_dim3A_151 = vector.shape_cast %get3A_127 : vector<16xi32> to vector<16x1xi32>
      %gather3A_152 = vector.shape_cast %broadcast_in_dim3A_151 : vector<16x1xi32> to vector<16xi32>
      %gather3A_153 = tpu.dynamic_gather %get3A_16[%gather3A_152] in [0] : vector<16xf32>, vector<16xi32> -> vector<16xf32>
      %mul3A_154 = arith.constant 16 : i32
      %mul3A_155 = arith.muli %scan3A_120, %mul3A_154 : i32
      %swap3A_156 = arith.constant 2 : i32
      %swap3A_157 = arith.constant 8 : i32
      %swap3A_158 = arith.index_cast %swap3A_156 : i32 to index
      %swap3A_159 = arith.index_cast %swap3A_157 : i32 to index
      %swap3A_160 = arith.index_cast %mul3A_155 : i32 to index
      %swap3A_161 = tpu.vector_load %arg7[%swap3A_158, %swap3A_159, %swap3A_160] {strides = array<i32>} : memref<3x16x512xf32, #tpu.memory_space<vmem>>, vector<1x1x16xf32>,
      %swap3A_162 = vector.shape_cast %swap3A_161 : vector<1x1x16xf32> to vector<16xf32>
      %swap3A_163 = vector.shape_cast %gather3A_153 : vector<16xf32> to vector<1x1x16xf32>
      tpu.vector_store %arg7[%swap3A_158, %swap3A_159, %swap3A_160], %swap3A_163 {strides = array<i32>} : memref<3x16x512xf32, #tpu.memory_space<vmem>>, vector<1x1x16xf32>,
      %scan3A_164 = arith.constant 1 : i32
      %scan3A_165 = arith.addi %scan3A_120, %scan3A_164 : i32
      %mul3A_166 = arith.constant 16 : i32
      %mul3A_167 = arith.muli %scan3A_165, %mul3A_166 : i32
      %get3A_168 = arith.constant 8 : i32
      %get3A_169 = arith.index_cast %get3A_168 : i32 to index
      %get3A_170 = arith.index_cast %mul3A_167 : i32 to index
      %get3A_171 = tpu.vector_load %arg5[%get3A_169, %get3A_170] {strides = array<i32>} : memref<16x512xi32, #tpu.memory_space<vmem>>, vector<1x16xi32>,
      %get3A_172 = vector.shape_cast %get3A_171 : vector<1x16xi32> to vector<16xi32>
      %broadcast_in_dim3A_173 = vector.shape_cast %get3A_172 : vector<16xi32> to vector<16x1xi32>
      %gather3A_174 = vector.shape_cast %broadcast_in_dim3A_173 : vector<16x1xi32> to vector<16xi32>
      %gather3A_175 = tpu.dynamic_gather %get3A_6[%gather3A_174] in [0] : vector<16xf32>, vector<16xi32> -> vector<16xf32>
      %mul3A_176 = arith.constant 16 : i32
      %mul3A_177 = arith.muli %scan3A_165, %mul3A_176 : i32
      %swap3A_178 = arith.constant 0 : i32
      %swap3A_179 = arith.constant 8 : i32
      %swap3A_180 = arith.index_cast %swap3A_178 : i32 to index
      %swap3A_181 = arith.index_cast %swap3A_179 : i32 to index
      %swap3A_182 = arith.index_cast %mul3A_177 : i32 to index
      %swap3A_183 = tpu.vector_load %arg7[%swap3A_180, %swap3A_181, %swap3A_182] {strides = array<i32>} : memref<3x16x512xf32, #tpu.memory_space<vmem>>, vector<1x1x16xf32>,
      %swap3A_184 = vector.shape_cast %swap3A_183 : vector<1x1x16xf32> to vector<16xf32>
      %swap3A_185 = vector.shape_cast %gather3A_175 : vector<16xf32> to vector<1x1x16xf32>
      tpu.vector_store %arg7[%swap3A_180, %swap3A_181, %swap3A_182], %swap3A_185 {strides = array<i32>} : memref<3x16x512xf32, #tpu.memory_space<vmem>>, vector<1x1x16xf32>,
      %broadcast_in_dim3A_186 = vector.shape_cast %get3A_172 : vector<16xi32> to vector<16x1xi32>
      %gather3A_187 = vector.shape_cast %broadcast_in_dim3A_186 : vector<16x1xi32> to vector<16xi32>
      %gather3A_188 = tpu.dynamic_gather %get3A_11[%gather3A_187] in [0] : vector<16xf32>, vector<16xi32> -> vector<16xf32>
      %mul3A_189 = arith.constant 16 : i32
      %mul3A_190 = arith.muli %scan3A_165, %mul3A_189 : i32
      %swap3A_191 = arith.constant 1 : i32
      %swap3A_192 = arith.constant 8 : i32
      %swap3A_193 = arith.index_cast %swap3A_191 : i32 to index
      %swap3A_194 = arith.index_cast %swap3A_192 : i32 to index
      %swap3A_195 = arith.index_cast %mul3A_190 : i32 to index
      %swap3A_196 = tpu.vector_load %arg7[%swap3A_193, %swap3A_194, %swap3A_195] {strides = array<i32>} : memref<3x16x512xf32, #tpu.memory_space<vmem>>, vector<1x1x16xf32>,
      %swap3A_197 = vector.shape_cast %swap3A_196 : vector<1x1x16xf32> to vector<16xf32>
      %swap3A_198 = vector.shape_cast %gather3A_188 : vector<16xf32> to vector<1x1x16xf32>
      tpu.vector_store %arg7[%swap3A_193, %swap3A_194, %swap3A_195], %swap3A_198 {strides = array<i32>} : memref<3x16x512xf32, #tpu.memory_space<vmem>>, vector<1x1x16xf32>,
      %broadcast_in_dim3A_199 = vector.shape_cast %get3A_172 : vector<16xi32> to vector<16x1xi32>
      %gather3A_200 = vector.shape_cast %broadcast_in_dim3A_199 : vector<16x1xi32> to vector<16xi32>
      %gather3A_201 = tpu.dynamic_gather %get3A_16[%gather3A_200] in [0] : vector<16xf32>, vector<16xi32> -> vector<16xf32>
      %mul3A_202 = arith.constant 16 : i32
      %mul3A_203 = arith.muli %scan3A_165, %mul3A_202 : i32
      %swap3A_204 = arith.constant 2 : i32
      %swap3A_205 = arith.constant 8 : i32
      %swap3A_206 = arith.index_cast %swap3A_204 : i32 to index
      %swap3A_207 = arith.index_cast %swap3A_205 : i32 to index
      %swap3A_208 = arith.index_cast %mul3A_203 : i32 to index
      %swap3A_209 = tpu.vector_load %arg7[%swap3A_206, %swap3A_207, %swap3A_208] {strides = array<i32>} : memref<3x16x512xf32, #tpu.memory_space<vmem>>, vector<1x1x16xf32>,
      %swap3A_210 = vector.shape_cast %swap3A_209 : vector<1x1x16xf32> to vector<16xf32>
      %swap3A_211 = vector.shape_cast %gather3A_201 : vector<16xf32> to vector<1x1x16xf32>
      tpu.vector_store %arg7[%swap3A_206, %swap3A_207, %swap3A_208], %swap3A_211 {strides = array<i32>} : memref<3x16x512xf32, #tpu.memory_space<vmem>>, vector<1x1x16xf32>,
      %scan3A_212 = arith.constant 2 : i32
      %scan3A_213 = arith.addi %scan3A_120, %scan3A_212 : i32
      %mul3A_214 = arith.constant 16 : i32
      %mul3A_215 = arith.muli %scan3A_213, %mul3A_214 : i32
      %get3A_216 = arith.constant 8 : i32
      %get3A_217 = arith.index_cast %get3A_216 : i32 to index
      %get3A_218 = arith.index_cast %mul3A_215 : i32 to index
      %get3A_219 = tpu.vector_load %arg5[%get3A_217, %get3A_218] {strides = array<i32>} : memref<16x512xi32, #tpu.memory_space<vmem>>, vector<1x16xi32>,
      %get3A_220 = vector.shape_cast %get3A_219 : vector<1x16xi32> to vector<16xi32>
      %broadcast_in_dim3A_221 = vector.shape_cast %get3A_220 : vector<16xi32> to vector<16x1xi32>
      %gather3A_222 = vector.shape_cast %broadcast_in_dim3A_221 : vector<16x1xi32> to vector<16xi32>
      %gather3A_223 = tpu.dynamic_gather %get3A_6[%gather3A_222] in [0] : vector<16xf32>, vector<16xi32> -> vector<16xf32>
      %mul3A_224 = arith.constant 16 : i32
      %mul3A_225 = arith.muli %scan3A_213, %mul3A_224 : i32
      %swap3A_226 = arith.constant 0 : i32
      %swap3A_227 = arith.constant 8 : i32
      %swap3A_228 = arith.index_cast %swap3A_226 : i32 to index
      %swap3A_229 = arith.index_cast %swap3A_227 : i32 to index
      %swap3A_230 = arith.index_cast %mul3A_225 : i32 to index
      %swap3A_231 = tpu.vector_load %arg7[%swap3A_228, %swap3A_229, %swap3A_230] {strides = array<i32>} : memref<3x16x512xf32, #tpu.memory_space<vmem>>, vector<1x1x16xf32>,
      %swap3A_232 = vector.shape_cast %swap3A_231 : vector<1x1x16xf32> to vector<16xf32>
      %swap3A_233 = vector.shape_cast %gather3A_223 : vector<16xf32> to vector<1x1x16xf32>
      tpu.vector_store %arg7[%swap3A_228, %swap3A_229, %swap3A_230], %swap3A_233 {strides = array<i32>} : memref<3x16x512xf32, #tpu.memory_space<vmem>>, vector<1x1x16xf32>,
      %broadcast_in_dim3A_234 = vector.shape_cast %get3A_220 : vector<16xi32> to vector<16x1xi32>
      %gather3A_235 = vector.shape_cast %broadcast_in_dim3A_234 : vector<16x1xi32> to vector<16xi32>
      %gather3A_236 = tpu.dynamic_gather %get3A_11[%gather3A_235] in [0] : vector<16xf32>, vector<16xi32> -> vector<16xf32>
      %mul3A_237 = arith.constant 16 : i32
      %mul3A_238 = arith.muli %scan3A_213, %mul3A_237 : i32
      %swap3A_239 = arith.constant 1 : i32
      %swap3A_240 = arith.constant 8 : i32
      %swap3A_241 = arith.index_cast %swap3A_239 : i32 to index
      %swap3A_242 = arith.index_cast %swap3A_240 : i32 to index
      %swap3A_243 = arith.index_cast %mul3A_238 : i32 to index
      %swap3A_244 = tpu.vector_load %arg7[%swap3A_241, %swap3A_242, %swap3A_243] {strides = array<i32>} : memref<3x16x512xf32, #tpu.memory_space<vmem>>, vector<1x1x16xf32>,
      %swap3A_245 = vector.shape_cast %swap3A_244 : vector<1x1x16xf32> to vector<16xf32>
      %swap3A_246 = vector.shape_cast %gather3A_236 : vector<16xf32> to vector<1x1x16xf32>
      tpu.vector_store %arg7[%swap3A_241, %swap3A_242, %swap3A_243], %swap3A_246 {strides = array<i32>} : memref<3x16x512xf32, #tpu.memory_space<vmem>>, vector<1x1x16xf32>,
      %broadcast_in_dim3A_247 = vector.shape_cast %get3A_220 : vector<16xi32> to vector<16x1xi32>
      %gather3A_248 = vector.shape_cast %broadcast_in_dim3A_247 : vector<16x1xi32> to vector<16xi32>
      %gather3A_249 = tpu.dynamic_gather %get3A_16[%gather3A_248] in [0] : vector<16xf32>, vector<16xi32> -> vector<16xf32>
      %mul3A_250 = arith.constant 16 : i32
      %mul3A_251 = arith.muli %scan3A_213, %mul3A_250 : i32
      %swap3A_252 = arith.constant 2 : i32
      %swap3A_253 = arith.constant 8 : i32
      %swap3A_254 = arith.index_cast %swap3A_252 : i32 to index
      %swap3A_255 = arith.index_cast %swap3A_253 : i32 to index
      %swap3A_256 = arith.index_cast %mul3A_251 : i32 to index
      %swap3A_257 = tpu.vector_load %arg7[%swap3A_254, %swap3A_255, %swap3A_256] {strides = array<i32>} : memref<3x16x512xf32, #tpu.memory_space<vmem>>, vector<1x1x16xf32>,
      %swap3A_258 = vector.shape_cast %swap3A_257 : vector<1x1x16xf32> to vector<16xf32>
      %swap3A_259 = vector.shape_cast %gather3A_249 : vector<16xf32> to vector<1x1x16xf32>
      tpu.vector_store %arg7[%swap3A_254, %swap3A_255, %swap3A_256], %swap3A_259 {strides = array<i32>} : memref<3x16x512xf32, #tpu.memory_space<vmem>>, vector<1x1x16xf32>,
      %scan3A_260 = arith.constant 3 : i32
      %scan3A_261 = arith.addi %scan3A_120, %scan3A_260 : i32
      %mul3A_262 = arith.constant 16 : i32
      %mul3A_263 = arith.muli %scan3A_261, %mul3A_262 : i32
      %get3A_264 = arith.constant 8 : i32
      %get3A_265 = arith.index_cast %get3A_264 : i32 to index
      %get3A_266 = arith.index_cast %mul3A_263 : i32 to index
      %get3A_267 = tpu.vector_load %arg5[%get3A_265, %get3A_266] {strides = array<i32>} : memref<16x512xi32, #tpu.memory_space<vmem>>, vector<1x16xi32>,
      %get3A_268 = vector.shape_cast %get3A_267 : vector<1x16xi32> to vector<16xi32>
      %broadcast_in_dim3A_269 = vector.shape_cast %get3A_268 : vector<16xi32> to vector<16x1xi32>
      %gather3A_270 = vector.shape_cast %broadcast_in_dim3A_269 : vector<16x1xi32> to vector<16xi32>
      %gather3A_271 = tpu.dynamic_gather %get3A_6[%gather3A_270] in [0] : vector<16xf32>, vector<16xi32> -> vector<16xf32>
      %mul3A_272 = arith.constant 16 : i32
      %mul3A_273 = arith.muli %scan3A_261, %mul3A_272 : i32
      %swap3A_274 = arith.constant 0 : i32
      %swap3A_275 = arith.constant 8 : i32
      %swap3A_276 = arith.index_cast %swap3A_274 : i32 to index
      %swap3A_277 = arith.index_cast %swap3A_275 : i32 to index
      %swap3A_278 = arith.index_cast %mul3A_273 : i32 to index
      %swap3A_279 = tpu.vector_load %arg7[%swap3A_276, %swap3A_277, %swap3A_278] {strides = array<i32>} : memref<3x16x512xf32, #tpu.memory_space<vmem>>, vector<1x1x16xf32>,
      %swap3A_280 = vector.shape_cast %swap3A_279 : vector<1x1x16xf32> to vector<16xf32>
      %swap3A_281 = vector.shape_cast %gather3A_271 : vector<16xf32> to vector<1x1x16xf32>
      tpu.vector_store %arg7[%swap3A_276, %swap3A_277, %swap3A_278], %swap3A_281 {strides = array<i32>} : memref<3x16x512xf32, #tpu.memory_space<vmem>>, vector<1x1x16xf32>,
      %broadcast_in_dim3A_282 = vector.shape_cast %get3A_268 : vector<16xi32> to vector<16x1xi32>
      %gather3A_283 = vector.shape_cast %broadcast_in_dim3A_282 : vector<16x1xi32> to vector<16xi32>
      %gather3A_284 = tpu.dynamic_gather %get3A_11[%gather3A_283] in [0] : vector<16xf32>, vector<16xi32> -> vector<16xf32>
      %mul3A_285 = arith.constant 16 : i32
      %mul3A_286 = arith.muli %scan3A_261, %mul3A_285 : i32
      %swap3A_287 = arith.constant 1 : i32
      %swap3A_288 = arith.constant 8 : i32
      %swap3A_289 = arith.index_cast %swap3A_287 : i32 to index
      %swap3A_290 = arith.index_cast %swap3A_288 : i32 to index
      %swap3A_291 = arith.index_cast %mul3A_286 : i32 to index
      %swap3A_292 = tpu.vector_load %arg7[%swap3A_289, %swap3A_290, %swap3A_291] {strides = array<i32>} : memref<3x16x512xf32, #tpu.memory_space<vmem>>, vector<1x1x16xf32>,
      %swap3A_293 = vector.shape_cast %swap3A_292 : vector<1x1x16xf32> to vector<16xf32>
      %swap3A_294 = vector.shape_cast %gather3A_284 : vector<16xf32> to vector<1x1x16xf32>
      tpu.vector_store %arg7[%swap3A_289, %swap3A_290, %swap3A_291], %swap3A_294 {strides = array<i32>} : memref<3x16x512xf32, #tpu.memory_space<vmem>>, vector<1x1x16xf32>,
      %broadcast_in_dim3A_295 = vector.shape_cast %get3A_268 : vector<16xi32> to vector<16x1xi32>
      %gather3A_296 = vector.shape_cast %broadcast_in_dim3A_295 : vector<16x1xi32> to vector<16xi32>
      %gather3A_297 = tpu.dynamic_gather %get3A_16[%gather3A_296] in [0] : vector<16xf32>, vector<16xi32> -> vector<16xf32>
      %mul3A_298 = arith.constant 16 : i32
      %mul3A_299 = arith.muli %scan3A_261, %mul3A_298 : i32
      %swap3A_300 = arith.constant 2 : i32
      %swap3A_301 = arith.constant 8 : i32
      %swap3A_302 = arith.index_cast %swap3A_300 : i32 to index
      %swap3A_303 = arith.index_cast %swap3A_301 : i32 to index
      %swap3A_304 = arith.index_cast %mul3A_299 : i32 to index
      %swap3A_305 = tpu.vector_load %arg7[%swap3A_302, %swap3A_303, %swap3A_304] {strides = array<i32>} : memref<3x16x512xf32, #tpu.memory_space<vmem>>, vector<1x1x16xf32>,
      %swap3A_306 = vector.shape_cast %swap3A_305 : vector<1x1x16xf32> to vector<16xf32>
      %swap3A_307 = vector.shape_cast %gather3A_297 : vector<16xf32> to vector<1x1x16xf32>
      tpu.vector_store %arg7[%swap3A_302, %swap3A_303, %swap3A_304], %swap3A_307 {strides = array<i32>} : memref<3x16x512xf32, #tpu.memory_space<vmem>>, vector<1x1x16xf32>,
    }
    %scan3A_69 = arith.constant 32 : i32
    %scan3A_70 = arith.constant 0 : i32
    %scan3A_71 = arith.constant 0 : i32
    %scan3A_72 = arith.constant 32 : i32
    %scan3A_73 = arith.addi %scan3A_71, %scan3A_72 : i32
    %scan3A_74 = arith.constant 4 : i32
    scf.for %scan3A_120 = %scan3A_71 to %scan3A_73 step %scan3A_74  : i32 {
      %mul3A_121 = arith.constant 16 : i32
      %mul3A_122 = arith.muli %scan3A_120, %mul3A_121 : i32
      %get3A_123 = arith.constant 9 : i32
      %get3A_124 = arith.index_cast %get3A_123 : i32 to index
      %get3A_125 = arith.index_cast %mul3A_122 : i32 to index
      %get3A_126 = tpu.vector_load %arg5[%get3A_124, %get3A_125] {strides = array<i32>} : memref<16x512xi32, #tpu.memory_space<vmem>>, vector<1x16xi32>,
      %get3A_127 = vector.shape_cast %get3A_126 : vector<1x16xi32> to vector<16xi32>
      %broadcast_in_dim3A = vector.shape_cast %get3A_127 : vector<16xi32> to vector<16x1xi32>
      %gather3A = vector.shape_cast %broadcast_in_dim3A : vector<16x1xi32> to vector<16xi32>
      %gather3A_128 = tpu.dynamic_gather %get3A_6[%gather3A] in [0] : vector<16xf32>, vector<16xi32> -> vector<16xf32>
      %mul3A_129 = arith.constant 16 : i32
      %mul3A_130 = arith.muli %scan3A_120, %mul3A_129 : i32
      %swap3A = arith.constant 0 : i32
      %swap3A_131 = arith.constant 9 : i32
      %swap3A_132 = arith.index_cast %swap3A : i32 to index
      %swap3A_133 = arith.index_cast %swap3A_131 : i32 to index
      %swap3A_134 = arith.index_cast %mul3A_130 : i32 to index
      %swap3A_135 = tpu.vector_load %arg7[%swap3A_132, %swap3A_133, %swap3A_134] {strides = array<i32>} : memref<3x16x512xf32, #tpu.memory_space<vmem>>, vector<1x1x16xf32>,
      %swap3A_136 = vector.shape_cast %swap3A_135 : vector<1x1x16xf32> to vector<16xf32>
      %swap3A_137 = vector.shape_cast %gather3A_128 : vector<16xf32> to vector<1x1x16xf32>
      tpu.vector_store %arg7[%swap3A_132, %swap3A_133, %swap3A_134], %swap3A_137 {strides = array<i32>} : memref<3x16x512xf32, #tpu.memory_space<vmem>>, vector<1x1x16xf32>,
      %broadcast_in_dim3A_138 = vector.shape_cast %get3A_127 : vector<16xi32> to vector<16x1xi32>
      %gather3A_139 = vector.shape_cast %broadcast_in_dim3A_138 : vector<16x1xi32> to vector<16xi32>
      %gather3A_140 = tpu.dynamic_gather %get3A_11[%gather3A_139] in [0] : vector<16xf32>, vector<16xi32> -> vector<16xf32>
      %mul3A_141 = arith.constant 16 : i32
      %mul3A_142 = arith.muli %scan3A_120, %mul3A_141 : i32
      %swap3A_143 = arith.constant 1 : i32
      %swap3A_144 = arith.constant 9 : i32
      %swap3A_145 = arith.index_cast %swap3A_143 : i32 to index
      %swap3A_146 = arith.index_cast %swap3A_144 : i32 to index
      %swap3A_147 = arith.index_cast %mul3A_142 : i32 to index
      %swap3A_148 = tpu.vector_load %arg7[%swap3A_145, %swap3A_146, %swap3A_147] {strides = array<i32>} : memref<3x16x512xf32, #tpu.memory_space<vmem>>, vector<1x1x16xf32>,
      %swap3A_149 = vector.shape_cast %swap3A_148 : vector<1x1x16xf32> to vector<16xf32>
      %swap3A_150 = vector.shape_cast %gather3A_140 : vector<16xf32> to vector<1x1x16xf32>
      tpu.vector_store %arg7[%swap3A_145, %swap3A_146, %swap3A_147], %swap3A_150 {strides = array<i32>} : memref<3x16x512xf32, #tpu.memory_space<vmem>>, vector<1x1x16xf32>,
      %broadcast_in_dim3A_151 = vector.shape_cast %get3A_127 : vector<16xi32> to vector<16x1xi32>
      %gather3A_152 = vector.shape_cast %broadcast_in_dim3A_151 : vector<16x1xi32> to vector<16xi32>
      %gather3A_153 = tpu.dynamic_gather %get3A_16[%gather3A_152] in [0] : vector<16xf32>, vector<16xi32> -> vector<16xf32>
      %mul3A_154 = arith.constant 16 : i32
      %mul3A_155 = arith.muli %scan3A_120, %mul3A_154 : i32
      %swap3A_156 = arith.constant 2 : i32
      %swap3A_157 = arith.constant 9 : i32
      %swap3A_158 = arith.index_cast %swap3A_156 : i32 to index
      %swap3A_159 = arith.index_cast %swap3A_157 : i32 to index
      %swap3A_160 = arith.index_cast %mul3A_155 : i32 to index
      %swap3A_161 = tpu.vector_load %arg7[%swap3A_158, %swap3A_159, %swap3A_160] {strides = array<i32>} : memref<3x16x512xf32, #tpu.memory_space<vmem>>, vector<1x1x16xf32>,
      %swap3A_162 = vector.shape_cast %swap3A_161 : vector<1x1x16xf32> to vector<16xf32>
      %swap3A_163 = vector.shape_cast %gather3A_153 : vector<16xf32> to vector<1x1x16xf32>
      tpu.vector_store %arg7[%swap3A_158, %swap3A_159, %swap3A_160], %swap3A_163 {strides = array<i32>} : memref<3x16x512xf32, #tpu.memory_space<vmem>>, vector<1x1x16xf32>,
      %scan3A_164 = arith.constant 1 : i32
      %scan3A_165 = arith.addi %scan3A_120, %scan3A_164 : i32
      %mul3A_166 = arith.constant 16 : i32
      %mul3A_167 = arith.muli %scan3A_165, %mul3A_166 : i32
      %get3A_168 = arith.constant 9 : i32
      %get3A_169 = arith.index_cast %get3A_168 : i32 to index
      %get3A_170 = arith.index_cast %mul3A_167 : i32 to index
      %get3A_171 = tpu.vector_load %arg5[%get3A_169, %get3A_170] {strides = array<i32>} : memref<16x512xi32, #tpu.memory_space<vmem>>, vector<1x16xi32>,
      %get3A_172 = vector.shape_cast %get3A_171 : vector<1x16xi32> to vector<16xi32>
      %broadcast_in_dim3A_173 = vector.shape_cast %get3A_172 : vector<16xi32> to vector<16x1xi32>
      %gather3A_174 = vector.shape_cast %broadcast_in_dim3A_173 : vector<16x1xi32> to vector<16xi32>
      %gather3A_175 = tpu.dynamic_gather %get3A_6[%gather3A_174] in [0] : vector<16xf32>, vector<16xi32> -> vector<16xf32>
      %mul3A_176 = arith.constant 16 : i32
      %mul3A_177 = arith.muli %scan3A_165, %mul3A_176 : i32
      %swap3A_178 = arith.constant 0 : i32
      %swap3A_179 = arith.constant 9 : i32
      %swap3A_180 = arith.index_cast %swap3A_178 : i32 to index
      %swap3A_181 = arith.index_cast %swap3A_179 : i32 to index
      %swap3A_182 = arith.index_cast %mul3A_177 : i32 to index
      %swap3A_183 = tpu.vector_load %arg7[%swap3A_180, %swap3A_181, %swap3A_182] {strides = array<i32>} : memref<3x16x512xf32, #tpu.memory_space<vmem>>, vector<1x1x16xf32>,
      %swap3A_184 = vector.shape_cast %swap3A_183 : vector<1x1x16xf32> to vector<16xf32>
      %swap3A_185 = vector.shape_cast %gather3A_175 : vector<16xf32> to vector<1x1x16xf32>
      tpu.vector_store %arg7[%swap3A_180, %swap3A_181, %swap3A_182], %swap3A_185 {strides = array<i32>} : memref<3x16x512xf32, #tpu.memory_space<vmem>>, vector<1x1x16xf32>,
      %broadcast_in_dim3A_186 = vector.shape_cast %get3A_172 : vector<16xi32> to vector<16x1xi32>
      %gather3A_187 = vector.shape_cast %broadcast_in_dim3A_186 : vector<16x1xi32> to vector<16xi32>
      %gather3A_188 = tpu.dynamic_gather %get3A_11[%gather3A_187] in [0] : vector<16xf32>, vector<16xi32> -> vector<16xf32>
      %mul3A_189 = arith.constant 16 : i32
      %mul3A_190 = arith.muli %scan3A_165, %mul3A_189 : i32
      %swap3A_191 = arith.constant 1 : i32
      %swap3A_192 = arith.constant 9 : i32
      %swap3A_193 = arith.index_cast %swap3A_191 : i32 to index
      %swap3A_194 = arith.index_cast %swap3A_192 : i32 to index
      %swap3A_195 = arith.index_cast %mul3A_190 : i32 to index
      %swap3A_196 = tpu.vector_load %arg7[%swap3A_193, %swap3A_194, %swap3A_195] {strides = array<i32>} : memref<3x16x512xf32, #tpu.memory_space<vmem>>, vector<1x1x16xf32>,
      %swap3A_197 = vector.shape_cast %swap3A_196 : vector<1x1x16xf32> to vector<16xf32>
      %swap3A_198 = vector.shape_cast %gather3A_188 : vector<16xf32> to vector<1x1x16xf32>
      tpu.vector_store %arg7[%swap3A_193, %swap3A_194, %swap3A_195], %swap3A_198 {strides = array<i32>} : memref<3x16x512xf32, #tpu.memory_space<vmem>>, vector<1x1x16xf32>,
      %broadcast_in_dim3A_199 = vector.shape_cast %get3A_172 : vector<16xi32> to vector<16x1xi32>
      %gather3A_200 = vector.shape_cast %broadcast_in_dim3A_199 : vector<16x1xi32> to vector<16xi32>
      %gather3A_201 = tpu.dynamic_gather %get3A_16[%gather3A_200] in [0] : vector<16xf32>, vector<16xi32> -> vector<16xf32>
      %mul3A_202 = arith.constant 16 : i32
      %mul3A_203 = arith.muli %scan3A_165, %mul3A_202 : i32
      %swap3A_204 = arith.constant 2 : i32
      %swap3A_205 = arith.constant 9 : i32
      %swap3A_206 = arith.index_cast %swap3A_204 : i32 to index
      %swap3A_207 = arith.index_cast %swap3A_205 : i32 to index
      %swap3A_208 = arith.index_cast %mul3A_203 : i32 to index
      %swap3A_209 = tpu.vector_load %arg7[%swap3A_206, %swap3A_207, %swap3A_208] {strides = array<i32>} : memref<3x16x512xf32, #tpu.memory_space<vmem>>, vector<1x1x16xf32>,
      %swap3A_210 = vector.shape_cast %swap3A_209 : vector<1x1x16xf32> to vector<16xf32>
      %swap3A_211 = vector.shape_cast %gather3A_201 : vector<16xf32> to vector<1x1x16xf32>
      tpu.vector_store %arg7[%swap3A_206, %swap3A_207, %swap3A_208], %swap3A_211 {strides = array<i32>} : memref<3x16x512xf32, #tpu.memory_space<vmem>>, vector<1x1x16xf32>,
      %scan3A_212 = arith.constant 2 : i32
      %scan3A_213 = arith.addi %scan3A_120, %scan3A_212 : i32
      %mul3A_214 = arith.constant 16 : i32
      %mul3A_215 = arith.muli %scan3A_213, %mul3A_214 : i32
      %get3A_216 = arith.constant 9 : i32
      %get3A_217 = arith.index_cast %get3A_216 : i32 to index
      %get3A_218 = arith.index_cast %mul3A_215 : i32 to index
      %get3A_219 = tpu.vector_load %arg5[%get3A_217, %get3A_218] {strides = array<i32>} : memref<16x512xi32, #tpu.memory_space<vmem>>, vector<1x16xi32>,
      %get3A_220 = vector.shape_cast %get3A_219 : vector<1x16xi32> to vector<16xi32>
      %broadcast_in_dim3A_221 = vector.shape_cast %get3A_220 : vector<16xi32> to vector<16x1xi32>
      %gather3A_222 = vector.shape_cast %broadcast_in_dim3A_221 : vector<16x1xi32> to vector<16xi32>
      %gather3A_223 = tpu.dynamic_gather %get3A_6[%gather3A_222] in [0] : vector<16xf32>, vector<16xi32> -> vector<16xf32>
      %mul3A_224 = arith.constant 16 : i32
      %mul3A_225 = arith.muli %scan3A_213, %mul3A_224 : i32
      %swap3A_226 = arith.constant 0 : i32
      %swap3A_227 = arith.constant 9 : i32
      %swap3A_228 = arith.index_cast %swap3A_226 : i32 to index
      %swap3A_229 = arith.index_cast %swap3A_227 : i32 to index
      %swap3A_230 = arith.index_cast %mul3A_225 : i32 to index
      %swap3A_231 = tpu.vector_load %arg7[%swap3A_228, %swap3A_229, %swap3A_230] {strides = array<i32>} : memref<3x16x512xf32, #tpu.memory_space<vmem>>, vector<1x1x16xf32>,
      %swap3A_232 = vector.shape_cast %swap3A_231 : vector<1x1x16xf32> to vector<16xf32>
      %swap3A_233 = vector.shape_cast %gather3A_223 : vector<16xf32> to vector<1x1x16xf32>
      tpu.vector_store %arg7[%swap3A_228, %swap3A_229, %swap3A_230], %swap3A_233 {strides = array<i32>} : memref<3x16x512xf32, #tpu.memory_space<vmem>>, vector<1x1x16xf32>,
      %broadcast_in_dim3A_234 = vector.shape_cast %get3A_220 : vector<16xi32> to vector<16x1xi32>
      %gather3A_235 = vector.shape_cast %broadcast_in_dim3A_234 : vector<16x1xi32> to vector<16xi32>
      %gather3A_236 = tpu.dynamic_gather %get3A_11[%gather3A_235] in [0] : vector<16xf32>, vector<16xi32> -> vector<16xf32>
      %mul3A_237 = arith.constant 16 : i32
      %mul3A_238 = arith.muli %scan3A_213, %mul3A_237 : i32
      %swap3A_239 = arith.constant 1 : i32
      %swap3A_240 = arith.constant 9 : i32
      %swap3A_241 = arith.index_cast %swap3A_239 : i32 to index
      %swap3A_242 = arith.index_cast %swap3A_240 : i32 to index
      %swap3A_243 = arith.index_cast %mul3A_238 : i32 to index
      %swap3A_244 = tpu.vector_load %arg7[%swap3A_241, %swap3A_242, %swap3A_243] {strides = array<i32>} : memref<3x16x512xf32, #tpu.memory_space<vmem>>, vector<1x1x16xf32>,
      %swap3A_245 = vector.shape_cast %swap3A_244 : vector<1x1x16xf32> to vector<16xf32>
      %swap3A_246 = vector.shape_cast %gather3A_236 : vector<16xf32> to vector<1x1x16xf32>
      tpu.vector_store %arg7[%swap3A_241, %swap3A_242, %swap3A_243], %swap3A_246 {strides = array<i32>} : memref<3x16x512xf32, #tpu.memory_space<vmem>>, vector<1x1x16xf32>,
      %broadcast_in_dim3A_247 = vector.shape_cast %get3A_220 : vector<16xi32> to vector<16x1xi32>
      %gather3A_248 = vector.shape_cast %broadcast_in_dim3A_247 : vector<16x1xi32> to vector<16xi32>
      %gather3A_249 = tpu.dynamic_gather %get3A_16[%gather3A_248] in [0] : vector<16xf32>, vector<16xi32> -> vector<16xf32>
      %mul3A_250 = arith.constant 16 : i32
      %mul3A_251 = arith.muli %scan3A_213, %mul3A_250 : i32
      %swap3A_252 = arith.constant 2 : i32
      %swap3A_253 = arith.constant 9 : i32
      %swap3A_254 = arith.index_cast %swap3A_252 : i32 to index
      %swap3A_255 = arith.index_cast %swap3A_253 : i32 to index
      %swap3A_256 = arith.index_cast %mul3A_251 : i32 to index
      %swap3A_257 = tpu.vector_load %arg7[%swap3A_254, %swap3A_255, %swap3A_256] {strides = array<i32>} : memref<3x16x512xf32, #tpu.memory_space<vmem>>, vector<1x1x16xf32>,
      %swap3A_258 = vector.shape_cast %swap3A_257 : vector<1x1x16xf32> to vector<16xf32>
      %swap3A_259 = vector.shape_cast %gather3A_249 : vector<16xf32> to vector<1x1x16xf32>
      tpu.vector_store %arg7[%swap3A_254, %swap3A_255, %swap3A_256], %swap3A_259 {strides = array<i32>} : memref<3x16x512xf32, #tpu.memory_space<vmem>>, vector<1x1x16xf32>,
      %scan3A_260 = arith.constant 3 : i32
      %scan3A_261 = arith.addi %scan3A_120, %scan3A_260 : i32
      %mul3A_262 = arith.constant 16 : i32
      %mul3A_263 = arith.muli %scan3A_261, %mul3A_262 : i32
      %get3A_264 = arith.constant 9 : i32
      %get3A_265 = arith.index_cast %get3A_264 : i32 to index
      %get3A_266 = arith.index_cast %mul3A_263 : i32 to index
      %get3A_267 = tpu.vector_load %arg5[%get3A_265, %get3A_266] {strides = array<i32>} : memref<16x512xi32, #tpu.memory_space<vmem>>, vector<1x16xi32>,
      %get3A_268 = vector.shape_cast %get3A_267 : vector<1x16xi32> to vector<16xi32>
      %broadcast_in_dim3A_269 = vector.shape_cast %get3A_268 : vector<16xi32> to vector<16x1xi32>
      %gather3A_270 = vector.shape_cast %broadcast_in_dim3A_269 : vector<16x1xi32> to vector<16xi32>
      %gather3A_271 = tpu.dynamic_gather %get3A_6[%gather3A_270] in [0] : vector<16xf32>, vector<16xi32> -> vector<16xf32>
      %mul3A_272 = arith.constant 16 : i32
      %mul3A_273 = arith.muli %scan3A_261, %mul3A_272 : i32
      %swap3A_274 = arith.constant 0 : i32
      %swap3A_275 = arith.constant 9 : i32
      %swap3A_276 = arith.index_cast %swap3A_274 : i32 to index
      %swap3A_277 = arith.index_cast %swap3A_275 : i32 to index
      %swap3A_278 = arith.index_cast %mul3A_273 : i32 to index
      %swap3A_279 = tpu.vector_load %arg7[%swap3A_276, %swap3A_277, %swap3A_278] {strides = array<i32>} : memref<3x16x512xf32, #tpu.memory_space<vmem>>, vector<1x1x16xf32>,
      %swap3A_280 = vector.shape_cast %swap3A_279 : vector<1x1x16xf32> to vector<16xf32>
      %swap3A_281 = vector.shape_cast %gather3A_271 : vector<16xf32> to vector<1x1x16xf32>
      tpu.vector_store %arg7[%swap3A_276, %swap3A_277, %swap3A_278], %swap3A_281 {strides = array<i32>} : memref<3x16x512xf32, #tpu.memory_space<vmem>>, vector<1x1x16xf32>,
      %broadcast_in_dim3A_282 = vector.shape_cast %get3A_268 : vector<16xi32> to vector<16x1xi32>
      %gather3A_283 = vector.shape_cast %broadcast_in_dim3A_282 : vector<16x1xi32> to vector<16xi32>
      %gather3A_284 = tpu.dynamic_gather %get3A_11[%gather3A_283] in [0] : vector<16xf32>, vector<16xi32> -> vector<16xf32>
      %mul3A_285 = arith.constant 16 : i32
      %mul3A_286 = arith.muli %scan3A_261, %mul3A_285 : i32
      %swap3A_287 = arith.constant 1 : i32
      %swap3A_288 = arith.constant 9 : i32
      %swap3A_289 = arith.index_cast %swap3A_287 : i32 to index
      %swap3A_290 = arith.index_cast %swap3A_288 : i32 to index
      %swap3A_291 = arith.index_cast %mul3A_286 : i32 to index
      %swap3A_292 = tpu.vector_load %arg7[%swap3A_289, %swap3A_290, %swap3A_291] {strides = array<i32>} : memref<3x16x512xf32, #tpu.memory_space<vmem>>, vector<1x1x16xf32>,
      %swap3A_293 = vector.shape_cast %swap3A_292 : vector<1x1x16xf32> to vector<16xf32>
      %swap3A_294 = vector.shape_cast %gather3A_284 : vector<16xf32> to vector<1x1x16xf32>
      tpu.vector_store %arg7[%swap3A_289, %swap3A_290, %swap3A_291], %swap3A_294 {strides = array<i32>} : memref<3x16x512xf32, #tpu.memory_space<vmem>>, vector<1x1x16xf32>,
      %broadcast_in_dim3A_295 = vector.shape_cast %get3A_268 : vector<16xi32> to vector<16x1xi32>
      %gather3A_296 = vector.shape_cast %broadcast_in_dim3A_295 : vector<16x1xi32> to vector<16xi32>
      %gather3A_297 = tpu.dynamic_gather %get3A_16[%gather3A_296] in [0] : vector<16xf32>, vector<16xi32> -> vector<16xf32>
      %mul3A_298 = arith.constant 16 : i32
      %mul3A_299 = arith.muli %scan3A_261, %mul3A_298 : i32
      %swap3A_300 = arith.constant 2 : i32
      %swap3A_301 = arith.constant 9 : i32
      %swap3A_302 = arith.index_cast %swap3A_300 : i32 to index
      %swap3A_303 = arith.index_cast %swap3A_301 : i32 to index
      %swap3A_304 = arith.index_cast %mul3A_299 : i32 to index
      %swap3A_305 = tpu.vector_load %arg7[%swap3A_302, %swap3A_303, %swap3A_304] {strides = array<i32>} : memref<3x16x512xf32, #tpu.memory_space<vmem>>, vector<1x1x16xf32>,
      %swap3A_306 = vector.shape_cast %swap3A_305 : vector<1x1x16xf32> to vector<16xf32>
      %swap3A_307 = vector.shape_cast %gather3A_297 : vector<16xf32> to vector<1x1x16xf32>
      tpu.vector_store %arg7[%swap3A_302, %swap3A_303, %swap3A_304], %swap3A_307 {strides = array<i32>} : memref<3x16x512xf32, #tpu.memory_space<vmem>>, vector<1x1x16xf32>,
    }
    %scan3A_75 = arith.constant 32 : i32
    %scan3A_76 = arith.constant 0 : i32
    %scan3A_77 = arith.constant 0 : i32
    %scan3A_78 = arith.constant 32 : i32
    %scan3A_79 = arith.addi %scan3A_77, %scan3A_78 : i32
    %scan3A_80 = arith.constant 4 : i32
    scf.for %scan3A_120 = %scan3A_77 to %scan3A_79 step %scan3A_80  : i32 {
      %mul3A_121 = arith.constant 16 : i32
      %mul3A_122 = arith.muli %scan3A_120, %mul3A_121 : i32
      %get3A_123 = arith.constant 10 : i32
      %get3A_124 = arith.index_cast %get3A_123 : i32 to index
      %get3A_125 = arith.index_cast %mul3A_122 : i32 to index
      %get3A_126 = tpu.vector_load %arg5[%get3A_124, %get3A_125] {strides = array<i32>} : memref<16x512xi32, #tpu.memory_space<vmem>>, vector<1x16xi32>,
      %get3A_127 = vector.shape_cast %get3A_126 : vector<1x16xi32> to vector<16xi32>
      %broadcast_in_dim3A = vector.shape_cast %get3A_127 : vector<16xi32> to vector<16x1xi32>
      %gather3A = vector.shape_cast %broadcast_in_dim3A : vector<16x1xi32> to vector<16xi32>
      %gather3A_128 = tpu.dynamic_gather %get3A_6[%gather3A] in [0] : vector<16xf32>, vector<16xi32> -> vector<16xf32>
      %mul3A_129 = arith.constant 16 : i32
      %mul3A_130 = arith.muli %scan3A_120, %mul3A_129 : i32
      %swap3A = arith.constant 0 : i32
      %swap3A_131 = arith.constant 10 : i32
      %swap3A_132 = arith.index_cast %swap3A : i32 to index
      %swap3A_133 = arith.index_cast %swap3A_131 : i32 to index
      %swap3A_134 = arith.index_cast %mul3A_130 : i32 to index
      %swap3A_135 = tpu.vector_load %arg7[%swap3A_132, %swap3A_133, %swap3A_134] {strides = array<i32>} : memref<3x16x512xf32, #tpu.memory_space<vmem>>, vector<1x1x16xf32>,
      %swap3A_136 = vector.shape_cast %swap3A_135 : vector<1x1x16xf32> to vector<16xf32>
      %swap3A_137 = vector.shape_cast %gather3A_128 : vector<16xf32> to vector<1x1x16xf32>
      tpu.vector_store %arg7[%swap3A_132, %swap3A_133, %swap3A_134], %swap3A_137 {strides = array<i32>} : memref<3x16x512xf32, #tpu.memory_space<vmem>>, vector<1x1x16xf32>,
      %broadcast_in_dim3A_138 = vector.shape_cast %get3A_127 : vector<16xi32> to vector<16x1xi32>
      %gather3A_139 = vector.shape_cast %broadcast_in_dim3A_138 : vector<16x1xi32> to vector<16xi32>
      %gather3A_140 = tpu.dynamic_gather %get3A_11[%gather3A_139] in [0] : vector<16xf32>, vector<16xi32> -> vector<16xf32>
      %mul3A_141 = arith.constant 16 : i32
      %mul3A_142 = arith.muli %scan3A_120, %mul3A_141 : i32
      %swap3A_143 = arith.constant 1 : i32
      %swap3A_144 = arith.constant 10 : i32
      %swap3A_145 = arith.index_cast %swap3A_143 : i32 to index
      %swap3A_146 = arith.index_cast %swap3A_144 : i32 to index
      %swap3A_147 = arith.index_cast %mul3A_142 : i32 to index
      %swap3A_148 = tpu.vector_load %arg7[%swap3A_145, %swap3A_146, %swap3A_147] {strides = array<i32>} : memref<3x16x512xf32, #tpu.memory_space<vmem>>, vector<1x1x16xf32>,
      %swap3A_149 = vector.shape_cast %swap3A_148 : vector<1x1x16xf32> to vector<16xf32>
      %swap3A_150 = vector.shape_cast %gather3A_140 : vector<16xf32> to vector<1x1x16xf32>
      tpu.vector_store %arg7[%swap3A_145, %swap3A_146, %swap3A_147], %swap3A_150 {strides = array<i32>} : memref<3x16x512xf32, #tpu.memory_space<vmem>>, vector<1x1x16xf32>,
      %broadcast_in_dim3A_151 = vector.shape_cast %get3A_127 : vector<16xi32> to vector<16x1xi32>
      %gather3A_152 = vector.shape_cast %broadcast_in_dim3A_151 : vector<16x1xi32> to vector<16xi32>
      %gather3A_153 = tpu.dynamic_gather %get3A_16[%gather3A_152] in [0] : vector<16xf32>, vector<16xi32> -> vector<16xf32>
      %mul3A_154 = arith.constant 16 : i32
      %mul3A_155 = arith.muli %scan3A_120, %mul3A_154 : i32
      %swap3A_156 = arith.constant 2 : i32
      %swap3A_157 = arith.constant 10 : i32
      %swap3A_158 = arith.index_cast %swap3A_156 : i32 to index
      %swap3A_159 = arith.index_cast %swap3A_157 : i32 to index
      %swap3A_160 = arith.index_cast %mul3A_155 : i32 to index
      %swap3A_161 = tpu.vector_load %arg7[%swap3A_158, %swap3A_159, %swap3A_160] {strides = array<i32>} : memref<3x16x512xf32, #tpu.memory_space<vmem>>, vector<1x1x16xf32>,
      %swap3A_162 = vector.shape_cast %swap3A_161 : vector<1x1x16xf32> to vector<16xf32>
      %swap3A_163 = vector.shape_cast %gather3A_153 : vector<16xf32> to vector<1x1x16xf32>
      tpu.vector_store %arg7[%swap3A_158, %swap3A_159, %swap3A_160], %swap3A_163 {strides = array<i32>} : memref<3x16x512xf32, #tpu.memory_space<vmem>>, vector<1x1x16xf32>,
      %scan3A_164 = arith.constant 1 : i32
      %scan3A_165 = arith.addi %scan3A_120, %scan3A_164 : i32
      %mul3A_166 = arith.constant 16 : i32
      %mul3A_167 = arith.muli %scan3A_165, %mul3A_166 : i32
      %get3A_168 = arith.constant 10 : i32
      %get3A_169 = arith.index_cast %get3A_168 : i32 to index
      %get3A_170 = arith.index_cast %mul3A_167 : i32 to index
      %get3A_171 = tpu.vector_load %arg5[%get3A_169, %get3A_170] {strides = array<i32>} : memref<16x512xi32, #tpu.memory_space<vmem>>, vector<1x16xi32>,
      %get3A_172 = vector.shape_cast %get3A_171 : vector<1x16xi32> to vector<16xi32>
      %broadcast_in_dim3A_173 = vector.shape_cast %get3A_172 : vector<16xi32> to vector<16x1xi32>
      %gather3A_174 = vector.shape_cast %broadcast_in_dim3A_173 : vector<16x1xi32> to vector<16xi32>
      %gather3A_175 = tpu.dynamic_gather %get3A_6[%gather3A_174] in [0] : vector<16xf32>, vector<16xi32> -> vector<16xf32>
      %mul3A_176 = arith.constant 16 : i32
      %mul3A_177 = arith.muli %scan3A_165, %mul3A_176 : i32
      %swap3A_178 = arith.constant 0 : i32
      %swap3A_179 = arith.constant 10 : i32
      %swap3A_180 = arith.index_cast %swap3A_178 : i32 to index
      %swap3A_181 = arith.index_cast %swap3A_179 : i32 to index
      %swap3A_182 = arith.index_cast %mul3A_177 : i32 to index
      %swap3A_183 = tpu.vector_load %arg7[%swap3A_180, %swap3A_181, %swap3A_182] {strides = array<i32>} : memref<3x16x512xf32, #tpu.memory_space<vmem>>, vector<1x1x16xf32>,
      %swap3A_184 = vector.shape_cast %swap3A_183 : vector<1x1x16xf32> to vector<16xf32>
      %swap3A_185 = vector.shape_cast %gather3A_175 : vector<16xf32> to vector<1x1x16xf32>
      tpu.vector_store %arg7[%swap3A_180, %swap3A_181, %swap3A_182], %swap3A_185 {strides = array<i32>} : memref<3x16x512xf32, #tpu.memory_space<vmem>>, vector<1x1x16xf32>,
      %broadcast_in_dim3A_186 = vector.shape_cast %get3A_172 : vector<16xi32> to vector<16x1xi32>
      %gather3A_187 = vector.shape_cast %broadcast_in_dim3A_186 : vector<16x1xi32> to vector<16xi32>
      %gather3A_188 = tpu.dynamic_gather %get3A_11[%gather3A_187] in [0] : vector<16xf32>, vector<16xi32> -> vector<16xf32>
      %mul3A_189 = arith.constant 16 : i32
      %mul3A_190 = arith.muli %scan3A_165, %mul3A_189 : i32
      %swap3A_191 = arith.constant 1 : i32
      %swap3A_192 = arith.constant 10 : i32
      %swap3A_193 = arith.index_cast %swap3A_191 : i32 to index
      %swap3A_194 = arith.index_cast %swap3A_192 : i32 to index
      %swap3A_195 = arith.index_cast %mul3A_190 : i32 to index
      %swap3A_196 = tpu.vector_load %arg7[%swap3A_193, %swap3A_194, %swap3A_195] {strides = array<i32>} : memref<3x16x512xf32, #tpu.memory_space<vmem>>, vector<1x1x16xf32>,
      %swap3A_197 = vector.shape_cast %swap3A_196 : vector<1x1x16xf32> to vector<16xf32>
      %swap3A_198 = vector.shape_cast %gather3A_188 : vector<16xf32> to vector<1x1x16xf32>
      tpu.vector_store %arg7[%swap3A_193, %swap3A_194, %swap3A_195], %swap3A_198 {strides = array<i32>} : memref<3x16x512xf32, #tpu.memory_space<vmem>>, vector<1x1x16xf32>,
      %broadcast_in_dim3A_199 = vector.shape_cast %get3A_172 : vector<16xi32> to vector<16x1xi32>
      %gather3A_200 = vector.shape_cast %broadcast_in_dim3A_199 : vector<16x1xi32> to vector<16xi32>
      %gather3A_201 = tpu.dynamic_gather %get3A_16[%gather3A_200] in [0] : vector<16xf32>, vector<16xi32> -> vector<16xf32>
      %mul3A_202 = arith.constant 16 : i32
      %mul3A_203 = arith.muli %scan3A_165, %mul3A_202 : i32
      %swap3A_204 = arith.constant 2 : i32
      %swap3A_205 = arith.constant 10 : i32
      %swap3A_206 = arith.index_cast %swap3A_204 : i32 to index
      %swap3A_207 = arith.index_cast %swap3A_205 : i32 to index
      %swap3A_208 = arith.index_cast %mul3A_203 : i32 to index
      %swap3A_209 = tpu.vector_load %arg7[%swap3A_206, %swap3A_207, %swap3A_208] {strides = array<i32>} : memref<3x16x512xf32, #tpu.memory_space<vmem>>, vector<1x1x16xf32>,
      %swap3A_210 = vector.shape_cast %swap3A_209 : vector<1x1x16xf32> to vector<16xf32>
      %swap3A_211 = vector.shape_cast %gather3A_201 : vector<16xf32> to vector<1x1x16xf32>
      tpu.vector_store %arg7[%swap3A_206, %swap3A_207, %swap3A_208], %swap3A_211 {strides = array<i32>} : memref<3x16x512xf32, #tpu.memory_space<vmem>>, vector<1x1x16xf32>,
      %scan3A_212 = arith.constant 2 : i32
      %scan3A_213 = arith.addi %scan3A_120, %scan3A_212 : i32
      %mul3A_214 = arith.constant 16 : i32
      %mul3A_215 = arith.muli %scan3A_213, %mul3A_214 : i32
      %get3A_216 = arith.constant 10 : i32
      %get3A_217 = arith.index_cast %get3A_216 : i32 to index
      %get3A_218 = arith.index_cast %mul3A_215 : i32 to index
      %get3A_219 = tpu.vector_load %arg5[%get3A_217, %get3A_218] {strides = array<i32>} : memref<16x512xi32, #tpu.memory_space<vmem>>, vector<1x16xi32>,
      %get3A_220 = vector.shape_cast %get3A_219 : vector<1x16xi32> to vector<16xi32>
      %broadcast_in_dim3A_221 = vector.shape_cast %get3A_220 : vector<16xi32> to vector<16x1xi32>
      %gather3A_222 = vector.shape_cast %broadcast_in_dim3A_221 : vector<16x1xi32> to vector<16xi32>
      %gather3A_223 = tpu.dynamic_gather %get3A_6[%gather3A_222] in [0] : vector<16xf32>, vector<16xi32> -> vector<16xf32>
      %mul3A_224 = arith.constant 16 : i32
      %mul3A_225 = arith.muli %scan3A_213, %mul3A_224 : i32
      %swap3A_226 = arith.constant 0 : i32
      %swap3A_227 = arith.constant 10 : i32
      %swap3A_228 = arith.index_cast %swap3A_226 : i32 to index
      %swap3A_229 = arith.index_cast %swap3A_227 : i32 to index
      %swap3A_230 = arith.index_cast %mul3A_225 : i32 to index
      %swap3A_231 = tpu.vector_load %arg7[%swap3A_228, %swap3A_229, %swap3A_230] {strides = array<i32>} : memref<3x16x512xf32, #tpu.memory_space<vmem>>, vector<1x1x16xf32>,
      %swap3A_232 = vector.shape_cast %swap3A_231 : vector<1x1x16xf32> to vector<16xf32>
      %swap3A_233 = vector.shape_cast %gather3A_223 : vector<16xf32> to vector<1x1x16xf32>
      tpu.vector_store %arg7[%swap3A_228, %swap3A_229, %swap3A_230], %swap3A_233 {strides = array<i32>} : memref<3x16x512xf32, #tpu.memory_space<vmem>>, vector<1x1x16xf32>,
      %broadcast_in_dim3A_234 = vector.shape_cast %get3A_220 : vector<16xi32> to vector<16x1xi32>
      %gather3A_235 = vector.shape_cast %broadcast_in_dim3A_234 : vector<16x1xi32> to vector<16xi32>
      %gather3A_236 = tpu.dynamic_gather %get3A_11[%gather3A_235] in [0] : vector<16xf32>, vector<16xi32> -> vector<16xf32>
      %mul3A_237 = arith.constant 16 : i32
      %mul3A_238 = arith.muli %scan3A_213, %mul3A_237 : i32
      %swap3A_239 = arith.constant 1 : i32
      %swap3A_240 = arith.constant 10 : i32
      %swap3A_241 = arith.index_cast %swap3A_239 : i32 to index
      %swap3A_242 = arith.index_cast %swap3A_240 : i32 to index
      %swap3A_243 = arith.index_cast %mul3A_238 : i32 to index
      %swap3A_244 = tpu.vector_load %arg7[%swap3A_241, %swap3A_242, %swap3A_243] {strides = array<i32>} : memref<3x16x512xf32, #tpu.memory_space<vmem>>, vector<1x1x16xf32>,
      %swap3A_245 = vector.shape_cast %swap3A_244 : vector<1x1x16xf32> to vector<16xf32>
      %swap3A_246 = vector.shape_cast %gather3A_236 : vector<16xf32> to vector<1x1x16xf32>
      tpu.vector_store %arg7[%swap3A_241, %swap3A_242, %swap3A_243], %swap3A_246 {strides = array<i32>} : memref<3x16x512xf32, #tpu.memory_space<vmem>>, vector<1x1x16xf32>,
      %broadcast_in_dim3A_247 = vector.shape_cast %get3A_220 : vector<16xi32> to vector<16x1xi32>
      %gather3A_248 = vector.shape_cast %broadcast_in_dim3A_247 : vector<16x1xi32> to vector<16xi32>
      %gather3A_249 = tpu.dynamic_gather %get3A_16[%gather3A_248] in [0] : vector<16xf32>, vector<16xi32> -> vector<16xf32>
      %mul3A_250 = arith.constant 16 : i32
      %mul3A_251 = arith.muli %scan3A_213, %mul3A_250 : i32
      %swap3A_252 = arith.constant 2 : i32
      %swap3A_253 = arith.constant 10 : i32
      %swap3A_254 = arith.index_cast %swap3A_252 : i32 to index
      %swap3A_255 = arith.index_cast %swap3A_253 : i32 to index
      %swap3A_256 = arith.index_cast %mul3A_251 : i32 to index
      %swap3A_257 = tpu.vector_load %arg7[%swap3A_254, %swap3A_255, %swap3A_256] {strides = array<i32>} : memref<3x16x512xf32, #tpu.memory_space<vmem>>, vector<1x1x16xf32>,
      %swap3A_258 = vector.shape_cast %swap3A_257 : vector<1x1x16xf32> to vector<16xf32>
      %swap3A_259 = vector.shape_cast %gather3A_249 : vector<16xf32> to vector<1x1x16xf32>
      tpu.vector_store %arg7[%swap3A_254, %swap3A_255, %swap3A_256], %swap3A_259 {strides = array<i32>} : memref<3x16x512xf32, #tpu.memory_space<vmem>>, vector<1x1x16xf32>,
      %scan3A_260 = arith.constant 3 : i32
      %scan3A_261 = arith.addi %scan3A_120, %scan3A_260 : i32
      %mul3A_262 = arith.constant 16 : i32
      %mul3A_263 = arith.muli %scan3A_261, %mul3A_262 : i32
      %get3A_264 = arith.constant 10 : i32
      %get3A_265 = arith.index_cast %get3A_264 : i32 to index
      %get3A_266 = arith.index_cast %mul3A_263 : i32 to index
      %get3A_267 = tpu.vector_load %arg5[%get3A_265, %get3A_266] {strides = array<i32>} : memref<16x512xi32, #tpu.memory_space<vmem>>, vector<1x16xi32>,
      %get3A_268 = vector.shape_cast %get3A_267 : vector<1x16xi32> to vector<16xi32>
      %broadcast_in_dim3A_269 = vector.shape_cast %get3A_268 : vector<16xi32> to vector<16x1xi32>
      %gather3A_270 = vector.shape_cast %broadcast_in_dim3A_269 : vector<16x1xi32> to vector<16xi32>
      %gather3A_271 = tpu.dynamic_gather %get3A_6[%gather3A_270] in [0] : vector<16xf32>, vector<16xi32> -> vector<16xf32>
      %mul3A_272 = arith.constant 16 : i32
      %mul3A_273 = arith.muli %scan3A_261, %mul3A_272 : i32
      %swap3A_274 = arith.constant 0 : i32
      %swap3A_275 = arith.constant 10 : i32
      %swap3A_276 = arith.index_cast %swap3A_274 : i32 to index
      %swap3A_277 = arith.index_cast %swap3A_275 : i32 to index
      %swap3A_278 = arith.index_cast %mul3A_273 : i32 to index
      %swap3A_279 = tpu.vector_load %arg7[%swap3A_276, %swap3A_277, %swap3A_278] {strides = array<i32>} : memref<3x16x512xf32, #tpu.memory_space<vmem>>, vector<1x1x16xf32>,
      %swap3A_280 = vector.shape_cast %swap3A_279 : vector<1x1x16xf32> to vector<16xf32>
      %swap3A_281 = vector.shape_cast %gather3A_271 : vector<16xf32> to vector<1x1x16xf32>
      tpu.vector_store %arg7[%swap3A_276, %swap3A_277, %swap3A_278], %swap3A_281 {strides = array<i32>} : memref<3x16x512xf32, #tpu.memory_space<vmem>>, vector<1x1x16xf32>,
      %broadcast_in_dim3A_282 = vector.shape_cast %get3A_268 : vector<16xi32> to vector<16x1xi32>
      %gather3A_283 = vector.shape_cast %broadcast_in_dim3A_282 : vector<16x1xi32> to vector<16xi32>
      %gather3A_284 = tpu.dynamic_gather %get3A_11[%gather3A_283] in [0] : vector<16xf32>, vector<16xi32> -> vector<16xf32>
      %mul3A_285 = arith.constant 16 : i32
      %mul3A_286 = arith.muli %scan3A_261, %mul3A_285 : i32
      %swap3A_287 = arith.constant 1 : i32
      %swap3A_288 = arith.constant 10 : i32
      %swap3A_289 = arith.index_cast %swap3A_287 : i32 to index
      %swap3A_290 = arith.index_cast %swap3A_288 : i32 to index
      %swap3A_291 = arith.index_cast %mul3A_286 : i32 to index
      %swap3A_292 = tpu.vector_load %arg7[%swap3A_289, %swap3A_290, %swap3A_291] {strides = array<i32>} : memref<3x16x512xf32, #tpu.memory_space<vmem>>, vector<1x1x16xf32>,
      %swap3A_293 = vector.shape_cast %swap3A_292 : vector<1x1x16xf32> to vector<16xf32>
      %swap3A_294 = vector.shape_cast %gather3A_284 : vector<16xf32> to vector<1x1x16xf32>
      tpu.vector_store %arg7[%swap3A_289, %swap3A_290, %swap3A_291], %swap3A_294 {strides = array<i32>} : memref<3x16x512xf32, #tpu.memory_space<vmem>>, vector<1x1x16xf32>,
      %broadcast_in_dim3A_295 = vector.shape_cast %get3A_268 : vector<16xi32> to vector<16x1xi32>
      %gather3A_296 = vector.shape_cast %broadcast_in_dim3A_295 : vector<16x1xi32> to vector<16xi32>
      %gather3A_297 = tpu.dynamic_gather %get3A_16[%gather3A_296] in [0] : vector<16xf32>, vector<16xi32> -> vector<16xf32>
      %mul3A_298 = arith.constant 16 : i32
      %mul3A_299 = arith.muli %scan3A_261, %mul3A_298 : i32
      %swap3A_300 = arith.constant 2 : i32
      %swap3A_301 = arith.constant 10 : i32
      %swap3A_302 = arith.index_cast %swap3A_300 : i32 to index
      %swap3A_303 = arith.index_cast %swap3A_301 : i32 to index
      %swap3A_304 = arith.index_cast %mul3A_299 : i32 to index
      %swap3A_305 = tpu.vector_load %arg7[%swap3A_302, %swap3A_303, %swap3A_304] {strides = array<i32>} : memref<3x16x512xf32, #tpu.memory_space<vmem>>, vector<1x1x16xf32>,
      %swap3A_306 = vector.shape_cast %swap3A_305 : vector<1x1x16xf32> to vector<16xf32>
      %swap3A_307 = vector.shape_cast %gather3A_297 : vector<16xf32> to vector<1x1x16xf32>
      tpu.vector_store %arg7[%swap3A_302, %swap3A_303, %swap3A_304], %swap3A_307 {strides = array<i32>} : memref<3x16x512xf32, #tpu.memory_space<vmem>>, vector<1x1x16xf32>,
    }
    %scan3A_81 = arith.constant 32 : i32
    %scan3A_82 = arith.constant 0 : i32
    %scan3A_83 = arith.constant 0 : i32
    %scan3A_84 = arith.constant 32 : i32
    %scan3A_85 = arith.addi %scan3A_83, %scan3A_84 : i32
    %scan3A_86 = arith.constant 4 : i32
    scf.for %scan3A_120 = %scan3A_83 to %scan3A_85 step %scan3A_86  : i32 {
      %mul3A_121 = arith.constant 16 : i32
      %mul3A_122 = arith.muli %scan3A_120, %mul3A_121 : i32
      %get3A_123 = arith.constant 11 : i32
      %get3A_124 = arith.index_cast %get3A_123 : i32 to index
      %get3A_125 = arith.index_cast %mul3A_122 : i32 to index
      %get3A_126 = tpu.vector_load %arg5[%get3A_124, %get3A_125] {strides = array<i32>} : memref<16x512xi32, #tpu.memory_space<vmem>>, vector<1x16xi32>,
      %get3A_127 = vector.shape_cast %get3A_126 : vector<1x16xi32> to vector<16xi32>
      %broadcast_in_dim3A = vector.shape_cast %get3A_127 : vector<16xi32> to vector<16x1xi32>
      %gather3A = vector.shape_cast %broadcast_in_dim3A : vector<16x1xi32> to vector<16xi32>
      %gather3A_128 = tpu.dynamic_gather %get3A_6[%gather3A] in [0] : vector<16xf32>, vector<16xi32> -> vector<16xf32>
      %mul3A_129 = arith.constant 16 : i32
      %mul3A_130 = arith.muli %scan3A_120, %mul3A_129 : i32
      %swap3A = arith.constant 0 : i32
      %swap3A_131 = arith.constant 11 : i32
      %swap3A_132 = arith.index_cast %swap3A : i32 to index
      %swap3A_133 = arith.index_cast %swap3A_131 : i32 to index
      %swap3A_134 = arith.index_cast %mul3A_130 : i32 to index
      %swap3A_135 = tpu.vector_load %arg7[%swap3A_132, %swap3A_133, %swap3A_134] {strides = array<i32>} : memref<3x16x512xf32, #tpu.memory_space<vmem>>, vector<1x1x16xf32>,
      %swap3A_136 = vector.shape_cast %swap3A_135 : vector<1x1x16xf32> to vector<16xf32>
      %swap3A_137 = vector.shape_cast %gather3A_128 : vector<16xf32> to vector<1x1x16xf32>
      tpu.vector_store %arg7[%swap3A_132, %swap3A_133, %swap3A_134], %swap3A_137 {strides = array<i32>} : memref<3x16x512xf32, #tpu.memory_space<vmem>>, vector<1x1x16xf32>,
      %broadcast_in_dim3A_138 = vector.shape_cast %get3A_127 : vector<16xi32> to vector<16x1xi32>
      %gather3A_139 = vector.shape_cast %broadcast_in_dim3A_138 : vector<16x1xi32> to vector<16xi32>
      %gather3A_140 = tpu.dynamic_gather %get3A_11[%gather3A_139] in [0] : vector<16xf32>, vector<16xi32> -> vector<16xf32>
      %mul3A_141 = arith.constant 16 : i32
      %mul3A_142 = arith.muli %scan3A_120, %mul3A_141 : i32
      %swap3A_143 = arith.constant 1 : i32
      %swap3A_144 = arith.constant 11 : i32
      %swap3A_145 = arith.index_cast %swap3A_143 : i32 to index
      %swap3A_146 = arith.index_cast %swap3A_144 : i32 to index
      %swap3A_147 = arith.index_cast %mul3A_142 : i32 to index
      %swap3A_148 = tpu.vector_load %arg7[%swap3A_145, %swap3A_146, %swap3A_147] {strides = array<i32>} : memref<3x16x512xf32, #tpu.memory_space<vmem>>, vector<1x1x16xf32>,
      %swap3A_149 = vector.shape_cast %swap3A_148 : vector<1x1x16xf32> to vector<16xf32>
      %swap3A_150 = vector.shape_cast %gather3A_140 : vector<16xf32> to vector<1x1x16xf32>
      tpu.vector_store %arg7[%swap3A_145, %swap3A_146, %swap3A_147], %swap3A_150 {strides = array<i32>} : memref<3x16x512xf32, #tpu.memory_space<vmem>>, vector<1x1x16xf32>,
      %broadcast_in_dim3A_151 = vector.shape_cast %get3A_127 : vector<16xi32> to vector<16x1xi32>
      %gather3A_152 = vector.shape_cast %broadcast_in_dim3A_151 : vector<16x1xi32> to vector<16xi32>
      %gather3A_153 = tpu.dynamic_gather %get3A_16[%gather3A_152] in [0] : vector<16xf32>, vector<16xi32> -> vector<16xf32>
      %mul3A_154 = arith.constant 16 : i32
      %mul3A_155 = arith.muli %scan3A_120, %mul3A_154 : i32
      %swap3A_156 = arith.constant 2 : i32
      %swap3A_157 = arith.constant 11 : i32
      %swap3A_158 = arith.index_cast %swap3A_156 : i32 to index
      %swap3A_159 = arith.index_cast %swap3A_157 : i32 to index
      %swap3A_160 = arith.index_cast %mul3A_155 : i32 to index
      %swap3A_161 = tpu.vector_load %arg7[%swap3A_158, %swap3A_159, %swap3A_160] {strides = array<i32>} : memref<3x16x512xf32, #tpu.memory_space<vmem>>, vector<1x1x16xf32>,
      %swap3A_162 = vector.shape_cast %swap3A_161 : vector<1x1x16xf32> to vector<16xf32>
      %swap3A_163 = vector.shape_cast %gather3A_153 : vector<16xf32> to vector<1x1x16xf32>
      tpu.vector_store %arg7[%swap3A_158, %swap3A_159, %swap3A_160], %swap3A_163 {strides = array<i32>} : memref<3x16x512xf32, #tpu.memory_space<vmem>>, vector<1x1x16xf32>,
      %scan3A_164 = arith.constant 1 : i32
      %scan3A_165 = arith.addi %scan3A_120, %scan3A_164 : i32
      %mul3A_166 = arith.constant 16 : i32
      %mul3A_167 = arith.muli %scan3A_165, %mul3A_166 : i32
      %get3A_168 = arith.constant 11 : i32
      %get3A_169 = arith.index_cast %get3A_168 : i32 to index
      %get3A_170 = arith.index_cast %mul3A_167 : i32 to index
      %get3A_171 = tpu.vector_load %arg5[%get3A_169, %get3A_170] {strides = array<i32>} : memref<16x512xi32, #tpu.memory_space<vmem>>, vector<1x16xi32>,
      %get3A_172 = vector.shape_cast %get3A_171 : vector<1x16xi32> to vector<16xi32>
      %broadcast_in_dim3A_173 = vector.shape_cast %get3A_172 : vector<16xi32> to vector<16x1xi32>
      %gather3A_174 = vector.shape_cast %broadcast_in_dim3A_173 : vector<16x1xi32> to vector<16xi32>
      %gather3A_175 = tpu.dynamic_gather %get3A_6[%gather3A_174] in [0] : vector<16xf32>, vector<16xi32> -> vector<16xf32>
      %mul3A_176 = arith.constant 16 : i32
      %mul3A_177 = arith.muli %scan3A_165, %mul3A_176 : i32
      %swap3A_178 = arith.constant 0 : i32
      %swap3A_179 = arith.constant 11 : i32
      %swap3A_180 = arith.index_cast %swap3A_178 : i32 to index
      %swap3A_181 = arith.index_cast %swap3A_179 : i32 to index
      %swap3A_182 = arith.index_cast %mul3A_177 : i32 to index
      %swap3A_183 = tpu.vector_load %arg7[%swap3A_180, %swap3A_181, %swap3A_182] {strides = array<i32>} : memref<3x16x512xf32, #tpu.memory_space<vmem>>, vector<1x1x16xf32>,
      %swap3A_184 = vector.shape_cast %swap3A_183 : vector<1x1x16xf32> to vector<16xf32>
      %swap3A_185 = vector.shape_cast %gather3A_175 : vector<16xf32> to vector<1x1x16xf32>
      tpu.vector_store %arg7[%swap3A_180, %swap3A_181, %swap3A_182], %swap3A_185 {strides = array<i32>} : memref<3x16x512xf32, #tpu.memory_space<vmem>>, vector<1x1x16xf32>,
      %broadcast_in_dim3A_186 = vector.shape_cast %get3A_172 : vector<16xi32> to vector<16x1xi32>
      %gather3A_187 = vector.shape_cast %broadcast_in_dim3A_186 : vector<16x1xi32> to vector<16xi32>
      %gather3A_188 = tpu.dynamic_gather %get3A_11[%gather3A_187] in [0] : vector<16xf32>, vector<16xi32> -> vector<16xf32>
      %mul3A_189 = arith.constant 16 : i32
      %mul3A_190 = arith.muli %scan3A_165, %mul3A_189 : i32
      %swap3A_191 = arith.constant 1 : i32
      %swap3A_192 = arith.constant 11 : i32
      %swap3A_193 = arith.index_cast %swap3A_191 : i32 to index
      %swap3A_194 = arith.index_cast %swap3A_192 : i32 to index
      %swap3A_195 = arith.index_cast %mul3A_190 : i32 to index
      %swap3A_196 = tpu.vector_load %arg7[%swap3A_193, %swap3A_194, %swap3A_195] {strides = array<i32>} : memref<3x16x512xf32, #tpu.memory_space<vmem>>, vector<1x1x16xf32>,
      %swap3A_197 = vector.shape_cast %swap3A_196 : vector<1x1x16xf32> to vector<16xf32>
      %swap3A_198 = vector.shape_cast %gather3A_188 : vector<16xf32> to vector<1x1x16xf32>
      tpu.vector_store %arg7[%swap3A_193, %swap3A_194, %swap3A_195], %swap3A_198 {strides = array<i32>} : memref<3x16x512xf32, #tpu.memory_space<vmem>>, vector<1x1x16xf32>,
      %broadcast_in_dim3A_199 = vector.shape_cast %get3A_172 : vector<16xi32> to vector<16x1xi32>
      %gather3A_200 = vector.shape_cast %broadcast_in_dim3A_199 : vector<16x1xi32> to vector<16xi32>
      %gather3A_201 = tpu.dynamic_gather %get3A_16[%gather3A_200] in [0] : vector<16xf32>, vector<16xi32> -> vector<16xf32>
      %mul3A_202 = arith.constant 16 : i32
      %mul3A_203 = arith.muli %scan3A_165, %mul3A_202 : i32
      %swap3A_204 = arith.constant 2 : i32
      %swap3A_205 = arith.constant 11 : i32
      %swap3A_206 = arith.index_cast %swap3A_204 : i32 to index
      %swap3A_207 = arith.index_cast %swap3A_205 : i32 to index
      %swap3A_208 = arith.index_cast %mul3A_203 : i32 to index
      %swap3A_209 = tpu.vector_load %arg7[%swap3A_206, %swap3A_207, %swap3A_208] {strides = array<i32>} : memref<3x16x512xf32, #tpu.memory_space<vmem>>, vector<1x1x16xf32>,
      %swap3A_210 = vector.shape_cast %swap3A_209 : vector<1x1x16xf32> to vector<16xf32>
      %swap3A_211 = vector.shape_cast %gather3A_201 : vector<16xf32> to vector<1x1x16xf32>
      tpu.vector_store %arg7[%swap3A_206, %swap3A_207, %swap3A_208], %swap3A_211 {strides = array<i32>} : memref<3x16x512xf32, #tpu.memory_space<vmem>>, vector<1x1x16xf32>,
      %scan3A_212 = arith.constant 2 : i32
      %scan3A_213 = arith.addi %scan3A_120, %scan3A_212 : i32
      %mul3A_214 = arith.constant 16 : i32
      %mul3A_215 = arith.muli %scan3A_213, %mul3A_214 : i32
      %get3A_216 = arith.constant 11 : i32
      %get3A_217 = arith.index_cast %get3A_216 : i32 to index
      %get3A_218 = arith.index_cast %mul3A_215 : i32 to index
      %get3A_219 = tpu.vector_load %arg5[%get3A_217, %get3A_218] {strides = array<i32>} : memref<16x512xi32, #tpu.memory_space<vmem>>, vector<1x16xi32>,
      %get3A_220 = vector.shape_cast %get3A_219 : vector<1x16xi32> to vector<16xi32>
      %broadcast_in_dim3A_221 = vector.shape_cast %get3A_220 : vector<16xi32> to vector<16x1xi32>
      %gather3A_222 = vector.shape_cast %broadcast_in_dim3A_221 : vector<16x1xi32> to vector<16xi32>
      %gather3A_223 = tpu.dynamic_gather %get3A_6[%gather3A_222] in [0] : vector<16xf32>, vector<16xi32> -> vector<16xf32>
      %mul3A_224 = arith.constant 16 : i32
      %mul3A_225 = arith.muli %scan3A_213, %mul3A_224 : i32
      %swap3A_226 = arith.constant 0 : i32
      %swap3A_227 = arith.constant 11 : i32
      %swap3A_228 = arith.index_cast %swap3A_226 : i32 to index
      %swap3A_229 = arith.index_cast %swap3A_227 : i32 to index
      %swap3A_230 = arith.index_cast %mul3A_225 : i32 to index
      %swap3A_231 = tpu.vector_load %arg7[%swap3A_228, %swap3A_229, %swap3A_230] {strides = array<i32>} : memref<3x16x512xf32, #tpu.memory_space<vmem>>, vector<1x1x16xf32>,
      %swap3A_232 = vector.shape_cast %swap3A_231 : vector<1x1x16xf32> to vector<16xf32>
      %swap3A_233 = vector.shape_cast %gather3A_223 : vector<16xf32> to vector<1x1x16xf32>
      tpu.vector_store %arg7[%swap3A_228, %swap3A_229, %swap3A_230], %swap3A_233 {strides = array<i32>} : memref<3x16x512xf32, #tpu.memory_space<vmem>>, vector<1x1x16xf32>,
      %broadcast_in_dim3A_234 = vector.shape_cast %get3A_220 : vector<16xi32> to vector<16x1xi32>
      %gather3A_235 = vector.shape_cast %broadcast_in_dim3A_234 : vector<16x1xi32> to vector<16xi32>
      %gather3A_236 = tpu.dynamic_gather %get3A_11[%gather3A_235] in [0] : vector<16xf32>, vector<16xi32> -> vector<16xf32>
      %mul3A_237 = arith.constant 16 : i32
      %mul3A_238 = arith.muli %scan3A_213, %mul3A_237 : i32
      %swap3A_239 = arith.constant 1 : i32
      %swap3A_240 = arith.constant 11 : i32
      %swap3A_241 = arith.index_cast %swap3A_239 : i32 to index
      %swap3A_242 = arith.index_cast %swap3A_240 : i32 to index
      %swap3A_243 = arith.index_cast %mul3A_238 : i32 to index
      %swap3A_244 = tpu.vector_load %arg7[%swap3A_241, %swap3A_242, %swap3A_243] {strides = array<i32>} : memref<3x16x512xf32, #tpu.memory_space<vmem>>, vector<1x1x16xf32>,
      %swap3A_245 = vector.shape_cast %swap3A_244 : vector<1x1x16xf32> to vector<16xf32>
      %swap3A_246 = vector.shape_cast %gather3A_236 : vector<16xf32> to vector<1x1x16xf32>
      tpu.vector_store %arg7[%swap3A_241, %swap3A_242, %swap3A_243], %swap3A_246 {strides = array<i32>} : memref<3x16x512xf32, #tpu.memory_space<vmem>>, vector<1x1x16xf32>,
      %broadcast_in_dim3A_247 = vector.shape_cast %get3A_220 : vector<16xi32> to vector<16x1xi32>
      %gather3A_248 = vector.shape_cast %broadcast_in_dim3A_247 : vector<16x1xi32> to vector<16xi32>
      %gather3A_249 = tpu.dynamic_gather %get3A_16[%gather3A_248] in [0] : vector<16xf32>, vector<16xi32> -> vector<16xf32>
      %mul3A_250 = arith.constant 16 : i32
      %mul3A_251 = arith.muli %scan3A_213, %mul3A_250 : i32
      %swap3A_252 = arith.constant 2 : i32
      %swap3A_253 = arith.constant 11 : i32
      %swap3A_254 = arith.index_cast %swap3A_252 : i32 to index
      %swap3A_255 = arith.index_cast %swap3A_253 : i32 to index
      %swap3A_256 = arith.index_cast %mul3A_251 : i32 to index
      %swap3A_257 = tpu.vector_load %arg7[%swap3A_254, %swap3A_255, %swap3A_256] {strides = array<i32>} : memref<3x16x512xf32, #tpu.memory_space<vmem>>, vector<1x1x16xf32>,
      %swap3A_258 = vector.shape_cast %swap3A_257 : vector<1x1x16xf32> to vector<16xf32>
      %swap3A_259 = vector.shape_cast %gather3A_249 : vector<16xf32> to vector<1x1x16xf32>
      tpu.vector_store %arg7[%swap3A_254, %swap3A_255, %swap3A_256], %swap3A_259 {strides = array<i32>} : memref<3x16x512xf32, #tpu.memory_space<vmem>>, vector<1x1x16xf32>,
      %scan3A_260 = arith.constant 3 : i32
      %scan3A_261 = arith.addi %scan3A_120, %scan3A_260 : i32
      %mul3A_262 = arith.constant 16 : i32
      %mul3A_263 = arith.muli %scan3A_261, %mul3A_262 : i32
      %get3A_264 = arith.constant 11 : i32
      %get3A_265 = arith.index_cast %get3A_264 : i32 to index
      %get3A_266 = arith.index_cast %mul3A_263 : i32 to index
      %get3A_267 = tpu.vector_load %arg5[%get3A_265, %get3A_266] {strides = array<i32>} : memref<16x512xi32, #tpu.memory_space<vmem>>, vector<1x16xi32>,
      %get3A_268 = vector.shape_cast %get3A_267 : vector<1x16xi32> to vector<16xi32>
      %broadcast_in_dim3A_269 = vector.shape_cast %get3A_268 : vector<16xi32> to vector<16x1xi32>
      %gather3A_270 = vector.shape_cast %broadcast_in_dim3A_269 : vector<16x1xi32> to vector<16xi32>
      %gather3A_271 = tpu.dynamic_gather %get3A_6[%gather3A_270] in [0] : vector<16xf32>, vector<16xi32> -> vector<16xf32>
      %mul3A_272 = arith.constant 16 : i32
      %mul3A_273 = arith.muli %scan3A_261, %mul3A_272 : i32
      %swap3A_274 = arith.constant 0 : i32
      %swap3A_275 = arith.constant 11 : i32
      %swap3A_276 = arith.index_cast %swap3A_274 : i32 to index
      %swap3A_277 = arith.index_cast %swap3A_275 : i32 to index
      %swap3A_278 = arith.index_cast %mul3A_273 : i32 to index
      %swap3A_279 = tpu.vector_load %arg7[%swap3A_276, %swap3A_277, %swap3A_278] {strides = array<i32>} : memref<3x16x512xf32, #tpu.memory_space<vmem>>, vector<1x1x16xf32>,
      %swap3A_280 = vector.shape_cast %swap3A_279 : vector<1x1x16xf32> to vector<16xf32>
      %swap3A_281 = vector.shape_cast %gather3A_271 : vector<16xf32> to vector<1x1x16xf32>
      tpu.vector_store %arg7[%swap3A_276, %swap3A_277, %swap3A_278], %swap3A_281 {strides = array<i32>} : memref<3x16x512xf32, #tpu.memory_space<vmem>>, vector<1x1x16xf32>,
      %broadcast_in_dim3A_282 = vector.shape_cast %get3A_268 : vector<16xi32> to vector<16x1xi32>
      %gather3A_283 = vector.shape_cast %broadcast_in_dim3A_282 : vector<16x1xi32> to vector<16xi32>
      %gather3A_284 = tpu.dynamic_gather %get3A_11[%gather3A_283] in [0] : vector<16xf32>, vector<16xi32> -> vector<16xf32>
      %mul3A_285 = arith.constant 16 : i32
      %mul3A_286 = arith.muli %scan3A_261, %mul3A_285 : i32
      %swap3A_287 = arith.constant 1 : i32
      %swap3A_288 = arith.constant 11 : i32
      %swap3A_289 = arith.index_cast %swap3A_287 : i32 to index
      %swap3A_290 = arith.index_cast %swap3A_288 : i32 to index
      %swap3A_291 = arith.index_cast %mul3A_286 : i32 to index
      %swap3A_292 = tpu.vector_load %arg7[%swap3A_289, %swap3A_290, %swap3A_291] {strides = array<i32>} : memref<3x16x512xf32, #tpu.memory_space<vmem>>, vector<1x1x16xf32>,
      %swap3A_293 = vector.shape_cast %swap3A_292 : vector<1x1x16xf32> to vector<16xf32>
      %swap3A_294 = vector.shape_cast %gather3A_284 : vector<16xf32> to vector<1x1x16xf32>
      tpu.vector_store %arg7[%swap3A_289, %swap3A_290, %swap3A_291], %swap3A_294 {strides = array<i32>} : memref<3x16x512xf32, #tpu.memory_space<vmem>>, vector<1x1x16xf32>,
      %broadcast_in_dim3A_295 = vector.shape_cast %get3A_268 : vector<16xi32> to vector<16x1xi32>
      %gather3A_296 = vector.shape_cast %broadcast_in_dim3A_295 : vector<16x1xi32> to vector<16xi32>
      %gather3A_297 = tpu.dynamic_gather %get3A_16[%gather3A_296] in [0] : vector<16xf32>, vector<16xi32> -> vector<16xf32>
      %mul3A_298 = arith.constant 16 : i32
      %mul3A_299 = arith.muli %scan3A_261, %mul3A_298 : i32
      %swap3A_300 = arith.constant 2 : i32
      %swap3A_301 = arith.constant 11 : i32
      %swap3A_302 = arith.index_cast %swap3A_300 : i32 to index
      %swap3A_303 = arith.index_cast %swap3A_301 : i32 to index
      %swap3A_304 = arith.index_cast %mul3A_299 : i32 to index
      %swap3A_305 = tpu.vector_load %arg7[%swap3A_302, %swap3A_303, %swap3A_304] {strides = array<i32>} : memref<3x16x512xf32, #tpu.memory_space<vmem>>, vector<1x1x16xf32>,
      %swap3A_306 = vector.shape_cast %swap3A_305 : vector<1x1x16xf32> to vector<16xf32>
      %swap3A_307 = vector.shape_cast %gather3A_297 : vector<16xf32> to vector<1x1x16xf32>
      tpu.vector_store %arg7[%swap3A_302, %swap3A_303, %swap3A_304], %swap3A_307 {strides = array<i32>} : memref<3x16x512xf32, #tpu.memory_space<vmem>>, vector<1x1x16xf32>,
    }
    %scan3A_87 = arith.constant 32 : i32
    %scan3A_88 = arith.constant 0 : i32
    %scan3A_89 = arith.constant 0 : i32
    %scan3A_90 = arith.constant 32 : i32
    %scan3A_91 = arith.addi %scan3A_89, %scan3A_90 : i32
    %scan3A_92 = arith.constant 4 : i32
    scf.for %scan3A_120 = %scan3A_89 to %scan3A_91 step %scan3A_92  : i32 {
      %mul3A_121 = arith.constant 16 : i32
      %mul3A_122 = arith.muli %scan3A_120, %mul3A_121 : i32
      %get3A_123 = arith.constant 12 : i32
      %get3A_124 = arith.index_cast %get3A_123 : i32 to index
      %get3A_125 = arith.index_cast %mul3A_122 : i32 to index
      %get3A_126 = tpu.vector_load %arg5[%get3A_124, %get3A_125] {strides = array<i32>} : memref<16x512xi32, #tpu.memory_space<vmem>>, vector<1x16xi32>,
      %get3A_127 = vector.shape_cast %get3A_126 : vector<1x16xi32> to vector<16xi32>
      %broadcast_in_dim3A = vector.shape_cast %get3A_127 : vector<16xi32> to vector<16x1xi32>
      %gather3A = vector.shape_cast %broadcast_in_dim3A : vector<16x1xi32> to vector<16xi32>
      %gather3A_128 = tpu.dynamic_gather %get3A_6[%gather3A] in [0] : vector<16xf32>, vector<16xi32> -> vector<16xf32>
      %mul3A_129 = arith.constant 16 : i32
      %mul3A_130 = arith.muli %scan3A_120, %mul3A_129 : i32
      %swap3A = arith.constant 0 : i32
      %swap3A_131 = arith.constant 12 : i32
      %swap3A_132 = arith.index_cast %swap3A : i32 to index
      %swap3A_133 = arith.index_cast %swap3A_131 : i32 to index
      %swap3A_134 = arith.index_cast %mul3A_130 : i32 to index
      %swap3A_135 = tpu.vector_load %arg7[%swap3A_132, %swap3A_133, %swap3A_134] {strides = array<i32>} : memref<3x16x512xf32, #tpu.memory_space<vmem>>, vector<1x1x16xf32>,
      %swap3A_136 = vector.shape_cast %swap3A_135 : vector<1x1x16xf32> to vector<16xf32>
      %swap3A_137 = vector.shape_cast %gather3A_128 : vector<16xf32> to vector<1x1x16xf32>
      tpu.vector_store %arg7[%swap3A_132, %swap3A_133, %swap3A_134], %swap3A_137 {strides = array<i32>} : memref<3x16x512xf32, #tpu.memory_space<vmem>>, vector<1x1x16xf32>,
      %broadcast_in_dim3A_138 = vector.shape_cast %get3A_127 : vector<16xi32> to vector<16x1xi32>
      %gather3A_139 = vector.shape_cast %broadcast_in_dim3A_138 : vector<16x1xi32> to vector<16xi32>
      %gather3A_140 = tpu.dynamic_gather %get3A_11[%gather3A_139] in [0] : vector<16xf32>, vector<16xi32> -> vector<16xf32>
      %mul3A_141 = arith.constant 16 : i32
      %mul3A_142 = arith.muli %scan3A_120, %mul3A_141 : i32
      %swap3A_143 = arith.constant 1 : i32
      %swap3A_144 = arith.constant 12 : i32
      %swap3A_145 = arith.index_cast %swap3A_143 : i32 to index
      %swap3A_146 = arith.index_cast %swap3A_144 : i32 to index
      %swap3A_147 = arith.index_cast %mul3A_142 : i32 to index
      %swap3A_148 = tpu.vector_load %arg7[%swap3A_145, %swap3A_146, %swap3A_147] {strides = array<i32>} : memref<3x16x512xf32, #tpu.memory_space<vmem>>, vector<1x1x16xf32>,
      %swap3A_149 = vector.shape_cast %swap3A_148 : vector<1x1x16xf32> to vector<16xf32>
      %swap3A_150 = vector.shape_cast %gather3A_140 : vector<16xf32> to vector<1x1x16xf32>
      tpu.vector_store %arg7[%swap3A_145, %swap3A_146, %swap3A_147], %swap3A_150 {strides = array<i32>} : memref<3x16x512xf32, #tpu.memory_space<vmem>>, vector<1x1x16xf32>,
      %broadcast_in_dim3A_151 = vector.shape_cast %get3A_127 : vector<16xi32> to vector<16x1xi32>
      %gather3A_152 = vector.shape_cast %broadcast_in_dim3A_151 : vector<16x1xi32> to vector<16xi32>
      %gather3A_153 = tpu.dynamic_gather %get3A_16[%gather3A_152] in [0] : vector<16xf32>, vector<16xi32> -> vector<16xf32>
      %mul3A_154 = arith.constant 16 : i32
      %mul3A_155 = arith.muli %scan3A_120, %mul3A_154 : i32
      %swap3A_156 = arith.constant 2 : i32
      %swap3A_157 = arith.constant 12 : i32
      %swap3A_158 = arith.index_cast %swap3A_156 : i32 to index
      %swap3A_159 = arith.index_cast %swap3A_157 : i32 to index
      %swap3A_160 = arith.index_cast %mul3A_155 : i32 to index
      %swap3A_161 = tpu.vector_load %arg7[%swap3A_158, %swap3A_159, %swap3A_160] {strides = array<i32>} : memref<3x16x512xf32, #tpu.memory_space<vmem>>, vector<1x1x16xf32>,
      %swap3A_162 = vector.shape_cast %swap3A_161 : vector<1x1x16xf32> to vector<16xf32>
      %swap3A_163 = vector.shape_cast %gather3A_153 : vector<16xf32> to vector<1x1x16xf32>
      tpu.vector_store %arg7[%swap3A_158, %swap3A_159, %swap3A_160], %swap3A_163 {strides = array<i32>} : memref<3x16x512xf32, #tpu.memory_space<vmem>>, vector<1x1x16xf32>,
      %scan3A_164 = arith.constant 1 : i32
      %scan3A_165 = arith.addi %scan3A_120, %scan3A_164 : i32
      %mul3A_166 = arith.constant 16 : i32
      %mul3A_167 = arith.muli %scan3A_165, %mul3A_166 : i32
      %get3A_168 = arith.constant 12 : i32
      %get3A_169 = arith.index_cast %get3A_168 : i32 to index
      %get3A_170 = arith.index_cast %mul3A_167 : i32 to index
      %get3A_171 = tpu.vector_load %arg5[%get3A_169, %get3A_170] {strides = array<i32>} : memref<16x512xi32, #tpu.memory_space<vmem>>, vector<1x16xi32>,
      %get3A_172 = vector.shape_cast %get3A_171 : vector<1x16xi32> to vector<16xi32>
      %broadcast_in_dim3A_173 = vector.shape_cast %get3A_172 : vector<16xi32> to vector<16x1xi32>
      %gather3A_174 = vector.shape_cast %broadcast_in_dim3A_173 : vector<16x1xi32> to vector<16xi32>
      %gather3A_175 = tpu.dynamic_gather %get3A_6[%gather3A_174] in [0] : vector<16xf32>, vector<16xi32> -> vector<16xf32>
      %mul3A_176 = arith.constant 16 : i32
      %mul3A_177 = arith.muli %scan3A_165, %mul3A_176 : i32
      %swap3A_178 = arith.constant 0 : i32
      %swap3A_179 = arith.constant 12 : i32
      %swap3A_180 = arith.index_cast %swap3A_178 : i32 to index
      %swap3A_181 = arith.index_cast %swap3A_179 : i32 to index
      %swap3A_182 = arith.index_cast %mul3A_177 : i32 to index
      %swap3A_183 = tpu.vector_load %arg7[%swap3A_180, %swap3A_181, %swap3A_182] {strides = array<i32>} : memref<3x16x512xf32, #tpu.memory_space<vmem>>, vector<1x1x16xf32>,
      %swap3A_184 = vector.shape_cast %swap3A_183 : vector<1x1x16xf32> to vector<16xf32>
      %swap3A_185 = vector.shape_cast %gather3A_175 : vector<16xf32> to vector<1x1x16xf32>
      tpu.vector_store %arg7[%swap3A_180, %swap3A_181, %swap3A_182], %swap3A_185 {strides = array<i32>} : memref<3x16x512xf32, #tpu.memory_space<vmem>>, vector<1x1x16xf32>,
      %broadcast_in_dim3A_186 = vector.shape_cast %get3A_172 : vector<16xi32> to vector<16x1xi32>
      %gather3A_187 = vector.shape_cast %broadcast_in_dim3A_186 : vector<16x1xi32> to vector<16xi32>
      %gather3A_188 = tpu.dynamic_gather %get3A_11[%gather3A_187] in [0] : vector<16xf32>, vector<16xi32> -> vector<16xf32>
      %mul3A_189 = arith.constant 16 : i32
      %mul3A_190 = arith.muli %scan3A_165, %mul3A_189 : i32
      %swap3A_191 = arith.constant 1 : i32
      %swap3A_192 = arith.constant 12 : i32
      %swap3A_193 = arith.index_cast %swap3A_191 : i32 to index
      %swap3A_194 = arith.index_cast %swap3A_192 : i32 to index
      %swap3A_195 = arith.index_cast %mul3A_190 : i32 to index
      %swap3A_196 = tpu.vector_load %arg7[%swap3A_193, %swap3A_194, %swap3A_195] {strides = array<i32>} : memref<3x16x512xf32, #tpu.memory_space<vmem>>, vector<1x1x16xf32>,
      %swap3A_197 = vector.shape_cast %swap3A_196 : vector<1x1x16xf32> to vector<16xf32>
      %swap3A_198 = vector.shape_cast %gather3A_188 : vector<16xf32> to vector<1x1x16xf32>
      tpu.vector_store %arg7[%swap3A_193, %swap3A_194, %swap3A_195], %swap3A_198 {strides = array<i32>} : memref<3x16x512xf32, #tpu.memory_space<vmem>>, vector<1x1x16xf32>,
      %broadcast_in_dim3A_199 = vector.shape_cast %get3A_172 : vector<16xi32> to vector<16x1xi32>
      %gather3A_200 = vector.shape_cast %broadcast_in_dim3A_199 : vector<16x1xi32> to vector<16xi32>
      %gather3A_201 = tpu.dynamic_gather %get3A_16[%gather3A_200] in [0] : vector<16xf32>, vector<16xi32> -> vector<16xf32>
      %mul3A_202 = arith.constant 16 : i32
      %mul3A_203 = arith.muli %scan3A_165, %mul3A_202 : i32
      %swap3A_204 = arith.constant 2 : i32
      %swap3A_205 = arith.constant 12 : i32
      %swap3A_206 = arith.index_cast %swap3A_204 : i32 to index
      %swap3A_207 = arith.index_cast %swap3A_205 : i32 to index
      %swap3A_208 = arith.index_cast %mul3A_203 : i32 to index
      %swap3A_209 = tpu.vector_load %arg7[%swap3A_206, %swap3A_207, %swap3A_208] {strides = array<i32>} : memref<3x16x512xf32, #tpu.memory_space<vmem>>, vector<1x1x16xf32>,
      %swap3A_210 = vector.shape_cast %swap3A_209 : vector<1x1x16xf32> to vector<16xf32>
      %swap3A_211 = vector.shape_cast %gather3A_201 : vector<16xf32> to vector<1x1x16xf32>
      tpu.vector_store %arg7[%swap3A_206, %swap3A_207, %swap3A_208], %swap3A_211 {strides = array<i32>} : memref<3x16x512xf32, #tpu.memory_space<vmem>>, vector<1x1x16xf32>,
      %scan3A_212 = arith.constant 2 : i32
      %scan3A_213 = arith.addi %scan3A_120, %scan3A_212 : i32
      %mul3A_214 = arith.constant 16 : i32
      %mul3A_215 = arith.muli %scan3A_213, %mul3A_214 : i32
      %get3A_216 = arith.constant 12 : i32
      %get3A_217 = arith.index_cast %get3A_216 : i32 to index
      %get3A_218 = arith.index_cast %mul3A_215 : i32 to index
      %get3A_219 = tpu.vector_load %arg5[%get3A_217, %get3A_218] {strides = array<i32>} : memref<16x512xi32, #tpu.memory_space<vmem>>, vector<1x16xi32>,
      %get3A_220 = vector.shape_cast %get3A_219 : vector<1x16xi32> to vector<16xi32>
      %broadcast_in_dim3A_221 = vector.shape_cast %get3A_220 : vector<16xi32> to vector<16x1xi32>
      %gather3A_222 = vector.shape_cast %broadcast_in_dim3A_221 : vector<16x1xi32> to vector<16xi32>
      %gather3A_223 = tpu.dynamic_gather %get3A_6[%gather3A_222] in [0] : vector<16xf32>, vector<16xi32> -> vector<16xf32>
      %mul3A_224 = arith.constant 16 : i32
      %mul3A_225 = arith.muli %scan3A_213, %mul3A_224 : i32
      %swap3A_226 = arith.constant 0 : i32
      %swap3A_227 = arith.constant 12 : i32
      %swap3A_228 = arith.index_cast %swap3A_226 : i32 to index
      %swap3A_229 = arith.index_cast %swap3A_227 : i32 to index
      %swap3A_230 = arith.index_cast %mul3A_225 : i32 to index
      %swap3A_231 = tpu.vector_load %arg7[%swap3A_228, %swap3A_229, %swap3A_230] {strides = array<i32>} : memref<3x16x512xf32, #tpu.memory_space<vmem>>, vector<1x1x16xf32>,
      %swap3A_232 = vector.shape_cast %swap3A_231 : vector<1x1x16xf32> to vector<16xf32>
      %swap3A_233 = vector.shape_cast %gather3A_223 : vector<16xf32> to vector<1x1x16xf32>
      tpu.vector_store %arg7[%swap3A_228, %swap3A_229, %swap3A_230], %swap3A_233 {strides = array<i32>} : memref<3x16x512xf32, #tpu.memory_space<vmem>>, vector<1x1x16xf32>,
      %broadcast_in_dim3A_234 = vector.shape_cast %get3A_220 : vector<16xi32> to vector<16x1xi32>
      %gather3A_235 = vector.shape_cast %broadcast_in_dim3A_234 : vector<16x1xi32> to vector<16xi32>
      %gather3A_236 = tpu.dynamic_gather %get3A_11[%gather3A_235] in [0] : vector<16xf32>, vector<16xi32> -> vector<16xf32>
      %mul3A_237 = arith.constant 16 : i32
      %mul3A_238 = arith.muli %scan3A_213, %mul3A_237 : i32
      %swap3A_239 = arith.constant 1 : i32
      %swap3A_240 = arith.constant 12 : i32
      %swap3A_241 = arith.index_cast %swap3A_239 : i32 to index
      %swap3A_242 = arith.index_cast %swap3A_240 : i32 to index
      %swap3A_243 = arith.index_cast %mul3A_238 : i32 to index
      %swap3A_244 = tpu.vector_load %arg7[%swap3A_241, %swap3A_242, %swap3A_243] {strides = array<i32>} : memref<3x16x512xf32, #tpu.memory_space<vmem>>, vector<1x1x16xf32>,
      %swap3A_245 = vector.shape_cast %swap3A_244 : vector<1x1x16xf32> to vector<16xf32>
      %swap3A_246 = vector.shape_cast %gather3A_236 : vector<16xf32> to vector<1x1x16xf32>
      tpu.vector_store %arg7[%swap3A_241, %swap3A_242, %swap3A_243], %swap3A_246 {strides = array<i32>} : memref<3x16x512xf32, #tpu.memory_space<vmem>>, vector<1x1x16xf32>,
      %broadcast_in_dim3A_247 = vector.shape_cast %get3A_220 : vector<16xi32> to vector<16x1xi32>
      %gather3A_248 = vector.shape_cast %broadcast_in_dim3A_247 : vector<16x1xi32> to vector<16xi32>
      %gather3A_249 = tpu.dynamic_gather %get3A_16[%gather3A_248] in [0] : vector<16xf32>, vector<16xi32> -> vector<16xf32>
      %mul3A_250 = arith.constant 16 : i32
      %mul3A_251 = arith.muli %scan3A_213, %mul3A_250 : i32
      %swap3A_252 = arith.constant 2 : i32
      %swap3A_253 = arith.constant 12 : i32
      %swap3A_254 = arith.index_cast %swap3A_252 : i32 to index
      %swap3A_255 = arith.index_cast %swap3A_253 : i32 to index
      %swap3A_256 = arith.index_cast %mul3A_251 : i32 to index
      %swap3A_257 = tpu.vector_load %arg7[%swap3A_254, %swap3A_255, %swap3A_256] {strides = array<i32>} : memref<3x16x512xf32, #tpu.memory_space<vmem>>, vector<1x1x16xf32>,
      %swap3A_258 = vector.shape_cast %swap3A_257 : vector<1x1x16xf32> to vector<16xf32>
      %swap3A_259 = vector.shape_cast %gather3A_249 : vector<16xf32> to vector<1x1x16xf32>
      tpu.vector_store %arg7[%swap3A_254, %swap3A_255, %swap3A_256], %swap3A_259 {strides = array<i32>} : memref<3x16x512xf32, #tpu.memory_space<vmem>>, vector<1x1x16xf32>,
      %scan3A_260 = arith.constant 3 : i32
      %scan3A_261 = arith.addi %scan3A_120, %scan3A_260 : i32
      %mul3A_262 = arith.constant 16 : i32
      %mul3A_263 = arith.muli %scan3A_261, %mul3A_262 : i32
      %get3A_264 = arith.constant 12 : i32
      %get3A_265 = arith.index_cast %get3A_264 : i32 to index
      %get3A_266 = arith.index_cast %mul3A_263 : i32 to index
      %get3A_267 = tpu.vector_load %arg5[%get3A_265, %get3A_266] {strides = array<i32>} : memref<16x512xi32, #tpu.memory_space<vmem>>, vector<1x16xi32>,
      %get3A_268 = vector.shape_cast %get3A_267 : vector<1x16xi32> to vector<16xi32>
      %broadcast_in_dim3A_269 = vector.shape_cast %get3A_268 : vector<16xi32> to vector<16x1xi32>
      %gather3A_270 = vector.shape_cast %broadcast_in_dim3A_269 : vector<16x1xi32> to vector<16xi32>
      %gather3A_271 = tpu.dynamic_gather %get3A_6[%gather3A_270] in [0] : vector<16xf32>, vector<16xi32> -> vector<16xf32>
      %mul3A_272 = arith.constant 16 : i32
      %mul3A_273 = arith.muli %scan3A_261, %mul3A_272 : i32
      %swap3A_274 = arith.constant 0 : i32
      %swap3A_275 = arith.constant 12 : i32
      %swap3A_276 = arith.index_cast %swap3A_274 : i32 to index
      %swap3A_277 = arith.index_cast %swap3A_275 : i32 to index
      %swap3A_278 = arith.index_cast %mul3A_273 : i32 to index
      %swap3A_279 = tpu.vector_load %arg7[%swap3A_276, %swap3A_277, %swap3A_278] {strides = array<i32>} : memref<3x16x512xf32, #tpu.memory_space<vmem>>, vector<1x1x16xf32>,
      %swap3A_280 = vector.shape_cast %swap3A_279 : vector<1x1x16xf32> to vector<16xf32>
      %swap3A_281 = vector.shape_cast %gather3A_271 : vector<16xf32> to vector<1x1x16xf32>
      tpu.vector_store %arg7[%swap3A_276, %swap3A_277, %swap3A_278], %swap3A_281 {strides = array<i32>} : memref<3x16x512xf32, #tpu.memory_space<vmem>>, vector<1x1x16xf32>,
      %broadcast_in_dim3A_282 = vector.shape_cast %get3A_268 : vector<16xi32> to vector<16x1xi32>
      %gather3A_283 = vector.shape_cast %broadcast_in_dim3A_282 : vector<16x1xi32> to vector<16xi32>
      %gather3A_284 = tpu.dynamic_gather %get3A_11[%gather3A_283] in [0] : vector<16xf32>, vector<16xi32> -> vector<16xf32>
      %mul3A_285 = arith.constant 16 : i32
      %mul3A_286 = arith.muli %scan3A_261, %mul3A_285 : i32
      %swap3A_287 = arith.constant 1 : i32
      %swap3A_288 = arith.constant 12 : i32
      %swap3A_289 = arith.index_cast %swap3A_287 : i32 to index
      %swap3A_290 = arith.index_cast %swap3A_288 : i32 to index
      %swap3A_291 = arith.index_cast %mul3A_286 : i32 to index
      %swap3A_292 = tpu.vector_load %arg7[%swap3A_289, %swap3A_290, %swap3A_291] {strides = array<i32>} : memref<3x16x512xf32, #tpu.memory_space<vmem>>, vector<1x1x16xf32>,
      %swap3A_293 = vector.shape_cast %swap3A_292 : vector<1x1x16xf32> to vector<16xf32>
      %swap3A_294 = vector.shape_cast %gather3A_284 : vector<16xf32> to vector<1x1x16xf32>
      tpu.vector_store %arg7[%swap3A_289, %swap3A_290, %swap3A_291], %swap3A_294 {strides = array<i32>} : memref<3x16x512xf32, #tpu.memory_space<vmem>>, vector<1x1x16xf32>,
      %broadcast_in_dim3A_295 = vector.shape_cast %get3A_268 : vector<16xi32> to vector<16x1xi32>
      %gather3A_296 = vector.shape_cast %broadcast_in_dim3A_295 : vector<16x1xi32> to vector<16xi32>
      %gather3A_297 = tpu.dynamic_gather %get3A_16[%gather3A_296] in [0] : vector<16xf32>, vector<16xi32> -> vector<16xf32>
      %mul3A_298 = arith.constant 16 : i32
      %mul3A_299 = arith.muli %scan3A_261, %mul3A_298 : i32
      %swap3A_300 = arith.constant 2 : i32
      %swap3A_301 = arith.constant 12 : i32
      %swap3A_302 = arith.index_cast %swap3A_300 : i32 to index
      %swap3A_303 = arith.index_cast %swap3A_301 : i32 to index
      %swap3A_304 = arith.index_cast %mul3A_299 : i32 to index
      %swap3A_305 = tpu.vector_load %arg7[%swap3A_302, %swap3A_303, %swap3A_304] {strides = array<i32>} : memref<3x16x512xf32, #tpu.memory_space<vmem>>, vector<1x1x16xf32>,
      %swap3A_306 = vector.shape_cast %swap3A_305 : vector<1x1x16xf32> to vector<16xf32>
      %swap3A_307 = vector.shape_cast %gather3A_297 : vector<16xf32> to vector<1x1x16xf32>
      tpu.vector_store %arg7[%swap3A_302, %swap3A_303, %swap3A_304], %swap3A_307 {strides = array<i32>} : memref<3x16x512xf32, #tpu.memory_space<vmem>>, vector<1x1x16xf32>,
    }
    %scan3A_93 = arith.constant 32 : i32
    %scan3A_94 = arith.constant 0 : i32
    %scan3A_95 = arith.constant 0 : i32
    %scan3A_96 = arith.constant 32 : i32
    %scan3A_97 = arith.addi %scan3A_95, %scan3A_96 : i32
    %scan3A_98 = arith.constant 4 : i32
    scf.for %scan3A_120 = %scan3A_95 to %scan3A_97 step %scan3A_98  : i32 {
      %mul3A_121 = arith.constant 16 : i32
      %mul3A_122 = arith.muli %scan3A_120, %mul3A_121 : i32
      %get3A_123 = arith.constant 13 : i32
      %get3A_124 = arith.index_cast %get3A_123 : i32 to index
      %get3A_125 = arith.index_cast %mul3A_122 : i32 to index
      %get3A_126 = tpu.vector_load %arg5[%get3A_124, %get3A_125] {strides = array<i32>} : memref<16x512xi32, #tpu.memory_space<vmem>>, vector<1x16xi32>,
      %get3A_127 = vector.shape_cast %get3A_126 : vector<1x16xi32> to vector<16xi32>
      %broadcast_in_dim3A = vector.shape_cast %get3A_127 : vector<16xi32> to vector<16x1xi32>
      %gather3A = vector.shape_cast %broadcast_in_dim3A : vector<16x1xi32> to vector<16xi32>
      %gather3A_128 = tpu.dynamic_gather %get3A_6[%gather3A] in [0] : vector<16xf32>, vector<16xi32> -> vector<16xf32>
      %mul3A_129 = arith.constant 16 : i32
      %mul3A_130 = arith.muli %scan3A_120, %mul3A_129 : i32
      %swap3A = arith.constant 0 : i32
      %swap3A_131 = arith.constant 13 : i32
      %swap3A_132 = arith.index_cast %swap3A : i32 to index
      %swap3A_133 = arith.index_cast %swap3A_131 : i32 to index
      %swap3A_134 = arith.index_cast %mul3A_130 : i32 to index
      %swap3A_135 = tpu.vector_load %arg7[%swap3A_132, %swap3A_133, %swap3A_134] {strides = array<i32>} : memref<3x16x512xf32, #tpu.memory_space<vmem>>, vector<1x1x16xf32>,
      %swap3A_136 = vector.shape_cast %swap3A_135 : vector<1x1x16xf32> to vector<16xf32>
      %swap3A_137 = vector.shape_cast %gather3A_128 : vector<16xf32> to vector<1x1x16xf32>
      tpu.vector_store %arg7[%swap3A_132, %swap3A_133, %swap3A_134], %swap3A_137 {strides = array<i32>} : memref<3x16x512xf32, #tpu.memory_space<vmem>>, vector<1x1x16xf32>,
      %broadcast_in_dim3A_138 = vector.shape_cast %get3A_127 : vector<16xi32> to vector<16x1xi32>
      %gather3A_139 = vector.shape_cast %broadcast_in_dim3A_138 : vector<16x1xi32> to vector<16xi32>
      %gather3A_140 = tpu.dynamic_gather %get3A_11[%gather3A_139] in [0] : vector<16xf32>, vector<16xi32> -> vector<16xf32>
      %mul3A_141 = arith.constant 16 : i32
      %mul3A_142 = arith.muli %scan3A_120, %mul3A_141 : i32
      %swap3A_143 = arith.constant 1 : i32
      %swap3A_144 = arith.constant 13 : i32
      %swap3A_145 = arith.index_cast %swap3A_143 : i32 to index
      %swap3A_146 = arith.index_cast %swap3A_144 : i32 to index
      %swap3A_147 = arith.index_cast %mul3A_142 : i32 to index
      %swap3A_148 = tpu.vector_load %arg7[%swap3A_145, %swap3A_146, %swap3A_147] {strides = array<i32>} : memref<3x16x512xf32, #tpu.memory_space<vmem>>, vector<1x1x16xf32>,
      %swap3A_149 = vector.shape_cast %swap3A_148 : vector<1x1x16xf32> to vector<16xf32>
      %swap3A_150 = vector.shape_cast %gather3A_140 : vector<16xf32> to vector<1x1x16xf32>
      tpu.vector_store %arg7[%swap3A_145, %swap3A_146, %swap3A_147], %swap3A_150 {strides = array<i32>} : memref<3x16x512xf32, #tpu.memory_space<vmem>>, vector<1x1x16xf32>,
      %broadcast_in_dim3A_151 = vector.shape_cast %get3A_127 : vector<16xi32> to vector<16x1xi32>
      %gather3A_152 = vector.shape_cast %broadcast_in_dim3A_151 : vector<16x1xi32> to vector<16xi32>
      %gather3A_153 = tpu.dynamic_gather %get3A_16[%gather3A_152] in [0] : vector<16xf32>, vector<16xi32> -> vector<16xf32>
      %mul3A_154 = arith.constant 16 : i32
      %mul3A_155 = arith.muli %scan3A_120, %mul3A_154 : i32
      %swap3A_156 = arith.constant 2 : i32
      %swap3A_157 = arith.constant 13 : i32
      %swap3A_158 = arith.index_cast %swap3A_156 : i32 to index
      %swap3A_159 = arith.index_cast %swap3A_157 : i32 to index
      %swap3A_160 = arith.index_cast %mul3A_155 : i32 to index
      %swap3A_161 = tpu.vector_load %arg7[%swap3A_158, %swap3A_159, %swap3A_160] {strides = array<i32>} : memref<3x16x512xf32, #tpu.memory_space<vmem>>, vector<1x1x16xf32>,
      %swap3A_162 = vector.shape_cast %swap3A_161 : vector<1x1x16xf32> to vector<16xf32>
      %swap3A_163 = vector.shape_cast %gather3A_153 : vector<16xf32> to vector<1x1x16xf32>
      tpu.vector_store %arg7[%swap3A_158, %swap3A_159, %swap3A_160], %swap3A_163 {strides = array<i32>} : memref<3x16x512xf32, #tpu.memory_space<vmem>>, vector<1x1x16xf32>,
      %scan3A_164 = arith.constant 1 : i32
      %scan3A_165 = arith.addi %scan3A_120, %scan3A_164 : i32
      %mul3A_166 = arith.constant 16 : i32
      %mul3A_167 = arith.muli %scan3A_165, %mul3A_166 : i32
      %get3A_168 = arith.constant 13 : i32
      %get3A_169 = arith.index_cast %get3A_168 : i32 to index
      %get3A_170 = arith.index_cast %mul3A_167 : i32 to index
      %get3A_171 = tpu.vector_load %arg5[%get3A_169, %get3A_170] {strides = array<i32>} : memref<16x512xi32, #tpu.memory_space<vmem>>, vector<1x16xi32>,
      %get3A_172 = vector.shape_cast %get3A_171 : vector<1x16xi32> to vector<16xi32>
      %broadcast_in_dim3A_173 = vector.shape_cast %get3A_172 : vector<16xi32> to vector<16x1xi32>
      %gather3A_174 = vector.shape_cast %broadcast_in_dim3A_173 : vector<16x1xi32> to vector<16xi32>
      %gather3A_175 = tpu.dynamic_gather %get3A_6[%gather3A_174] in [0] : vector<16xf32>, vector<16xi32> -> vector<16xf32>
      %mul3A_176 = arith.constant 16 : i32
      %mul3A_177 = arith.muli %scan3A_165, %mul3A_176 : i32
      %swap3A_178 = arith.constant 0 : i32
      %swap3A_179 = arith.constant 13 : i32
      %swap3A_180 = arith.index_cast %swap3A_178 : i32 to index
      %swap3A_181 = arith.index_cast %swap3A_179 : i32 to index
      %swap3A_182 = arith.index_cast %mul3A_177 : i32 to index
      %swap3A_183 = tpu.vector_load %arg7[%swap3A_180, %swap3A_181, %swap3A_182] {strides = array<i32>} : memref<3x16x512xf32, #tpu.memory_space<vmem>>, vector<1x1x16xf32>,
      %swap3A_184 = vector.shape_cast %swap3A_183 : vector<1x1x16xf32> to vector<16xf32>
      %swap3A_185 = vector.shape_cast %gather3A_175 : vector<16xf32> to vector<1x1x16xf32>
      tpu.vector_store %arg7[%swap3A_180, %swap3A_181, %swap3A_182], %swap3A_185 {strides = array<i32>} : memref<3x16x512xf32, #tpu.memory_space<vmem>>, vector<1x1x16xf32>,
      %broadcast_in_dim3A_186 = vector.shape_cast %get3A_172 : vector<16xi32> to vector<16x1xi32>
      %gather3A_187 = vector.shape_cast %broadcast_in_dim3A_186 : vector<16x1xi32> to vector<16xi32>
      %gather3A_188 = tpu.dynamic_gather %get3A_11[%gather3A_187] in [0] : vector<16xf32>, vector<16xi32> -> vector<16xf32>
      %mul3A_189 = arith.constant 16 : i32
      %mul3A_190 = arith.muli %scan3A_165, %mul3A_189 : i32
      %swap3A_191 = arith.constant 1 : i32
      %swap3A_192 = arith.constant 13 : i32
      %swap3A_193 = arith.index_cast %swap3A_191 : i32 to index
      %swap3A_194 = arith.index_cast %swap3A_192 : i32 to index
      %swap3A_195 = arith.index_cast %mul3A_190 : i32 to index
      %swap3A_196 = tpu.vector_load %arg7[%swap3A_193, %swap3A_194, %swap3A_195] {strides = array<i32>} : memref<3x16x512xf32, #tpu.memory_space<vmem>>, vector<1x1x16xf32>,
      %swap3A_197 = vector.shape_cast %swap3A_196 : vector<1x1x16xf32> to vector<16xf32>
      %swap3A_198 = vector.shape_cast %gather3A_188 : vector<16xf32> to vector<1x1x16xf32>
      tpu.vector_store %arg7[%swap3A_193, %swap3A_194, %swap3A_195], %swap3A_198 {strides = array<i32>} : memref<3x16x512xf32, #tpu.memory_space<vmem>>, vector<1x1x16xf32>,
      %broadcast_in_dim3A_199 = vector.shape_cast %get3A_172 : vector<16xi32> to vector<16x1xi32>
      %gather3A_200 = vector.shape_cast %broadcast_in_dim3A_199 : vector<16x1xi32> to vector<16xi32>
      %gather3A_201 = tpu.dynamic_gather %get3A_16[%gather3A_200] in [0] : vector<16xf32>, vector<16xi32> -> vector<16xf32>
      %mul3A_202 = arith.constant 16 : i32
      %mul3A_203 = arith.muli %scan3A_165, %mul3A_202 : i32
      %swap3A_204 = arith.constant 2 : i32
      %swap3A_205 = arith.constant 13 : i32
      %swap3A_206 = arith.index_cast %swap3A_204 : i32 to index
      %swap3A_207 = arith.index_cast %swap3A_205 : i32 to index
      %swap3A_208 = arith.index_cast %mul3A_203 : i32 to index
      %swap3A_209 = tpu.vector_load %arg7[%swap3A_206, %swap3A_207, %swap3A_208] {strides = array<i32>} : memref<3x16x512xf32, #tpu.memory_space<vmem>>, vector<1x1x16xf32>,
      %swap3A_210 = vector.shape_cast %swap3A_209 : vector<1x1x16xf32> to vector<16xf32>
      %swap3A_211 = vector.shape_cast %gather3A_201 : vector<16xf32> to vector<1x1x16xf32>
      tpu.vector_store %arg7[%swap3A_206, %swap3A_207, %swap3A_208], %swap3A_211 {strides = array<i32>} : memref<3x16x512xf32, #tpu.memory_space<vmem>>, vector<1x1x16xf32>,
      %scan3A_212 = arith.constant 2 : i32
      %scan3A_213 = arith.addi %scan3A_120, %scan3A_212 : i32
      %mul3A_214 = arith.constant 16 : i32
      %mul3A_215 = arith.muli %scan3A_213, %mul3A_214 : i32
      %get3A_216 = arith.constant 13 : i32
      %get3A_217 = arith.index_cast %get3A_216 : i32 to index
      %get3A_218 = arith.index_cast %mul3A_215 : i32 to index
      %get3A_219 = tpu.vector_load %arg5[%get3A_217, %get3A_218] {strides = array<i32>} : memref<16x512xi32, #tpu.memory_space<vmem>>, vector<1x16xi32>,
      %get3A_220 = vector.shape_cast %get3A_219 : vector<1x16xi32> to vector<16xi32>
      %broadcast_in_dim3A_221 = vector.shape_cast %get3A_220 : vector<16xi32> to vector<16x1xi32>
      %gather3A_222 = vector.shape_cast %broadcast_in_dim3A_221 : vector<16x1xi32> to vector<16xi32>
      %gather3A_223 = tpu.dynamic_gather %get3A_6[%gather3A_222] in [0] : vector<16xf32>, vector<16xi32> -> vector<16xf32>
      %mul3A_224 = arith.constant 16 : i32
      %mul3A_225 = arith.muli %scan3A_213, %mul3A_224 : i32
      %swap3A_226 = arith.constant 0 : i32
      %swap3A_227 = arith.constant 13 : i32
      %swap3A_228 = arith.index_cast %swap3A_226 : i32 to index
      %swap3A_229 = arith.index_cast %swap3A_227 : i32 to index
      %swap3A_230 = arith.index_cast %mul3A_225 : i32 to index
      %swap3A_231 = tpu.vector_load %arg7[%swap3A_228, %swap3A_229, %swap3A_230] {strides = array<i32>} : memref<3x16x512xf32, #tpu.memory_space<vmem>>, vector<1x1x16xf32>,
      %swap3A_232 = vector.shape_cast %swap3A_231 : vector<1x1x16xf32> to vector<16xf32>
      %swap3A_233 = vector.shape_cast %gather3A_223 : vector<16xf32> to vector<1x1x16xf32>
      tpu.vector_store %arg7[%swap3A_228, %swap3A_229, %swap3A_230], %swap3A_233 {strides = array<i32>} : memref<3x16x512xf32, #tpu.memory_space<vmem>>, vector<1x1x16xf32>,
      %broadcast_in_dim3A_234 = vector.shape_cast %get3A_220 : vector<16xi32> to vector<16x1xi32>
      %gather3A_235 = vector.shape_cast %broadcast_in_dim3A_234 : vector<16x1xi32> to vector<16xi32>
      %gather3A_236 = tpu.dynamic_gather %get3A_11[%gather3A_235] in [0] : vector<16xf32>, vector<16xi32> -> vector<16xf32>
      %mul3A_237 = arith.constant 16 : i32
      %mul3A_238 = arith.muli %scan3A_213, %mul3A_237 : i32
      %swap3A_239 = arith.constant 1 : i32
      %swap3A_240 = arith.constant 13 : i32
      %swap3A_241 = arith.index_cast %swap3A_239 : i32 to index
      %swap3A_242 = arith.index_cast %swap3A_240 : i32 to index
      %swap3A_243 = arith.index_cast %mul3A_238 : i32 to index
      %swap3A_244 = tpu.vector_load %arg7[%swap3A_241, %swap3A_242, %swap3A_243] {strides = array<i32>} : memref<3x16x512xf32, #tpu.memory_space<vmem>>, vector<1x1x16xf32>,
      %swap3A_245 = vector.shape_cast %swap3A_244 : vector<1x1x16xf32> to vector<16xf32>
      %swap3A_246 = vector.shape_cast %gather3A_236 : vector<16xf32> to vector<1x1x16xf32>
      tpu.vector_store %arg7[%swap3A_241, %swap3A_242, %swap3A_243], %swap3A_246 {strides = array<i32>} : memref<3x16x512xf32, #tpu.memory_space<vmem>>, vector<1x1x16xf32>,
      %broadcast_in_dim3A_247 = vector.shape_cast %get3A_220 : vector<16xi32> to vector<16x1xi32>
      %gather3A_248 = vector.shape_cast %broadcast_in_dim3A_247 : vector<16x1xi32> to vector<16xi32>
      %gather3A_249 = tpu.dynamic_gather %get3A_16[%gather3A_248] in [0] : vector<16xf32>, vector<16xi32> -> vector<16xf32>
      %mul3A_250 = arith.constant 16 : i32
      %mul3A_251 = arith.muli %scan3A_213, %mul3A_250 : i32
      %swap3A_252 = arith.constant 2 : i32
      %swap3A_253 = arith.constant 13 : i32
      %swap3A_254 = arith.index_cast %swap3A_252 : i32 to index
      %swap3A_255 = arith.index_cast %swap3A_253 : i32 to index
      %swap3A_256 = arith.index_cast %mul3A_251 : i32 to index
      %swap3A_257 = tpu.vector_load %arg7[%swap3A_254, %swap3A_255, %swap3A_256] {strides = array<i32>} : memref<3x16x512xf32, #tpu.memory_space<vmem>>, vector<1x1x16xf32>,
      %swap3A_258 = vector.shape_cast %swap3A_257 : vector<1x1x16xf32> to vector<16xf32>
      %swap3A_259 = vector.shape_cast %gather3A_249 : vector<16xf32> to vector<1x1x16xf32>
      tpu.vector_store %arg7[%swap3A_254, %swap3A_255, %swap3A_256], %swap3A_259 {strides = array<i32>} : memref<3x16x512xf32, #tpu.memory_space<vmem>>, vector<1x1x16xf32>,
      %scan3A_260 = arith.constant 3 : i32
      %scan3A_261 = arith.addi %scan3A_120, %scan3A_260 : i32
      %mul3A_262 = arith.constant 16 : i32
      %mul3A_263 = arith.muli %scan3A_261, %mul3A_262 : i32
      %get3A_264 = arith.constant 13 : i32
      %get3A_265 = arith.index_cast %get3A_264 : i32 to index
      %get3A_266 = arith.index_cast %mul3A_263 : i32 to index
      %get3A_267 = tpu.vector_load %arg5[%get3A_265, %get3A_266] {strides = array<i32>} : memref<16x512xi32, #tpu.memory_space<vmem>>, vector<1x16xi32>,
      %get3A_268 = vector.shape_cast %get3A_267 : vector<1x16xi32> to vector<16xi32>
      %broadcast_in_dim3A_269 = vector.shape_cast %get3A_268 : vector<16xi32> to vector<16x1xi32>
      %gather3A_270 = vector.shape_cast %broadcast_in_dim3A_269 : vector<16x1xi32> to vector<16xi32>
      %gather3A_271 = tpu.dynamic_gather %get3A_6[%gather3A_270] in [0] : vector<16xf32>, vector<16xi32> -> vector<16xf32>
      %mul3A_272 = arith.constant 16 : i32
      %mul3A_273 = arith.muli %scan3A_261, %mul3A_272 : i32
      %swap3A_274 = arith.constant 0 : i32
      %swap3A_275 = arith.constant 13 : i32
      %swap3A_276 = arith.index_cast %swap3A_274 : i32 to index
      %swap3A_277 = arith.index_cast %swap3A_275 : i32 to index
      %swap3A_278 = arith.index_cast %mul3A_273 : i32 to index
      %swap3A_279 = tpu.vector_load %arg7[%swap3A_276, %swap3A_277, %swap3A_278] {strides = array<i32>} : memref<3x16x512xf32, #tpu.memory_space<vmem>>, vector<1x1x16xf32>,
      %swap3A_280 = vector.shape_cast %swap3A_279 : vector<1x1x16xf32> to vector<16xf32>
      %swap3A_281 = vector.shape_cast %gather3A_271 : vector<16xf32> to vector<1x1x16xf32>
      tpu.vector_store %arg7[%swap3A_276, %swap3A_277, %swap3A_278], %swap3A_281 {strides = array<i32>} : memref<3x16x512xf32, #tpu.memory_space<vmem>>, vector<1x1x16xf32>,
      %broadcast_in_dim3A_282 = vector.shape_cast %get3A_268 : vector<16xi32> to vector<16x1xi32>
      %gather3A_283 = vector.shape_cast %broadcast_in_dim3A_282 : vector<16x1xi32> to vector<16xi32>
      %gather3A_284 = tpu.dynamic_gather %get3A_11[%gather3A_283] in [0] : vector<16xf32>, vector<16xi32> -> vector<16xf32>
      %mul3A_285 = arith.constant 16 : i32
      %mul3A_286 = arith.muli %scan3A_261, %mul3A_285 : i32
      %swap3A_287 = arith.constant 1 : i32
      %swap3A_288 = arith.constant 13 : i32
      %swap3A_289 = arith.index_cast %swap3A_287 : i32 to index
      %swap3A_290 = arith.index_cast %swap3A_288 : i32 to index
      %swap3A_291 = arith.index_cast %mul3A_286 : i32 to index
      %swap3A_292 = tpu.vector_load %arg7[%swap3A_289, %swap3A_290, %swap3A_291] {strides = array<i32>} : memref<3x16x512xf32, #tpu.memory_space<vmem>>, vector<1x1x16xf32>,
      %swap3A_293 = vector.shape_cast %swap3A_292 : vector<1x1x16xf32> to vector<16xf32>
      %swap3A_294 = vector.shape_cast %gather3A_284 : vector<16xf32> to vector<1x1x16xf32>
      tpu.vector_store %arg7[%swap3A_289, %swap3A_290, %swap3A_291], %swap3A_294 {strides = array<i32>} : memref<3x16x512xf32, #tpu.memory_space<vmem>>, vector<1x1x16xf32>,
      %broadcast_in_dim3A_295 = vector.shape_cast %get3A_268 : vector<16xi32> to vector<16x1xi32>
      %gather3A_296 = vector.shape_cast %broadcast_in_dim3A_295 : vector<16x1xi32> to vector<16xi32>
      %gather3A_297 = tpu.dynamic_gather %get3A_16[%gather3A_296] in [0] : vector<16xf32>, vector<16xi32> -> vector<16xf32>
      %mul3A_298 = arith.constant 16 : i32
      %mul3A_299 = arith.muli %scan3A_261, %mul3A_298 : i32
      %swap3A_300 = arith.constant 2 : i32
      %swap3A_301 = arith.constant 13 : i32
      %swap3A_302 = arith.index_cast %swap3A_300 : i32 to index
      %swap3A_303 = arith.index_cast %swap3A_301 : i32 to index
      %swap3A_304 = arith.index_cast %mul3A_299 : i32 to index
      %swap3A_305 = tpu.vector_load %arg7[%swap3A_302, %swap3A_303, %swap3A_304] {strides = array<i32>} : memref<3x16x512xf32, #tpu.memory_space<vmem>>, vector<1x1x16xf32>,
      %swap3A_306 = vector.shape_cast %swap3A_305 : vector<1x1x16xf32> to vector<16xf32>
      %swap3A_307 = vector.shape_cast %gather3A_297 : vector<16xf32> to vector<1x1x16xf32>
      tpu.vector_store %arg7[%swap3A_302, %swap3A_303, %swap3A_304], %swap3A_307 {strides = array<i32>} : memref<3x16x512xf32, #tpu.memory_space<vmem>>, vector<1x1x16xf32>,
    }
    %scan3A_99 = arith.constant 32 : i32
    %scan3A_100 = arith.constant 0 : i32
    %scan3A_101 = arith.constant 0 : i32
    %scan3A_102 = arith.constant 32 : i32
    %scan3A_103 = arith.addi %scan3A_101, %scan3A_102 : i32
    %scan3A_104 = arith.constant 4 : i32
    scf.for %scan3A_120 = %scan3A_101 to %scan3A_103 step %scan3A_104  : i32 {
      %mul3A_121 = arith.constant 16 : i32
      %mul3A_122 = arith.muli %scan3A_120, %mul3A_121 : i32
      %get3A_123 = arith.constant 14 : i32
      %get3A_124 = arith.index_cast %get3A_123 : i32 to index
      %get3A_125 = arith.index_cast %mul3A_122 : i32 to index
      %get3A_126 = tpu.vector_load %arg5[%get3A_124, %get3A_125] {strides = array<i32>} : memref<16x512xi32, #tpu.memory_space<vmem>>, vector<1x16xi32>,
      %get3A_127 = vector.shape_cast %get3A_126 : vector<1x16xi32> to vector<16xi32>
      %broadcast_in_dim3A = vector.shape_cast %get3A_127 : vector<16xi32> to vector<16x1xi32>
      %gather3A = vector.shape_cast %broadcast_in_dim3A : vector<16x1xi32> to vector<16xi32>
      %gather3A_128 = tpu.dynamic_gather %get3A_6[%gather3A] in [0] : vector<16xf32>, vector<16xi32> -> vector<16xf32>
      %mul3A_129 = arith.constant 16 : i32
      %mul3A_130 = arith.muli %scan3A_120, %mul3A_129 : i32
      %swap3A = arith.constant 0 : i32
      %swap3A_131 = arith.constant 14 : i32
      %swap3A_132 = arith.index_cast %swap3A : i32 to index
      %swap3A_133 = arith.index_cast %swap3A_131 : i32 to index
      %swap3A_134 = arith.index_cast %mul3A_130 : i32 to index
      %swap3A_135 = tpu.vector_load %arg7[%swap3A_132, %swap3A_133, %swap3A_134] {strides = array<i32>} : memref<3x16x512xf32, #tpu.memory_space<vmem>>, vector<1x1x16xf32>,
      %swap3A_136 = vector.shape_cast %swap3A_135 : vector<1x1x16xf32> to vector<16xf32>
      %swap3A_137 = vector.shape_cast %gather3A_128 : vector<16xf32> to vector<1x1x16xf32>
      tpu.vector_store %arg7[%swap3A_132, %swap3A_133, %swap3A_134], %swap3A_137 {strides = array<i32>} : memref<3x16x512xf32, #tpu.memory_space<vmem>>, vector<1x1x16xf32>,
      %broadcast_in_dim3A_138 = vector.shape_cast %get3A_127 : vector<16xi32> to vector<16x1xi32>
      %gather3A_139 = vector.shape_cast %broadcast_in_dim3A_138 : vector<16x1xi32> to vector<16xi32>
      %gather3A_140 = tpu.dynamic_gather %get3A_11[%gather3A_139] in [0] : vector<16xf32>, vector<16xi32> -> vector<16xf32>
      %mul3A_141 = arith.constant 16 : i32
      %mul3A_142 = arith.muli %scan3A_120, %mul3A_141 : i32
      %swap3A_143 = arith.constant 1 : i32
      %swap3A_144 = arith.constant 14 : i32
      %swap3A_145 = arith.index_cast %swap3A_143 : i32 to index
      %swap3A_146 = arith.index_cast %swap3A_144 : i32 to index
      %swap3A_147 = arith.index_cast %mul3A_142 : i32 to index
      %swap3A_148 = tpu.vector_load %arg7[%swap3A_145, %swap3A_146, %swap3A_147] {strides = array<i32>} : memref<3x16x512xf32, #tpu.memory_space<vmem>>, vector<1x1x16xf32>,
      %swap3A_149 = vector.shape_cast %swap3A_148 : vector<1x1x16xf32> to vector<16xf32>
      %swap3A_150 = vector.shape_cast %gather3A_140 : vector<16xf32> to vector<1x1x16xf32>
      tpu.vector_store %arg7[%swap3A_145, %swap3A_146, %swap3A_147], %swap3A_150 {strides = array<i32>} : memref<3x16x512xf32, #tpu.memory_space<vmem>>, vector<1x1x16xf32>,
      %broadcast_in_dim3A_151 = vector.shape_cast %get3A_127 : vector<16xi32> to vector<16x1xi32>
      %gather3A_152 = vector.shape_cast %broadcast_in_dim3A_151 : vector<16x1xi32> to vector<16xi32>
      %gather3A_153 = tpu.dynamic_gather %get3A_16[%gather3A_152] in [0] : vector<16xf32>, vector<16xi32> -> vector<16xf32>
      %mul3A_154 = arith.constant 16 : i32
      %mul3A_155 = arith.muli %scan3A_120, %mul3A_154 : i32
      %swap3A_156 = arith.constant 2 : i32
      %swap3A_157 = arith.constant 14 : i32
      %swap3A_158 = arith.index_cast %swap3A_156 : i32 to index
      %swap3A_159 = arith.index_cast %swap3A_157 : i32 to index
      %swap3A_160 = arith.index_cast %mul3A_155 : i32 to index
      %swap3A_161 = tpu.vector_load %arg7[%swap3A_158, %swap3A_159, %swap3A_160] {strides = array<i32>} : memref<3x16x512xf32, #tpu.memory_space<vmem>>, vector<1x1x16xf32>,
      %swap3A_162 = vector.shape_cast %swap3A_161 : vector<1x1x16xf32> to vector<16xf32>
      %swap3A_163 = vector.shape_cast %gather3A_153 : vector<16xf32> to vector<1x1x16xf32>
      tpu.vector_store %arg7[%swap3A_158, %swap3A_159, %swap3A_160], %swap3A_163 {strides = array<i32>} : memref<3x16x512xf32, #tpu.memory_space<vmem>>, vector<1x1x16xf32>,
      %scan3A_164 = arith.constant 1 : i32
      %scan3A_165 = arith.addi %scan3A_120, %scan3A_164 : i32
      %mul3A_166 = arith.constant 16 : i32
      %mul3A_167 = arith.muli %scan3A_165, %mul3A_166 : i32
      %get3A_168 = arith.constant 14 : i32
      %get3A_169 = arith.index_cast %get3A_168 : i32 to index
      %get3A_170 = arith.index_cast %mul3A_167 : i32 to index
      %get3A_171 = tpu.vector_load %arg5[%get3A_169, %get3A_170] {strides = array<i32>} : memref<16x512xi32, #tpu.memory_space<vmem>>, vector<1x16xi32>,
      %get3A_172 = vector.shape_cast %get3A_171 : vector<1x16xi32> to vector<16xi32>
      %broadcast_in_dim3A_173 = vector.shape_cast %get3A_172 : vector<16xi32> to vector<16x1xi32>
      %gather3A_174 = vector.shape_cast %broadcast_in_dim3A_173 : vector<16x1xi32> to vector<16xi32>
      %gather3A_175 = tpu.dynamic_gather %get3A_6[%gather3A_174] in [0] : vector<16xf32>, vector<16xi32> -> vector<16xf32>
      %mul3A_176 = arith.constant 16 : i32
      %mul3A_177 = arith.muli %scan3A_165, %mul3A_176 : i32
      %swap3A_178 = arith.constant 0 : i32
      %swap3A_179 = arith.constant 14 : i32
      %swap3A_180 = arith.index_cast %swap3A_178 : i32 to index
      %swap3A_181 = arith.index_cast %swap3A_179 : i32 to index
      %swap3A_182 = arith.index_cast %mul3A_177 : i32 to index
      %swap3A_183 = tpu.vector_load %arg7[%swap3A_180, %swap3A_181, %swap3A_182] {strides = array<i32>} : memref<3x16x512xf32, #tpu.memory_space<vmem>>, vector<1x1x16xf32>,
      %swap3A_184 = vector.shape_cast %swap3A_183 : vector<1x1x16xf32> to vector<16xf32>
      %swap3A_185 = vector.shape_cast %gather3A_175 : vector<16xf32> to vector<1x1x16xf32>
      tpu.vector_store %arg7[%swap3A_180, %swap3A_181, %swap3A_182], %swap3A_185 {strides = array<i32>} : memref<3x16x512xf32, #tpu.memory_space<vmem>>, vector<1x1x16xf32>,
      %broadcast_in_dim3A_186 = vector.shape_cast %get3A_172 : vector<16xi32> to vector<16x1xi32>
      %gather3A_187 = vector.shape_cast %broadcast_in_dim3A_186 : vector<16x1xi32> to vector<16xi32>
      %gather3A_188 = tpu.dynamic_gather %get3A_11[%gather3A_187] in [0] : vector<16xf32>, vector<16xi32> -> vector<16xf32>
      %mul3A_189 = arith.constant 16 : i32
      %mul3A_190 = arith.muli %scan3A_165, %mul3A_189 : i32
      %swap3A_191 = arith.constant 1 : i32
      %swap3A_192 = arith.constant 14 : i32
      %swap3A_193 = arith.index_cast %swap3A_191 : i32 to index
      %swap3A_194 = arith.index_cast %swap3A_192 : i32 to index
      %swap3A_195 = arith.index_cast %mul3A_190 : i32 to index
      %swap3A_196 = tpu.vector_load %arg7[%swap3A_193, %swap3A_194, %swap3A_195] {strides = array<i32>} : memref<3x16x512xf32, #tpu.memory_space<vmem>>, vector<1x1x16xf32>,
      %swap3A_197 = vector.shape_cast %swap3A_196 : vector<1x1x16xf32> to vector<16xf32>
      %swap3A_198 = vector.shape_cast %gather3A_188 : vector<16xf32> to vector<1x1x16xf32>
      tpu.vector_store %arg7[%swap3A_193, %swap3A_194, %swap3A_195], %swap3A_198 {strides = array<i32>} : memref<3x16x512xf32, #tpu.memory_space<vmem>>, vector<1x1x16xf32>,
      %broadcast_in_dim3A_199 = vector.shape_cast %get3A_172 : vector<16xi32> to vector<16x1xi32>
      %gather3A_200 = vector.shape_cast %broadcast_in_dim3A_199 : vector<16x1xi32> to vector<16xi32>
      %gather3A_201 = tpu.dynamic_gather %get3A_16[%gather3A_200] in [0] : vector<16xf32>, vector<16xi32> -> vector<16xf32>
      %mul3A_202 = arith.constant 16 : i32
      %mul3A_203 = arith.muli %scan3A_165, %mul3A_202 : i32
      %swap3A_204 = arith.constant 2 : i32
      %swap3A_205 = arith.constant 14 : i32
      %swap3A_206 = arith.index_cast %swap3A_204 : i32 to index
      %swap3A_207 = arith.index_cast %swap3A_205 : i32 to index
      %swap3A_208 = arith.index_cast %mul3A_203 : i32 to index
      %swap3A_209 = tpu.vector_load %arg7[%swap3A_206, %swap3A_207, %swap3A_208] {strides = array<i32>} : memref<3x16x512xf32, #tpu.memory_space<vmem>>, vector<1x1x16xf32>,
      %swap3A_210 = vector.shape_cast %swap3A_209 : vector<1x1x16xf32> to vector<16xf32>
      %swap3A_211 = vector.shape_cast %gather3A_201 : vector<16xf32> to vector<1x1x16xf32>
      tpu.vector_store %arg7[%swap3A_206, %swap3A_207, %swap3A_208], %swap3A_211 {strides = array<i32>} : memref<3x16x512xf32, #tpu.memory_space<vmem>>, vector<1x1x16xf32>,
      %scan3A_212 = arith.constant 2 : i32
      %scan3A_213 = arith.addi %scan3A_120, %scan3A_212 : i32
      %mul3A_214 = arith.constant 16 : i32
      %mul3A_215 = arith.muli %scan3A_213, %mul3A_214 : i32
      %get3A_216 = arith.constant 14 : i32
      %get3A_217 = arith.index_cast %get3A_216 : i32 to index
      %get3A_218 = arith.index_cast %mul3A_215 : i32 to index
      %get3A_219 = tpu.vector_load %arg5[%get3A_217, %get3A_218] {strides = array<i32>} : memref<16x512xi32, #tpu.memory_space<vmem>>, vector<1x16xi32>,
      %get3A_220 = vector.shape_cast %get3A_219 : vector<1x16xi32> to vector<16xi32>
      %broadcast_in_dim3A_221 = vector.shape_cast %get3A_220 : vector<16xi32> to vector<16x1xi32>
      %gather3A_222 = vector.shape_cast %broadcast_in_dim3A_221 : vector<16x1xi32> to vector<16xi32>
      %gather3A_223 = tpu.dynamic_gather %get3A_6[%gather3A_222] in [0] : vector<16xf32>, vector<16xi32> -> vector<16xf32>
      %mul3A_224 = arith.constant 16 : i32
      %mul3A_225 = arith.muli %scan3A_213, %mul3A_224 : i32
      %swap3A_226 = arith.constant 0 : i32
      %swap3A_227 = arith.constant 14 : i32
      %swap3A_228 = arith.index_cast %swap3A_226 : i32 to index
      %swap3A_229 = arith.index_cast %swap3A_227 : i32 to index
      %swap3A_230 = arith.index_cast %mul3A_225 : i32 to index
      %swap3A_231 = tpu.vector_load %arg7[%swap3A_228, %swap3A_229, %swap3A_230] {strides = array<i32>} : memref<3x16x512xf32, #tpu.memory_space<vmem>>, vector<1x1x16xf32>,
      %swap3A_232 = vector.shape_cast %swap3A_231 : vector<1x1x16xf32> to vector<16xf32>
      %swap3A_233 = vector.shape_cast %gather3A_223 : vector<16xf32> to vector<1x1x16xf32>
      tpu.vector_store %arg7[%swap3A_228, %swap3A_229, %swap3A_230], %swap3A_233 {strides = array<i32>} : memref<3x16x512xf32, #tpu.memory_space<vmem>>, vector<1x1x16xf32>,
      %broadcast_in_dim3A_234 = vector.shape_cast %get3A_220 : vector<16xi32> to vector<16x1xi32>
      %gather3A_235 = vector.shape_cast %broadcast_in_dim3A_234 : vector<16x1xi32> to vector<16xi32>
      %gather3A_236 = tpu.dynamic_gather %get3A_11[%gather3A_235] in [0] : vector<16xf32>, vector<16xi32> -> vector<16xf32>
      %mul3A_237 = arith.constant 16 : i32
      %mul3A_238 = arith.muli %scan3A_213, %mul3A_237 : i32
      %swap3A_239 = arith.constant 1 : i32
      %swap3A_240 = arith.constant 14 : i32
      %swap3A_241 = arith.index_cast %swap3A_239 : i32 to index
      %swap3A_242 = arith.index_cast %swap3A_240 : i32 to index
      %swap3A_243 = arith.index_cast %mul3A_238 : i32 to index
      %swap3A_244 = tpu.vector_load %arg7[%swap3A_241, %swap3A_242, %swap3A_243] {strides = array<i32>} : memref<3x16x512xf32, #tpu.memory_space<vmem>>, vector<1x1x16xf32>,
      %swap3A_245 = vector.shape_cast %swap3A_244 : vector<1x1x16xf32> to vector<16xf32>
      %swap3A_246 = vector.shape_cast %gather3A_236 : vector<16xf32> to vector<1x1x16xf32>
      tpu.vector_store %arg7[%swap3A_241, %swap3A_242, %swap3A_243], %swap3A_246 {strides = array<i32>} : memref<3x16x512xf32, #tpu.memory_space<vmem>>, vector<1x1x16xf32>,
      %broadcast_in_dim3A_247 = vector.shape_cast %get3A_220 : vector<16xi32> to vector<16x1xi32>
      %gather3A_248 = vector.shape_cast %broadcast_in_dim3A_247 : vector<16x1xi32> to vector<16xi32>
      %gather3A_249 = tpu.dynamic_gather %get3A_16[%gather3A_248] in [0] : vector<16xf32>, vector<16xi32> -> vector<16xf32>
      %mul3A_250 = arith.constant 16 : i32
      %mul3A_251 = arith.muli %scan3A_213, %mul3A_250 : i32
      %swap3A_252 = arith.constant 2 : i32
      %swap3A_253 = arith.constant 14 : i32
      %swap3A_254 = arith.index_cast %swap3A_252 : i32 to index
      %swap3A_255 = arith.index_cast %swap3A_253 : i32 to index
      %swap3A_256 = arith.index_cast %mul3A_251 : i32 to index
      %swap3A_257 = tpu.vector_load %arg7[%swap3A_254, %swap3A_255, %swap3A_256] {strides = array<i32>} : memref<3x16x512xf32, #tpu.memory_space<vmem>>, vector<1x1x16xf32>,
      %swap3A_258 = vector.shape_cast %swap3A_257 : vector<1x1x16xf32> to vector<16xf32>
      %swap3A_259 = vector.shape_cast %gather3A_249 : vector<16xf32> to vector<1x1x16xf32>
      tpu.vector_store %arg7[%swap3A_254, %swap3A_255, %swap3A_256], %swap3A_259 {strides = array<i32>} : memref<3x16x512xf32, #tpu.memory_space<vmem>>, vector<1x1x16xf32>,
      %scan3A_260 = arith.constant 3 : i32
      %scan3A_261 = arith.addi %scan3A_120, %scan3A_260 : i32
      %mul3A_262 = arith.constant 16 : i32
      %mul3A_263 = arith.muli %scan3A_261, %mul3A_262 : i32
      %get3A_264 = arith.constant 14 : i32
      %get3A_265 = arith.index_cast %get3A_264 : i32 to index
      %get3A_266 = arith.index_cast %mul3A_263 : i32 to index
      %get3A_267 = tpu.vector_load %arg5[%get3A_265, %get3A_266] {strides = array<i32>} : memref<16x512xi32, #tpu.memory_space<vmem>>, vector<1x16xi32>,
      %get3A_268 = vector.shape_cast %get3A_267 : vector<1x16xi32> to vector<16xi32>
      %broadcast_in_dim3A_269 = vector.shape_cast %get3A_268 : vector<16xi32> to vector<16x1xi32>
      %gather3A_270 = vector.shape_cast %broadcast_in_dim3A_269 : vector<16x1xi32> to vector<16xi32>
      %gather3A_271 = tpu.dynamic_gather %get3A_6[%gather3A_270] in [0] : vector<16xf32>, vector<16xi32> -> vector<16xf32>
      %mul3A_272 = arith.constant 16 : i32
      %mul3A_273 = arith.muli %scan3A_261, %mul3A_272 : i32
      %swap3A_274 = arith.constant 0 : i32
      %swap3A_275 = arith.constant 14 : i32
      %swap3A_276 = arith.index_cast %swap3A_274 : i32 to index
      %swap3A_277 = arith.index_cast %swap3A_275 : i32 to index
      %swap3A_278 = arith.index_cast %mul3A_273 : i32 to index
      %swap3A_279 = tpu.vector_load %arg7[%swap3A_276, %swap3A_277, %swap3A_278] {strides = array<i32>} : memref<3x16x512xf32, #tpu.memory_space<vmem>>, vector<1x1x16xf32>,
      %swap3A_280 = vector.shape_cast %swap3A_279 : vector<1x1x16xf32> to vector<16xf32>
      %swap3A_281 = vector.shape_cast %gather3A_271 : vector<16xf32> to vector<1x1x16xf32>
      tpu.vector_store %arg7[%swap3A_276, %swap3A_277, %swap3A_278], %swap3A_281 {strides = array<i32>} : memref<3x16x512xf32, #tpu.memory_space<vmem>>, vector<1x1x16xf32>,
      %broadcast_in_dim3A_282 = vector.shape_cast %get3A_268 : vector<16xi32> to vector<16x1xi32>
      %gather3A_283 = vector.shape_cast %broadcast_in_dim3A_282 : vector<16x1xi32> to vector<16xi32>
      %gather3A_284 = tpu.dynamic_gather %get3A_11[%gather3A_283] in [0] : vector<16xf32>, vector<16xi32> -> vector<16xf32>
      %mul3A_285 = arith.constant 16 : i32
      %mul3A_286 = arith.muli %scan3A_261, %mul3A_285 : i32
      %swap3A_287 = arith.constant 1 : i32
      %swap3A_288 = arith.constant 14 : i32
      %swap3A_289 = arith.index_cast %swap3A_287 : i32 to index
      %swap3A_290 = arith.index_cast %swap3A_288 : i32 to index
      %swap3A_291 = arith.index_cast %mul3A_286 : i32 to index
      %swap3A_292 = tpu.vector_load %arg7[%swap3A_289, %swap3A_290, %swap3A_291] {strides = array<i32>} : memref<3x16x512xf32, #tpu.memory_space<vmem>>, vector<1x1x16xf32>,
      %swap3A_293 = vector.shape_cast %swap3A_292 : vector<1x1x16xf32> to vector<16xf32>
      %swap3A_294 = vector.shape_cast %gather3A_284 : vector<16xf32> to vector<1x1x16xf32>
      tpu.vector_store %arg7[%swap3A_289, %swap3A_290, %swap3A_291], %swap3A_294 {strides = array<i32>} : memref<3x16x512xf32, #tpu.memory_space<vmem>>, vector<1x1x16xf32>,
      %broadcast_in_dim3A_295 = vector.shape_cast %get3A_268 : vector<16xi32> to vector<16x1xi32>
      %gather3A_296 = vector.shape_cast %broadcast_in_dim3A_295 : vector<16x1xi32> to vector<16xi32>
      %gather3A_297 = tpu.dynamic_gather %get3A_16[%gather3A_296] in [0] : vector<16xf32>, vector<16xi32> -> vector<16xf32>
      %mul3A_298 = arith.constant 16 : i32
      %mul3A_299 = arith.muli %scan3A_261, %mul3A_298 : i32
      %swap3A_300 = arith.constant 2 : i32
      %swap3A_301 = arith.constant 14 : i32
      %swap3A_302 = arith.index_cast %swap3A_300 : i32 to index
      %swap3A_303 = arith.index_cast %swap3A_301 : i32 to index
      %swap3A_304 = arith.index_cast %mul3A_299 : i32 to index
      %swap3A_305 = tpu.vector_load %arg7[%swap3A_302, %swap3A_303, %swap3A_304] {strides = array<i32>} : memref<3x16x512xf32, #tpu.memory_space<vmem>>, vector<1x1x16xf32>,
      %swap3A_306 = vector.shape_cast %swap3A_305 : vector<1x1x16xf32> to vector<16xf32>
      %swap3A_307 = vector.shape_cast %gather3A_297 : vector<16xf32> to vector<1x1x16xf32>
      tpu.vector_store %arg7[%swap3A_302, %swap3A_303, %swap3A_304], %swap3A_307 {strides = array<i32>} : memref<3x16x512xf32, #tpu.memory_space<vmem>>, vector<1x1x16xf32>,
    }
    %scan3A_105 = arith.constant 32 : i32
    %scan3A_106 = arith.constant 0 : i32
    %scan3A_107 = arith.constant 0 : i32
    %scan3A_108 = arith.constant 32 : i32
    %scan3A_109 = arith.addi %scan3A_107, %scan3A_108 : i32
    %scan3A_110 = arith.constant 4 : i32
    scf.for %scan3A_120 = %scan3A_107 to %scan3A_109 step %scan3A_110  : i32 {
      %mul3A_121 = arith.constant 16 : i32
      %mul3A_122 = arith.muli %scan3A_120, %mul3A_121 : i32
      %get3A_123 = arith.constant 15 : i32
      %get3A_124 = arith.index_cast %get3A_123 : i32 to index
      %get3A_125 = arith.index_cast %mul3A_122 : i32 to index
      %get3A_126 = tpu.vector_load %arg5[%get3A_124, %get3A_125] {strides = array<i32>} : memref<16x512xi32, #tpu.memory_space<vmem>>, vector<1x16xi32>,
      %get3A_127 = vector.shape_cast %get3A_126 : vector<1x16xi32> to vector<16xi32>
      %broadcast_in_dim3A = vector.shape_cast %get3A_127 : vector<16xi32> to vector<16x1xi32>
      %gather3A = vector.shape_cast %broadcast_in_dim3A : vector<16x1xi32> to vector<16xi32>
      %gather3A_128 = tpu.dynamic_gather %get3A_6[%gather3A] in [0] : vector<16xf32>, vector<16xi32> -> vector<16xf32>
      %mul3A_129 = arith.constant 16 : i32
      %mul3A_130 = arith.muli %scan3A_120, %mul3A_129 : i32
      %swap3A = arith.constant 0 : i32
      %swap3A_131 = arith.constant 15 : i32
      %swap3A_132 = arith.index_cast %swap3A : i32 to index
      %swap3A_133 = arith.index_cast %swap3A_131 : i32 to index
      %swap3A_134 = arith.index_cast %mul3A_130 : i32 to index
      %swap3A_135 = tpu.vector_load %arg7[%swap3A_132, %swap3A_133, %swap3A_134] {strides = array<i32>} : memref<3x16x512xf32, #tpu.memory_space<vmem>>, vector<1x1x16xf32>,
      %swap3A_136 = vector.shape_cast %swap3A_135 : vector<1x1x16xf32> to vector<16xf32>
      %swap3A_137 = vector.shape_cast %gather3A_128 : vector<16xf32> to vector<1x1x16xf32>
      tpu.vector_store %arg7[%swap3A_132, %swap3A_133, %swap3A_134], %swap3A_137 {strides = array<i32>} : memref<3x16x512xf32, #tpu.memory_space<vmem>>, vector<1x1x16xf32>,
      %broadcast_in_dim3A_138 = vector.shape_cast %get3A_127 : vector<16xi32> to vector<16x1xi32>
      %gather3A_139 = vector.shape_cast %broadcast_in_dim3A_138 : vector<16x1xi32> to vector<16xi32>
      %gather3A_140 = tpu.dynamic_gather %get3A_11[%gather3A_139] in [0] : vector<16xf32>, vector<16xi32> -> vector<16xf32>
      %mul3A_141 = arith.constant 16 : i32
      %mul3A_142 = arith.muli %scan3A_120, %mul3A_141 : i32
      %swap3A_143 = arith.constant 1 : i32
      %swap3A_144 = arith.constant 15 : i32
      %swap3A_145 = arith.index_cast %swap3A_143 : i32 to index
      %swap3A_146 = arith.index_cast %swap3A_144 : i32 to index
      %swap3A_147 = arith.index_cast %mul3A_142 : i32 to index
      %swap3A_148 = tpu.vector_load %arg7[%swap3A_145, %swap3A_146, %swap3A_147] {strides = array<i32>} : memref<3x16x512xf32, #tpu.memory_space<vmem>>, vector<1x1x16xf32>,
      %swap3A_149 = vector.shape_cast %swap3A_148 : vector<1x1x16xf32> to vector<16xf32>
      %swap3A_150 = vector.shape_cast %gather3A_140 : vector<16xf32> to vector<1x1x16xf32>
      tpu.vector_store %arg7[%swap3A_145, %swap3A_146, %swap3A_147], %swap3A_150 {strides = array<i32>} : memref<3x16x512xf32, #tpu.memory_space<vmem>>, vector<1x1x16xf32>,
      %broadcast_in_dim3A_151 = vector.shape_cast %get3A_127 : vector<16xi32> to vector<16x1xi32>
      %gather3A_152 = vector.shape_cast %broadcast_in_dim3A_151 : vector<16x1xi32> to vector<16xi32>
      %gather3A_153 = tpu.dynamic_gather %get3A_16[%gather3A_152] in [0] : vector<16xf32>, vector<16xi32> -> vector<16xf32>
      %mul3A_154 = arith.constant 16 : i32
      %mul3A_155 = arith.muli %scan3A_120, %mul3A_154 : i32
      %swap3A_156 = arith.constant 2 : i32
      %swap3A_157 = arith.constant 15 : i32
      %swap3A_158 = arith.index_cast %swap3A_156 : i32 to index
      %swap3A_159 = arith.index_cast %swap3A_157 : i32 to index
      %swap3A_160 = arith.index_cast %mul3A_155 : i32 to index
      %swap3A_161 = tpu.vector_load %arg7[%swap3A_158, %swap3A_159, %swap3A_160] {strides = array<i32>} : memref<3x16x512xf32, #tpu.memory_space<vmem>>, vector<1x1x16xf32>,
      %swap3A_162 = vector.shape_cast %swap3A_161 : vector<1x1x16xf32> to vector<16xf32>
      %swap3A_163 = vector.shape_cast %gather3A_153 : vector<16xf32> to vector<1x1x16xf32>
      tpu.vector_store %arg7[%swap3A_158, %swap3A_159, %swap3A_160], %swap3A_163 {strides = array<i32>} : memref<3x16x512xf32, #tpu.memory_space<vmem>>, vector<1x1x16xf32>,
      %scan3A_164 = arith.constant 1 : i32
      %scan3A_165 = arith.addi %scan3A_120, %scan3A_164 : i32
      %mul3A_166 = arith.constant 16 : i32
      %mul3A_167 = arith.muli %scan3A_165, %mul3A_166 : i32
      %get3A_168 = arith.constant 15 : i32
      %get3A_169 = arith.index_cast %get3A_168 : i32 to index
      %get3A_170 = arith.index_cast %mul3A_167 : i32 to index
      %get3A_171 = tpu.vector_load %arg5[%get3A_169, %get3A_170] {strides = array<i32>} : memref<16x512xi32, #tpu.memory_space<vmem>>, vector<1x16xi32>,
      %get3A_172 = vector.shape_cast %get3A_171 : vector<1x16xi32> to vector<16xi32>
      %broadcast_in_dim3A_173 = vector.shape_cast %get3A_172 : vector<16xi32> to vector<16x1xi32>
      %gather3A_174 = vector.shape_cast %broadcast_in_dim3A_173 : vector<16x1xi32> to vector<16xi32>
      %gather3A_175 = tpu.dynamic_gather %get3A_6[%gather3A_174] in [0] : vector<16xf32>, vector<16xi32> -> vector<16xf32>
      %mul3A_176 = arith.constant 16 : i32
      %mul3A_177 = arith.muli %scan3A_165, %mul3A_176 : i32
      %swap3A_178 = arith.constant 0 : i32
      %swap3A_179 = arith.constant 15 : i32
      %swap3A_180 = arith.index_cast %swap3A_178 : i32 to index
      %swap3A_181 = arith.index_cast %swap3A_179 : i32 to index
      %swap3A_182 = arith.index_cast %mul3A_177 : i32 to index
      %swap3A_183 = tpu.vector_load %arg7[%swap3A_180, %swap3A_181, %swap3A_182] {strides = array<i32>} : memref<3x16x512xf32, #tpu.memory_space<vmem>>, vector<1x1x16xf32>,
      %swap3A_184 = vector.shape_cast %swap3A_183 : vector<1x1x16xf32> to vector<16xf32>
      %swap3A_185 = vector.shape_cast %gather3A_175 : vector<16xf32> to vector<1x1x16xf32>
      tpu.vector_store %arg7[%swap3A_180, %swap3A_181, %swap3A_182], %swap3A_185 {strides = array<i32>} : memref<3x16x512xf32, #tpu.memory_space<vmem>>, vector<1x1x16xf32>,
      %broadcast_in_dim3A_186 = vector.shape_cast %get3A_172 : vector<16xi32> to vector<16x1xi32>
      %gather3A_187 = vector.shape_cast %broadcast_in_dim3A_186 : vector<16x1xi32> to vector<16xi32>
      %gather3A_188 = tpu.dynamic_gather %get3A_11[%gather3A_187] in [0] : vector<16xf32>, vector<16xi32> -> vector<16xf32>
      %mul3A_189 = arith.constant 16 : i32
      %mul3A_190 = arith.muli %scan3A_165, %mul3A_189 : i32
      %swap3A_191 = arith.constant 1 : i32
      %swap3A_192 = arith.constant 15 : i32
      %swap3A_193 = arith.index_cast %swap3A_191 : i32 to index
      %swap3A_194 = arith.index_cast %swap3A_192 : i32 to index
      %swap3A_195 = arith.index_cast %mul3A_190 : i32 to index
      %swap3A_196 = tpu.vector_load %arg7[%swap3A_193, %swap3A_194, %swap3A_195] {strides = array<i32>} : memref<3x16x512xf32, #tpu.memory_space<vmem>>, vector<1x1x16xf32>,
      %swap3A_197 = vector.shape_cast %swap3A_196 : vector<1x1x16xf32> to vector<16xf32>
      %swap3A_198 = vector.shape_cast %gather3A_188 : vector<16xf32> to vector<1x1x16xf32>
      tpu.vector_store %arg7[%swap3A_193, %swap3A_194, %swap3A_195], %swap3A_198 {strides = array<i32>} : memref<3x16x512xf32, #tpu.memory_space<vmem>>, vector<1x1x16xf32>,
      %broadcast_in_dim3A_199 = vector.shape_cast %get3A_172 : vector<16xi32> to vector<16x1xi32>
      %gather3A_200 = vector.shape_cast %broadcast_in_dim3A_199 : vector<16x1xi32> to vector<16xi32>
      %gather3A_201 = tpu.dynamic_gather %get3A_16[%gather3A_200] in [0] : vector<16xf32>, vector<16xi32> -> vector<16xf32>
      %mul3A_202 = arith.constant 16 : i32
      %mul3A_203 = arith.muli %scan3A_165, %mul3A_202 : i32
      %swap3A_204 = arith.constant 2 : i32
      %swap3A_205 = arith.constant 15 : i32
      %swap3A_206 = arith.index_cast %swap3A_204 : i32 to index
      %swap3A_207 = arith.index_cast %swap3A_205 : i32 to index
      %swap3A_208 = arith.index_cast %mul3A_203 : i32 to index
      %swap3A_209 = tpu.vector_load %arg7[%swap3A_206, %swap3A_207, %swap3A_208] {strides = array<i32>} : memref<3x16x512xf32, #tpu.memory_space<vmem>>, vector<1x1x16xf32>,
      %swap3A_210 = vector.shape_cast %swap3A_209 : vector<1x1x16xf32> to vector<16xf32>
      %swap3A_211 = vector.shape_cast %gather3A_201 : vector<16xf32> to vector<1x1x16xf32>
      tpu.vector_store %arg7[%swap3A_206, %swap3A_207, %swap3A_208], %swap3A_211 {strides = array<i32>} : memref<3x16x512xf32, #tpu.memory_space<vmem>>, vector<1x1x16xf32>,
      %scan3A_212 = arith.constant 2 : i32
      %scan3A_213 = arith.addi %scan3A_120, %scan3A_212 : i32
      %mul3A_214 = arith.constant 16 : i32
      %mul3A_215 = arith.muli %scan3A_213, %mul3A_214 : i32
      %get3A_216 = arith.constant 15 : i32
      %get3A_217 = arith.index_cast %get3A_216 : i32 to index
      %get3A_218 = arith.index_cast %mul3A_215 : i32 to index
      %get3A_219 = tpu.vector_load %arg5[%get3A_217, %get3A_218] {strides = array<i32>} : memref<16x512xi32, #tpu.memory_space<vmem>>, vector<1x16xi32>,
      %get3A_220 = vector.shape_cast %get3A_219 : vector<1x16xi32> to vector<16xi32>
      %broadcast_in_dim3A_221 = vector.shape_cast %get3A_220 : vector<16xi32> to vector<16x1xi32>
      %gather3A_222 = vector.shape_cast %broadcast_in_dim3A_221 : vector<16x1xi32> to vector<16xi32>
      %gather3A_223 = tpu.dynamic_gather %get3A_6[%gather3A_222] in [0] : vector<16xf32>, vector<16xi32> -> vector<16xf32>
      %mul3A_224 = arith.constant 16 : i32
      %mul3A_225 = arith.muli %scan3A_213, %mul3A_224 : i32
      %swap3A_226 = arith.constant 0 : i32
      %swap3A_227 = arith.constant 15 : i32
      %swap3A_228 = arith.index_cast %swap3A_226 : i32 to index
      %swap3A_229 = arith.index_cast %swap3A_227 : i32 to index
      %swap3A_230 = arith.index_cast %mul3A_225 : i32 to index
      %swap3A_231 = tpu.vector_load %arg7[%swap3A_228, %swap3A_229, %swap3A_230] {strides = array<i32>} : memref<3x16x512xf32, #tpu.memory_space<vmem>>, vector<1x1x16xf32>,
      %swap3A_232 = vector.shape_cast %swap3A_231 : vector<1x1x16xf32> to vector<16xf32>
      %swap3A_233 = vector.shape_cast %gather3A_223 : vector<16xf32> to vector<1x1x16xf32>
      tpu.vector_store %arg7[%swap3A_228, %swap3A_229, %swap3A_230], %swap3A_233 {strides = array<i32>} : memref<3x16x512xf32, #tpu.memory_space<vmem>>, vector<1x1x16xf32>,
      %broadcast_in_dim3A_234 = vector.shape_cast %get3A_220 : vector<16xi32> to vector<16x1xi32>
      %gather3A_235 = vector.shape_cast %broadcast_in_dim3A_234 : vector<16x1xi32> to vector<16xi32>
      %gather3A_236 = tpu.dynamic_gather %get3A_11[%gather3A_235] in [0] : vector<16xf32>, vector<16xi32> -> vector<16xf32>
      %mul3A_237 = arith.constant 16 : i32
      %mul3A_238 = arith.muli %scan3A_213, %mul3A_237 : i32
      %swap3A_239 = arith.constant 1 : i32
      %swap3A_240 = arith.constant 15 : i32
      %swap3A_241 = arith.index_cast %swap3A_239 : i32 to index
      %swap3A_242 = arith.index_cast %swap3A_240 : i32 to index
      %swap3A_243 = arith.index_cast %mul3A_238 : i32 to index
      %swap3A_244 = tpu.vector_load %arg7[%swap3A_241, %swap3A_242, %swap3A_243] {strides = array<i32>} : memref<3x16x512xf32, #tpu.memory_space<vmem>>, vector<1x1x16xf32>,
      %swap3A_245 = vector.shape_cast %swap3A_244 : vector<1x1x16xf32> to vector<16xf32>
      %swap3A_246 = vector.shape_cast %gather3A_236 : vector<16xf32> to vector<1x1x16xf32>
      tpu.vector_store %arg7[%swap3A_241, %swap3A_242, %swap3A_243], %swap3A_246 {strides = array<i32>} : memref<3x16x512xf32, #tpu.memory_space<vmem>>, vector<1x1x16xf32>,
      %broadcast_in_dim3A_247 = vector.shape_cast %get3A_220 : vector<16xi32> to vector<16x1xi32>
      %gather3A_248 = vector.shape_cast %broadcast_in_dim3A_247 : vector<16x1xi32> to vector<16xi32>
      %gather3A_249 = tpu.dynamic_gather %get3A_16[%gather3A_248] in [0] : vector<16xf32>, vector<16xi32> -> vector<16xf32>
      %mul3A_250 = arith.constant 16 : i32
      %mul3A_251 = arith.muli %scan3A_213, %mul3A_250 : i32
      %swap3A_252 = arith.constant 2 : i32
      %swap3A_253 = arith.constant 15 : i32
      %swap3A_254 = arith.index_cast %swap3A_252 : i32 to index
      %swap3A_255 = arith.index_cast %swap3A_253 : i32 to index
      %swap3A_256 = arith.index_cast %mul3A_251 : i32 to index
      %swap3A_257 = tpu.vector_load %arg7[%swap3A_254, %swap3A_255, %swap3A_256] {strides = array<i32>} : memref<3x16x512xf32, #tpu.memory_space<vmem>>, vector<1x1x16xf32>,
      %swap3A_258 = vector.shape_cast %swap3A_257 : vector<1x1x16xf32> to vector<16xf32>
      %swap3A_259 = vector.shape_cast %gather3A_249 : vector<16xf32> to vector<1x1x16xf32>
      tpu.vector_store %arg7[%swap3A_254, %swap3A_255, %swap3A_256], %swap3A_259 {strides = array<i32>} : memref<3x16x512xf32, #tpu.memory_space<vmem>>, vector<1x1x16xf32>,
      %scan3A_260 = arith.constant 3 : i32
      %scan3A_261 = arith.addi %scan3A_120, %scan3A_260 : i32
      %mul3A_262 = arith.constant 16 : i32
      %mul3A_263 = arith.muli %scan3A_261, %mul3A_262 : i32
      %get3A_264 = arith.constant 15 : i32
      %get3A_265 = arith.index_cast %get3A_264 : i32 to index
      %get3A_266 = arith.index_cast %mul3A_263 : i32 to index
      %get3A_267 = tpu.vector_load %arg5[%get3A_265, %get3A_266] {strides = array<i32>} : memref<16x512xi32, #tpu.memory_space<vmem>>, vector<1x16xi32>,
      %get3A_268 = vector.shape_cast %get3A_267 : vector<1x16xi32> to vector<16xi32>
      %broadcast_in_dim3A_269 = vector.shape_cast %get3A_268 : vector<16xi32> to vector<16x1xi32>
      %gather3A_270 = vector.shape_cast %broadcast_in_dim3A_269 : vector<16x1xi32> to vector<16xi32>
      %gather3A_271 = tpu.dynamic_gather %get3A_6[%gather3A_270] in [0] : vector<16xf32>, vector<16xi32> -> vector<16xf32>
      %mul3A_272 = arith.constant 16 : i32
      %mul3A_273 = arith.muli %scan3A_261, %mul3A_272 : i32
      %swap3A_274 = arith.constant 0 : i32
      %swap3A_275 = arith.constant 15 : i32
      %swap3A_276 = arith.index_cast %swap3A_274 : i32 to index
      %swap3A_277 = arith.index_cast %swap3A_275 : i32 to index
      %swap3A_278 = arith.index_cast %mul3A_273 : i32 to index
      %swap3A_279 = tpu.vector_load %arg7[%swap3A_276, %swap3A_277, %swap3A_278] {strides = array<i32>} : memref<3x16x512xf32, #tpu.memory_space<vmem>>, vector<1x1x16xf32>,
      %swap3A_280 = vector.shape_cast %swap3A_279 : vector<1x1x16xf32> to vector<16xf32>
      %swap3A_281 = vector.shape_cast %gather3A_271 : vector<16xf32> to vector<1x1x16xf32>
      tpu.vector_store %arg7[%swap3A_276, %swap3A_277, %swap3A_278], %swap3A_281 {strides = array<i32>} : memref<3x16x512xf32, #tpu.memory_space<vmem>>, vector<1x1x16xf32>,
      %broadcast_in_dim3A_282 = vector.shape_cast %get3A_268 : vector<16xi32> to vector<16x1xi32>
      %gather3A_283 = vector.shape_cast %broadcast_in_dim3A_282 : vector<16x1xi32> to vector<16xi32>
      %gather3A_284 = tpu.dynamic_gather %get3A_11[%gather3A_283] in [0] : vector<16xf32>, vector<16xi32> -> vector<16xf32>
      %mul3A_285 = arith.constant 16 : i32
      %mul3A_286 = arith.muli %scan3A_261, %mul3A_285 : i32
      %swap3A_287 = arith.constant 1 : i32
      %swap3A_288 = arith.constant 15 : i32
      %swap3A_289 = arith.index_cast %swap3A_287 : i32 to index
      %swap3A_290 = arith.index_cast %swap3A_288 : i32 to index
      %swap3A_291 = arith.index_cast %mul3A_286 : i32 to index
      %swap3A_292 = tpu.vector_load %arg7[%swap3A_289, %swap3A_290, %swap3A_291] {strides = array<i32>} : memref<3x16x512xf32, #tpu.memory_space<vmem>>, vector<1x1x16xf32>,
      %swap3A_293 = vector.shape_cast %swap3A_292 : vector<1x1x16xf32> to vector<16xf32>
      %swap3A_294 = vector.shape_cast %gather3A_284 : vector<16xf32> to vector<1x1x16xf32>
      tpu.vector_store %arg7[%swap3A_289, %swap3A_290, %swap3A_291], %swap3A_294 {strides = array<i32>} : memref<3x16x512xf32, #tpu.memory_space<vmem>>, vector<1x1x16xf32>,
      %broadcast_in_dim3A_295 = vector.shape_cast %get3A_268 : vector<16xi32> to vector<16x1xi32>
      %gather3A_296 = vector.shape_cast %broadcast_in_dim3A_295 : vector<16x1xi32> to vector<16xi32>
      %gather3A_297 = tpu.dynamic_gather %get3A_16[%gather3A_296] in [0] : vector<16xf32>, vector<16xi32> -> vector<16xf32>
      %mul3A_298 = arith.constant 16 : i32
      %mul3A_299 = arith.muli %scan3A_261, %mul3A_298 : i32
      %swap3A_300 = arith.constant 2 : i32
      %swap3A_301 = arith.constant 15 : i32
      %swap3A_302 = arith.index_cast %swap3A_300 : i32 to index
      %swap3A_303 = arith.index_cast %swap3A_301 : i32 to index
      %swap3A_304 = arith.index_cast %mul3A_299 : i32 to index
      %swap3A_305 = tpu.vector_load %arg7[%swap3A_302, %swap3A_303, %swap3A_304] {strides = array<i32>} : memref<3x16x512xf32, #tpu.memory_space<vmem>>, vector<1x1x16xf32>,
      %swap3A_306 = vector.shape_cast %swap3A_305 : vector<1x1x16xf32> to vector<16xf32>
      %swap3A_307 = vector.shape_cast %gather3A_297 : vector<16xf32> to vector<1x1x16xf32>
      tpu.vector_store %arg7[%swap3A_302, %swap3A_303, %swap3A_304], %swap3A_307 {strides = array<i32>} : memref<3x16x512xf32, #tpu.memory_space<vmem>>, vector<1x1x16xf32>,
    }
    %scan3A_111 = arith.constant 32 : i32
    %run_scoped3A = arith.constant 0 : i32
    %run_scoped3A_112 = arith.constant 0 : i32
    %run_scoped3A_113 = arith.constant 0 : i32
    "tpu.region"() ({
      %run_scoped3A_120 = tpu.sem_alloc : memref<!tpu.dma_semaphore, #tpu.memory_space<semaphore_mem>>
      %dma_start3A = arith.constant 0 : i32
      %dma_start3A_121 = arith.constant 0 : i32
      %dma_start3A_122 = tpu.memref_slice %arg7[%run_scoped3A, %dma_start3A, %dma_start3A_121] : memref<3x16x512xf32, #tpu.memory_space<vmem>> -> memref<1x16x512xf32, #tpu.memory_space<vmem>>
      %dma_start3A_123 = tpu.memref_squeeze %dma_start3A_122 : memref<1x16x512xf32, #tpu.memory_space<vmem>> -> memref<16x512xf32, #tpu.memory_space<vmem>>
      %dma_start3A_124 = arith.constant 0 : i32
      %dma_start3A_125 = tpu.memref_slice %arg4[%run_scoped3A_112, %run_scoped3A_113, %mul3A_2, %dma_start3A_124] : memref<1x3x512x512xf32, #tpu.memory_space<hbm>> -> memref<1x1x16x512xf32, #tpu.memory_space<hbm>>
      %dma_start3A_126 = tpu.memref_squeeze %dma_start3A_125 : memref<1x1x16x512xf32, #tpu.memory_space<hbm>> -> memref<16x512xf32, #tpu.memory_space<hbm>>
      %dma_start3A_127 = arith.constant 0 : i32
      %dma_start3A_128 = tpu.memref_slice %arg4[%run_scoped3A_112, %run_scoped3A_113, %mul3A_2, %dma_start3A_127] : memref<1x3x512x512xf32, #tpu.memory_space<hbm>> -> memref<1x1x16x512xf32, #tpu.memory_space<hbm>>
      %dma_start3A_129 = tpu.memref_squeeze %dma_start3A_128 : memref<1x1x16x512xf32, #tpu.memory_space<hbm>> -> memref<16x512xf32, #tpu.memory_space<hbm>>
      %dma_start3A_130 = arith.constant 0 : i32
      %dma_start3A_131 = arith.constant 0 : i32
      %dma_start3A_132 = tpu.memref_slice %arg7[%run_scoped3A, %dma_start3A_130, %dma_start3A_131] : memref<3x16x512xf32, #tpu.memory_space<vmem>> -> memref<1x16x512xf32, #tpu.memory_space<vmem>>
      %dma_start3A_133 = tpu.memref_squeeze %dma_start3A_132 : memref<1x16x512xf32, #tpu.memory_space<vmem>> -> memref<16x512xf32, #tpu.memory_space<vmem>>
      tpu.enqueue_dma source(%dma_start3A_133 : memref<16x512xf32, #tpu.memory_space<vmem>>) target(%dma_start3A_129 : memref<16x512xf32, #tpu.memory_space<hbm>>) target_semaphore(%run_scoped3A_120 : memref<!tpu.dma_semaphore, #tpu.memory_space<semaphore_mem>>)
      %dma_wait3A = arith.constant 0 : i32
      %dma_wait3A_134 = arith.constant 0 : i32
      %dma_wait3A_135 = tpu.memref_slice %arg7[%run_scoped3A, %dma_wait3A, %dma_wait3A_134] : memref<3x16x512xf32, #tpu.memory_space<vmem>> -> memref<1x16x512xf32, #tpu.memory_space<vmem>>
      %dma_wait3A_136 = tpu.memref_squeeze %dma_wait3A_135 : memref<1x16x512xf32, #tpu.memory_space<vmem>> -> memref<16x512xf32, #tpu.memory_space<vmem>>
      %dma_wait3A_137 = arith.constant 0 : i32
      %dma_wait3A_138 = tpu.memref_slice %arg4[%run_scoped3A_112, %run_scoped3A_113, %mul3A_2, %dma_wait3A_137] : memref<1x3x512x512xf32, #tpu.memory_space<hbm>> -> memref<1x1x16x512xf32, #tpu.memory_space<hbm>>
      %dma_wait3A_139 = tpu.memref_squeeze %dma_wait3A_138 : memref<1x1x16x512xf32, #tpu.memory_space<hbm>> -> memref<16x512xf32, #tpu.memory_space<hbm>>
      %dma_wait3A_140 = arith.constant 0 : i32
      %dma_wait3A_141 = tpu.memref_slice %arg4[%run_scoped3A_112, %run_scoped3A_113, %mul3A_2, %dma_wait3A_140] : memref<1x3x512x512xf32, #tpu.memory_space<hbm>> -> memref<1x1x16x512xf32, #tpu.memory_space<hbm>>
      %dma_wait3A_142 = tpu.memref_squeeze %dma_wait3A_141 : memref<1x1x16x512xf32, #tpu.memory_space<hbm>> -> memref<16x512xf32, #tpu.memory_space<hbm>>
      %dma_wait3A_143 = arith.constant 0 : i32
      %dma_wait3A_144 = arith.constant 0 : i32
      %dma_wait3A_145 = tpu.memref_slice %arg7[%run_scoped3A, %dma_wait3A_143, %dma_wait3A_144] : memref<3x16x512xf32, #tpu.memory_space<vmem>> -> memref<1x16x512xf32, #tpu.memory_space<vmem>>
      %dma_wait3A_146 = tpu.memref_squeeze %dma_wait3A_145 : memref<1x16x512xf32, #tpu.memory_space<vmem>> -> memref<16x512xf32, #tpu.memory_space<vmem>>
      tpu.wait_dma2 semaphore(%run_scoped3A_120 : memref<!tpu.dma_semaphore, #tpu.memory_space<semaphore_mem>>) src(%dma_wait3A_146 : memref<16x512xf32, #tpu.memory_space<vmem>>) dst(%dma_wait3A_142 : memref<16x512xf32, #tpu.memory_space<hbm>>)
      tpu.yield
    }) : () -> ()
    %run_scoped3A_114 = arith.constant 1 : i32
    %run_scoped3A_115 = arith.constant 0 : i32
    %run_scoped3A_116 = arith.constant 1 : i32
    "tpu.region"() ({
      %run_scoped3A_120 = tpu.sem_alloc : memref<!tpu.dma_semaphore, #tpu.memory_space<semaphore_mem>>
      %dma_start3A = arith.constant 0 : i32
      %dma_start3A_121 = arith.constant 0 : i32
      %dma_start3A_122 = tpu.memref_slice %arg7[%run_scoped3A_114, %dma_start3A, %dma_start3A_121] : memref<3x16x512xf32, #tpu.memory_space<vmem>> -> memref<1x16x512xf32, #tpu.memory_space<vmem>>
      %dma_start3A_123 = tpu.memref_squeeze %dma_start3A_122 : memref<1x16x512xf32, #tpu.memory_space<vmem>> -> memref<16x512xf32, #tpu.memory_space<vmem>>
      %dma_start3A_124 = arith.constant 0 : i32
      %dma_start3A_125 = tpu.memref_slice %arg4[%run_scoped3A_115, %run_scoped3A_116, %mul3A_2, %dma_start3A_124] : memref<1x3x512x512xf32, #tpu.memory_space<hbm>> -> memref<1x1x16x512xf32, #tpu.memory_space<hbm>>
      %dma_start3A_126 = tpu.memref_squeeze %dma_start3A_125 : memref<1x1x16x512xf32, #tpu.memory_space<hbm>> -> memref<16x512xf32, #tpu.memory_space<hbm>>
      %dma_start3A_127 = arith.constant 0 : i32
      %dma_start3A_128 = tpu.memref_slice %arg4[%run_scoped3A_115, %run_scoped3A_116, %mul3A_2, %dma_start3A_127] : memref<1x3x512x512xf32, #tpu.memory_space<hbm>> -> memref<1x1x16x512xf32, #tpu.memory_space<hbm>>
      %dma_start3A_129 = tpu.memref_squeeze %dma_start3A_128 : memref<1x1x16x512xf32, #tpu.memory_space<hbm>> -> memref<16x512xf32, #tpu.memory_space<hbm>>
      %dma_start3A_130 = arith.constant 0 : i32
      %dma_start3A_131 = arith.constant 0 : i32
      %dma_start3A_132 = tpu.memref_slice %arg7[%run_scoped3A_114, %dma_start3A_130, %dma_start3A_131] : memref<3x16x512xf32, #tpu.memory_space<vmem>> -> memref<1x16x512xf32, #tpu.memory_space<vmem>>
      %dma_start3A_133 = tpu.memref_squeeze %dma_start3A_132 : memref<1x16x512xf32, #tpu.memory_space<vmem>> -> memref<16x512xf32, #tpu.memory_space<vmem>>
      tpu.enqueue_dma source(%dma_start3A_133 : memref<16x512xf32, #tpu.memory_space<vmem>>) target(%dma_start3A_129 : memref<16x512xf32, #tpu.memory_space<hbm>>) target_semaphore(%run_scoped3A_120 : memref<!tpu.dma_semaphore, #tpu.memory_space<semaphore_mem>>)
      %dma_wait3A = arith.constant 0 : i32
      %dma_wait3A_134 = arith.constant 0 : i32
      %dma_wait3A_135 = tpu.memref_slice %arg7[%run_scoped3A_114, %dma_wait3A, %dma_wait3A_134] : memref<3x16x512xf32, #tpu.memory_space<vmem>> -> memref<1x16x512xf32, #tpu.memory_space<vmem>>
      %dma_wait3A_136 = tpu.memref_squeeze %dma_wait3A_135 : memref<1x16x512xf32, #tpu.memory_space<vmem>> -> memref<16x512xf32, #tpu.memory_space<vmem>>
      %dma_wait3A_137 = arith.constant 0 : i32
      %dma_wait3A_138 = tpu.memref_slice %arg4[%run_scoped3A_115, %run_scoped3A_116, %mul3A_2, %dma_wait3A_137] : memref<1x3x512x512xf32, #tpu.memory_space<hbm>> -> memref<1x1x16x512xf32, #tpu.memory_space<hbm>>
      %dma_wait3A_139 = tpu.memref_squeeze %dma_wait3A_138 : memref<1x1x16x512xf32, #tpu.memory_space<hbm>> -> memref<16x512xf32, #tpu.memory_space<hbm>>
      %dma_wait3A_140 = arith.constant 0 : i32
      %dma_wait3A_141 = tpu.memref_slice %arg4[%run_scoped3A_115, %run_scoped3A_116, %mul3A_2, %dma_wait3A_140] : memref<1x3x512x512xf32, #tpu.memory_space<hbm>> -> memref<1x1x16x512xf32, #tpu.memory_space<hbm>>
      %dma_wait3A_142 = tpu.memref_squeeze %dma_wait3A_141 : memref<1x1x16x512xf32, #tpu.memory_space<hbm>> -> memref<16x512xf32, #tpu.memory_space<hbm>>
      %dma_wait3A_143 = arith.constant 0 : i32
      %dma_wait3A_144 = arith.constant 0 : i32
      %dma_wait3A_145 = tpu.memref_slice %arg7[%run_scoped3A_114, %dma_wait3A_143, %dma_wait3A_144] : memref<3x16x512xf32, #tpu.memory_space<vmem>> -> memref<1x16x512xf32, #tpu.memory_space<vmem>>
      %dma_wait3A_146 = tpu.memref_squeeze %dma_wait3A_145 : memref<1x16x512xf32, #tpu.memory_space<vmem>> -> memref<16x512xf32, #tpu.memory_space<vmem>>
      tpu.wait_dma2 semaphore(%run_scoped3A_120 : memref<!tpu.dma_semaphore, #tpu.memory_space<semaphore_mem>>) src(%dma_wait3A_146 : memref<16x512xf32, #tpu.memory_space<vmem>>) dst(%dma_wait3A_142 : memref<16x512xf32, #tpu.memory_space<hbm>>)
      tpu.yield
    }) : () -> ()
    %run_scoped3A_117 = arith.constant 2 : i32
    %run_scoped3A_118 = arith.constant 0 : i32
    %run_scoped3A_119 = arith.constant 2 : i32
    "tpu.region"() ({
      %run_scoped3A_120 = tpu.sem_alloc : memref<!tpu.dma_semaphore, #tpu.memory_space<semaphore_mem>>
      %dma_start3A = arith.constant 0 : i32
      %dma_start3A_121 = arith.constant 0 : i32
      %dma_start3A_122 = tpu.memref_slice %arg7[%run_scoped3A_117, %dma_start3A, %dma_start3A_121] : memref<3x16x512xf32, #tpu.memory_space<vmem>> -> memref<1x16x512xf32, #tpu.memory_space<vmem>>
      %dma_start3A_123 = tpu.memref_squeeze %dma_start3A_122 : memref<1x16x512xf32, #tpu.memory_space<vmem>> -> memref<16x512xf32, #tpu.memory_space<vmem>>
      %dma_start3A_124 = arith.constant 0 : i32
      %dma_start3A_125 = tpu.memref_slice %arg4[%run_scoped3A_118, %run_scoped3A_119, %mul3A_2, %dma_start3A_124] : memref<1x3x512x512xf32, #tpu.memory_space<hbm>> -> memref<1x1x16x512xf32, #tpu.memory_space<hbm>>
      %dma_start3A_126 = tpu.memref_squeeze %dma_start3A_125 : memref<1x1x16x512xf32, #tpu.memory_space<hbm>> -> memref<16x512xf32, #tpu.memory_space<hbm>>
      %dma_start3A_127 = arith.constant 0 : i32
      %dma_start3A_128 = tpu.memref_slice %arg4[%run_scoped3A_118, %run_scoped3A_119, %mul3A_2, %dma_start3A_127] : memref<1x3x512x512xf32, #tpu.memory_space<hbm>> -> memref<1x1x16x512xf32, #tpu.memory_space<hbm>>
      %dma_start3A_129 = tpu.memref_squeeze %dma_start3A_128 : memref<1x1x16x512xf32, #tpu.memory_space<hbm>> -> memref<16x512xf32, #tpu.memory_space<hbm>>
      %dma_start3A_130 = arith.constant 0 : i32
      %dma_start3A_131 = arith.constant 0 : i32
      %dma_start3A_132 = tpu.memref_slice %arg7[%run_scoped3A_117, %dma_start3A_130, %dma_start3A_131] : memref<3x16x512xf32, #tpu.memory_space<vmem>> -> memref<1x16x512xf32, #tpu.memory_space<vmem>>
      %dma_start3A_133 = tpu.memref_squeeze %dma_start3A_132 : memref<1x16x512xf32, #tpu.memory_space<vmem>> -> memref<16x512xf32, #tpu.memory_space<vmem>>
      tpu.enqueue_dma source(%dma_start3A_133 : memref<16x512xf32, #tpu.memory_space<vmem>>) target(%dma_start3A_129 : memref<16x512xf32, #tpu.memory_space<hbm>>) target_semaphore(%run_scoped3A_120 : memref<!tpu.dma_semaphore, #tpu.memory_space<semaphore_mem>>)
      %dma_wait3A = arith.constant 0 : i32
      %dma_wait3A_134 = arith.constant 0 : i32
      %dma_wait3A_135 = tpu.memref_slice %arg7[%run_scoped3A_117, %dma_wait3A, %dma_wait3A_134] : memref<3x16x512xf32, #tpu.memory_space<vmem>> -> memref<1x16x512xf32, #tpu.memory_space<vmem>>
      %dma_wait3A_136 = tpu.memref_squeeze %dma_wait3A_135 : memref<1x16x512xf32, #tpu.memory_space<vmem>> -> memref<16x512xf32, #tpu.memory_space<vmem>>
      %dma_wait3A_137 = arith.constant 0 : i32
      %dma_wait3A_138 = tpu.memref_slice %arg4[%run_scoped3A_118, %run_scoped3A_119, %mul3A_2, %dma_wait3A_137] : memref<1x3x512x512xf32, #tpu.memory_space<hbm>> -> memref<1x1x16x512xf32, #tpu.memory_space<hbm>>
      %dma_wait3A_139 = tpu.memref_squeeze %dma_wait3A_138 : memref<1x1x16x512xf32, #tpu.memory_space<hbm>> -> memref<16x512xf32, #tpu.memory_space<hbm>>
      %dma_wait3A_140 = arith.constant 0 : i32
      %dma_wait3A_141 = tpu.memref_slice %arg4[%run_scoped3A_118, %run_scoped3A_119, %mul3A_2, %dma_wait3A_140] : memref<1x3x512x512xf32, #tpu.memory_space<hbm>> -> memref<1x1x16x512xf32, #tpu.memory_space<hbm>>
      %dma_wait3A_142 = tpu.memref_squeeze %dma_wait3A_141 : memref<1x1x16x512xf32, #tpu.memory_space<hbm>> -> memref<16x512xf32, #tpu.memory_space<hbm>>
      %dma_wait3A_143 = arith.constant 0 : i32
      %dma_wait3A_144 = arith.constant 0 : i32
      %dma_wait3A_145 = tpu.memref_slice %arg7[%run_scoped3A_117, %dma_wait3A_143, %dma_wait3A_144] : memref<3x16x512xf32, #tpu.memory_space<vmem>> -> memref<1x16x512xf32, #tpu.memory_space<vmem>>
      %dma_wait3A_146 = tpu.memref_squeeze %dma_wait3A_145 : memref<1x16x512xf32, #tpu.memory_space<vmem>> -> memref<16x512xf32, #tpu.memory_space<vmem>>
      tpu.wait_dma2 semaphore(%run_scoped3A_120 : memref<!tpu.dma_semaphore, #tpu.memory_space<semaphore_mem>>) src(%dma_wait3A_146 : memref<16x512xf32, #tpu.memory_space<vmem>>) dst(%dma_wait3A_142 : memref<16x512xf32, #tpu.memory_space<hbm>>)
      tpu.yield
    }) : () -> ()
    return
  }
}

</mosaic_0001>

<sc_bundles>
// kernel: _lookup.3.cloned.1.call-start
scs
__scs_entry_jumppad:
0x0: {  	(pc) =	sbr.rel $0x88, $3  }
0x1: {  	(tag) =	ssettag $0x0;
	lr =	simm.s32 $0x1  }
0x2: {  	[smem:$0x3F9F] =	sst lr;
	_ =	strace $0xD0000000  }
0x3: {  	_ = 	snop  }
0x4: {  	_ = 	snop  }
0x5: {  	_ = 	snop  }
0x6: {  	_ = 	snop  }
0x7: {  	_ = 	snop  }
__scs_overlays_trampoline_lowered:
0x8: {  	[smem:$0x3FAE] =	sst s0  }
0x9: {  	[smem:$0x3FAF] =	sst s1  }
0xa: {  	[smem:$0x3FB0] =	sst s2  }
0xb: {  	[smem:$0x3FB1] =	sst s3  }
0xc: {  	[smem:$0x3FB2] =	sst s4  }
0xd: {  	[smem:$0x3FB3] =	sst s5  }
0xe: {  	[smem:$0x3FB4] =	sst s6  }
0xf: {  	[smem:$0x3FB5] =	sst s7  }
0x10: {  	[smem:$0x3FB6] =	sst s8  }
0x11: {  	[smem:$0x3FB7] =	sst s9;
	s0 =	simm.s32 @!p0 $0x0  }
0x12: {  	s1 =	sld [smem:$0x3F9D];
	s0 =	simm.s32 @p0 $0x1  }
0x13: {  	[smem:$0x3FB8] =	sst s0;
	s0 =	simm.s32 @!p1 $0x0  }
0x14: {  	s2 =	sld [smem:$0x3F9C];
	s0 =	simm.s32 @p1 $0x1  }
0x15: {  	[smem:$0x3FB9] =	sst s0;
	s0 =	simm.s32 @!p2 $0x0  }
0x16: {  	s3 =	sld [smem:$0x3FDB];
	s0 =	simm.s32 @p2 $0x1  }
0x17: {  	s4 =	simm.s32 $0x1BF5;
	[smem:$0x3FBB] =	sst s0  }
0x18: {  	s0 =	sld [smem:$0x3F9E];
	_ =	swait.ge [sflag:s4], $0x0  }
0x19: {  	s7 =	sld [smem:$0x3F9F]  }
0x1a: {  	s8 =	sadd.s32 $0xFFFFE003, lr  }
0x1b: {  	s9 =	sadd.s32 $0xFFFFFEF7, lr;
	s5 =	simm.s32 $0xFFFFFFFF;
	p2 =	slt.u32 s8, $0xFFFFF086  }
0x1c: {  	p1 =	slt.u32 s9, $0xF7A;
	s5 =	simm.s32 @!p2 $0x0  }
0x1d: {  	s5 =	simm.s32 @p1 $0x1;
	p0 =	seq.s32 s7, s2  }
0x1e: {  	s7 =	smul.u32 @!p0 $0xF7A, s2;
	p2 =	seq.s32 @!p0 s5, $0x0  }
0x1f: {  	s9 =	smul.u32 $0xF7A, s1;
	s8 =	simm.s32 @!p0 $0x1BF5;
	p2 =	por !p2, p0  }
0x20: {  	[sflag:s8] =	ssyncset.s32 @!p0 $0xFFFFF086;
	s6 =	sadd.s32 @!p0 s3, s7;
	s7 =	simm.s32 @!p0 $0x108  }
0x21: {  	s3 =	sadd.s32 s3, s9;
	s6 =	sadd.s32 @!p0 $0x88, s6;
	s7 =	simm.s32 @p2 $0x1082  }
0x22: {  	[simem:s7], [sflag:s8] =	dma.local @!p0 [hbm:s6], $0xF7A  }
0x23: {  	s9 =	sor.u32 $0xD0000000, s2;
	s6 =	simm.s32 $0x108;
	_ =	swait.ge @!p0 [sflag:s8], $0x0  }
0x24: {  	s3 =	sadd.s32 $0x88, s3;
	s6 =	simm.s32 @!p1 $0x1082;
	[sflag:s4] =	ssyncset.s32 $0xFFFFF086  }
0x25: {  	[simem:s6], [sflag:s4] =	dma.local [hbm:s3], $0xF7A  }
0x26: {  	[smem:$0x3F9F] =	sst s1;
	(tag) =	ssettag s2;
	_ =	strace s9  }
0x27: {  	s1 =	sld [smem:$0x3FAF]  }
0x28: {  	s2 =	sld [smem:$0x3FB0]  }
0x29: {  	s4 =	sld [smem:$0x3FB2]  }
0x2a: {  	p0 =	seq.s32 s5, $0x0;
	s5 =	sld [smem:$0x3FB3]  }
0x2b: {  	s6 =	sld [smem:$0x3FB4]  }
0x2c: {  	s7 =	sld [smem:$0x3FB5]  }
0x2d: {  	s3 =	simm.s32 $0x108;
	s8 =	sld [smem:$0x3FB6]  }
0x2e: {  	s3 =	simm.s32 @!p0 $0x1082;
	s9 =	sld [smem:$0x3FB7]  }
0x2f: {  	lr =	sadd.s32 s0, s3;
	s0 =	sld [smem:$0x3FAE]  }
0x30: {  	s3 =	sld [smem:$0x3FB1]  }
0x31: {  	[smem:$0x3FBA] =	sst s10  }
0x32: {  	s10 =	sld [smem:$0x3FB8];
	_ =	sdelay $0x3  }
0x33: {  	p0 =	seq.s32 s10, $0x1;
	s10 =	sld [smem:$0x3FBA];
	_ =	sdelay $0x3  }
0x34: {  	[smem:$0x3FBA] =	sst s10  }
0x35: {  	s10 =	sld [smem:$0x3FB9];
	_ =	sdelay $0x3  }
0x36: {  	p1 =	seq.s32 s10, $0x1;
	s10 =	sld [smem:$0x3FBA];
	_ =	sdelay $0x3  }
0x37: {  	[smem:$0x3FBA] =	sst s10  }
0x38: {  	s10 =	sld [smem:$0x3FBB]  }
0x39: {  	_ = 	snop;
	(pc) =	sbr.ind lr, $3  }
0x3a: {  	_ = 	snop  }
0x3b: {  	_ = 	snop  }
0x3c: {  	p2 =	seq.s32 s10, $0x1;
	s10 =	sld [smem:$0x3FBA]  }
0x3d: {  	_ =	shalt  }
0x3e: {  	_ =	shalt  }
0x3f: {  	_ =	shalt  }
0x40: {  	_ =	shalt  }
0x41: {  	_ =	shalt  }
0x42: {  	_ =	shalt  }
0x43: {  	_ =	shalt  }
0x44: {  	_ =	shalt  }
0x45: {  	_ =	shalt  }
0x46: {  	_ =	shalt  }
0x47: {  	_ =	shalt  }
0x48: {  	_ =	shalt  }
0x49: {  	_ =	shalt  }
0x4a: {  	_ =	shalt  }
0x4b: {  	_ =	shalt  }
0x4c: {  	_ =	shalt  }
0x4d: {  	_ =	shalt  }
0x4e: {  	_ =	shalt  }
0x4f: {  	_ =	shalt  }
0x50: {  	_ =	shalt  }
0x51: {  	_ =	shalt  }
0x52: {  	_ =	shalt  }
0x53: {  	_ =	shalt  }
0x54: {  	_ =	shalt  }
0x55: {  	_ =	shalt  }
0x56: {  	_ =	shalt  }
0x57: {  	_ =	shalt  }
0x58: {  	_ =	shalt  }
0x59: {  	_ =	shalt  }
0x5a: {  	_ =	shalt  }
0x5b: {  	_ =	shalt  }
0x5c: {  	_ =	shalt  }
0x5d: {  	_ =	shalt  }
0x5e: {  	_ =	shalt  }
0x5f: {  	_ =	shalt  }
0x60: {  	_ =	shalt  }
0x61: {  	_ =	shalt  }
0x62: {  	_ =	shalt  }
0x63: {  	_ =	shalt  }
0x64: {  	_ =	shalt  }
0x65: {  	_ =	shalt  }
0x66: {  	_ =	shalt  }
0x67: {  	_ =	shalt  }
0x68: {  	_ =	shalt  }
0x69: {  	_ =	shalt  }
0x6a: {  	_ =	shalt  }
0x6b: {  	_ =	shalt  }
0x6c: {  	_ =	shalt  }
0x6d: {  	_ =	shalt  }
0x6e: {  	_ =	shalt  }
0x6f: {  	_ =	shalt  }
0x70: {  	_ =	shalt  }
0x71: {  	_ =	shalt  }
0x72: {  	_ =	shalt  }
0x73: {  	_ =	shalt  }
0x74: {  	_ =	shalt  }
0x75: {  	_ =	shalt  }
0x76: {  	_ =	shalt  }
0x77: {  	_ =	shalt  }
0x78: {  	_ =	shalt  }
0x79: {  	_ =	shalt  }
0x7a: {  	_ =	shalt  }
0x7b: {  	_ =	shalt  }
0x7c: {  	_ =	shalt  }
0x7d: {  	_ =	shalt  }
0x7e: {  	_ =	shalt  }
0x7f: {  	_ =	shalt  }
0x80: {  	_ =	shalt  }
0x81: {  	_ =	shalt  }
0x82: {  	_ =	shalt  }
0x83: {  	_ =	shalt  }
0x84: {  	_ =	shalt  }
0x85: {  	_ =	shalt  }
0x86: {  	_ =	shalt  }
0x87: {  	_ =	shalt  }
.Lfunc_end0:
.L_simem_size_0:
called_computation_lowered:
.L_overlay_start_0:
0x88: {  	s2 =	sld [smem:$0x3FD9]  }
0x89: {  	s3 =	sld [smem:$0x3FFE];
	_ =	sdelay $0x1  }
0x8a: {  	s1 =	srdreg.scid  }
0x8b: {  	s0 =	sand.u32 $0x1, s1  }
0x8c: {  	s18 =	sshll.u32 s0, $0xA;
	s2 =	sadd.s32 s3, s2  }
0x8d: {  	s2 =	sadd.s32 s2, s18  }
0x8e: {  	[smem:$0x3FC6] =	sst s2  }
0x8f: {  	_ = 	snop  }
0x90: {  	s2 =	sld [smem:$0x3FC9]  }
0x91: {  	s19 =	sld [smem:$0x3FC8]  }
0x92: {  	s4 =	sld [smem:$0x3FD0];
	(tm) =	ssettm $0x1  }
0x93: {  	s5 =	sld [smem:$0x3FFB];
	_ =	sdelay $0x3  }
0x94: {  	_ =	strace s5  }
0x95: {  	s5 =	sld [smem:$0x3FFC];
	_ =	sdelay $0x3  }
0x96: {  	_ =	strace s5  }
0x97: {  	s5 =	sld [smem:$0x3FFD];
	_ =	sdelay $0x3  }
0x98: {  	_ =	strace s5  }
0x99: {  	_ =	strace $0x8FFFFFFF  }
0x9a: {  	s20 =	sld [smem:$0x3FDB];
	_ =	sdelay $0x1  }
0x9b: {  	s6 =	simm.s32 $_scs_section_size  }
0x9c: {  	s7 =	simm.s32 $_size__tile_overlayer_lowered;
	s8 =	simm.s32 $_tile_overlayer_lowered  }
0x9d: {  	s23 =	simm.s32 $0x1BFF;
	s22 =	sshll.u32 s8, $0x1;
	s5 =	sadd.s32 s6, s20  }
0x9e: {  	s9 =	simm.s32 $0x0;
	s21 =	sshll.u32 s7, $0x1;
	s7 =	sadd.s32 s22, s5  }
0x9f: {  	[timem:s9], [sflag:s23] =	dma.local [hbm:s7], s21  }
0xa0: {  	_ =	swait.ge [sflag:s23], s21  }
0xa1: {  	s6 =	ssub.s32 $0x0, s21;
	[sflag:s23] =	ssyncset.done $0x0  }
0xa2: {  	[sflag:s23] =	ssyncadd.s32 s6;
	_ =	sdelay $0x1  }
0xa3: {  	s24 =	simm.s32 $0x1B8B  }
0xa4: {  	_ =	swait.ge [sflag:s24], $0x1  }
0xa5: {  	[sflag:s24] =	ssyncset.done $0x0  }
0xa6: {  	s25 =	simm.s32 $0x1B8E;
	[sflag:s24] =	ssyncadd.s32 $0xFFFFFFFF  }
0xa7: {  	s26 =	simm.s32 $execute0_lowered;
	[smem:$0x3FD2] =	sst s25  }
0xa8: {  	s6 =	sshll.u32 s26, $0x1;
	_ =	strace $0x80000046;
	[dreg:$0x1] =	wrdreg $0xFFFFFFFF  }
0xa9: {  	s28 =	simm.s32 $_size_execute0_lowered;
	s5 =	sadd.s32 s5, s6;
	[dreg:$0x0] =	wrdreg $0x0  }
0xaa: {  	s6 =	sshll.u32 s28, $0x1;
	[dreg:$0x2] =	wrdreg s5  }
0xab: {  	[dreg:$0x3] =	wrdreg s6  }
0xac: {  	[dreg:$0x4] =	wrdreg $0xC0  }
0xad: {  	_ =	task [dreg:s9], $0x5FFFF  }
0xae: {  	[dreg:$0x1] =	wrdreg $0xFFFFFFFF  }
0xaf: {  	[dreg:$0x0] =	wrdreg $0x60  }
0xb0: {  	[dreg:$0x2] =	wrdreg s2  }
0xb1: {  	[dreg:$0x3] =	wrdreg s19  }
0xb2: {  	[dreg:$0x4] =	wrdreg s4  }
0xb3: {  	[dreg:$0x5] =	wrdreg $0x9  }
0xb4: {  	_ =	task.clear_ibuf [dreg:s9], $0x6FFFF;
	_ =	strace $0x90000046  }
0xb5: {  	s29 =	simm.s32 $0x9;
	_ =	strace $0x80000048  }
0xb6: {  	_ =	swait.ge [sflag:s29], $0x1  }
0xb7: {  	[sflag:s29] =	ssyncadd.s32 $0xFFFFFFFF  }
0xb8: {  	_ =	strace $0x90000048  }
0xb9: {  	_ =	sfence  }
0xba: {  	s30 =	sld [smem:$0x0];
	_ =	sdelay $0x2  }
0xbb: {  	s31 =	sshll.u32 s1, $0xD;
	s1 =	sshrl.u32 s1, $0x2  }
0xbc: {  	s3 =	sand.u32 $0x4000, s31;
	s1 =	sadd.s32 s1, s30  }
0xbd: {  	s0 =	sor.u32 s3, s0;
	s1 =	sshll.u32 s1, $0x11  }
0xbe: {  	s0 =	sor.u32 s1, s0  }
0xbf: {  	s0 =	sadd.s32 $0x8F2B, s0  }
0xc0: {  	[sflag:s0] =	ssyncadd.remote.s32 $0x1  }
0xc1: {  	_ =	sfence.sel $0xFFFF  }
0xc2: {  	[dreg:$0x0] =	wrdreg $0xFFFFFFFF;
	(pc) =	sbr.abs _section_cstart, $3  }
0xc3: {  	[dreg:$0x1] =	wrdreg $0xFFFFFFFF  }
0xc4: {  	_ =	task.clear_ibuf [dreg:s9], $0x2FFFF;
	_ =	strace $0x9FFFFFFF  }
0xc5: {  	(tm) =	ssettm $0x7FFFFFFF  }
tec
execute0_lowered:
.L_overlay_start_1:
0x0: {  	(tag) =	ssettag $0x1  }
0x1: {  	s5 =	rddreg [dreg:$0x0]  }
0x2: {  	s1 =	rddreg [dreg:$0x1]  }
0x3: {  	s4 =	rddreg [dreg:$0x2]  }
0x4: {  	s0 =	rddreg [dreg:$0x3];
	s6 =	srdreg.scid  }
0x5: {  	s3 =	simm.s32 $0x0;
	s2 =	stileid.u32;
	s10 =	simm.s32 $0x1  }
0x6: {  	s11 =	simm.s32 $0x2200;
	s12 =	simm.s32 $0x4200;
	s6 =	sand.u32 $0x1, s6  }
0x7: {  	s13 =	simm.s32 $0x6200;
	s8 =	sshll.u32 s2, $0xB;
	s7 =	ssub.s32 $0x2, s6  }
0x8: {  	[smem:$0x7FF] =	sst s3;
	s6 =	sshll.u32 s6, $0xA;
	s9 =	sshrl.u32 s7, $0x1  }
0x9: {  	_ =	strace $0x80000047;
	s6 =	sor.u32 s6, s8;
	s31 =	ssub.s32 s7, s9  }
0xa: {  	s4 =	sadd.s32 s4, s6;
	s5 =	sadd.s32 s5, s6;
	s9 =	simm.s32 $0x2000  }
0xb: {  	s6 =	sadd.s32 $0x8000, s4;
	s7 =	sadd.s32 $0x10000, s4;
	s8 =	smax.u32 s31, $0x1  }
.LBB2_1:
0xc: {  	[tilespmem:s9], [sflag:$0x1] =	stream.linear.gather [hbm4b:s1+s3], $0x180, $0x38;
	[tilespmem:$0x8200] =	vst v63  }
0xd: {  	_ =	swait.ge [sflag:s10], $0x180  }
0xe: {  	[sflag:s10] =	ssyncset.done $0x0  }
0xf: {  	[sflag:s10] =	ssyncadd.s32 $0xFFFFFE80  }
0x10: {  	[tilespmem:s3], [sflag:$0x1] =	stream.linear.gather [hbm4b:s5+s3], $0x2000, $0x38;
	[tilespmem:$0x8200] =	vst v63  }
0x11: {  	_ =	swait.ge [sflag:s10], $0x2000  }
0x12: {  	[sflag:s10] =	ssyncset.done $0x0  }
0x13: {  	[sflag:s10] =	ssyncadd.s32 $0xFFFFE000  }
0x14: {  	v2 =	vld [tilespmem:$0x2000]  }
0x15: {  	v3 =	vld [tilespmem:$0x0]  }
0x16: {  	v1 =	vld [tilespmem:$0x2080]  }
0x17: {  	v0 =	vld [tilespmem:$0x2100]  }
0x18: {  	v4 =	vld [tilespmem:$0x10];
	_ =	sdelay $0x1  }
0x19: {  	v3 =	vand.u32 $0xF, v3  }
0x1a: {  	v6 =	vld [tilespmem:$0x20];
	v5 =	vperm.xlane v2, v3  }
0x1b: {  	v7 =	vperm.xlane v1, v3  }
0x1c: {  	v4 =	vand.u32 $0xF, v4;
	v3 =	vperm.xlane v0, v3;
	[tilespmem:$0x2200] =	vst v5  }
0x1d: {  	v44 =	vld [tilespmem:$0x30];
	v43 =	vperm.xlane v2, v4;
	[tilespmem:$0x4200] =	vst v7  }
0x1e: {  	v45 =	vperm.xlane v1, v4;
	[tilespmem:$0x6200] =	vst v3  }
0x1f: {  	v46 =	vand.u32 $0xF, v6;
	v4 =	vperm.xlane v0, v4;
	[tilespmem:$0x2210] =	vst v43  }
0x20: {  	v48 =	vld [tilespmem:$0x40];
	v47 =	vperm.xlane v2, v46;
	[tilespmem:$0x4210] =	vst v45  }
0x21: {  	v49 =	vperm.xlane v1, v46;
	[tilespmem:$0x6210] =	vst v4  }
0x22: {  	v51 =	vand.u32 $0xF, v44;
	v50 =	vperm.xlane v0, v46;
	[tilespmem:$0x2220] =	vst v47  }
0x23: {  	v53 =	vld [tilespmem:$0x50];
	v52 =	vperm.xlane v2, v51;
	[tilespmem:$0x4220] =	vst v49  }
0x24: {  	v54 =	vperm.xlane v1, v51;
	[tilespmem:$0x6220] =	vst v50  }
0x25: {  	v56 =	vand.u32 $0xF, v48;
	v55 =	vperm.xlane v0, v51;
	[tilespmem:$0x2230] =	vst v52  }
0x26: {  	v58 =	vld [tilespmem:$0x60];
	v57 =	vperm.xlane v2, v56;
	[tilespmem:$0x4230] =	vst v54  }
0x27: {  	v59 =	vperm.xlane v1, v56;
	[tilespmem:$0x6230] =	vst v55  }
0x28: {  	v61 =	vand.u32 $0xF, v53;
	v60 =	vperm.xlane v0, v56;
	[tilespmem:$0x2240] =	vst v57  }
0x29: {  	v63 =	vld [tilespmem:$0x70];
	v62 =	vperm.xlane v2, v61;
	[tilespmem:$0x4240] =	vst v59  }
0x2a: {  	v9 =	vperm.xlane v1, v61;
	[tilespmem:$0x6240] =	vst v60  }
0x2b: {  	v11 =	vand.u32 $0xF, v58;
	v10 =	vperm.xlane v0, v61;
	[tilespmem:$0x2250] =	vst v62  }
0x2c: {  	v13 =	vld [tilespmem:$0x400];
	v12 =	vperm.xlane v2, v11;
	[tilespmem:$0x4250] =	vst v9  }
0x2d: {  	v14 =	vperm.xlane v1, v11;
	[tilespmem:$0x6250] =	vst v10  }
0x2e: {  	v16 =	vand.u32 $0xF, v63;
	v15 =	vperm.xlane v0, v11;
	[tilespmem:$0x2260] =	vst v12  }
0x2f: {  	v18 =	vld [tilespmem:$0x410];
	v17 =	vperm.xlane v2, v16;
	[tilespmem:$0x4260] =	vst v14  }
0x30: {  	v19 =	vperm.xlane v1, v16;
	[tilespmem:$0x6260] =	vst v15  }
0x31: {  	v21 =	vand.u32 $0xF, v13;
	v20 =	vperm.xlane v0, v16;
	[tilespmem:$0x2270] =	vst v17  }
0x32: {  	v23 =	vld [tilespmem:$0x420];
	v22 =	vperm.xlane v2, v21;
	[tilespmem:$0x4270] =	vst v19  }
0x33: {  	v24 =	vperm.xlane v1, v21;
	[tilespmem:$0x6270] =	vst v20  }
0x34: {  	v26 =	vand.u32 $0xF, v18;
	v25 =	vperm.xlane v0, v21;
	[tilespmem:$0x2600] =	vst v22  }
0x35: {  	v28 =	vld [tilespmem:$0x430];
	v27 =	vperm.xlane v2, v26;
	[tilespmem:$0x4600] =	vst v24  }
0x36: {  	v29 =	vperm.xlane v1, v26;
	[tilespmem:$0x6600] =	vst v25  }
0x37: {  	v31 =	vand.u32 $0xF, v23;
	v30 =	vperm.xlane v0, v26;
	[tilespmem:$0x2610] =	vst v27  }
0x38: {  	v33 =	vld [tilespmem:$0x440];
	v32 =	vperm.xlane v2, v31;
	[tilespmem:$0x4610] =	vst v29  }
0x39: {  	v34 =	vperm.xlane v1, v31;
	[tilespmem:$0x6610] =	vst v30  }
0x3a: {  	v38 =	vld [tilespmem:$0x450];
	v36 =	vand.u32 $0xF, v28;
	v35 =	vperm.xlane v0, v31;
	[tilespmem:$0x2620] =	vst v32  }
0x3b: {  	v37 =	vperm.xlane v2, v36;
	[tilespmem:$0x4620] =	vst v34  }
0x3c: {  	v39 =	vperm.xlane v1, v36;
	[tilespmem:$0x6620] =	vst v35  }
0x3d: {  	v41 =	vand.u32 $0xF, v33;
	v40 =	vperm.xlane v0, v36;
	[tilespmem:$0x2630] =	vst v37  }
0x3e: {  	v42 =	vperm.xlane v2, v41;
	[tilespmem:$0x4630] =	vst v39;
	v43 =	vld [tilespmem:$0x460]  }
0x3f: {  	v44 =	vperm.xlane v1, v41;
	v46 =	vand.u32 $0xF, v38;
	[tilespmem:$0x6630] =	vst v40  }
0x40: {  	v48 =	vperm.xlane v1, v46;
	[tilespmem:$0x2640] =	vst v42  }
0x41: {  	v45 =	vperm.xlane v0, v41;
	[tilespmem:$0x4640] =	vst v44  }
0x42: {  	v47 =	vperm.xlane v2, v46;
	[tilespmem:$0x4650] =	vst v48  }
0x43: {  	v49 =	vperm.xlane v0, v46;
	[tilespmem:$0x6640] =	vst v45;
	v50 =	vand.u32 $0xF, v43  }
0x44: {  	[tilespmem:$0x2650] =	vst v47;
	v51 =	vperm.xlane v2, v50  }
0x45: {  	[tilespmem:$0x6650] =	vst v49  }
0x46: {  	[tilespmem:$0x2660] =	vst v51  }
0x47: {  	v3 =	vld [tilespmem:$0x470];
	_ =	sdelay $0x2  }
0x48: {  	v52 =	vld [tilespmem:$0x800]  }
0x49: {  	v6 =	vperm.xlane v1, v50  }
0x4a: {  	v5 =	vperm.xlane v0, v50;
	v3 =	vand.u32 $0xF, v3  }
0x4b: {  	[tilespmem:$0x4660] =	vst v6;
	v54 =	vld [tilespmem:$0x810];
	v53 =	vperm.xlane v2, v3  }
0x4c: {  	[tilespmem:$0x6660] =	vst v5;
	v55 =	vperm.xlane v1, v3  }
0x4d: {  	v4 =	vand.u32 $0xF, v52;
	v3 =	vperm.xlane v0, v3;
	[tilespmem:$0x2670] =	vst v53  }
0x4e: {  	v57 =	vld [tilespmem:$0x820];
	v56 =	vperm.xlane v2, v4;
	[tilespmem:$0x4670] =	vst v55  }
0x4f: {  	v58 =	vperm.xlane v1, v4;
	[tilespmem:$0x6670] =	vst v3  }
0x50: {  	v59 =	vand.u32 $0xF, v54;
	v4 =	vperm.xlane v0, v4;
	[tilespmem:$0x2A00] =	vst v56  }
0x51: {  	v61 =	vld [tilespmem:$0x830];
	v60 =	vperm.xlane v2, v59;
	[tilespmem:$0x4A00] =	vst v58  }
0x52: {  	v62 =	vperm.xlane v1, v59;
	[tilespmem:$0x6A00] =	vst v4  }
0x53: {  	v9 =	vand.u32 $0xF, v57;
	v63 =	vperm.xlane v0, v59;
	[tilespmem:$0x2A10] =	vst v60  }
0x54: {  	v11 =	vld [tilespmem:$0x840];
	v10 =	vperm.xlane v2, v9;
	[tilespmem:$0x4A10] =	vst v62  }
0x55: {  	v12 =	vperm.xlane v1, v9;
	[tilespmem:$0x6A10] =	vst v63  }
0x56: {  	v14 =	vand.u32 $0xF, v61;
	v13 =	vperm.xlane v0, v9;
	[tilespmem:$0x2A20] =	vst v10  }
0x57: {  	v16 =	vld [tilespmem:$0x850];
	v15 =	vperm.xlane v2, v14;
	[tilespmem:$0x4A20] =	vst v12  }
0x58: {  	v17 =	vperm.xlane v1, v14;
	[tilespmem:$0x6A20] =	vst v13  }
0x59: {  	v19 =	vand.u32 $0xF, v11;
	v18 =	vperm.xlane v0, v14;
	[tilespmem:$0x2A30] =	vst v15  }
0x5a: {  	v21 =	vld [tilespmem:$0x860];
	v20 =	vperm.xlane v2, v19;
	[tilespmem:$0x4A30] =	vst v17  }
0x5b: {  	v22 =	vperm.xlane v1, v19;
	[tilespmem:$0x6A30] =	vst v18  }
0x5c: {  	v24 =	vand.u32 $0xF, v16;
	v23 =	vperm.xlane v0, v19;
	[tilespmem:$0x2A40] =	vst v20  }
0x5d: {  	v26 =	vld [tilespmem:$0x870];
	v25 =	vperm.xlane v2, v24;
	[tilespmem:$0x4A40] =	vst v22  }
0x5e: {  	v27 =	vperm.xlane v1, v24;
	[tilespmem:$0x6A40] =	vst v23  }
0x5f: {  	v29 =	vand.u32 $0xF, v21;
	v28 =	vperm.xlane v0, v24;
	[tilespmem:$0x2A50] =	vst v25  }
0x60: {  	v31 =	vld [tilespmem:$0xC00];
	v30 =	vperm.xlane v2, v29;
	[tilespmem:$0x4A50] =	vst v27  }
0x61: {  	v32 =	vperm.xlane v1, v29;
	[tilespmem:$0x6A50] =	vst v28  }
0x62: {  	v34 =	vand.u32 $0xF, v26;
	v33 =	vperm.xlane v0, v29;
	[tilespmem:$0x2A60] =	vst v30  }
0x63: {  	v36 =	vld [tilespmem:$0xC10];
	v35 =	vperm.xlane v2, v34;
	[tilespmem:$0x4A60] =	vst v32  }
0x64: {  	v37 =	vperm.xlane v1, v34;
	[tilespmem:$0x6A60] =	vst v33  }
0x65: {  	v39 =	vand.u32 $0xF, v31;
	v38 =	vperm.xlane v0, v34;
	[tilespmem:$0x2A70] =	vst v35  }
0x66: {  	v41 =	vld [tilespmem:$0xC20];
	v40 =	vperm.xlane v2, v39;
	[tilespmem:$0x4A70] =	vst v37  }
0x67: {  	v42 =	vperm.xlane v1, v39;
	[tilespmem:$0x6A70] =	vst v38  }
0x68: {  	v46 =	vld [tilespmem:$0xC30];
	v44 =	vand.u32 $0xF, v36;
	v43 =	vperm.xlane v0, v39;
	[tilespmem:$0x2E00] =	vst v40  }
0x69: {  	v45 =	vperm.xlane v2, v44;
	[tilespmem:$0x4E00] =	vst v42  }
0x6a: {  	v47 =	vperm.xlane v1, v44;
	[tilespmem:$0x6E00] =	vst v43  }
0x6b: {  	v49 =	vand.u32 $0xF, v41;
	v48 =	vperm.xlane v0, v44;
	[tilespmem:$0x2E10] =	vst v45  }
0x6c: {  	v51 =	vld [tilespmem:$0xC40];
	v50 =	vperm.xlane v2, v49;
	[tilespmem:$0x4E10] =	vst v47  }
0x6d: {  	v54 =	vand.u32 $0xF, v46;
	v52 =	vperm.xlane v1, v49;
	[tilespmem:$0x6E10] =	vst v48  }
0x6e: {  	v57 =	vperm.xlane v1, v54;
	[tilespmem:$0x2E20] =	vst v50  }
0x6f: {  	v8 =	vld [tilespmem:$0x580];
	v53 =	vperm.xlane v0, v49;
	[tilespmem:$0x4E20] =	vst v52  }
0x70: {  	v61 =	vld [tilespmem:$0xC60];
	v55 =	vperm.xlane v2, v54;
	[tilespmem:$0x4E30] =	vst v57  }
0x71: {  	v59 =	vand.u32 $0xF, v51;
	v58 =	vperm.xlane v0, v54;
	[tilespmem:$0x6E20] =	vst v53  }
0x72: {  	v60 =	vperm.xlane v2, v59;
	[tilespmem:$0x2E30] =	vst v55  }
0x73: {  	v11 =	vld [tilespmem:$0xC70];
	v62 =	vperm.xlane v1, v59;
	[tilespmem:$0x6E30] =	vst v58  }
0x74: {  	v63 =	vperm.xlane v0, v59;
	v4 =	vand.u32 $0xF, v8;
	[tilespmem:$0x2E40] =	vst v60  }
0x75: {  	v8 =	vperm.xlane v1, v4;
	[tilespmem:$0x4E40] =	vst v62;
	v14 =	vand.u32 $0xF, v61  }
0x76: {  	v16 =	vld [tilespmem:$0x80];
	[tilespmem:$0x6E40] =	vst v63;
	v15 =	vperm.xlane v2, v14  }
0x77: {  	v17 =	vperm.xlane v1, v14;
	[tilespmem:$0x4780] =	vst v8  }
0x78: {  	v19 =	vand.u32 $0xF, v11;
	v18 =	vperm.xlane v0, v14;
	[tilespmem:$0x2E60] =	vst v15  }
0x79: {  	v21 =	vld [tilespmem:$0x90];
	v20 =	vperm.xlane v2, v19;
	[tilespmem:$0x4E60] =	vst v17  }
0x7a: {  	v22 =	vperm.xlane v1, v19;
	[tilespmem:$0x6E60] =	vst v18  }
0x7b: {  	v24 =	vand.u32 $0xF, v16;
	v23 =	vperm.xlane v0, v19;
	[tilespmem:$0x2E70] =	vst v20  }
0x7c: {  	v26 =	vld [tilespmem:$0xA0];
	v25 =	vperm.xlane v2, v24;
	[tilespmem:$0x4E70] =	vst v22  }
0x7d: {  	v27 =	vperm.xlane v1, v24;
	[tilespmem:$0x6E70] =	vst v23  }
0x7e: {  	v29 =	vand.u32 $0xF, v21;
	v28 =	vperm.xlane v0, v24;
	[tilespmem:$0x2280] =	vst v25  }
0x7f: {  	v31 =	vld [tilespmem:$0xB0];
	v30 =	vperm.xlane v2, v29;
	[tilespmem:$0x4280] =	vst v27  }
0x80: {  	v32 =	vperm.xlane v1, v29;
	[tilespmem:$0x6280] =	vst v28  }
0x81: {  	v34 =	vand.u32 $0xF, v26;
	v33 =	vperm.xlane v0, v29;
	[tilespmem:$0x2290] =	vst v30  }
0x82: {  	v36 =	vld [tilespmem:$0xC0];
	v35 =	vperm.xlane v2, v34;
	[tilespmem:$0x4290] =	vst v32  }
0x83: {  	v37 =	vperm.xlane v1, v34;
	[tilespmem:$0x6290] =	vst v33  }
0x84: {  	v39 =	vand.u32 $0xF, v31;
	v38 =	vperm.xlane v0, v34;
	[tilespmem:$0x22A0] =	vst v35  }
0x85: {  	v41 =	vld [tilespmem:$0xD0];
	v40 =	vperm.xlane v2, v39;
	[tilespmem:$0x42A0] =	vst v37  }
0x86: {  	v42 =	vperm.xlane v1, v39;
	[tilespmem:$0x62A0] =	vst v38  }
0x87: {  	v44 =	vand.u32 $0xF, v36;
	v43 =	vperm.xlane v0, v39;
	[tilespmem:$0x22B0] =	vst v40  }
0x88: {  	v46 =	vld [tilespmem:$0xE0];
	v45 =	vperm.xlane v2, v44;
	[tilespmem:$0x42B0] =	vst v42  }
0x89: {  	v47 =	vperm.xlane v1, v44;
	[tilespmem:$0x62B0] =	vst v43  }
0x8a: {  	v49 =	vand.u32 $0xF, v41;
	v48 =	vperm.xlane v0, v44;
	[tilespmem:$0x22C0] =	vst v45  }
0x8b: {  	v51 =	vld [tilespmem:$0xF0];
	v50 =	vperm.xlane v2, v49;
	[tilespmem:$0x42C0] =	vst v47  }
0x8c: {  	v52 =	vperm.xlane v1, v49;
	[tilespmem:$0x62C0] =	vst v48  }
0x8d: {  	v54 =	vand.u32 $0xF, v46;
	v53 =	vperm.xlane v0, v49;
	[tilespmem:$0x22D0] =	vst v50  }
0x8e: {  	v56 =	vld [tilespmem:$0xC50];
	v55 =	vperm.xlane v2, v54;
	[tilespmem:$0x42D0] =	vst v52  }
0x8f: {  	v57 =	vperm.xlane v1, v54;
	[tilespmem:$0x62D0] =	vst v53  }
0x90: {  	v58 =	vperm.xlane v0, v54;
	v59 =	vand.u32 $0xF, v51;
	[tilespmem:$0x22E0] =	vst v55  }
0x91: {  	v61 =	vld [tilespmem:$0x490];
	v60 =	vperm.xlane v2, v59;
	[tilespmem:$0x42E0] =	vst v57  }
0x92: {  	v62 =	vperm.xlane v1, v59;
	[tilespmem:$0x62E0] =	vst v58  }
0x93: {  	v63 =	vperm.xlane v0, v59;
	v9 =	vand.u32 $0xF, v56;
	[tilespmem:$0x22F0] =	vst v60  }
0x94: {  	v11 =	vld [tilespmem:$0x4A0];
	v10 =	vperm.xlane v2, v9;
	[tilespmem:$0x42F0] =	vst v62  }
0x95: {  	v12 =	vperm.xlane v1, v9;
	[tilespmem:$0x62F0] =	vst v63  }
0x96: {  	v13 =	vperm.xlane v0, v9;
	v14 =	vand.u32 $0xF, v61;
	[tilespmem:$0x2E50] =	vst v10  }
0x97: {  	v16 =	vld [tilespmem:$0x4B0];
	[tilespmem:$0x4E50] =	vst v12;
	v15 =	vperm.xlane v2, v14  }
0x98: {  	[tilespmem:$0x6E50] =	vst v13;
	v17 =	vperm.xlane v1, v14  }
0x99: {  	v19 =	vand.u32 $0xF, v11;
	v18 =	vperm.xlane v0, v14;
	[tilespmem:$0x2690] =	vst v15  }
0x9a: {  	v21 =	vld [tilespmem:$0x4C0];
	v20 =	vperm.xlane v2, v19;
	[tilespmem:$0x4690] =	vst v17  }
0x9b: {  	v22 =	vperm.xlane v1, v19;
	[tilespmem:$0x6690] =	vst v18  }
0x9c: {  	v24 =	vand.u32 $0xF, v16;
	v23 =	vperm.xlane v0, v19;
	[tilespmem:$0x26A0] =	vst v20  }
0x9d: {  	v26 =	vld [tilespmem:$0x4D0];
	v25 =	vperm.xlane v2, v24;
	[tilespmem:$0x46A0] =	vst v22  }
0x9e: {  	v27 =	vperm.xlane v1, v24;
	[tilespmem:$0x66A0] =	vst v23  }
0x9f: {  	v29 =	vand.u32 $0xF, v21;
	v28 =	vperm.xlane v0, v24;
	[tilespmem:$0x26B0] =	vst v25  }
0xa0: {  	v31 =	vld [tilespmem:$0x4E0];
	v30 =	vperm.xlane v2, v29;
	[tilespmem:$0x46B0] =	vst v27  }
0xa1: {  	v32 =	vperm.xlane v1, v29;
	[tilespmem:$0x66B0] =	vst v28  }
0xa2: {  	v34 =	vand.u32 $0xF, v26;
	v33 =	vperm.xlane v0, v29;
	[tilespmem:$0x26C0] =	vst v30  }
0xa3: {  	v36 =	vld [tilespmem:$0x4F0];
	v35 =	vperm.xlane v2, v34;
	[tilespmem:$0x46C0] =	vst v32  }
0xa4: {  	v37 =	vperm.xlane v1, v34;
	[tilespmem:$0x66C0] =	vst v33  }
0xa5: {  	v39 =	vand.u32 $0xF, v31;
	v38 =	vperm.xlane v0, v34;
	[tilespmem:$0x26D0] =	vst v35  }
0xa6: {  	v41 =	vld [tilespmem:$0x880];
	v40 =	vperm.xlane v2, v39;
	[tilespmem:$0x46D0] =	vst v37  }
0xa7: {  	v42 =	vperm.xlane v1, v39;
	[tilespmem:$0x66D0] =	vst v38  }
0xa8: {  	v44 =	vand.u32 $0xF, v36;
	v43 =	vperm.xlane v0, v39;
	[tilespmem:$0x26E0] =	vst v40  }
0xa9: {  	v46 =	vld [tilespmem:$0x890];
	v45 =	vperm.xlane v2, v44;
	[tilespmem:$0x46E0] =	vst v42  }
0xaa: {  	v47 =	vperm.xlane v1, v44;
	[tilespmem:$0x66E0] =	vst v43  }
0xab: {  	v49 =	vand.u32 $0xF, v41;
	v48 =	vperm.xlane v0, v44;
	[tilespmem:$0x26F0] =	vst v45  }
0xac: {  	v51 =	vld [tilespmem:$0x8A0];
	v50 =	vperm.xlane v2, v49;
	[tilespmem:$0x46F0] =	vst v47  }
0xad: {  	v52 =	vperm.xlane v1, v49;
	[tilespmem:$0x66F0] =	vst v48  }
0xae: {  	v54 =	vand.u32 $0xF, v46;
	v53 =	vperm.xlane v0, v49;
	[tilespmem:$0x2A80] =	vst v50  }
0xaf: {  	v56 =	vld [tilespmem:$0x480];
	v55 =	vperm.xlane v2, v54;
	[tilespmem:$0x4A80] =	vst v52  }
0xb0: {  	v57 =	vperm.xlane v1, v54;
	[tilespmem:$0x6A80] =	vst v53  }
0xb1: {  	v58 =	vperm.xlane v0, v54;
	v59 =	vand.u32 $0xF, v51;
	[tilespmem:$0x2A90] =	vst v55  }
0xb2: {  	v61 =	vld [tilespmem:$0x8C0];
	v60 =	vperm.xlane v2, v59;
	[tilespmem:$0x4A90] =	vst v57  }
0xb3: {  	v62 =	vperm.xlane v1, v59;
	[tilespmem:$0x6A90] =	vst v58  }
0xb4: {  	v63 =	vperm.xlane v0, v59;
	v9 =	vand.u32 $0xF, v56;
	[tilespmem:$0x2AA0] =	vst v60  }
0xb5: {  	v11 =	vld [tilespmem:$0x8D0];
	v10 =	vperm.xlane v2, v9;
	[tilespmem:$0x4AA0] =	vst v62  }
0xb6: {  	v12 =	vperm.xlane v1, v9;
	[tilespmem:$0x6AA0] =	vst v63  }
0xb7: {  	v13 =	vperm.xlane v0, v9;
	v14 =	vand.u32 $0xF, v61;
	[tilespmem:$0x2680] =	vst v10  }
0xb8: {  	v16 =	vld [tilespmem:$0x8E0];
	[tilespmem:$0x4680] =	vst v12;
	v15 =	vperm.xlane v2, v14  }
0xb9: {  	[tilespmem:$0x6680] =	vst v13;
	v17 =	vperm.xlane v1, v14  }
0xba: {  	v19 =	vand.u32 $0xF, v11;
	v18 =	vperm.xlane v0, v14;
	[tilespmem:$0x2AC0] =	vst v15  }
0xbb: {  	v21 =	vld [tilespmem:$0x8F0];
	v20 =	vperm.xlane v2, v19;
	[tilespmem:$0x4AC0] =	vst v17  }
0xbc: {  	v22 =	vperm.xlane v1, v19;
	[tilespmem:$0x6AC0] =	vst v18  }
0xbd: {  	v24 =	vand.u32 $0xF, v16;
	v23 =	vperm.xlane v0, v19;
	[tilespmem:$0x2AD0] =	vst v20  }
0xbe: {  	v26 =	vld [tilespmem:$0xC80];
	v25 =	vperm.xlane v2, v24;
	[tilespmem:$0x4AD0] =	vst v22  }
0xbf: {  	v27 =	vperm.xlane v1, v24;
	[tilespmem:$0x6AD0] =	vst v23  }
0xc0: {  	v29 =	vand.u32 $0xF, v21;
	v28 =	vperm.xlane v0, v24;
	[tilespmem:$0x2AE0] =	vst v25  }
0xc1: {  	v31 =	vld [tilespmem:$0xC90];
	v30 =	vperm.xlane v2, v29;
	[tilespmem:$0x4AE0] =	vst v27  }
0xc2: {  	v32 =	vperm.xlane v1, v29;
	[tilespmem:$0x6AE0] =	vst v28  }
0xc3: {  	v34 =	vand.u32 $0xF, v26;
	v33 =	vperm.xlane v0, v29;
	[tilespmem:$0x2AF0] =	vst v30  }
0xc4: {  	v36 =	vld [tilespmem:$0xCA0];
	v35 =	vperm.xlane v2, v34;
	[tilespmem:$0x4AF0] =	vst v32  }
0xc5: {  	v37 =	vperm.xlane v1, v34;
	[tilespmem:$0x6AF0] =	vst v33  }
0xc6: {  	v39 =	vand.u32 $0xF, v31;
	v38 =	vperm.xlane v0, v34;
	[tilespmem:$0x2E80] =	vst v35  }
0xc7: {  	v41 =	vld [tilespmem:$0xCB0];
	v40 =	vperm.xlane v2, v39;
	[tilespmem:$0x4E80] =	vst v37  }
0xc8: {  	v42 =	vperm.xlane v1, v39;
	[tilespmem:$0x6E80] =	vst v38  }
0xc9: {  	v44 =	vand.u32 $0xF, v36;
	v43 =	vperm.xlane v0, v39;
	[tilespmem:$0x2E90] =	vst v40  }
0xca: {  	v46 =	vld [tilespmem:$0xCC0];
	v45 =	vperm.xlane v2, v44;
	[tilespmem:$0x4E90] =	vst v42  }
0xcb: {  	v47 =	vperm.xlane v1, v44;
	[tilespmem:$0x6E90] =	vst v43  }
0xcc: {  	v49 =	vand.u32 $0xF, v41;
	v48 =	vperm.xlane v0, v44;
	[tilespmem:$0x2EA0] =	vst v45  }
0xcd: {  	v51 =	vld [tilespmem:$0xCD0];
	v50 =	vperm.xlane v2, v49;
	[tilespmem:$0x4EA0] =	vst v47  }
0xce: {  	v52 =	vperm.xlane v1, v49;
	[tilespmem:$0x6EA0] =	vst v48  }
0xcf: {  	v54 =	vand.u32 $0xF, v46;
	v53 =	vperm.xlane v0, v49;
	[tilespmem:$0x2EB0] =	vst v50  }
0xd0: {  	v56 =	vld [tilespmem:$0x8B0];
	v55 =	vperm.xlane v2, v54;
	[tilespmem:$0x4EB0] =	vst v52  }
0xd1: {  	v57 =	vperm.xlane v1, v54;
	[tilespmem:$0x6EB0] =	vst v53  }
0xd2: {  	v58 =	vperm.xlane v0, v54;
	v59 =	vand.u32 $0xF, v51;
	[tilespmem:$0x2EC0] =	vst v55  }
0xd3: {  	v61 =	vld [tilespmem:$0xCF0];
	v60 =	vperm.xlane v2, v59;
	[tilespmem:$0x4EC0] =	vst v57  }
0xd4: {  	v62 =	vperm.xlane v1, v59;
	[tilespmem:$0x6EC0] =	vst v58  }
0xd5: {  	v63 =	vperm.xlane v0, v59;
	v9 =	vand.u32 $0xF, v56;
	[tilespmem:$0x2ED0] =	vst v60  }
0xd6: {  	v11 =	vld [tilespmem:$0x100];
	v10 =	vperm.xlane v2, v9;
	[tilespmem:$0x4ED0] =	vst v62  }
0xd7: {  	v12 =	vperm.xlane v1, v9;
	[tilespmem:$0x6ED0] =	vst v63  }
0xd8: {  	v13 =	vperm.xlane v0, v9;
	v14 =	vand.u32 $0xF, v61;
	[tilespmem:$0x2AB0] =	vst v10  }
0xd9: {  	v16 =	vld [tilespmem:$0x110];
	[tilespmem:$0x4AB0] =	vst v12;
	v15 =	vperm.xlane v2, v14  }
0xda: {  	[tilespmem:$0x6AB0] =	vst v13;
	v17 =	vperm.xlane v1, v14  }
0xdb: {  	v19 =	vand.u32 $0xF, v11;
	v18 =	vperm.xlane v0, v14;
	[tilespmem:$0x2EF0] =	vst v15  }
0xdc: {  	v21 =	vld [tilespmem:$0x120];
	v20 =	vperm.xlane v2, v19;
	[tilespmem:$0x4EF0] =	vst v17  }
0xdd: {  	v22 =	vperm.xlane v1, v19;
	[tilespmem:$0x6EF0] =	vst v18  }
0xde: {  	v24 =	vand.u32 $0xF, v16;
	v23 =	vperm.xlane v0, v19;
	[tilespmem:$0x2300] =	vst v20  }
0xdf: {  	v26 =	vld [tilespmem:$0x130];
	v25 =	vperm.xlane v2, v24;
	[tilespmem:$0x4300] =	vst v22  }
0xe0: {  	v27 =	vperm.xlane v1, v24;
	[tilespmem:$0x6300] =	vst v23  }
0xe1: {  	v29 =	vand.u32 $0xF, v21;
	v28 =	vperm.xlane v0, v24;
	[tilespmem:$0x2310] =	vst v25  }
0xe2: {  	v31 =	vld [tilespmem:$0x140];
	v30 =	vperm.xlane v2, v29;
	[tilespmem:$0x4310] =	vst v27  }
0xe3: {  	v32 =	vperm.xlane v1, v29;
	[tilespmem:$0x6310] =	vst v28  }
0xe4: {  	v34 =	vand.u32 $0xF, v26;
	v33 =	vperm.xlane v0, v29;
	[tilespmem:$0x2320] =	vst v30  }
0xe5: {  	v36 =	vld [tilespmem:$0x150];
	v35 =	vperm.xlane v2, v34;
	[tilespmem:$0x4320] =	vst v32  }
0xe6: {  	v37 =	vperm.xlane v1, v34;
	[tilespmem:$0x6320] =	vst v33  }
0xe7: {  	v39 =	vand.u32 $0xF, v31;
	v38 =	vperm.xlane v0, v34;
	[tilespmem:$0x2330] =	vst v35  }
0xe8: {  	v41 =	vld [tilespmem:$0x160];
	v40 =	vperm.xlane v2, v39;
	[tilespmem:$0x4330] =	vst v37  }
0xe9: {  	v42 =	vperm.xlane v1, v39;
	[tilespmem:$0x6330] =	vst v38  }
0xea: {  	v44 =	vand.u32 $0xF, v36;
	v43 =	vperm.xlane v0, v39;
	[tilespmem:$0x2340] =	vst v40  }
0xeb: {  	v46 =	vld [tilespmem:$0x170];
	v45 =	vperm.xlane v2, v44;
	[tilespmem:$0x4340] =	vst v42  }
0xec: {  	v47 =	vperm.xlane v1, v44;
	[tilespmem:$0x6340] =	vst v43  }
0xed: {  	v49 =	vand.u32 $0xF, v41;
	v48 =	vperm.xlane v0, v44;
	[tilespmem:$0x2350] =	vst v45  }
0xee: {  	v51 =	vld [tilespmem:$0x500];
	v50 =	vperm.xlane v2, v49;
	[tilespmem:$0x4350] =	vst v47  }
0xef: {  	v52 =	vperm.xlane v1, v49;
	[tilespmem:$0x6350] =	vst v48  }
0xf0: {  	v54 =	vand.u32 $0xF, v46;
	v53 =	vperm.xlane v0, v49;
	[tilespmem:$0x2360] =	vst v50  }
0xf1: {  	v56 =	vld [tilespmem:$0xCE0];
	v55 =	vperm.xlane v2, v54;
	[tilespmem:$0x4360] =	vst v52  }
0xf2: {  	v57 =	vperm.xlane v1, v54;
	[tilespmem:$0x6360] =	vst v53  }
0xf3: {  	v58 =	vperm.xlane v0, v54;
	v59 =	vand.u32 $0xF, v51;
	[tilespmem:$0x2370] =	vst v55  }
0xf4: {  	v61 =	vld [tilespmem:$0x520];
	v60 =	vperm.xlane v2, v59;
	[tilespmem:$0x4370] =	vst v57  }
0xf5: {  	v62 =	vperm.xlane v1, v59;
	[tilespmem:$0x6370] =	vst v58  }
0xf6: {  	v63 =	vperm.xlane v0, v59;
	v9 =	vand.u32 $0xF, v56;
	[tilespmem:$0x2700] =	vst v60  }
0xf7: {  	v11 =	vld [tilespmem:$0x530];
	v10 =	vperm.xlane v2, v9;
	[tilespmem:$0x4700] =	vst v62  }
0xf8: {  	v12 =	vperm.xlane v1, v9;
	[tilespmem:$0x6700] =	vst v63  }
0xf9: {  	v13 =	vperm.xlane v0, v9;
	v14 =	vand.u32 $0xF, v61;
	[tilespmem:$0x2EE0] =	vst v10  }
0xfa: {  	v16 =	vld [tilespmem:$0x540];
	[tilespmem:$0x4EE0] =	vst v12;
	v15 =	vperm.xlane v2, v14  }
0xfb: {  	[tilespmem:$0x6EE0] =	vst v13;
	v17 =	vperm.xlane v1, v14  }
0xfc: {  	v19 =	vand.u32 $0xF, v11;
	v18 =	vperm.xlane v0, v14;
	[tilespmem:$0x2720] =	vst v15  }
0xfd: {  	v21 =	vld [tilespmem:$0x550];
	v20 =	vperm.xlane v2, v19;
	[tilespmem:$0x4720] =	vst v17  }
0xfe: {  	v22 =	vperm.xlane v1, v19;
	[tilespmem:$0x6720] =	vst v18  }
0xff: {  	v24 =	vand.u32 $0xF, v16;
	v23 =	vperm.xlane v0, v19;
	[tilespmem:$0x2730] =	vst v20  }
0x100: {  	v26 =	vld [tilespmem:$0x560];
	v25 =	vperm.xlane v2, v24;
	[tilespmem:$0x4730] =	vst v22  }
0x101: {  	v27 =	vperm.xlane v1, v24;
	[tilespmem:$0x6730] =	vst v23  }
0x102: {  	v29 =	vand.u32 $0xF, v21;
	v28 =	vperm.xlane v0, v24;
	[tilespmem:$0x2740] =	vst v25  }
0x103: {  	v31 =	vld [tilespmem:$0x570];
	v30 =	vperm.xlane v2, v29;
	[tilespmem:$0x4740] =	vst v27  }
0x104: {  	v32 =	vperm.xlane v1, v29;
	[tilespmem:$0x6740] =	vst v28  }
0x105: {  	v34 =	vand.u32 $0xF, v26;
	v33 =	vperm.xlane v0, v29;
	[tilespmem:$0x2750] =	vst v30  }
0x106: {  	v36 =	vld [tilespmem:$0x900];
	v35 =	vperm.xlane v2, v34;
	[tilespmem:$0x4750] =	vst v32  }
0x107: {  	v37 =	vperm.xlane v1, v34;
	[tilespmem:$0x6750] =	vst v33  }
0x108: {  	v39 =	vand.u32 $0xF, v31;
	v38 =	vperm.xlane v0, v34;
	[tilespmem:$0x2760] =	vst v35  }
0x109: {  	v41 =	vld [tilespmem:$0x910];
	v40 =	vperm.xlane v2, v39;
	[tilespmem:$0x4760] =	vst v37  }
0x10a: {  	v42 =	vperm.xlane v1, v39;
	[tilespmem:$0x6760] =	vst v38  }
0x10b: {  	v44 =	vand.u32 $0xF, v36;
	v43 =	vperm.xlane v0, v39;
	[tilespmem:$0x2770] =	vst v40  }
0x10c: {  	v46 =	vld [tilespmem:$0x920];
	v45 =	vperm.xlane v2, v44;
	[tilespmem:$0x4770] =	vst v42  }
0x10d: {  	v47 =	vperm.xlane v1, v44;
	[tilespmem:$0x6770] =	vst v43  }
0x10e: {  	v49 =	vand.u32 $0xF, v41;
	v48 =	vperm.xlane v0, v44;
	[tilespmem:$0x2B00] =	vst v45  }
0x10f: {  	v51 =	vld [tilespmem:$0x930];
	v50 =	vperm.xlane v2, v49;
	[tilespmem:$0x4B00] =	vst v47  }
0x110: {  	v52 =	vperm.xlane v1, v49;
	[tilespmem:$0x6B00] =	vst v48  }
0x111: {  	v54 =	vand.u32 $0xF, v46;
	v53 =	vperm.xlane v0, v49;
	[tilespmem:$0x2B10] =	vst v50  }
0x112: {  	v56 =	vld [tilespmem:$0x510];
	v55 =	vperm.xlane v2, v54;
	[tilespmem:$0x4B10] =	vst v52  }
0x113: {  	v57 =	vperm.xlane v1, v54;
	[tilespmem:$0x6B10] =	vst v53  }
0x114: {  	v58 =	vperm.xlane v0, v54;
	v59 =	vand.u32 $0xF, v51;
	[tilespmem:$0x2B20] =	vst v55  }
0x115: {  	v61 =	vld [tilespmem:$0x950];
	v60 =	vperm.xlane v2, v59;
	[tilespmem:$0x4B20] =	vst v57  }
0x116: {  	v62 =	vperm.xlane v1, v59;
	[tilespmem:$0x6B20] =	vst v58  }
0x117: {  	v63 =	vperm.xlane v0, v59;
	v9 =	vand.u32 $0xF, v56;
	[tilespmem:$0x2B30] =	vst v60  }
0x118: {  	v11 =	vld [tilespmem:$0x960];
	v10 =	vperm.xlane v2, v9;
	[tilespmem:$0x4B30] =	vst v62  }
0x119: {  	v12 =	vperm.xlane v1, v9;
	[tilespmem:$0x6B30] =	vst v63  }
0x11a: {  	v13 =	vperm.xlane v0, v9;
	v14 =	vand.u32 $0xF, v61;
	[tilespmem:$0x2710] =	vst v10  }
0x11b: {  	v16 =	vld [tilespmem:$0x970];
	[tilespmem:$0x4710] =	vst v12;
	v15 =	vperm.xlane v2, v14  }
0x11c: {  	[tilespmem:$0x6710] =	vst v13;
	v17 =	vperm.xlane v1, v14  }
0x11d: {  	v19 =	vand.u32 $0xF, v11;
	v18 =	vperm.xlane v0, v14;
	[tilespmem:$0x2B50] =	vst v15  }
0x11e: {  	v21 =	vld [tilespmem:$0xD00];
	v20 =	vperm.xlane v2, v19;
	[tilespmem:$0x4B50] =	vst v17  }
0x11f: {  	v22 =	vperm.xlane v1, v19;
	[tilespmem:$0x6B50] =	vst v18  }
0x120: {  	v24 =	vand.u32 $0xF, v16;
	v23 =	vperm.xlane v0, v19;
	[tilespmem:$0x2B60] =	vst v20  }
0x121: {  	v26 =	vld [tilespmem:$0xD10];
	v25 =	vperm.xlane v2, v24;
	[tilespmem:$0x4B60] =	vst v22  }
0x122: {  	v27 =	vperm.xlane v1, v24;
	[tilespmem:$0x6B60] =	vst v23  }
0x123: {  	v29 =	vand.u32 $0xF, v21;
	v28 =	vperm.xlane v0, v24;
	[tilespmem:$0x2B70] =	vst v25  }
0x124: {  	v31 =	vld [tilespmem:$0xD20];
	v30 =	vperm.xlane v2, v29;
	[tilespmem:$0x4B70] =	vst v27  }
0x125: {  	v32 =	vperm.xlane v1, v29;
	[tilespmem:$0x6B70] =	vst v28  }
0x126: {  	v34 =	vand.u32 $0xF, v26;
	v33 =	vperm.xlane v0, v29;
	[tilespmem:$0x2F00] =	vst v30  }
0x127: {  	v36 =	vld [tilespmem:$0xD30];
	v35 =	vperm.xlane v2, v34;
	[tilespmem:$0x4F00] =	vst v32  }
0x128: {  	v37 =	vperm.xlane v1, v34;
	[tilespmem:$0x6F00] =	vst v33  }
0x129: {  	v39 =	vand.u32 $0xF, v31;
	v38 =	vperm.xlane v0, v34;
	[tilespmem:$0x2F10] =	vst v35  }
0x12a: {  	v41 =	vld [tilespmem:$0xD40];
	v40 =	vperm.xlane v2, v39;
	[tilespmem:$0x4F10] =	vst v37  }
0x12b: {  	v42 =	vperm.xlane v1, v39;
	[tilespmem:$0x6F10] =	vst v38  }
0x12c: {  	v44 =	vand.u32 $0xF, v36;
	v43 =	vperm.xlane v0, v39;
	[tilespmem:$0x2F20] =	vst v40  }
0x12d: {  	v46 =	vld [tilespmem:$0xD50];
	v45 =	vperm.xlane v2, v44;
	[tilespmem:$0x4F20] =	vst v42  }
0x12e: {  	v47 =	vperm.xlane v1, v44;
	[tilespmem:$0x6F20] =	vst v43  }
0x12f: {  	v49 =	vand.u32 $0xF, v41;
	v48 =	vperm.xlane v0, v44;
	[tilespmem:$0x2F30] =	vst v45  }
0x130: {  	v51 =	vld [tilespmem:$0xD60];
	v50 =	vperm.xlane v2, v49;
	[tilespmem:$0x4F30] =	vst v47  }
0x131: {  	v52 =	vperm.xlane v1, v49;
	[tilespmem:$0x6F30] =	vst v48  }
0x132: {  	v54 =	vand.u32 $0xF, v46;
	v53 =	vperm.xlane v0, v49;
	[tilespmem:$0x2F40] =	vst v50  }
0x133: {  	v56 =	vld [tilespmem:$0x940];
	v55 =	vperm.xlane v2, v54;
	[tilespmem:$0x4F40] =	vst v52  }
0x134: {  	v57 =	vperm.xlane v1, v54;
	[tilespmem:$0x6F40] =	vst v53  }
0x135: {  	v58 =	vperm.xlane v0, v54;
	v59 =	vand.u32 $0xF, v51;
	[tilespmem:$0x2F50] =	vst v55  }
0x136: {  	v61 =	vld [tilespmem:$0x180];
	v60 =	vperm.xlane v2, v59;
	[tilespmem:$0x4F50] =	vst v57  }
0x137: {  	v62 =	vperm.xlane v1, v59;
	[tilespmem:$0x6F50] =	vst v58  }
0x138: {  	v63 =	vperm.xlane v0, v59;
	v9 =	vand.u32 $0xF, v56;
	[tilespmem:$0x2F60] =	vst v60  }
0x139: {  	v11 =	vld [tilespmem:$0x190];
	v10 =	vperm.xlane v2, v9;
	[tilespmem:$0x4F60] =	vst v62  }
0x13a: {  	v12 =	vperm.xlane v1, v9;
	[tilespmem:$0x6F60] =	vst v63  }
0x13b: {  	v13 =	vperm.xlane v0, v9;
	v14 =	vand.u32 $0xF, v61;
	[tilespmem:$0x2B40] =	vst v10  }
0x13c: {  	v16 =	vld [tilespmem:$0x1A0];
	[tilespmem:$0x4B40] =	vst v12;
	v15 =	vperm.xlane v2, v14  }
0x13d: {  	[tilespmem:$0x6B40] =	vst v13;
	v17 =	vperm.xlane v1, v14  }
0x13e: {  	v21 =	vld [tilespmem:$0x1B0];
	v19 =	vand.u32 $0xF, v11;
	v18 =	vperm.xlane v0, v14;
	[tilespmem:$0x2380] =	vst v15  }
0x13f: {  	v31 =	vld [tilespmem:$0x260];
	v20 =	vperm.xlane v2, v19;
	[tilespmem:$0x4380] =	vst v17  }
0x140: {  	v41 =	vld [tilespmem:$0x230];
	v22 =	vperm.xlane v1, v19;
	[tilespmem:$0x6380] =	vst v18  }
0x141: {  	v24 =	vand.u32 $0xF, v16;
	v23 =	vperm.xlane v0, v19;
	[tilespmem:$0x2390] =	vst v20  }
0x142: {  	v34 =	vld [tilespmem:$0x250];
	v26 =	vperm.xlane v2, v24;
	[tilespmem:$0x4390] =	vst v22  }
0x143: {  	v3 =	vand.u32 $0xF, v21;
	v5 =	vperm.xlane v0, v24;
	[tilespmem:$0x6390] =	vst v23  }
0x144: {  	v37 =	vand.u32 $0xF, v31;
	v7 =	vperm.xlane v2, v3;
	[tilespmem:$0x23A0] =	vst v26  }
0x145: {  	v56 =	vld [tilespmem:$0xD70];
	v48 =	vand.u32 $0xF, v41;
	v39 =	vperm.xlane v1, v37;
	[tilespmem:$0x63A0] =	vst v5  }
0x146: {  	v50 =	vperm.xlane v0, v48;
	[tilespmem:$0x23B0] =	vst v7  }
0x147: {  	v40 =	vand.u32 $0xF, v34;
	v51 =	vperm.xlane v1, v48;
	[tilespmem:$0x4460] =	vst v39  }
0x148: {  	v42 =	vperm.xlane v0, v40;
	[tilespmem:$0x6430] =	vst v50  }
0x149: {  	v25 =	vld [tilespmem:$0x610];
	v43 =	vperm.xlane v1, v40;
	[tilespmem:$0x4430] =	vst v51  }
0x14a: {  	v9 =	vand.u32 $0xF, v56;
	v7 =	vperm.xlane v2, v37;
	[tilespmem:$0x6450] =	vst v42  }
0x14b: {  	v27 =	vld [tilespmem:$0x270];
	v10 =	vperm.xlane v2, v9;
	[tilespmem:$0x4450] =	vst v43  }
0x14c: {  	v12 =	vperm.xlane v1, v9;
	[tilespmem:$0x2460] =	vst v7  }
0x14d: {  	v13 =	vperm.xlane v0, v9;
	[tilespmem:$0x2F70] =	vst v10  }
0x14e: {  	v38 =	vld [tilespmem:$0x240];
	v5 =	vand.u32 $0xF, v25;
	v9 =	vperm.xlane v1, v24;
	[tilespmem:$0x4F70] =	vst v12  }
0x14f: {  	v28 =	vperm.xlane v1, v5;
	[tilespmem:$0x6F70] =	vst v13  }
0x150: {  	v45 =	vld [tilespmem:$0x220];
	v6 =	vand.u32 $0xF, v27;
	v30 =	vperm.xlane v2, v5;
	[tilespmem:$0x43A0] =	vst v9  }
0x151: {  	v35 =	vperm.xlane v0, v6;
	[tilespmem:$0x4810] =	vst v28  }
0x152: {  	v49 =	vld [tilespmem:$0x210];
	v36 =	vperm.xlane v1, v6;
	[tilespmem:$0x2810] =	vst v30  }
0x153: {  	v44 =	vand.u32 $0xF, v38;
	v6 =	vperm.xlane v2, v6;
	[tilespmem:$0x6470] =	vst v35  }
0x154: {  	v53 =	vld [tilespmem:$0x200];
	v46 =	vperm.xlane v0, v44;
	[tilespmem:$0x4470] =	vst v36  }
0x155: {  	v52 =	vand.u32 $0xF, v45;
	v47 =	vperm.xlane v1, v44;
	[tilespmem:$0x2470] =	vst v6  }
0x156: {  	v54 =	vperm.xlane v0, v52;
	[tilespmem:$0x6440] =	vst v46  }
0x157: {  	v56 =	vand.u32 $0xF, v49;
	v55 =	vperm.xlane v1, v52;
	[tilespmem:$0x4440] =	vst v47  }
0x158: {  	v58 =	vperm.xlane v0, v56;
	[tilespmem:$0x6420] =	vst v54  }
0x159: {  	v61 =	vld [tilespmem:$0xDE0];
	v60 =	vand.u32 $0xF, v53;
	v59 =	vperm.xlane v1, v56;
	[tilespmem:$0x4420] =	vst v55  }
0x15a: {  	v62 =	vperm.xlane v0, v60;
	[tilespmem:$0x6410] =	vst v58  }
0x15b: {  	v63 =	vperm.xlane v1, v60;
	[tilespmem:$0x4410] =	vst v59  }
0x15c: {  	v57 =	vld [tilespmem:$0xDF0];
	v5 =	vperm.xlane v0, v5;
	[tilespmem:$0x6400] =	vst v62  }
0x15d: {  	v7 =	vperm.xlane v2, v44;
	[tilespmem:$0x4400] =	vst v63  }
0x15e: {  	v21 =	vld [tilespmem:$0xDB0];
	v16 =	vand.u32 $0xF, v61;
	v6 =	vperm.xlane v2, v40;
	[tilespmem:$0x6810] =	vst v5  }
0x15f: {  	v18 =	vperm.xlane v0, v16;
	[tilespmem:$0x2440] =	vst v7  }
0x160: {  	v19 =	vperm.xlane v1, v16;
	[tilespmem:$0x2450] =	vst v6  }
0x161: {  	v12 =	vand.u32 $0xF, v57;
	v7 =	vperm.xlane v2, v52;
	[tilespmem:$0x6FE0] =	vst v18  }
0x162: {  	v17 =	vld [tilespmem:$0xDC0];
	v14 =	vperm.xlane v0, v12;
	[tilespmem:$0x4FE0] =	vst v19  }
0x163: {  	v28 =	vand.u32 $0xF, v21;
	v15 =	vperm.xlane v1, v12;
	[tilespmem:$0x2420] =	vst v7  }
0x164: {  	v41 =	vld [tilespmem:$0x9E0];
	v30 =	vperm.xlane v0, v28;
	[tilespmem:$0x6FF0] =	vst v14  }
0x165: {  	v31 =	vperm.xlane v1, v28;
	[tilespmem:$0x4FF0] =	vst v15  }
0x166: {  	v45 =	vld [tilespmem:$0x9D0];
	v6 =	vperm.xlane v2, v48;
	[tilespmem:$0x6FB0] =	vst v30  }
0x167: {  	v24 =	vand.u32 $0xF, v17;
	v7 =	vperm.xlane v2, v60;
	[tilespmem:$0x4FB0] =	vst v31  }
0x168: {  	v26 =	vperm.xlane v0, v24;
	[tilespmem:$0x2430] =	vst v6  }
0x169: {  	v53 =	vld [tilespmem:$0x9B0];
	v48 =	vand.u32 $0xF, v41;
	v27 =	vperm.xlane v1, v24;
	[tilespmem:$0x2400] =	vst v7  }
0x16a: {  	v50 =	vperm.xlane v0, v48;
	[tilespmem:$0x6FC0] =	vst v26  }
0x16b: {  	v52 =	vand.u32 $0xF, v45;
	v51 =	vperm.xlane v1, v48;
	[tilespmem:$0x4FC0] =	vst v27  }
0x16c: {  	v10 =	vld [tilespmem:$0x600];
	v54 =	vperm.xlane v0, v52;
	[tilespmem:$0x6BE0] =	vst v50  }
0x16d: {  	v49 =	vld [tilespmem:$0x9C0];
	v55 =	vperm.xlane v1, v52;
	[tilespmem:$0x4BE0] =	vst v51  }
0x16e: {  	v60 =	vand.u32 $0xF, v53;
	v6 =	vperm.xlane v2, v56;
	[tilespmem:$0x6BD0] =	vst v54  }
0x16f: {  	v62 =	vperm.xlane v0, v60;
	[tilespmem:$0x4BD0] =	vst v55  }
0x170: {  	v63 =	vperm.xlane v1, v60;
	[tilespmem:$0x2410] =	vst v6  }
0x171: {  	v29 =	vand.u32 $0xF, v10;
	v10 =	vperm.xlane v0, v37;
	[tilespmem:$0x6BB0] =	vst v62  }
0x172: {  	v56 =	vand.u32 $0xF, v49;
	v7 =	vperm.xlane v2, v16;
	[tilespmem:$0x4BB0] =	vst v63  }
0x173: {  	v58 =	vperm.xlane v0, v56;
	[tilespmem:$0x6460] =	vst v10  }
0x174: {  	v59 =	vperm.xlane v1, v56;
	[tilespmem:$0x2FE0] =	vst v7  }
0x175: {  	v13 =	vld [tilespmem:$0xDD0];
	v51 =	vperm.xlane v0, v4;
	[tilespmem:$0x6BC0] =	vst v58  }
0x176: {  	v4 =	vperm.xlane v2, v4;
	[tilespmem:$0x4BC0] =	vst v59  }
0x177: {  	v61 =	vld [tilespmem:$0x990];
	v32 =	vperm.xlane v0, v29;
	[tilespmem:$0x6780] =	vst v51  }
0x178: {  	v11 =	vperm.xlane v1, v29;
	[tilespmem:$0x2780] =	vst v4  }
0x179: {  	v33 =	vperm.xlane v2, v29;
	[tilespmem:$0x6800] =	vst v32  }
0x17a: {  	v57 =	vld [tilespmem:$0x9A0];
	v20 =	vand.u32 $0xF, v13;
	v6 =	vperm.xlane v2, v12;
	[tilespmem:$0x4800] =	vst v11  }
0x17b: {  	v22 =	vperm.xlane v0, v20;
	[tilespmem:$0x2800] =	vst v33  }
0x17c: {  	v16 =	vand.u32 $0xF, v61;
	v23 =	vperm.xlane v1, v20;
	[tilespmem:$0x2FF0] =	vst v6  }
0x17d: {  	v17 =	vld [tilespmem:$0x5F0];
	v18 =	vperm.xlane v0, v16;
	[tilespmem:$0x6FD0] =	vst v22  }
0x17e: {  	v19 =	vperm.xlane v1, v16;
	[tilespmem:$0x4FD0] =	vst v23  }
0x17f: {  	v12 =	vand.u32 $0xF, v57;
	v7 =	vperm.xlane v2, v24;
	[tilespmem:$0x6B90] =	vst v18  }
0x180: {  	v14 =	vperm.xlane v0, v12;
	[tilespmem:$0x4B90] =	vst v19  }
0x181: {  	v25 =	vld [tilespmem:$0xDA0];
	v15 =	vperm.xlane v1, v12;
	[tilespmem:$0x2FC0] =	vst v7  }
0x182: {  	v24 =	vand.u32 $0xF, v17;
	v6 =	vperm.xlane v2, v20;
	[tilespmem:$0x6BA0] =	vst v14  }
0x183: {  	v26 =	vperm.xlane v0, v24;
	[tilespmem:$0x4BA0] =	vst v15  }
0x184: {  	v27 =	vperm.xlane v1, v24;
	[tilespmem:$0x2FD0] =	vst v6  }
0x185: {  	v37 =	vld [tilespmem:$0x9F0];
	v18 =	vperm.xlane v0, v3;
	[tilespmem:$0x67F0] =	vst v26  }
0x186: {  	v32 =	vand.u32 $0xF, v25;
	v3 =	vperm.xlane v1, v3;
	[tilespmem:$0x47F0] =	vst v27  }
0x187: {  	v13 =	vld [tilespmem:$0x980];
	v34 =	vperm.xlane v0, v32;
	[tilespmem:$0x63B0] =	vst v18  }
0x188: {  	v35 =	vperm.xlane v1, v32;
	[tilespmem:$0x43B0] =	vst v3  }
0x189: {  	v21 =	vld [tilespmem:$0x5E0];
	v7 =	vperm.xlane v2, v32;
	[tilespmem:$0x6FA0] =	vst v34  }
0x18a: {  	v6 =	vperm.xlane v2, v28;
	v44 =	vand.u32 $0xF, v37;
	[tilespmem:$0x4FA0] =	vst v35  }
0x18b: {  	v54 =	vld [tilespmem:$0x1D0];
	[tilespmem:$0x2FA0] =	vst v7;
	v46 =	vperm.xlane v0, v44  }
0x18c: {  	v20 =	vand.u32 $0xF, v13;
	v47 =	vperm.xlane v1, v44;
	[tilespmem:$0x2FB0] =	vst v6  }
0x18d: {  	v22 =	vperm.xlane v0, v20;
	[tilespmem:$0x6BF0] =	vst v46  }
0x18e: {  	v29 =	vld [tilespmem:$0xD90];
	v28 =	vand.u32 $0xF, v21;
	v23 =	vperm.xlane v1, v20;
	[tilespmem:$0x4BF0] =	vst v47  }
0x18f: {  	v30 =	vperm.xlane v0, v28;
	[tilespmem:$0x6B80] =	vst v22  }
0x190: {  	v5 =	vand.u32 $0xF, v54;
	v31 =	vperm.xlane v1, v28;
	[tilespmem:$0x4B80] =	vst v23  }
0x191: {  	v33 =	vld [tilespmem:$0xD80];
	v63 =	vperm.xlane v2, v5;
	[tilespmem:$0x67E0] =	vst v30  }
0x192: {  	v13 =	vperm.xlane v0, v5;
	[tilespmem:$0x47E0] =	vst v31  }
0x193: {  	v36 =	vand.u32 $0xF, v29;
	v5 =	vperm.xlane v1, v5;
	[tilespmem:$0x23D0] =	vst v63  }
0x194: {  	v38 =	vperm.xlane v0, v36;
	[tilespmem:$0x63D0] =	vst v13  }
0x195: {  	v25 =	vld [tilespmem:$0x5D0];
	v39 =	vperm.xlane v1, v36;
	[tilespmem:$0x43D0] =	vst v5  }
0x196: {  	v6 =	vperm.xlane v2, v36;
	v40 =	vand.u32 $0xF, v33;
	[tilespmem:$0x6F90] =	vst v38  }
0x197: {  	[tilespmem:$0x4F90] =	vst v39;
	v42 =	vperm.xlane v0, v40  }
0x198: {  	v32 =	vld [tilespmem:$0x5A0];
	v43 =	vperm.xlane v1, v40;
	[tilespmem:$0x2F90] =	vst v6  }
0x199: {  	v7 =	vperm.xlane v2, v40;
	[tilespmem:$0x6F80] =	vst v42  }
0x19a: {  	v8 =	vand.u32 $0xF, v25;
	v6 =	vperm.xlane v2, v44;
	[tilespmem:$0x4F80] =	vst v43  }
0x19b: {  	v33 =	vperm.xlane v0, v8;
	[tilespmem:$0x2F80] =	vst v7  }
0x19c: {  	v35 =	vperm.xlane v1, v8;
	[tilespmem:$0x2BF0] =	vst v6  }
0x19d: {  	v29 =	vld [tilespmem:$0x5C0];
	v8 =	vperm.xlane v2, v8;
	v37 =	vand.u32 $0xF, v32;
	[tilespmem:$0x67D0] =	vst v33  }
0x19e: {  	v11 =	vperm.xlane v2, v37;
	[tilespmem:$0x47D0] =	vst v35  }
0x19f: {  	v44 =	vperm.xlane v0, v37;
	[tilespmem:$0x27D0] =	vst v8  }
0x1a0: {  	v46 =	vperm.xlane v1, v37;
	[tilespmem:$0x27A0] =	vst v11  }
0x1a1: {  	v50 =	vld [tilespmem:$0x620];
	v7 =	vperm.xlane v2, v48;
	[tilespmem:$0x67A0] =	vst v44  }
0x1a2: {  	v6 =	vperm.xlane v2, v52;
	v36 =	vand.u32 $0xF, v29;
	[tilespmem:$0x47A0] =	vst v46  }
0x1a3: {  	v38 =	vperm.xlane v0, v36;
	[tilespmem:$0x2BE0] =	vst v7  }
0x1a4: {  	v39 =	vperm.xlane v1, v36;
	[tilespmem:$0x2BD0] =	vst v6  }
0x1a5: {  	v7 =	vperm.xlane v2, v56;
	[tilespmem:$0x67C0] =	vst v38  }
0x1a6: {  	v40 =	vld [tilespmem:$0x590];
	v6 =	vperm.xlane v2, v60;
	v56 =	vand.u32 $0xF, v50;
	[tilespmem:$0x47C0] =	vst v39  }
0x1a7: {  	v58 =	vperm.xlane v2, v56;
	[tilespmem:$0x2BC0] =	vst v7  }
0x1a8: {  	v17 =	vperm.xlane v1, v56;
	[tilespmem:$0x2BB0] =	vst v6  }
0x1a9: {  	v4 =	vperm.xlane v0, v56;
	[tilespmem:$0x2820] =	vst v58  }
0x1aa: {  	v7 =	vperm.xlane v2, v12;
	[tilespmem:$0x4820] =	vst v17  }
0x1ab: {  	v48 =	vld [tilespmem:$0x1F0];
	v45 =	vand.u32 $0xF, v40;
	v6 =	vperm.xlane v2, v16;
	[tilespmem:$0x6820] =	vst v4  }
0x1ac: {  	v47 =	vperm.xlane v0, v45;
	[tilespmem:$0x2BA0] =	vst v7  }
0x1ad: {  	v52 =	vld [tilespmem:$0x1E0];
	v49 =	vperm.xlane v1, v45;
	[tilespmem:$0x2B90] =	vst v6  }
0x1ae: {  	v8 =	vperm.xlane v2, v45;
	[tilespmem:$0x6790] =	vst v47  }
0x1af: {  	v7 =	vperm.xlane v2, v20;
	[tilespmem:$0x4790] =	vst v49  }
0x1b0: {  	v53 =	vand.u32 $0xF, v48;
	v6 =	vperm.xlane v2, v24;
	[tilespmem:$0x2790] =	vst v8  }
0x1b1: {  	v55 =	vperm.xlane v1, v53;
	[tilespmem:$0x2B80] =	vst v7  }
0x1b2: {  	v60 =	vld [tilespmem:$0x1C0];
	v59 =	vand.u32 $0xF, v52;
	v57 =	vperm.xlane v0, v53;
	[tilespmem:$0x27F0] =	vst v6  }
0x1b3: {  	v61 =	vperm.xlane v0, v59;
	[tilespmem:$0x43F0] =	vst v55  }
0x1b4: {  	v62 =	vperm.xlane v1, v59;
	[tilespmem:$0x63F0] =	vst v57  }
0x1b5: {  	v34 =	vld [tilespmem:$0x5B0];
	v12 =	vperm.xlane v2, v59;
	[tilespmem:$0x63E0] =	vst v61  }
0x1b6: {  	v7 =	vperm.xlane v2, v28;
	[tilespmem:$0x43E0] =	vst v62  }
0x1b7: {  	v14 =	vand.u32 $0xF, v60;
	v6 =	vperm.xlane v2, v36;
	[tilespmem:$0x23E0] =	vst v12  }
0x1b8: {  	v15 =	vperm.xlane v0, v14;
	[tilespmem:$0x27E0] =	vst v7  }
0x1b9: {  	v16 =	vld [tilespmem:$0x630];
	v8 =	vperm.xlane v1, v14;
	[tilespmem:$0x27C0] =	vst v6  }
0x1ba: {  	v7 =	vand.u32 $0xF, v34;
	v6 =	vperm.xlane v2, v53;
	[tilespmem:$0x63C0] =	vst v15  }
0x1bb: {  	[tilespmem:$0x43C0] =	vst v8;
	v41 =	vperm.xlane v0, v7  }
0x1bc: {  	v42 =	vperm.xlane v1, v7;
	[tilespmem:$0x23F0] =	vst v6  }
0x1bd: {  	v43 =	vperm.xlane v2, v7;
	[tilespmem:$0x67B0] =	vst v41  }
0x1be: {  	v5 =	vand.u32 $0xF, v16;
	v6 =	vperm.xlane v2, v14;
	[tilespmem:$0x47B0] =	vst v42  }
0x1bf: {  	v19 =	vperm.xlane v2, v5;
	[tilespmem:$0x27B0] =	vst v43  }
0x1c0: {  	[tilespmem:$0x23C0] =	vst v6  }
0x1c1: {  	[tilespmem:$0x2830] =	vst v19  }
0x1c2: {  	v3 =	vld [tilespmem:$0x640];
	_ =	sdelay $0x2  }
0x1c3: {  	v20 =	vld [tilespmem:$0x650]  }
0x1c4: {  	v21 =	vperm.xlane v1, v5  }
0x1c5: {  	v5 =	vperm.xlane v0, v5;
	v3 =	vand.u32 $0xF, v3  }
0x1c6: {  	[tilespmem:$0x4830] =	vst v21;
	v23 =	vld [tilespmem:$0x660];
	v22 =	vperm.xlane v2, v3  }
0x1c7: {  	[tilespmem:$0x6830] =	vst v5;
	v24 =	vperm.xlane v1, v3  }
0x1c8: {  	v4 =	vand.u32 $0xF, v20;
	v3 =	vperm.xlane v0, v3;
	[tilespmem:$0x2840] =	vst v22  }
0x1c9: {  	v26 =	vld [tilespmem:$0x670];
	v25 =	vperm.xlane v2, v4;
	[tilespmem:$0x4840] =	vst v24  }
0x1ca: {  	v27 =	vperm.xlane v1, v4;
	[tilespmem:$0x6840] =	vst v3  }
0x1cb: {  	v28 =	vand.u32 $0xF, v23;
	v4 =	vperm.xlane v0, v4;
	[tilespmem:$0x2850] =	vst v25  }
0x1cc: {  	v30 =	vld [tilespmem:$0xA00];
	v29 =	vperm.xlane v2, v28;
	[tilespmem:$0x4850] =	vst v27  }
0x1cd: {  	v31 =	vperm.xlane v1, v28;
	[tilespmem:$0x6850] =	vst v4  }
0x1ce: {  	v33 =	vand.u32 $0xF, v26;
	v32 =	vperm.xlane v0, v28;
	[tilespmem:$0x2860] =	vst v29  }
0x1cf: {  	v35 =	vld [tilespmem:$0xA10];
	v34 =	vperm.xlane v2, v33;
	[tilespmem:$0x4860] =	vst v31  }
0x1d0: {  	v36 =	vperm.xlane v1, v33;
	[tilespmem:$0x6860] =	vst v32  }
0x1d1: {  	v38 =	vand.u32 $0xF, v30;
	v37 =	vperm.xlane v0, v33;
	[tilespmem:$0x2870] =	vst v34  }
0x1d2: {  	v40 =	vld [tilespmem:$0xA20];
	v39 =	vperm.xlane v2, v38;
	[tilespmem:$0x4870] =	vst v36  }
0x1d3: {  	v41 =	vperm.xlane v1, v38;
	[tilespmem:$0x6870] =	vst v37  }
0x1d4: {  	v43 =	vand.u32 $0xF, v35;
	v42 =	vperm.xlane v0, v38;
	[tilespmem:$0x2C00] =	vst v39  }
0x1d5: {  	v45 =	vld [tilespmem:$0xA30];
	v44 =	vperm.xlane v2, v43;
	[tilespmem:$0x4C00] =	vst v41  }
0x1d6: {  	v46 =	vperm.xlane v1, v43;
	[tilespmem:$0x6C00] =	vst v42  }
0x1d7: {  	v48 =	vand.u32 $0xF, v40;
	v47 =	vperm.xlane v0, v43;
	[tilespmem:$0x2C10] =	vst v44  }
0x1d8: {  	v50 =	vld [tilespmem:$0xA40];
	v49 =	vperm.xlane v2, v48;
	[tilespmem:$0x4C10] =	vst v46  }
0x1d9: {  	v51 =	vperm.xlane v1, v48;
	[tilespmem:$0x6C10] =	vst v47  }
0x1da: {  	v53 =	vand.u32 $0xF, v45;
	v52 =	vperm.xlane v0, v48;
	[tilespmem:$0x2C20] =	vst v49  }
0x1db: {  	v55 =	vld [tilespmem:$0xA50];
	v54 =	vperm.xlane v2, v53;
	[tilespmem:$0x4C20] =	vst v51  }
0x1dc: {  	v56 =	vperm.xlane v1, v53;
	[tilespmem:$0x6C20] =	vst v52  }
0x1dd: {  	v58 =	vand.u32 $0xF, v50;
	v57 =	vperm.xlane v0, v53;
	[tilespmem:$0x2C30] =	vst v54  }
0x1de: {  	v60 =	vld [tilespmem:$0xA60];
	v59 =	vperm.xlane v2, v58;
	[tilespmem:$0x4C30] =	vst v56  }
0x1df: {  	v61 =	vperm.xlane v1, v58;
	[tilespmem:$0x6C30] =	vst v57  }
0x1e0: {  	v63 =	vand.u32 $0xF, v55;
	v62 =	vperm.xlane v0, v58;
	[tilespmem:$0x2C40] =	vst v59  }
0x1e1: {  	v10 =	vld [tilespmem:$0xA70];
	v9 =	vperm.xlane v2, v63;
	[tilespmem:$0x4C40] =	vst v61  }
0x1e2: {  	v11 =	vperm.xlane v1, v63;
	[tilespmem:$0x6C40] =	vst v62  }
0x1e3: {  	v15 =	vld [tilespmem:$0xE00];
	v13 =	vand.u32 $0xF, v60;
	v12 =	vperm.xlane v0, v63;
	[tilespmem:$0x2C50] =	vst v9  }
0x1e4: {  	v14 =	vperm.xlane v2, v13;
	[tilespmem:$0x4C50] =	vst v11  }
0x1e5: {  	v16 =	vperm.xlane v1, v13;
	[tilespmem:$0x6C50] =	vst v12  }
0x1e6: {  	v18 =	vand.u32 $0xF, v10;
	v17 =	vperm.xlane v0, v13;
	[tilespmem:$0x2C60] =	vst v14  }
0x1e7: {  	v20 =	vld [tilespmem:$0xE10];
	v19 =	vperm.xlane v2, v18;
	[tilespmem:$0x4C60] =	vst v16  }
0x1e8: {  	v23 =	vand.u32 $0xF, v15;
	v21 =	vperm.xlane v1, v18;
	[tilespmem:$0x6C60] =	vst v17  }
0x1e9: {  	v26 =	vperm.xlane v1, v23;
	[tilespmem:$0x2C70] =	vst v19  }
0x1ea: {  	v30 =	vld [tilespmem:$0xE30];
	v22 =	vperm.xlane v0, v18;
	[tilespmem:$0x4C70] =	vst v21  }
0x1eb: {  	v24 =	vperm.xlane v2, v23;
	[tilespmem:$0x5000] =	vst v26  }
0x1ec: {  	v27 =	vperm.xlane v0, v23;
	[tilespmem:$0x6C70] =	vst v22;
	v28 =	vand.u32 $0xF, v20  }
0x1ed: {  	v35 =	vld [tilespmem:$0xE40];
	[tilespmem:$0x3000] =	vst v24;
	v29 =	vperm.xlane v2, v28  }
0x1ee: {  	[tilespmem:$0x7000] =	vst v27;
	v31 =	vperm.xlane v1, v28  }
0x1ef: {  	v38 =	vand.u32 $0xF, v30;
	v32 =	vperm.xlane v0, v28;
	[tilespmem:$0x3010] =	vst v29  }
0x1f0: {  	v40 =	vld [tilespmem:$0xE50];
	v39 =	vperm.xlane v2, v38;
	[tilespmem:$0x5010] =	vst v31  }
0x1f1: {  	v41 =	vperm.xlane v1, v38;
	[tilespmem:$0x7010] =	vst v32  }
0x1f2: {  	v43 =	vand.u32 $0xF, v35;
	v42 =	vperm.xlane v0, v38;
	[tilespmem:$0x3030] =	vst v39  }
0x1f3: {  	v45 =	vld [tilespmem:$0xE60];
	v44 =	vperm.xlane v2, v43;
	[tilespmem:$0x5030] =	vst v41  }
0x1f4: {  	v46 =	vperm.xlane v1, v43;
	[tilespmem:$0x7030] =	vst v42  }
0x1f5: {  	v48 =	vand.u32 $0xF, v40;
	v47 =	vperm.xlane v0, v43;
	[tilespmem:$0x3040] =	vst v44  }
0x1f6: {  	v50 =	vld [tilespmem:$0xE70];
	v49 =	vperm.xlane v2, v48;
	[tilespmem:$0x5040] =	vst v46  }
0x1f7: {  	v51 =	vperm.xlane v1, v48;
	[tilespmem:$0x7040] =	vst v47  }
0x1f8: {  	v53 =	vand.u32 $0xF, v45;
	v52 =	vperm.xlane v0, v48;
	[tilespmem:$0x3050] =	vst v49  }
0x1f9: {  	v55 =	vld [tilespmem:$0x280];
	v54 =	vperm.xlane v2, v53;
	[tilespmem:$0x5050] =	vst v51  }
0x1fa: {  	v56 =	vperm.xlane v1, v53;
	[tilespmem:$0x7050] =	vst v52  }
0x1fb: {  	v58 =	vand.u32 $0xF, v50;
	v57 =	vperm.xlane v0, v53;
	[tilespmem:$0x3060] =	vst v54  }
0x1fc: {  	v60 =	vld [tilespmem:$0x290];
	v59 =	vperm.xlane v2, v58;
	[tilespmem:$0x5060] =	vst v56  }
0x1fd: {  	v61 =	vperm.xlane v1, v58;
	[tilespmem:$0x7060] =	vst v57  }
0x1fe: {  	v63 =	vand.u32 $0xF, v55;
	v62 =	vperm.xlane v0, v58;
	[tilespmem:$0x3070] =	vst v59  }
0x1ff: {  	v10 =	vld [tilespmem:$0x2A0];
	v9 =	vperm.xlane v2, v63;
	[tilespmem:$0x5070] =	vst v61  }
0x200: {  	v11 =	vperm.xlane v1, v63;
	[tilespmem:$0x7070] =	vst v62  }
0x201: {  	v13 =	vand.u32 $0xF, v60;
	v12 =	vperm.xlane v0, v63;
	[tilespmem:$0x2480] =	vst v9  }
0x202: {  	v15 =	vld [tilespmem:$0x2B0];
	v14 =	vperm.xlane v2, v13;
	[tilespmem:$0x4480] =	vst v11  }
0x203: {  	v16 =	vperm.xlane v1, v13;
	[tilespmem:$0x6480] =	vst v12  }
0x204: {  	v18 =	vand.u32 $0xF, v10;
	v17 =	vperm.xlane v0, v13;
	[tilespmem:$0x2490] =	vst v14  }
0x205: {  	v25 =	vld [tilespmem:$0xE20];
	v19 =	vperm.xlane v2, v18;
	[tilespmem:$0x4490] =	vst v16  }
0x206: {  	v21 =	vperm.xlane v1, v18;
	[tilespmem:$0x6490] =	vst v17  }
0x207: {  	v23 =	vand.u32 $0xF, v15;
	v22 =	vperm.xlane v0, v18;
	[tilespmem:$0x24A0] =	vst v19  }
0x208: {  	v20 =	vld [tilespmem:$0x2C0];
	v24 =	vperm.xlane v2, v23;
	[tilespmem:$0x44A0] =	vst v21  }
0x209: {  	v26 =	vperm.xlane v1, v23;
	[tilespmem:$0x64A0] =	vst v22  }
0x20a: {  	v27 =	vperm.xlane v0, v23;
	v33 =	vand.u32 $0xF, v25;
	[tilespmem:$0x24B0] =	vst v24  }
0x20b: {  	v30 =	vld [tilespmem:$0x2E0];
	[tilespmem:$0x44B0] =	vst v26;
	v34 =	vperm.xlane v2, v33  }
0x20c: {  	[tilespmem:$0x64B0] =	vst v27;
	v36 =	vperm.xlane v1, v33  }
0x20d: {  	v37 =	vperm.xlane v0, v33;
	v28 =	vand.u32 $0xF, v20;
	[tilespmem:$0x3020] =	vst v34  }
0x20e: {  	v35 =	vld [tilespmem:$0x2F0];
	[tilespmem:$0x5020] =	vst v36;
	v29 =	vperm.xlane v2, v28  }
0x20f: {  	[tilespmem:$0x7020] =	vst v37;
	v31 =	vperm.xlane v1, v28  }
0x210: {  	v38 =	vand.u32 $0xF, v30;
	v32 =	vperm.xlane v0, v28;
	[tilespmem:$0x24C0] =	vst v29  }
0x211: {  	v40 =	vld [tilespmem:$0x680];
	v39 =	vperm.xlane v2, v38;
	[tilespmem:$0x44C0] =	vst v31  }
0x212: {  	v41 =	vperm.xlane v1, v38;
	[tilespmem:$0x64C0] =	vst v32  }
0x213: {  	v43 =	vand.u32 $0xF, v35;
	v42 =	vperm.xlane v0, v38;
	[tilespmem:$0x24E0] =	vst v39  }
0x214: {  	v45 =	vld [tilespmem:$0x690];
	v44 =	vperm.xlane v2, v43;
	[tilespmem:$0x44E0] =	vst v41  }
0x215: {  	v46 =	vperm.xlane v1, v43;
	[tilespmem:$0x64E0] =	vst v42  }
0x216: {  	v48 =	vand.u32 $0xF, v40;
	v47 =	vperm.xlane v0, v43;
	[tilespmem:$0x24F0] =	vst v44  }
0x217: {  	v50 =	vld [tilespmem:$0x6A0];
	v49 =	vperm.xlane v2, v48;
	[tilespmem:$0x44F0] =	vst v46  }
0x218: {  	v51 =	vperm.xlane v1, v48;
	[tilespmem:$0x64F0] =	vst v47  }
0x219: {  	v53 =	vand.u32 $0xF, v45;
	v52 =	vperm.xlane v0, v48;
	[tilespmem:$0x2880] =	vst v49  }
0x21a: {  	v55 =	vld [tilespmem:$0x6B0];
	v54 =	vperm.xlane v2, v53;
	[tilespmem:$0x4880] =	vst v51  }
0x21b: {  	v56 =	vperm.xlane v1, v53;
	[tilespmem:$0x6880] =	vst v52  }
0x21c: {  	v58 =	vand.u32 $0xF, v50;
	v57 =	vperm.xlane v0, v53;
	[tilespmem:$0x2890] =	vst v54  }
0x21d: {  	v60 =	vld [tilespmem:$0x6C0];
	v59 =	vperm.xlane v2, v58;
	[tilespmem:$0x4890] =	vst v56  }
0x21e: {  	v61 =	vperm.xlane v1, v58;
	[tilespmem:$0x6890] =	vst v57  }
0x21f: {  	v63 =	vand.u32 $0xF, v55;
	v62 =	vperm.xlane v0, v58;
	[tilespmem:$0x28A0] =	vst v59  }
0x220: {  	v10 =	vld [tilespmem:$0x6D0];
	v9 =	vperm.xlane v2, v63;
	[tilespmem:$0x48A0] =	vst v61  }
0x221: {  	v11 =	vperm.xlane v1, v63;
	[tilespmem:$0x68A0] =	vst v62  }
0x222: {  	v13 =	vand.u32 $0xF, v60;
	v12 =	vperm.xlane v0, v63;
	[tilespmem:$0x28B0] =	vst v9  }
0x223: {  	v15 =	vld [tilespmem:$0x6E0];
	v14 =	vperm.xlane v2, v13;
	[tilespmem:$0x48B0] =	vst v11  }
0x224: {  	v16 =	vperm.xlane v1, v13;
	[tilespmem:$0x68B0] =	vst v12  }
0x225: {  	v18 =	vand.u32 $0xF, v10;
	v17 =	vperm.xlane v0, v13;
	[tilespmem:$0x28C0] =	vst v14  }
0x226: {  	v25 =	vld [tilespmem:$0x2D0];
	v19 =	vperm.xlane v2, v18;
	[tilespmem:$0x48C0] =	vst v16  }
0x227: {  	v21 =	vperm.xlane v1, v18;
	[tilespmem:$0x68C0] =	vst v17  }
0x228: {  	v23 =	vand.u32 $0xF, v15;
	v22 =	vperm.xlane v0, v18;
	[tilespmem:$0x28D0] =	vst v19  }
0x229: {  	v20 =	vld [tilespmem:$0x6F0];
	v24 =	vperm.xlane v2, v23;
	[tilespmem:$0x48D0] =	vst v21  }
0x22a: {  	v26 =	vperm.xlane v1, v23;
	[tilespmem:$0x68D0] =	vst v22  }
0x22b: {  	v27 =	vperm.xlane v0, v23;
	v33 =	vand.u32 $0xF, v25;
	[tilespmem:$0x28E0] =	vst v24  }
0x22c: {  	v30 =	vld [tilespmem:$0xA90];
	[tilespmem:$0x48E0] =	vst v26;
	v34 =	vperm.xlane v2, v33  }
0x22d: {  	[tilespmem:$0x68E0] =	vst v27;
	v36 =	vperm.xlane v1, v33  }
0x22e: {  	v37 =	vperm.xlane v0, v33;
	v28 =	vand.u32 $0xF, v20;
	[tilespmem:$0x24D0] =	vst v34  }
0x22f: {  	v35 =	vld [tilespmem:$0xAA0];
	[tilespmem:$0x44D0] =	vst v36;
	v29 =	vperm.xlane v2, v28  }
0x230: {  	[tilespmem:$0x64D0] =	vst v37;
	v31 =	vperm.xlane v1, v28  }
0x231: {  	v38 =	vand.u32 $0xF, v30;
	v32 =	vperm.xlane v0, v28;
	[tilespmem:$0x28F0] =	vst v29  }
0x232: {  	v40 =	vld [tilespmem:$0xAB0];
	v39 =	vperm.xlane v2, v38;
	[tilespmem:$0x48F0] =	vst v31  }
0x233: {  	v41 =	vperm.xlane v1, v38;
	[tilespmem:$0x68F0] =	vst v32  }
0x234: {  	v43 =	vand.u32 $0xF, v35;
	v42 =	vperm.xlane v0, v38;
	[tilespmem:$0x2C90] =	vst v39  }
0x235: {  	v45 =	vld [tilespmem:$0xAC0];
	v44 =	vperm.xlane v2, v43;
	[tilespmem:$0x4C90] =	vst v41  }
0x236: {  	v46 =	vperm.xlane v1, v43;
	[tilespmem:$0x6C90] =	vst v42  }
0x237: {  	v48 =	vand.u32 $0xF, v40;
	v47 =	vperm.xlane v0, v43;
	[tilespmem:$0x2CA0] =	vst v44  }
0x238: {  	v50 =	vld [tilespmem:$0xAD0];
	v49 =	vperm.xlane v2, v48;
	[tilespmem:$0x4CA0] =	vst v46  }
0x239: {  	v51 =	vperm.xlane v1, v48;
	[tilespmem:$0x6CA0] =	vst v47  }
0x23a: {  	v53 =	vand.u32 $0xF, v45;
	v52 =	vperm.xlane v0, v48;
	[tilespmem:$0x2CB0] =	vst v49  }
0x23b: {  	v55 =	vld [tilespmem:$0xAE0];
	v54 =	vperm.xlane v2, v53;
	[tilespmem:$0x4CB0] =	vst v51  }
0x23c: {  	v56 =	vperm.xlane v1, v53;
	[tilespmem:$0x6CB0] =	vst v52  }
0x23d: {  	v58 =	vand.u32 $0xF, v50;
	v57 =	vperm.xlane v0, v53;
	[tilespmem:$0x2CC0] =	vst v54  }
0x23e: {  	v60 =	vld [tilespmem:$0xAF0];
	v59 =	vperm.xlane v2, v58;
	[tilespmem:$0x4CC0] =	vst v56  }
0x23f: {  	v61 =	vperm.xlane v1, v58;
	[tilespmem:$0x6CC0] =	vst v57  }
0x240: {  	v63 =	vand.u32 $0xF, v55;
	v62 =	vperm.xlane v0, v58;
	[tilespmem:$0x2CD0] =	vst v59  }
0x241: {  	v10 =	vld [tilespmem:$0xE80];
	v9 =	vperm.xlane v2, v63;
	[tilespmem:$0x4CD0] =	vst v61  }
0x242: {  	v11 =	vperm.xlane v1, v63;
	[tilespmem:$0x6CD0] =	vst v62  }
0x243: {  	v13 =	vand.u32 $0xF, v60;
	v12 =	vperm.xlane v0, v63;
	[tilespmem:$0x2CE0] =	vst v9  }
0x244: {  	v15 =	vld [tilespmem:$0xE90];
	v14 =	vperm.xlane v2, v13;
	[tilespmem:$0x4CE0] =	vst v11  }
0x245: {  	v16 =	vperm.xlane v1, v13;
	[tilespmem:$0x6CE0] =	vst v12  }
0x246: {  	v18 =	vand.u32 $0xF, v10;
	v17 =	vperm.xlane v0, v13;
	[tilespmem:$0x2CF0] =	vst v14  }
0x247: {  	v25 =	vld [tilespmem:$0xA80];
	v19 =	vperm.xlane v2, v18;
	[tilespmem:$0x4CF0] =	vst v16  }
0x248: {  	v21 =	vperm.xlane v1, v18;
	[tilespmem:$0x6CF0] =	vst v17  }
0x249: {  	v23 =	vand.u32 $0xF, v15;
	v22 =	vperm.xlane v0, v18;
	[tilespmem:$0x3080] =	vst v19  }
0x24a: {  	v20 =	vld [tilespmem:$0xEA0];
	v24 =	vperm.xlane v2, v23;
	[tilespmem:$0x5080] =	vst v21  }
0x24b: {  	v26 =	vperm.xlane v1, v23;
	[tilespmem:$0x7080] =	vst v22  }
0x24c: {  	v27 =	vperm.xlane v0, v23;
	v33 =	vand.u32 $0xF, v25;
	[tilespmem:$0x3090] =	vst v24  }
0x24d: {  	v30 =	vld [tilespmem:$0xEC0];
	[tilespmem:$0x5090] =	vst v26;
	v34 =	vperm.xlane v2, v33  }
0x24e: {  	[tilespmem:$0x7090] =	vst v27;
	v36 =	vperm.xlane v1, v33  }
0x24f: {  	v37 =	vperm.xlane v0, v33;
	v28 =	vand.u32 $0xF, v20;
	[tilespmem:$0x2C80] =	vst v34  }
0x250: {  	v35 =	vld [tilespmem:$0xED0];
	[tilespmem:$0x4C80] =	vst v36;
	v29 =	vperm.xlane v2, v28  }
0x251: {  	[tilespmem:$0x6C80] =	vst v37;
	v31 =	vperm.xlane v1, v28  }
0x252: {  	v38 =	vand.u32 $0xF, v30;
	v32 =	vperm.xlane v0, v28;
	[tilespmem:$0x30A0] =	vst v29  }
0x253: {  	v40 =	vld [tilespmem:$0xEE0];
	v39 =	vperm.xlane v2, v38;
	[tilespmem:$0x50A0] =	vst v31  }
0x254: {  	v41 =	vperm.xlane v1, v38;
	[tilespmem:$0x70A0] =	vst v32  }
0x255: {  	v43 =	vand.u32 $0xF, v35;
	v42 =	vperm.xlane v0, v38;
	[tilespmem:$0x30C0] =	vst v39  }
0x256: {  	v45 =	vld [tilespmem:$0xEF0];
	v44 =	vperm.xlane v2, v43;
	[tilespmem:$0x50C0] =	vst v41  }
0x257: {  	v46 =	vperm.xlane v1, v43;
	[tilespmem:$0x70C0] =	vst v42  }
0x258: {  	v48 =	vand.u32 $0xF, v40;
	v47 =	vperm.xlane v0, v43;
	[tilespmem:$0x30D0] =	vst v44  }
0x259: {  	v50 =	vld [tilespmem:$0x300];
	v49 =	vperm.xlane v2, v48;
	[tilespmem:$0x50D0] =	vst v46  }
0x25a: {  	v51 =	vperm.xlane v1, v48;
	[tilespmem:$0x70D0] =	vst v47  }
0x25b: {  	v53 =	vand.u32 $0xF, v45;
	v52 =	vperm.xlane v0, v48;
	[tilespmem:$0x30E0] =	vst v49  }
0x25c: {  	v55 =	vld [tilespmem:$0x310];
	v54 =	vperm.xlane v2, v53;
	[tilespmem:$0x50E0] =	vst v51  }
0x25d: {  	v56 =	vperm.xlane v1, v53;
	[tilespmem:$0x70E0] =	vst v52  }
0x25e: {  	v58 =	vand.u32 $0xF, v50;
	v57 =	vperm.xlane v0, v53;
	[tilespmem:$0x30F0] =	vst v54  }
0x25f: {  	v60 =	vld [tilespmem:$0x320];
	v59 =	vperm.xlane v2, v58;
	[tilespmem:$0x50F0] =	vst v56  }
0x260: {  	v61 =	vperm.xlane v1, v58;
	[tilespmem:$0x70F0] =	vst v57  }
0x261: {  	v63 =	vand.u32 $0xF, v55;
	v62 =	vperm.xlane v0, v58;
	[tilespmem:$0x2500] =	vst v59  }
0x262: {  	v10 =	vld [tilespmem:$0x330];
	v9 =	vperm.xlane v2, v63;
	[tilespmem:$0x4500] =	vst v61  }
0x263: {  	v11 =	vperm.xlane v1, v63;
	[tilespmem:$0x6500] =	vst v62  }
0x264: {  	v13 =	vand.u32 $0xF, v60;
	v12 =	vperm.xlane v0, v63;
	[tilespmem:$0x2510] =	vst v9  }
0x265: {  	v15 =	vld [tilespmem:$0x340];
	v14 =	vperm.xlane v2, v13;
	[tilespmem:$0x4510] =	vst v11  }
0x266: {  	v16 =	vperm.xlane v1, v13;
	[tilespmem:$0x6510] =	vst v12  }
0x267: {  	v18 =	vand.u32 $0xF, v10;
	v17 =	vperm.xlane v0, v13;
	[tilespmem:$0x2520] =	vst v14  }
0x268: {  	v25 =	vld [tilespmem:$0xEB0];
	v19 =	vperm.xlane v2, v18;
	[tilespmem:$0x4520] =	vst v16  }
0x269: {  	v21 =	vperm.xlane v1, v18;
	[tilespmem:$0x6520] =	vst v17  }
0x26a: {  	v23 =	vand.u32 $0xF, v15;
	v22 =	vperm.xlane v0, v18;
	[tilespmem:$0x2530] =	vst v19  }
0x26b: {  	v20 =	vld [tilespmem:$0x350];
	v24 =	vperm.xlane v2, v23;
	[tilespmem:$0x4530] =	vst v21  }
0x26c: {  	v26 =	vperm.xlane v1, v23;
	[tilespmem:$0x6530] =	vst v22  }
0x26d: {  	v27 =	vperm.xlane v0, v23;
	v33 =	vand.u32 $0xF, v25;
	[tilespmem:$0x2540] =	vst v24  }
0x26e: {  	v30 =	vld [tilespmem:$0x370];
	[tilespmem:$0x4540] =	vst v26;
	v34 =	vperm.xlane v2, v33  }
0x26f: {  	[tilespmem:$0x6540] =	vst v27;
	v36 =	vperm.xlane v1, v33  }
0x270: {  	v37 =	vperm.xlane v0, v33;
	v28 =	vand.u32 $0xF, v20;
	[tilespmem:$0x30B0] =	vst v34  }
0x271: {  	v35 =	vld [tilespmem:$0x700];
	[tilespmem:$0x50B0] =	vst v36;
	v29 =	vperm.xlane v2, v28  }
0x272: {  	[tilespmem:$0x70B0] =	vst v37;
	v31 =	vperm.xlane v1, v28  }
0x273: {  	v38 =	vand.u32 $0xF, v30;
	v32 =	vperm.xlane v0, v28;
	[tilespmem:$0x2550] =	vst v29  }
0x274: {  	v40 =	vld [tilespmem:$0x710];
	v39 =	vperm.xlane v2, v38;
	[tilespmem:$0x4550] =	vst v31  }
0x275: {  	v41 =	vperm.xlane v1, v38;
	[tilespmem:$0x6550] =	vst v32  }
0x276: {  	v43 =	vand.u32 $0xF, v35;
	v42 =	vperm.xlane v0, v38;
	[tilespmem:$0x2570] =	vst v39  }
0x277: {  	v45 =	vld [tilespmem:$0x720];
	v44 =	vperm.xlane v2, v43;
	[tilespmem:$0x4570] =	vst v41  }
0x278: {  	v46 =	vperm.xlane v1, v43;
	[tilespmem:$0x6570] =	vst v42  }
0x279: {  	v48 =	vand.u32 $0xF, v40;
	v47 =	vperm.xlane v0, v43;
	[tilespmem:$0x2900] =	vst v44  }
0x27a: {  	v50 =	vld [tilespmem:$0x730];
	v49 =	vperm.xlane v2, v48;
	[tilespmem:$0x4900] =	vst v46  }
0x27b: {  	v51 =	vperm.xlane v1, v48;
	[tilespmem:$0x6900] =	vst v47  }
0x27c: {  	v53 =	vand.u32 $0xF, v45;
	v52 =	vperm.xlane v0, v48;
	[tilespmem:$0x2910] =	vst v49  }
0x27d: {  	v55 =	vld [tilespmem:$0x740];
	v54 =	vperm.xlane v2, v53;
	[tilespmem:$0x4910] =	vst v51  }
0x27e: {  	v56 =	vperm.xlane v1, v53;
	[tilespmem:$0x6910] =	vst v52  }
0x27f: {  	v58 =	vand.u32 $0xF, v50;
	v57 =	vperm.xlane v0, v53;
	[tilespmem:$0x2920] =	vst v54  }
0x280: {  	v60 =	vld [tilespmem:$0x750];
	v59 =	vperm.xlane v2, v58;
	[tilespmem:$0x4920] =	vst v56  }
0x281: {  	v61 =	vperm.xlane v1, v58;
	[tilespmem:$0x6920] =	vst v57  }
0x282: {  	v63 =	vand.u32 $0xF, v55;
	v62 =	vperm.xlane v0, v58;
	[tilespmem:$0x2930] =	vst v59  }
0x283: {  	v10 =	vld [tilespmem:$0x760];
	v9 =	vperm.xlane v2, v63;
	[tilespmem:$0x4930] =	vst v61  }
0x284: {  	v11 =	vperm.xlane v1, v63;
	[tilespmem:$0x6930] =	vst v62  }
0x285: {  	v13 =	vand.u32 $0xF, v60;
	v12 =	vperm.xlane v0, v63;
	[tilespmem:$0x2940] =	vst v9  }
0x286: {  	v15 =	vld [tilespmem:$0x770];
	v14 =	vperm.xlane v2, v13;
	[tilespmem:$0x4940] =	vst v11  }
0x287: {  	v16 =	vperm.xlane v1, v13;
	[tilespmem:$0x6940] =	vst v12  }
0x288: {  	v18 =	vand.u32 $0xF, v10;
	v17 =	vperm.xlane v0, v13;
	[tilespmem:$0x2950] =	vst v14  }
0x289: {  	v25 =	vld [tilespmem:$0x360];
	v19 =	vperm.xlane v2, v18;
	[tilespmem:$0x4950] =	vst v16  }
0x28a: {  	v21 =	vperm.xlane v1, v18;
	[tilespmem:$0x6950] =	vst v17  }
0x28b: {  	v23 =	vand.u32 $0xF, v15;
	v22 =	vperm.xlane v0, v18;
	[tilespmem:$0x2960] =	vst v19  }
0x28c: {  	v20 =	vld [tilespmem:$0xB00];
	v24 =	vperm.xlane v2, v23;
	[tilespmem:$0x4960] =	vst v21  }
0x28d: {  	v26 =	vperm.xlane v1, v23;
	[tilespmem:$0x6960] =	vst v22  }
0x28e: {  	v27 =	vperm.xlane v0, v23;
	v33 =	vand.u32 $0xF, v25;
	[tilespmem:$0x2970] =	vst v24  }
0x28f: {  	v30 =	vld [tilespmem:$0xB20];
	[tilespmem:$0x4970] =	vst v26;
	v34 =	vperm.xlane v2, v33  }
0x290: {  	[tilespmem:$0x6970] =	vst v27;
	v36 =	vperm.xlane v1, v33  }
0x291: {  	v37 =	vperm.xlane v0, v33;
	v28 =	vand.u32 $0xF, v20;
	[tilespmem:$0x2560] =	vst v34  }
0x292: {  	v35 =	vld [tilespmem:$0xB30];
	[tilespmem:$0x4560] =	vst v36;
	v29 =	vperm.xlane v2, v28  }
0x293: {  	[tilespmem:$0x6560] =	vst v37;
	v31 =	vperm.xlane v1, v28  }
0x294: {  	v38 =	vand.u32 $0xF, v30;
	v32 =	vperm.xlane v0, v28;
	[tilespmem:$0x2D00] =	vst v29  }
0x295: {  	v40 =	vld [tilespmem:$0xB40];
	v39 =	vperm.xlane v2, v38;
	[tilespmem:$0x4D00] =	vst v31  }
0x296: {  	v41 =	vperm.xlane v1, v38;
	[tilespmem:$0x6D00] =	vst v32  }
0x297: {  	v43 =	vand.u32 $0xF, v35;
	v42 =	vperm.xlane v0, v38;
	[tilespmem:$0x2D20] =	vst v39  }
0x298: {  	v45 =	vld [tilespmem:$0xB50];
	v44 =	vperm.xlane v2, v43;
	[tilespmem:$0x4D20] =	vst v41  }
0x299: {  	v46 =	vperm.xlane v1, v43;
	[tilespmem:$0x6D20] =	vst v42  }
0x29a: {  	v48 =	vand.u32 $0xF, v40;
	v47 =	vperm.xlane v0, v43;
	[tilespmem:$0x2D30] =	vst v44  }
0x29b: {  	v50 =	vld [tilespmem:$0xB60];
	v49 =	vperm.xlane v2, v48;
	[tilespmem:$0x4D30] =	vst v46  }
0x29c: {  	v51 =	vperm.xlane v1, v48;
	[tilespmem:$0x6D30] =	vst v47  }
0x29d: {  	v53 =	vand.u32 $0xF, v45;
	v52 =	vperm.xlane v0, v48;
	[tilespmem:$0x2D40] =	vst v49  }
0x29e: {  	v55 =	vld [tilespmem:$0xB70];
	v54 =	vperm.xlane v2, v53;
	[tilespmem:$0x4D40] =	vst v51  }
0x29f: {  	v56 =	vperm.xlane v1, v53;
	[tilespmem:$0x6D40] =	vst v52  }
0x2a0: {  	v58 =	vand.u32 $0xF, v50;
	v57 =	vperm.xlane v0, v53;
	[tilespmem:$0x2D50] =	vst v54  }
0x2a1: {  	v60 =	vld [tilespmem:$0xF00];
	v59 =	vperm.xlane v2, v58;
	[tilespmem:$0x4D50] =	vst v56  }
0x2a2: {  	v61 =	vperm.xlane v1, v58;
	[tilespmem:$0x6D50] =	vst v57  }
0x2a3: {  	v63 =	vand.u32 $0xF, v55;
	v62 =	vperm.xlane v0, v58;
	[tilespmem:$0x2D60] =	vst v59  }
0x2a4: {  	v10 =	vld [tilespmem:$0xF10];
	v9 =	vperm.xlane v2, v63;
	[tilespmem:$0x4D60] =	vst v61  }
0x2a5: {  	v11 =	vperm.xlane v1, v63;
	[tilespmem:$0x6D60] =	vst v62  }
0x2a6: {  	v13 =	vand.u32 $0xF, v60;
	v12 =	vperm.xlane v0, v63;
	[tilespmem:$0x2D70] =	vst v9  }
0x2a7: {  	v15 =	vld [tilespmem:$0xF20];
	v14 =	vperm.xlane v2, v13;
	[tilespmem:$0x4D70] =	vst v11  }
0x2a8: {  	v16 =	vperm.xlane v1, v13;
	[tilespmem:$0x6D70] =	vst v12  }
0x2a9: {  	v18 =	vand.u32 $0xF, v10;
	v17 =	vperm.xlane v0, v13;
	[tilespmem:$0x3100] =	vst v14  }
0x2aa: {  	v25 =	vld [tilespmem:$0xB10];
	v19 =	vperm.xlane v2, v18;
	[tilespmem:$0x5100] =	vst v16  }
0x2ab: {  	v21 =	vperm.xlane v1, v18;
	[tilespmem:$0x7100] =	vst v17  }
0x2ac: {  	v23 =	vand.u32 $0xF, v15;
	v22 =	vperm.xlane v0, v18;
	[tilespmem:$0x3110] =	vst v19  }
0x2ad: {  	v20 =	vld [tilespmem:$0xF30];
	v24 =	vperm.xlane v2, v23;
	[tilespmem:$0x5110] =	vst v21  }
0x2ae: {  	v26 =	vperm.xlane v1, v23;
	[tilespmem:$0x7110] =	vst v22  }
0x2af: {  	v27 =	vperm.xlane v0, v23;
	v33 =	vand.u32 $0xF, v25;
	[tilespmem:$0x3120] =	vst v24  }
0x2b0: {  	v30 =	vld [tilespmem:$0xF50];
	[tilespmem:$0x5120] =	vst v26;
	v34 =	vperm.xlane v2, v33  }
0x2b1: {  	[tilespmem:$0x7120] =	vst v27;
	v36 =	vperm.xlane v1, v33  }
0x2b2: {  	v37 =	vperm.xlane v0, v33;
	v28 =	vand.u32 $0xF, v20;
	[tilespmem:$0x2D10] =	vst v34  }
0x2b3: {  	v35 =	vld [tilespmem:$0xF60];
	[tilespmem:$0x4D10] =	vst v36;
	v29 =	vperm.xlane v2, v28  }
0x2b4: {  	[tilespmem:$0x6D10] =	vst v37;
	v31 =	vperm.xlane v1, v28  }
0x2b5: {  	v38 =	vand.u32 $0xF, v30;
	v32 =	vperm.xlane v0, v28;
	[tilespmem:$0x3130] =	vst v29  }
0x2b6: {  	v40 =	vld [tilespmem:$0xF70];
	v39 =	vperm.xlane v2, v38;
	[tilespmem:$0x5130] =	vst v31  }
0x2b7: {  	v41 =	vperm.xlane v1, v38;
	[tilespmem:$0x7130] =	vst v32  }
0x2b8: {  	v43 =	vand.u32 $0xF, v35;
	v42 =	vperm.xlane v0, v38;
	[tilespmem:$0x3150] =	vst v39  }
0x2b9: {  	v45 =	vld [tilespmem:$0x380];
	v44 =	vperm.xlane v2, v43;
	[tilespmem:$0x5150] =	vst v41  }
0x2ba: {  	v53 =	vld [tilespmem:$0x1050];
	v46 =	vperm.xlane v1, v43;
	[tilespmem:$0x7150] =	vst v42  }
0x2bb: {  	v49 =	vand.u32 $0xF, v40;
	v48 =	vperm.xlane v0, v43;
	[tilespmem:$0x3160] =	vst v44  }
0x2bc: {  	v51 =	vperm.xlane v2, v49;
	[tilespmem:$0x5160] =	vst v46  }
0x2bd: {  	v58 =	vld [tilespmem:$0x1030];
	v52 =	vperm.xlane v1, v49;
	[tilespmem:$0x7160] =	vst v48  }
0x2be: {  	v3 =	vand.u32 $0xF, v45;
	v5 =	vperm.xlane v0, v49;
	[tilespmem:$0x3170] =	vst v51  }
0x2bf: {  	v7 =	vperm.xlane v2, v3;
	v56 =	vand.u32 $0xF, v53;
	[tilespmem:$0x5170] =	vst v52  }
0x2c0: {  	v25 =	vld [tilespmem:$0xF40];
	v59 =	vperm.xlane v0, v56;
	[tilespmem:$0x7170] =	vst v5  }
0x2c1: {  	v60 =	vperm.xlane v1, v56;
	[tilespmem:$0x2580] =	vst v7  }
0x2c2: {  	v13 =	vand.u32 $0xF, v58;
	v61 =	vperm.xlane v2, v56;
	[tilespmem:$0x7250] =	vst v59  }
0x2c3: {  	v47 =	vld [tilespmem:$0x3D0];
	v10 =	vperm.xlane v0, v13;
	[tilespmem:$0x5250] =	vst v60  }
0x2c4: {  	v50 =	vld [tilespmem:$0x1060];
	v15 =	vperm.xlane v1, v13;
	[tilespmem:$0x3250] =	vst v61  }
0x2c5: {  	v33 =	vand.u32 $0xF, v25;
	v7 =	vperm.xlane v2, v13;
	[tilespmem:$0x7230] =	vst v10  }
0x2c6: {  	v54 =	vld [tilespmem:$0x1040];
	v34 =	vperm.xlane v2, v33;
	[tilespmem:$0x5230] =	vst v15  }
0x2c7: {  	v36 =	vperm.xlane v1, v33;
	[tilespmem:$0x3230] =	vst v7  }
0x2c8: {  	v4 =	vand.u32 $0xF, v47;
	v37 =	vperm.xlane v0, v33;
	[tilespmem:$0x3140] =	vst v34  }
0x2c9: {  	v62 =	vld [tilespmem:$0x1020];
	v5 =	vand.u32 $0xF, v50;
	v8 =	vperm.xlane v1, v4;
	[tilespmem:$0x5140] =	vst v36  }
0x2ca: {  	v55 =	vperm.xlane v1, v5;
	[tilespmem:$0x7140] =	vst v37  }
0x2cb: {  	v14 =	vld [tilespmem:$0x1010];
	v6 =	vand.u32 $0xF, v54;
	v57 =	vperm.xlane v2, v5;
	[tilespmem:$0x45D0] =	vst v8  }
0x2cc: {  	v63 =	vperm.xlane v0, v6;
	[tilespmem:$0x5260] =	vst v55  }
0x2cd: {  	v17 =	vld [tilespmem:$0x1000];
	v12 =	vperm.xlane v1, v6;
	[tilespmem:$0x3260] =	vst v57  }
0x2ce: {  	v16 =	vand.u32 $0xF, v62;
	v6 =	vperm.xlane v2, v6;
	[tilespmem:$0x7240] =	vst v63  }
0x2cf: {  	v21 =	vld [tilespmem:$0xFF0];
	v18 =	vperm.xlane v0, v16;
	[tilespmem:$0x5240] =	vst v12  }
0x2d0: {  	v20 =	vand.u32 $0xF, v14;
	v19 =	vperm.xlane v1, v16;
	[tilespmem:$0x3240] =	vst v6  }
0x2d1: {  	v22 =	vperm.xlane v0, v20;
	[tilespmem:$0x7220] =	vst v18  }
0x2d2: {  	v24 =	vand.u32 $0xF, v17;
	v23 =	vperm.xlane v1, v20;
	[tilespmem:$0x5220] =	vst v19  }
0x2d3: {  	v26 =	vperm.xlane v0, v24;
	[tilespmem:$0x7210] =	vst v22  }
0x2d4: {  	v45 =	vld [tilespmem:$0xF90];
	v28 =	vand.u32 $0xF, v21;
	v27 =	vperm.xlane v1, v24;
	[tilespmem:$0x5210] =	vst v23  }
0x2d5: {  	v30 =	vperm.xlane v0, v28;
	[tilespmem:$0x7200] =	vst v26  }
0x2d6: {  	v31 =	vperm.xlane v1, v28;
	[tilespmem:$0x5200] =	vst v27  }
0x2d7: {  	v49 =	vld [tilespmem:$0xF80];
	v5 =	vperm.xlane v0, v5;
	[tilespmem:$0x71F0] =	vst v30  }
0x2d8: {  	v7 =	vperm.xlane v2, v20;
	[tilespmem:$0x51F0] =	vst v31  }
0x2d9: {  	v53 =	vld [tilespmem:$0xBF0];
	v52 =	vand.u32 $0xF, v45;
	v6 =	vperm.xlane v2, v16;
	[tilespmem:$0x7260] =	vst v5  }
0x2da: {  	v54 =	vperm.xlane v0, v52;
	[tilespmem:$0x3210] =	vst v7  }
0x2db: {  	v55 =	vperm.xlane v1, v52;
	[tilespmem:$0x3220] =	vst v6  }
0x2dc: {  	v25 =	vld [tilespmem:$0xFE0];
	v56 =	vand.u32 $0xF, v49;
	v7 =	vperm.xlane v2, v28;
	[tilespmem:$0x7190] =	vst v54  }
0x2dd: {  	v58 =	vperm.xlane v0, v56;
	[tilespmem:$0x5190] =	vst v55  }
0x2de: {  	v29 =	vld [tilespmem:$0xFD0];
	v60 =	vand.u32 $0xF, v53;
	v59 =	vperm.xlane v1, v56;
	[tilespmem:$0x31F0] =	vst v7  }
0x2df: {  	v62 =	vperm.xlane v0, v60;
	[tilespmem:$0x7180] =	vst v58  }
0x2e0: {  	v63 =	vperm.xlane v1, v60;
	[tilespmem:$0x5180] =	vst v59  }
0x2e1: {  	v41 =	vld [tilespmem:$0xFA0];
	v6 =	vperm.xlane v2, v24;
	v32 =	vand.u32 $0xF, v25;
	[tilespmem:$0x6DF0] =	vst v62  }
0x2e2: {  	v34 =	vperm.xlane v0, v32;
	[tilespmem:$0x4DF0] =	vst v63  }
0x2e3: {  	v13 =	vld [tilespmem:$0xBC0];
	v36 =	vand.u32 $0xF, v29;
	v35 =	vperm.xlane v1, v32;
	[tilespmem:$0x3200] =	vst v6  }
0x2e4: {  	v38 =	vperm.xlane v0, v36;
	[tilespmem:$0x71E0] =	vst v34  }
0x2e5: {  	v17 =	vld [tilespmem:$0xBB0];
	v39 =	vperm.xlane v1, v36;
	[tilespmem:$0x51E0] =	vst v35  }
0x2e6: {  	v48 =	vand.u32 $0xF, v41;
	v7 =	vperm.xlane v2, v36;
	[tilespmem:$0x71D0] =	vst v38  }
0x2e7: {  	v21 =	vld [tilespmem:$0xBA0];
	v50 =	vperm.xlane v0, v48;
	[tilespmem:$0x51D0] =	vst v39  }
0x2e8: {  	v20 =	vand.u32 $0xF, v13;
	v51 =	vperm.xlane v1, v48;
	[tilespmem:$0x31D0] =	vst v7  }
0x2e9: {  	v22 =	vperm.xlane v0, v20;
	[tilespmem:$0x71A0] =	vst v50  }
0x2ea: {  	v33 =	vld [tilespmem:$0xFC0];
	v24 =	vand.u32 $0xF, v17;
	v23 =	vperm.xlane v1, v20;
	[tilespmem:$0x51A0] =	vst v51  }
0x2eb: {  	v26 =	vperm.xlane v0, v24;
	[tilespmem:$0x6DC0] =	vst v22  }
0x2ec: {  	v61 =	vld [tilespmem:$0xBD0];
	v28 =	vand.u32 $0xF, v21;
	v27 =	vperm.xlane v1, v24;
	[tilespmem:$0x4DC0] =	vst v23  }
0x2ed: {  	v30 =	vperm.xlane v0, v28;
	[tilespmem:$0x6DB0] =	vst v26  }
0x2ee: {  	v31 =	vperm.xlane v1, v28;
	[tilespmem:$0x4DB0] =	vst v27  }
0x2ef: {  	v40 =	vand.u32 $0xF, v33;
	v6 =	vperm.xlane v2, v32;
	[tilespmem:$0x6DA0] =	vst v30  }
0x2f0: {  	v42 =	vperm.xlane v0, v40;
	[tilespmem:$0x4DA0] =	vst v31  }
0x2f1: {  	v37 =	vld [tilespmem:$0xFB0];
	v16 =	vand.u32 $0xF, v61;
	v43 =	vperm.xlane v1, v40;
	[tilespmem:$0x31E0] =	vst v6  }
0x2f2: {  	v18 =	vperm.xlane v0, v16;
	[tilespmem:$0x71C0] =	vst v42  }
0x2f3: {  	v19 =	vperm.xlane v1, v16;
	[tilespmem:$0x51C0] =	vst v43  }
0x2f4: {  	v57 =	vld [tilespmem:$0xBE0];
	v27 =	vperm.xlane v0, v4;
	[tilespmem:$0x6DD0] =	vst v18  }
0x2f5: {  	v4 =	vperm.xlane v2, v4;
	[tilespmem:$0x4DD0] =	vst v19  }
0x2f6: {  	v53 =	vld [tilespmem:$0x7A0];
	v44 =	vand.u32 $0xF, v37;
	v6 =	vperm.xlane v2, v40;
	[tilespmem:$0x65D0] =	vst v27  }
0x2f7: {  	v46 =	vperm.xlane v0, v44;
	[tilespmem:$0x25D0] =	vst v4  }
0x2f8: {  	v47 =	vperm.xlane v1, v44;
	[tilespmem:$0x31C0] =	vst v6  }
0x2f9: {  	v12 =	vand.u32 $0xF, v57;
	v7 =	vperm.xlane v2, v44;
	[tilespmem:$0x71B0] =	vst v46  }
0x2fa: {  	v14 =	vperm.xlane v0, v12;
	[tilespmem:$0x51B0] =	vst v47  }
0x2fb: {  	v25 =	vld [tilespmem:$0xB90];
	v8 =	vand.u32 $0xF, v53;
	v15 =	vperm.xlane v1, v12;
	[tilespmem:$0x31B0] =	vst v7  }
0x2fc: {  	v61 =	vperm.xlane v0, v8;
	[tilespmem:$0x6DE0] =	vst v14  }
0x2fd: {  	v29 =	vld [tilespmem:$0xB80];
	v63 =	vperm.xlane v1, v8;
	[tilespmem:$0x4DE0] =	vst v15  }
0x2fe: {  	v8 =	vperm.xlane v2, v8;
	[tilespmem:$0x69A0] =	vst v61  }
0x2ff: {  	v33 =	vld [tilespmem:$0x7F0];
	v6 =	vperm.xlane v2, v48;
	[tilespmem:$0x49A0] =	vst v63  }
0x300: {  	v32 =	vand.u32 $0xF, v25;
	v7 =	vperm.xlane v2, v52;
	[tilespmem:$0x29A0] =	vst v8  }
0x301: {  	v41 =	vld [tilespmem:$0x7D0];
	v34 =	vperm.xlane v0, v32;
	[tilespmem:$0x31A0] =	vst v6  }
0x302: {  	v36 =	vand.u32 $0xF, v29;
	v35 =	vperm.xlane v1, v32;
	[tilespmem:$0x3190] =	vst v7  }
0x303: {  	v45 =	vld [tilespmem:$0x7C0];
	v38 =	vperm.xlane v0, v36;
	[tilespmem:$0x6D90] =	vst v34  }
0x304: {  	v39 =	vperm.xlane v1, v36;
	v40 =	vand.u32 $0xF, v33;
	[tilespmem:$0x4D90] =	vst v35  }
0x305: {  	v42 =	vperm.xlane v0, v40;
	[tilespmem:$0x6D80] =	vst v38  }
0x306: {  	v48 =	vand.u32 $0xF, v41;
	v43 =	vperm.xlane v1, v40;
	[tilespmem:$0x4D80] =	vst v39  }
0x307: {  	v37 =	vld [tilespmem:$0x7E0];
	v50 =	vperm.xlane v0, v48;
	[tilespmem:$0x69F0] =	vst v42  }
0x308: {  	v52 =	vand.u32 $0xF, v45;
	v51 =	vperm.xlane v1, v48;
	[tilespmem:$0x49F0] =	vst v43  }
0x309: {  	v49 =	vld [tilespmem:$0x7B0];
	v54 =	vperm.xlane v0, v52;
	[tilespmem:$0x69D0] =	vst v50  }
0x30a: {  	v55 =	vperm.xlane v1, v52;
	[tilespmem:$0x49D0] =	vst v51  }
0x30b: {  	v30 =	vld [tilespmem:$0x3A0];
	v6 =	vperm.xlane v2, v56;
	[tilespmem:$0x69C0] =	vst v54  }
0x30c: {  	v7 =	vperm.xlane v2, v60;
	v44 =	vand.u32 $0xF, v37;
	[tilespmem:$0x49C0] =	vst v55  }
0x30d: {  	v46 =	vperm.xlane v0, v44;
	[tilespmem:$0x3180] =	vst v6  }
0x30e: {  	v56 =	vand.u32 $0xF, v49;
	v47 =	vperm.xlane v1, v44;
	[tilespmem:$0x2DF0] =	vst v7  }
0x30f: {  	v58 =	vperm.xlane v0, v56;
	[tilespmem:$0x69E0] =	vst v46  }
0x310: {  	v57 =	vld [tilespmem:$0x790];
	v5 =	vand.u32 $0xF, v30;
	v59 =	vperm.xlane v1, v56;
	[tilespmem:$0x49E0] =	vst v47  }
0x311: {  	v39 =	vperm.xlane v2, v5;
	[tilespmem:$0x69B0] =	vst v58  }
0x312: {  	v41 =	vperm.xlane v0, v5;
	[tilespmem:$0x49B0] =	vst v59  }
0x313: {  	v5 =	vperm.xlane v1, v5;
	[tilespmem:$0x25A0] =	vst v39  }
0x314: {  	v6 =	vperm.xlane v2, v12;
	[tilespmem:$0x65A0] =	vst v41  }
0x315: {  	v7 =	vperm.xlane v2, v16;
	v12 =	vand.u32 $0xF, v57;
	[tilespmem:$0x45A0] =	vst v5  }
0x316: {  	v14 =	vperm.xlane v0, v12;
	[tilespmem:$0x2DE0] =	vst v6  }
0x317: {  	v15 =	vperm.xlane v1, v12;
	[tilespmem:$0x2DD0] =	vst v7  }
0x318: {  	v60 =	vld [tilespmem:$0x3F0];
	v46 =	vperm.xlane v0, v3;
	[tilespmem:$0x6990] =	vst v14  }
0x319: {  	v3 =	vperm.xlane v1, v3;
	[tilespmem:$0x4990] =	vst v15  }
0x31a: {  	v6 =	vperm.xlane v2, v20;
	[tilespmem:$0x6580] =	vst v46  }
0x31b: {  	v26 =	vld [tilespmem:$0x1070];
	v7 =	vperm.xlane v2, v24;
	[tilespmem:$0x4580] =	vst v3  }
0x31c: {  	[tilespmem:$0x2DC0] =	vst v6;
	v6 =	vperm.xlane v2, v28  }
0x31d: {  	v13 =	vand.u32 $0xF, v60;
	[tilespmem:$0x2DB0] =	vst v7;
	v7 =	vperm.xlane v2, v32  }
0x31e: {  	v11 =	vperm.xlane v2, v13;
	[tilespmem:$0x2DA0] =	vst v6  }
0x31f: {  	v20 =	vperm.xlane v0, v13;
	[tilespmem:$0x2D90] =	vst v7  }
0x320: {  	v16 =	vld [tilespmem:$0x3E0];
	v22 =	vperm.xlane v1, v13;
	v32 =	vand.u32 $0xF, v26;
	[tilespmem:$0x25F0] =	vst v11  }
0x321: {  	v34 =	vperm.xlane v2, v32;
	[tilespmem:$0x65F0] =	vst v20  }
0x322: {  	v45 =	vperm.xlane v1, v32;
	[tilespmem:$0x45F0] =	vst v22  }
0x323: {  	v4 =	vperm.xlane v0, v32;
	[tilespmem:$0x3270] =	vst v34  }
0x324: {  	v6 =	vperm.xlane v2, v36;
	[tilespmem:$0x5270] =	vst v45  }
0x325: {  	v24 =	vld [tilespmem:$0x3C0];
	v21 =	vand.u32 $0xF, v16;
	v7 =	vperm.xlane v2, v40;
	[tilespmem:$0x7270] =	vst v4  }
0x326: {  	v23 =	vperm.xlane v0, v21;
	[tilespmem:$0x2D80] =	vst v6  }
0x327: {  	v25 =	vperm.xlane v1, v21;
	[tilespmem:$0x29F0] =	vst v7  }
0x328: {  	v8 =	vperm.xlane v2, v21;
	[tilespmem:$0x65E0] =	vst v23  }
0x329: {  	v28 =	vld [tilespmem:$0x3B0];
	v6 =	vperm.xlane v2, v44;
	[tilespmem:$0x45E0] =	vst v25  }
0x32a: {  	v29 =	vand.u32 $0xF, v24;
	v7 =	vperm.xlane v2, v48;
	[tilespmem:$0x25E0] =	vst v8  }
0x32b: {  	v31 =	vperm.xlane v1, v29;
	[tilespmem:$0x29E0] =	vst v6  }
0x32c: {  	v33 =	vperm.xlane v0, v29;
	[tilespmem:$0x29D0] =	vst v7  }
0x32d: {  	v36 =	vld [tilespmem:$0x390];
	v6 =	vperm.xlane v2, v52;
	[tilespmem:$0x45C0] =	vst v31  }
0x32e: {  	v35 =	vand.u32 $0xF, v28;
	v7 =	vperm.xlane v2, v56;
	[tilespmem:$0x65C0] =	vst v33  }
0x32f: {  	v62 =	vld [tilespmem:$0x780];
	v37 =	vperm.xlane v0, v35;
	[tilespmem:$0x29C0] =	vst v6  }
0x330: {  	v38 =	vperm.xlane v1, v35;
	[tilespmem:$0x29B0] =	vst v7  }
0x331: {  	v40 =	vperm.xlane v2, v35;
	[tilespmem:$0x65B0] =	vst v37  }
0x332: {  	v42 =	vand.u32 $0xF, v36;
	v6 =	vperm.xlane v2, v12;
	[tilespmem:$0x45B0] =	vst v38  }
0x333: {  	[tilespmem:$0x25B0] =	vst v40;
	v43 =	vperm.xlane v0, v42  }
0x334: {  	v44 =	vld [tilespmem:$0x1400];
	v7 =	vand.u32 $0xF, v62;
	v8 =	vperm.xlane v1, v42;
	[tilespmem:$0x2990] =	vst v6  }
0x335: {  	v17 =	vperm.xlane v0, v7;
	[tilespmem:$0x6590] =	vst v43  }
0x336: {  	v18 =	vperm.xlane v1, v7;
	[tilespmem:$0x4590] =	vst v8  }
0x337: {  	v6 =	vperm.xlane v2, v29;
	[tilespmem:$0x6980] =	vst v17  }
0x338: {  	v19 =	vperm.xlane v2, v7;
	[tilespmem:$0x4980] =	vst v18  }
0x339: {  	v5 =	vand.u32 $0xF, v44;
	[tilespmem:$0x25C0] =	vst v6;
	v6 =	vperm.xlane v2, v42  }
0x33a: {  	v47 =	vperm.xlane v2, v5;
	[tilespmem:$0x2980] =	vst v19  }
0x33b: {  	[tilespmem:$0x2590] =	vst v6  }
0x33c: {  	[tilespmem:$0x3600] =	vst v47  }
0x33d: {  	v3 =	vld [tilespmem:$0x1410];
	_ =	sdelay $0x2  }
0x33e: {  	v48 =	vld [tilespmem:$0x1420]  }
0x33f: {  	v49 =	vperm.xlane v1, v5  }
0x340: {  	v5 =	vperm.xlane v0, v5;
	v3 =	vand.u32 $0xF, v3  }
0x341: {  	[tilespmem:$0x5600] =	vst v49;
	v51 =	vld [tilespmem:$0x1430];
	v50 =	vperm.xlane v2, v3  }
0x342: {  	[tilespmem:$0x7600] =	vst v5;
	v52 =	vperm.xlane v1, v3  }
0x343: {  	v4 =	vand.u32 $0xF, v48;
	v3 =	vperm.xlane v0, v3;
	[tilespmem:$0x3610] =	vst v50  }
0x344: {  	v54 =	vld [tilespmem:$0x1440];
	v53 =	vperm.xlane v2, v4;
	[tilespmem:$0x5610] =	vst v52  }
0x345: {  	v55 =	vperm.xlane v1, v4;
	[tilespmem:$0x7610] =	vst v3  }
0x346: {  	v56 =	vand.u32 $0xF, v51;
	v4 =	vperm.xlane v0, v4;
	[tilespmem:$0x3620] =	vst v53  }
0x347: {  	v58 =	vld [tilespmem:$0x1450];
	v57 =	vperm.xlane v2, v56;
	[tilespmem:$0x5620] =	vst v55  }
0x348: {  	v59 =	vperm.xlane v1, v56;
	[tilespmem:$0x7620] =	vst v4  }
0x349: {  	v61 =	vand.u32 $0xF, v54;
	v60 =	vperm.xlane v0, v56;
	[tilespmem:$0x3630] =	vst v57  }
0x34a: {  	v63 =	vld [tilespmem:$0x1460];
	v62 =	vperm.xlane v2, v61;
	[tilespmem:$0x5630] =	vst v59  }
0x34b: {  	v9 =	vperm.xlane v1, v61;
	[tilespmem:$0x7630] =	vst v60  }
0x34c: {  	v11 =	vand.u32 $0xF, v58;
	v10 =	vperm.xlane v0, v61;
	[tilespmem:$0x3640] =	vst v62  }
0x34d: {  	v13 =	vld [tilespmem:$0x1470];
	v12 =	vperm.xlane v2, v11;
	[tilespmem:$0x5640] =	vst v9  }
0x34e: {  	v14 =	vperm.xlane v1, v11;
	[tilespmem:$0x7640] =	vst v10  }
0x34f: {  	v16 =	vand.u32 $0xF, v63;
	v15 =	vperm.xlane v0, v11;
	[tilespmem:$0x3650] =	vst v12  }
0x350: {  	v18 =	vld [tilespmem:$0x1800];
	v17 =	vperm.xlane v2, v16;
	[tilespmem:$0x5650] =	vst v14  }
0x351: {  	v19 =	vperm.xlane v1, v16;
	[tilespmem:$0x7650] =	vst v15  }
0x352: {  	v21 =	vand.u32 $0xF, v13;
	v20 =	vperm.xlane v0, v16;
	[tilespmem:$0x3660] =	vst v17  }
0x353: {  	v23 =	vld [tilespmem:$0x1810];
	v22 =	vperm.xlane v2, v21;
	[tilespmem:$0x5660] =	vst v19  }
0x354: {  	v24 =	vperm.xlane v1, v21;
	[tilespmem:$0x7660] =	vst v20  }
0x355: {  	v26 =	vand.u32 $0xF, v18;
	v25 =	vperm.xlane v0, v21;
	[tilespmem:$0x3670] =	vst v22  }
0x356: {  	v28 =	vld [tilespmem:$0x1820];
	v27 =	vperm.xlane v2, v26;
	[tilespmem:$0x5670] =	vst v24  }
0x357: {  	v29 =	vperm.xlane v1, v26;
	[tilespmem:$0x7670] =	vst v25  }
0x358: {  	v31 =	vand.u32 $0xF, v23;
	v30 =	vperm.xlane v0, v26;
	[tilespmem:$0x3A00] =	vst v27  }
0x359: {  	v33 =	vld [tilespmem:$0x1830];
	v32 =	vperm.xlane v2, v31;
	[tilespmem:$0x5A00] =	vst v29  }
0x35a: {  	v34 =	vperm.xlane v1, v31;
	[tilespmem:$0x7A00] =	vst v30  }
0x35b: {  	v36 =	vand.u32 $0xF, v28;
	v35 =	vperm.xlane v0, v31;
	[tilespmem:$0x3A10] =	vst v32  }
0x35c: {  	v38 =	vld [tilespmem:$0x1840];
	v37 =	vperm.xlane v2, v36;
	[tilespmem:$0x5A10] =	vst v34  }
0x35d: {  	v39 =	vperm.xlane v1, v36;
	[tilespmem:$0x7A10] =	vst v35  }
0x35e: {  	v43 =	vld [tilespmem:$0x1850];
	v41 =	vand.u32 $0xF, v33;
	v40 =	vperm.xlane v0, v36;
	[tilespmem:$0x3A20] =	vst v37  }
0x35f: {  	v42 =	vperm.xlane v2, v41;
	[tilespmem:$0x5A20] =	vst v39  }
0x360: {  	v44 =	vperm.xlane v1, v41;
	[tilespmem:$0x7A20] =	vst v40  }
0x361: {  	v46 =	vand.u32 $0xF, v38;
	v45 =	vperm.xlane v0, v41;
	[tilespmem:$0x3A30] =	vst v42  }
0x362: {  	v48 =	vld [tilespmem:$0x1860];
	v47 =	vperm.xlane v2, v46;
	[tilespmem:$0x5A30] =	vst v44  }
0x363: {  	v51 =	vand.u32 $0xF, v43;
	v49 =	vperm.xlane v1, v46;
	[tilespmem:$0x7A30] =	vst v45  }
0x364: {  	v54 =	vperm.xlane v1, v51;
	[tilespmem:$0x3A40] =	vst v47  }
0x365: {  	v58 =	vld [tilespmem:$0x1C00];
	v50 =	vperm.xlane v0, v46;
	[tilespmem:$0x5A40] =	vst v49  }
0x366: {  	v52 =	vperm.xlane v2, v51;
	[tilespmem:$0x5A50] =	vst v54  }
0x367: {  	v55 =	vperm.xlane v0, v51;
	[tilespmem:$0x7A40] =	vst v50;
	v56 =	vand.u32 $0xF, v48  }
0x368: {  	v63 =	vld [tilespmem:$0x1C10];
	[tilespmem:$0x3A50] =	vst v52;
	v57 =	vperm.xlane v2, v56  }
0x369: {  	[tilespmem:$0x7A50] =	vst v55;
	v59 =	vperm.xlane v1, v56  }
0x36a: {  	v11 =	vand.u32 $0xF, v58;
	v60 =	vperm.xlane v0, v56;
	[tilespmem:$0x3A60] =	vst v57  }
0x36b: {  	v13 =	vld [tilespmem:$0x1C20];
	v12 =	vperm.xlane v2, v11;
	[tilespmem:$0x5A60] =	vst v59  }
0x36c: {  	v14 =	vperm.xlane v1, v11;
	[tilespmem:$0x7A60] =	vst v60  }
0x36d: {  	v16 =	vand.u32 $0xF, v63;
	v15 =	vperm.xlane v0, v11;
	[tilespmem:$0x3E00] =	vst v12  }
0x36e: {  	v18 =	vld [tilespmem:$0x1C30];
	v17 =	vperm.xlane v2, v16;
	[tilespmem:$0x5E00] =	vst v14  }
0x36f: {  	v19 =	vperm.xlane v1, v16;
	[tilespmem:$0x7E00] =	vst v15  }
0x370: {  	v21 =	vand.u32 $0xF, v13;
	v20 =	vperm.xlane v0, v16;
	[tilespmem:$0x3E10] =	vst v17  }
0x371: {  	v23 =	vld [tilespmem:$0x1C40];
	v22 =	vperm.xlane v2, v21;
	[tilespmem:$0x5E10] =	vst v19  }
0x372: {  	v24 =	vperm.xlane v1, v21;
	[tilespmem:$0x7E10] =	vst v20  }
0x373: {  	v26 =	vand.u32 $0xF, v18;
	v25 =	vperm.xlane v0, v21;
	[tilespmem:$0x3E20] =	vst v22  }
0x374: {  	v28 =	vld [tilespmem:$0x1C50];
	v27 =	vperm.xlane v2, v26;
	[tilespmem:$0x5E20] =	vst v24  }
0x375: {  	v29 =	vperm.xlane v1, v26;
	[tilespmem:$0x7E20] =	vst v25  }
0x376: {  	v31 =	vand.u32 $0xF, v23;
	v30 =	vperm.xlane v0, v26;
	[tilespmem:$0x3E30] =	vst v27  }
0x377: {  	v33 =	vld [tilespmem:$0x1C60];
	v32 =	vperm.xlane v2, v31;
	[tilespmem:$0x5E30] =	vst v29  }
0x378: {  	v34 =	vperm.xlane v1, v31;
	[tilespmem:$0x7E30] =	vst v30  }
0x379: {  	v36 =	vand.u32 $0xF, v28;
	v35 =	vperm.xlane v0, v31;
	[tilespmem:$0x3E40] =	vst v32  }
0x37a: {  	v38 =	vld [tilespmem:$0x1C70];
	v37 =	vperm.xlane v2, v36;
	[tilespmem:$0x5E40] =	vst v34  }
0x37b: {  	v39 =	vperm.xlane v1, v36;
	[tilespmem:$0x7E40] =	vst v35  }
0x37c: {  	v41 =	vand.u32 $0xF, v33;
	v40 =	vperm.xlane v0, v36;
	[tilespmem:$0x3E50] =	vst v37  }
0x37d: {  	v43 =	vld [tilespmem:$0x1080];
	v42 =	vperm.xlane v2, v41;
	[tilespmem:$0x5E50] =	vst v39  }
0x37e: {  	v44 =	vperm.xlane v1, v41;
	[tilespmem:$0x7E50] =	vst v40  }
0x37f: {  	v46 =	vand.u32 $0xF, v38;
	v45 =	vperm.xlane v0, v41;
	[tilespmem:$0x3E60] =	vst v42  }
0x380: {  	v53 =	vld [tilespmem:$0x1870];
	v47 =	vperm.xlane v2, v46;
	[tilespmem:$0x5E60] =	vst v44  }
0x381: {  	v49 =	vperm.xlane v1, v46;
	[tilespmem:$0x7E60] =	vst v45  }
0x382: {  	v51 =	vand.u32 $0xF, v43;
	v50 =	vperm.xlane v0, v46;
	[tilespmem:$0x3E70] =	vst v47  }
0x383: {  	v48 =	vld [tilespmem:$0x1090];
	v52 =	vperm.xlane v2, v51;
	[tilespmem:$0x5E70] =	vst v49  }
0x384: {  	v54 =	vperm.xlane v1, v51;
	[tilespmem:$0x7E70] =	vst v50  }
0x385: {  	v55 =	vperm.xlane v0, v51;
	v61 =	vand.u32 $0xF, v53;
	[tilespmem:$0x3280] =	vst v52  }
0x386: {  	v58 =	vld [tilespmem:$0x10B0];
	[tilespmem:$0x5280] =	vst v54;
	v62 =	vperm.xlane v2, v61  }
0x387: {  	[tilespmem:$0x7280] =	vst v55;
	v9 =	vperm.xlane v1, v61  }
0x388: {  	v10 =	vperm.xlane v0, v61;
	v56 =	vand.u32 $0xF, v48;
	[tilespmem:$0x3A70] =	vst v62  }
0x389: {  	v63 =	vld [tilespmem:$0x10C0];
	[tilespmem:$0x5A70] =	vst v9;
	v57 =	vperm.xlane v2, v56  }
0x38a: {  	[tilespmem:$0x7A70] =	vst v10;
	v59 =	vperm.xlane v1, v56  }
0x38b: {  	v11 =	vand.u32 $0xF, v58;
	v60 =	vperm.xlane v0, v56;
	[tilespmem:$0x3290] =	vst v57  }
0x38c: {  	v13 =	vld [tilespmem:$0x10D0];
	v12 =	vperm.xlane v2, v11;
	[tilespmem:$0x5290] =	vst v59  }
0x38d: {  	v14 =	vperm.xlane v1, v11;
	[tilespmem:$0x7290] =	vst v60  }
0x38e: {  	v16 =	vand.u32 $0xF, v63;
	v15 =	vperm.xlane v0, v11;
	[tilespmem:$0x32B0] =	vst v12  }
0x38f: {  	v18 =	vld [tilespmem:$0x10E0];
	v17 =	vperm.xlane v2, v16;
	[tilespmem:$0x52B0] =	vst v14  }
0x390: {  	v19 =	vperm.xlane v1, v16;
	[tilespmem:$0x72B0] =	vst v15  }
0x391: {  	v21 =	vand.u32 $0xF, v13;
	v20 =	vperm.xlane v0, v16;
	[tilespmem:$0x32C0] =	vst v17  }
0x392: {  	v23 =	vld [tilespmem:$0x10F0];
	v22 =	vperm.xlane v2, v21;
	[tilespmem:$0x52C0] =	vst v19  }
0x393: {  	v24 =	vperm.xlane v1, v21;
	[tilespmem:$0x72C0] =	vst v20  }
0x394: {  	v26 =	vand.u32 $0xF, v18;
	v25 =	vperm.xlane v0, v21;
	[tilespmem:$0x32D0] =	vst v22  }
0x395: {  	v28 =	vld [tilespmem:$0x1480];
	v27 =	vperm.xlane v2, v26;
	[tilespmem:$0x52D0] =	vst v24  }
0x396: {  	v29 =	vperm.xlane v1, v26;
	[tilespmem:$0x72D0] =	vst v25  }
0x397: {  	v31 =	vand.u32 $0xF, v23;
	v30 =	vperm.xlane v0, v26;
	[tilespmem:$0x32E0] =	vst v27  }
0x398: {  	v33 =	vld [tilespmem:$0x1490];
	v32 =	vperm.xlane v2, v31;
	[tilespmem:$0x52E0] =	vst v29  }
0x399: {  	v34 =	vperm.xlane v1, v31;
	[tilespmem:$0x72E0] =	vst v30  }
0x39a: {  	v36 =	vand.u32 $0xF, v28;
	v35 =	vperm.xlane v0, v31;
	[tilespmem:$0x32F0] =	vst v32  }
0x39b: {  	v38 =	vld [tilespmem:$0x14A0];
	v37 =	vperm.xlane v2, v36;
	[tilespmem:$0x52F0] =	vst v34  }
0x39c: {  	v39 =	vperm.xlane v1, v36;
	[tilespmem:$0x72F0] =	vst v35  }
0x39d: {  	v41 =	vand.u32 $0xF, v33;
	v40 =	vperm.xlane v0, v36;
	[tilespmem:$0x3680] =	vst v37  }
0x39e: {  	v43 =	vld [tilespmem:$0x14B0];
	v42 =	vperm.xlane v2, v41;
	[tilespmem:$0x5680] =	vst v39  }
0x39f: {  	v44 =	vperm.xlane v1, v41;
	[tilespmem:$0x7680] =	vst v40  }
0x3a0: {  	v46 =	vand.u32 $0xF, v38;
	v45 =	vperm.xlane v0, v41;
	[tilespmem:$0x3690] =	vst v42  }
0x3a1: {  	v53 =	vld [tilespmem:$0x10A0];
	v47 =	vperm.xlane v2, v46;
	[tilespmem:$0x5690] =	vst v44  }
0x3a2: {  	v49 =	vperm.xlane v1, v46;
	[tilespmem:$0x7690] =	vst v45  }
0x3a3: {  	v51 =	vand.u32 $0xF, v43;
	v50 =	vperm.xlane v0, v46;
	[tilespmem:$0x36A0] =	vst v47  }
0x3a4: {  	v48 =	vld [tilespmem:$0x14C0];
	v52 =	vperm.xlane v2, v51;
	[tilespmem:$0x56A0] =	vst v49  }
0x3a5: {  	v54 =	vperm.xlane v1, v51;
	[tilespmem:$0x76A0] =	vst v50  }
0x3a6: {  	v55 =	vperm.xlane v0, v51;
	v61 =	vand.u32 $0xF, v53;
	[tilespmem:$0x36B0] =	vst v52  }
0x3a7: {  	v58 =	vld [tilespmem:$0x14E0];
	[tilespmem:$0x56B0] =	vst v54;
	v62 =	vperm.xlane v2, v61  }
0x3a8: {  	[tilespmem:$0x76B0] =	vst v55;
	v9 =	vperm.xlane v1, v61  }
0x3a9: {  	v10 =	vperm.xlane v0, v61;
	v56 =	vand.u32 $0xF, v48;
	[tilespmem:$0x32A0] =	vst v62  }
0x3aa: {  	v63 =	vld [tilespmem:$0x14F0];
	[tilespmem:$0x52A0] =	vst v9;
	v57 =	vperm.xlane v2, v56  }
0x3ab: {  	[tilespmem:$0x72A0] =	vst v10;
	v59 =	vperm.xlane v1, v56  }
0x3ac: {  	v11 =	vand.u32 $0xF, v58;
	v60 =	vperm.xlane v0, v56;
	[tilespmem:$0x36C0] =	vst v57  }
0x3ad: {  	v13 =	vld [tilespmem:$0x1880];
	v12 =	vperm.xlane v2, v11;
	[tilespmem:$0x56C0] =	vst v59  }
0x3ae: {  	v14 =	vperm.xlane v1, v11;
	[tilespmem:$0x76C0] =	vst v60  }
0x3af: {  	v16 =	vand.u32 $0xF, v63;
	v15 =	vperm.xlane v0, v11;
	[tilespmem:$0x36E0] =	vst v12  }
0x3b0: {  	v18 =	vld [tilespmem:$0x1890];
	v17 =	vperm.xlane v2, v16;
	[tilespmem:$0x56E0] =	vst v14  }
0x3b1: {  	v19 =	vperm.xlane v1, v16;
	[tilespmem:$0x76E0] =	vst v15  }
0x3b2: {  	v21 =	vand.u32 $0xF, v13;
	v20 =	vperm.xlane v0, v16;
	[tilespmem:$0x36F0] =	vst v17  }
0x3b3: {  	v23 =	vld [tilespmem:$0x18A0];
	v22 =	vperm.xlane v2, v21;
	[tilespmem:$0x56F0] =	vst v19  }
0x3b4: {  	v24 =	vperm.xlane v1, v21;
	[tilespmem:$0x76F0] =	vst v20  }
0x3b5: {  	v26 =	vand.u32 $0xF, v18;
	v25 =	vperm.xlane v0, v21;
	[tilespmem:$0x3A80] =	vst v22  }
0x3b6: {  	v28 =	vld [tilespmem:$0x18B0];
	v27 =	vperm.xlane v2, v26;
	[tilespmem:$0x5A80] =	vst v24  }
0x3b7: {  	v29 =	vperm.xlane v1, v26;
	[tilespmem:$0x7A80] =	vst v25  }
0x3b8: {  	v31 =	vand.u32 $0xF, v23;
	v30 =	vperm.xlane v0, v26;
	[tilespmem:$0x3A90] =	vst v27  }
0x3b9: {  	v33 =	vld [tilespmem:$0x18C0];
	v32 =	vperm.xlane v2, v31;
	[tilespmem:$0x5A90] =	vst v29  }
0x3ba: {  	v34 =	vperm.xlane v1, v31;
	[tilespmem:$0x7A90] =	vst v30  }
0x3bb: {  	v36 =	vand.u32 $0xF, v28;
	v35 =	vperm.xlane v0, v31;
	[tilespmem:$0x3AA0] =	vst v32  }
0x3bc: {  	v38 =	vld [tilespmem:$0x18D0];
	v37 =	vperm.xlane v2, v36;
	[tilespmem:$0x5AA0] =	vst v34  }
0x3bd: {  	v39 =	vperm.xlane v1, v36;
	[tilespmem:$0x7AA0] =	vst v35  }
0x3be: {  	v41 =	vand.u32 $0xF, v33;
	v40 =	vperm.xlane v0, v36;
	[tilespmem:$0x3AB0] =	vst v37  }
0x3bf: {  	v43 =	vld [tilespmem:$0x18E0];
	v42 =	vperm.xlane v2, v41;
	[tilespmem:$0x5AB0] =	vst v39  }
0x3c0: {  	v44 =	vperm.xlane v1, v41;
	[tilespmem:$0x7AB0] =	vst v40  }
0x3c1: {  	v46 =	vand.u32 $0xF, v38;
	v45 =	vperm.xlane v0, v41;
	[tilespmem:$0x3AC0] =	vst v42  }
0x3c2: {  	v53 =	vld [tilespmem:$0x14D0];
	v47 =	vperm.xlane v2, v46;
	[tilespmem:$0x5AC0] =	vst v44  }
0x3c3: {  	v49 =	vperm.xlane v1, v46;
	[tilespmem:$0x7AC0] =	vst v45  }
0x3c4: {  	v51 =	vand.u32 $0xF, v43;
	v50 =	vperm.xlane v0, v46;
	[tilespmem:$0x3AD0] =	vst v47  }
0x3c5: {  	v48 =	vld [tilespmem:$0x18F0];
	v52 =	vperm.xlane v2, v51;
	[tilespmem:$0x5AD0] =	vst v49  }
0x3c6: {  	v54 =	vperm.xlane v1, v51;
	[tilespmem:$0x7AD0] =	vst v50  }
0x3c7: {  	v55 =	vperm.xlane v0, v51;
	v61 =	vand.u32 $0xF, v53;
	[tilespmem:$0x3AE0] =	vst v52  }
0x3c8: {  	v58 =	vld [tilespmem:$0x1C90];
	[tilespmem:$0x5AE0] =	vst v54;
	v62 =	vperm.xlane v2, v61  }
0x3c9: {  	[tilespmem:$0x7AE0] =	vst v55;
	v9 =	vperm.xlane v1, v61  }
0x3ca: {  	v10 =	vperm.xlane v0, v61;
	v56 =	vand.u32 $0xF, v48;
	[tilespmem:$0x36D0] =	vst v62  }
0x3cb: {  	v63 =	vld [tilespmem:$0x1CA0];
	[tilespmem:$0x56D0] =	vst v9;
	v57 =	vperm.xlane v2, v56  }
0x3cc: {  	[tilespmem:$0x76D0] =	vst v10;
	v59 =	vperm.xlane v1, v56  }
0x3cd: {  	v11 =	vand.u32 $0xF, v58;
	v60 =	vperm.xlane v0, v56;
	[tilespmem:$0x3AF0] =	vst v57  }
0x3ce: {  	v13 =	vld [tilespmem:$0x1CB0];
	v12 =	vperm.xlane v2, v11;
	[tilespmem:$0x5AF0] =	vst v59  }
0x3cf: {  	v14 =	vperm.xlane v1, v11;
	[tilespmem:$0x7AF0] =	vst v60  }
0x3d0: {  	v16 =	vand.u32 $0xF, v63;
	v15 =	vperm.xlane v0, v11;
	[tilespmem:$0x3E90] =	vst v12  }
0x3d1: {  	v18 =	vld [tilespmem:$0x1CC0];
	v17 =	vperm.xlane v2, v16;
	[tilespmem:$0x5E90] =	vst v14  }
0x3d2: {  	v19 =	vperm.xlane v1, v16;
	[tilespmem:$0x7E90] =	vst v15  }
0x3d3: {  	v21 =	vand.u32 $0xF, v13;
	v20 =	vperm.xlane v0, v16;
	[tilespmem:$0x3EA0] =	vst v17  }
0x3d4: {  	v23 =	vld [tilespmem:$0x1CD0];
	v22 =	vperm.xlane v2, v21;
	[tilespmem:$0x5EA0] =	vst v19  }
0x3d5: {  	v24 =	vperm.xlane v1, v21;
	[tilespmem:$0x7EA0] =	vst v20  }
0x3d6: {  	v26 =	vand.u32 $0xF, v18;
	v25 =	vperm.xlane v0, v21;
	[tilespmem:$0x3EB0] =	vst v22  }
0x3d7: {  	v28 =	vld [tilespmem:$0x1CE0];
	v27 =	vperm.xlane v2, v26;
	[tilespmem:$0x5EB0] =	vst v24  }
0x3d8: {  	v29 =	vperm.xlane v1, v26;
	[tilespmem:$0x7EB0] =	vst v25  }
0x3d9: {  	v31 =	vand.u32 $0xF, v23;
	v30 =	vperm.xlane v0, v26;
	[tilespmem:$0x3EC0] =	vst v27  }
0x3da: {  	v33 =	vld [tilespmem:$0x1CF0];
	v32 =	vperm.xlane v2, v31;
	[tilespmem:$0x5EC0] =	vst v29  }
0x3db: {  	v34 =	vperm.xlane v1, v31;
	[tilespmem:$0x7EC0] =	vst v30  }
0x3dc: {  	v36 =	vand.u32 $0xF, v28;
	v35 =	vperm.xlane v0, v31;
	[tilespmem:$0x3ED0] =	vst v32  }
0x3dd: {  	v38 =	vld [tilespmem:$0x1100];
	v37 =	vperm.xlane v2, v36;
	[tilespmem:$0x5ED0] =	vst v34  }
0x3de: {  	v39 =	vperm.xlane v1, v36;
	[tilespmem:$0x7ED0] =	vst v35  }
0x3df: {  	v41 =	vand.u32 $0xF, v33;
	v40 =	vperm.xlane v0, v36;
	[tilespmem:$0x3EE0] =	vst v37  }
0x3e0: {  	v43 =	vld [tilespmem:$0x1110];
	v42 =	vperm.xlane v2, v41;
	[tilespmem:$0x5EE0] =	vst v39  }
0x3e1: {  	v44 =	vperm.xlane v1, v41;
	[tilespmem:$0x7EE0] =	vst v40  }
0x3e2: {  	v46 =	vand.u32 $0xF, v38;
	v45 =	vperm.xlane v0, v41;
	[tilespmem:$0x3EF0] =	vst v42  }
0x3e3: {  	v53 =	vld [tilespmem:$0x1C80];
	v47 =	vperm.xlane v2, v46;
	[tilespmem:$0x5EF0] =	vst v44  }
0x3e4: {  	v49 =	vperm.xlane v1, v46;
	[tilespmem:$0x7EF0] =	vst v45  }
0x3e5: {  	v51 =	vand.u32 $0xF, v43;
	v50 =	vperm.xlane v0, v46;
	[tilespmem:$0x3300] =	vst v47  }
0x3e6: {  	v48 =	vld [tilespmem:$0x1120];
	v52 =	vperm.xlane v2, v51;
	[tilespmem:$0x5300] =	vst v49  }
0x3e7: {  	v54 =	vperm.xlane v1, v51;
	[tilespmem:$0x7300] =	vst v50  }
0x3e8: {  	v55 =	vperm.xlane v0, v51;
	v61 =	vand.u32 $0xF, v53;
	[tilespmem:$0x3310] =	vst v52  }
0x3e9: {  	v58 =	vld [tilespmem:$0x1140];
	[tilespmem:$0x5310] =	vst v54;
	v62 =	vperm.xlane v2, v61  }
0x3ea: {  	[tilespmem:$0x7310] =	vst v55;
	v9 =	vperm.xlane v1, v61  }
0x3eb: {  	v10 =	vperm.xlane v0, v61;
	v56 =	vand.u32 $0xF, v48;
	[tilespmem:$0x3E80] =	vst v62  }
0x3ec: {  	v63 =	vld [tilespmem:$0x1150];
	[tilespmem:$0x5E80] =	vst v9;
	v57 =	vperm.xlane v2, v56  }
0x3ed: {  	[tilespmem:$0x7E80] =	vst v10;
	v59 =	vperm.xlane v1, v56  }
0x3ee: {  	v11 =	vand.u32 $0xF, v58;
	v60 =	vperm.xlane v0, v56;
	[tilespmem:$0x3320] =	vst v57  }
0x3ef: {  	v13 =	vld [tilespmem:$0x1160];
	v12 =	vperm.xlane v2, v11;
	[tilespmem:$0x5320] =	vst v59  }
0x3f0: {  	v14 =	vperm.xlane v1, v11;
	[tilespmem:$0x7320] =	vst v60  }
0x3f1: {  	v16 =	vand.u32 $0xF, v63;
	v15 =	vperm.xlane v0, v11;
	[tilespmem:$0x3340] =	vst v12  }
0x3f2: {  	v18 =	vld [tilespmem:$0x1170];
	v17 =	vperm.xlane v2, v16;
	[tilespmem:$0x5340] =	vst v14  }
0x3f3: {  	v19 =	vperm.xlane v1, v16;
	[tilespmem:$0x7340] =	vst v15  }
0x3f4: {  	v21 =	vand.u32 $0xF, v13;
	v20 =	vperm.xlane v0, v16;
	[tilespmem:$0x3350] =	vst v17  }
0x3f5: {  	v23 =	vld [tilespmem:$0x1500];
	v22 =	vperm.xlane v2, v21;
	[tilespmem:$0x5350] =	vst v19  }
0x3f6: {  	v24 =	vperm.xlane v1, v21;
	[tilespmem:$0x7350] =	vst v20  }
0x3f7: {  	v26 =	vand.u32 $0xF, v18;
	v25 =	vperm.xlane v0, v21;
	[tilespmem:$0x3360] =	vst v22  }
0x3f8: {  	v28 =	vld [tilespmem:$0x1510];
	v27 =	vperm.xlane v2, v26;
	[tilespmem:$0x5360] =	vst v24  }
0x3f9: {  	v29 =	vperm.xlane v1, v26;
	[tilespmem:$0x7360] =	vst v25  }
0x3fa: {  	v31 =	vand.u32 $0xF, v23;
	v30 =	vperm.xlane v0, v26;
	[tilespmem:$0x3370] =	vst v27  }
0x3fb: {  	v33 =	vld [tilespmem:$0x1520];
	v32 =	vperm.xlane v2, v31;
	[tilespmem:$0x5370] =	vst v29  }
0x3fc: {  	v34 =	vperm.xlane v1, v31;
	[tilespmem:$0x7370] =	vst v30  }
0x3fd: {  	v36 =	vand.u32 $0xF, v28;
	v35 =	vperm.xlane v0, v31;
	[tilespmem:$0x3700] =	vst v32  }
0x3fe: {  	v38 =	vld [tilespmem:$0x1530];
	v37 =	vperm.xlane v2, v36;
	[tilespmem:$0x5700] =	vst v34  }
0x3ff: {  	v39 =	vperm.xlane v1, v36;
	[tilespmem:$0x7700] =	vst v35  }
0x400: {  	v41 =	vand.u32 $0xF, v33;
	v40 =	vperm.xlane v0, v36;
	[tilespmem:$0x3710] =	vst v37  }
0x401: {  	v43 =	vld [tilespmem:$0x1540];
	v42 =	vperm.xlane v2, v41;
	[tilespmem:$0x5710] =	vst v39  }
0x402: {  	v44 =	vperm.xlane v1, v41;
	[tilespmem:$0x7710] =	vst v40  }
0x403: {  	v46 =	vand.u32 $0xF, v38;
	v45 =	vperm.xlane v0, v41;
	[tilespmem:$0x3720] =	vst v42  }
0x404: {  	v53 =	vld [tilespmem:$0x1130];
	v47 =	vperm.xlane v2, v46;
	[tilespmem:$0x5720] =	vst v44  }
0x405: {  	v49 =	vperm.xlane v1, v46;
	[tilespmem:$0x7720] =	vst v45  }
0x406: {  	v51 =	vand.u32 $0xF, v43;
	v50 =	vperm.xlane v0, v46;
	[tilespmem:$0x3730] =	vst v47  }
0x407: {  	v48 =	vld [tilespmem:$0x1550];
	v52 =	vperm.xlane v2, v51;
	[tilespmem:$0x5730] =	vst v49  }
0x408: {  	v54 =	vperm.xlane v1, v51;
	[tilespmem:$0x7730] =	vst v50  }
0x409: {  	v55 =	vperm.xlane v0, v51;
	v61 =	vand.u32 $0xF, v53;
	[tilespmem:$0x3740] =	vst v52  }
0x40a: {  	v58 =	vld [tilespmem:$0x1570];
	[tilespmem:$0x5740] =	vst v54;
	v62 =	vperm.xlane v2, v61  }
0x40b: {  	[tilespmem:$0x7740] =	vst v55;
	v9 =	vperm.xlane v1, v61  }
0x40c: {  	v10 =	vperm.xlane v0, v61;
	v56 =	vand.u32 $0xF, v48;
	[tilespmem:$0x3330] =	vst v62  }
0x40d: {  	v63 =	vld [tilespmem:$0x1900];
	[tilespmem:$0x5330] =	vst v9;
	v57 =	vperm.xlane v2, v56  }
0x40e: {  	[tilespmem:$0x7330] =	vst v10;
	v59 =	vperm.xlane v1, v56  }
0x40f: {  	v11 =	vand.u32 $0xF, v58;
	v60 =	vperm.xlane v0, v56;
	[tilespmem:$0x3750] =	vst v57  }
0x410: {  	v13 =	vld [tilespmem:$0x1910];
	v12 =	vperm.xlane v2, v11;
	[tilespmem:$0x5750] =	vst v59  }
0x411: {  	v14 =	vperm.xlane v1, v11;
	[tilespmem:$0x7750] =	vst v60  }
0x412: {  	v16 =	vand.u32 $0xF, v63;
	v15 =	vperm.xlane v0, v11;
	[tilespmem:$0x3770] =	vst v12  }
0x413: {  	v18 =	vld [tilespmem:$0x1920];
	v17 =	vperm.xlane v2, v16;
	[tilespmem:$0x5770] =	vst v14  }
0x414: {  	v19 =	vperm.xlane v1, v16;
	[tilespmem:$0x7770] =	vst v15  }
0x415: {  	v21 =	vand.u32 $0xF, v13;
	v20 =	vperm.xlane v0, v16;
	[tilespmem:$0x3B00] =	vst v17  }
0x416: {  	v23 =	vld [tilespmem:$0x1930];
	v22 =	vperm.xlane v2, v21;
	[tilespmem:$0x5B00] =	vst v19  }
0x417: {  	v24 =	vperm.xlane v1, v21;
	[tilespmem:$0x7B00] =	vst v20  }
0x418: {  	v26 =	vand.u32 $0xF, v18;
	v25 =	vperm.xlane v0, v21;
	[tilespmem:$0x3B10] =	vst v22  }
0x419: {  	v28 =	vld [tilespmem:$0x1940];
	v27 =	vperm.xlane v2, v26;
	[tilespmem:$0x5B10] =	vst v24  }
0x41a: {  	v29 =	vperm.xlane v1, v26;
	[tilespmem:$0x7B10] =	vst v25  }
0x41b: {  	v31 =	vand.u32 $0xF, v23;
	v30 =	vperm.xlane v0, v26;
	[tilespmem:$0x3B20] =	vst v27  }
0x41c: {  	v33 =	vld [tilespmem:$0x1950];
	v32 =	vperm.xlane v2, v31;
	[tilespmem:$0x5B20] =	vst v29  }
0x41d: {  	v34 =	vperm.xlane v1, v31;
	[tilespmem:$0x7B20] =	vst v30  }
0x41e: {  	v36 =	vand.u32 $0xF, v28;
	v35 =	vperm.xlane v0, v31;
	[tilespmem:$0x3B30] =	vst v32  }
0x41f: {  	v38 =	vld [tilespmem:$0x1960];
	v37 =	vperm.xlane v2, v36;
	[tilespmem:$0x5B30] =	vst v34  }
0x420: {  	v39 =	vperm.xlane v1, v36;
	[tilespmem:$0x7B30] =	vst v35  }
0x421: {  	v41 =	vand.u32 $0xF, v33;
	v40 =	vperm.xlane v0, v36;
	[tilespmem:$0x3B40] =	vst v37  }
0x422: {  	v43 =	vld [tilespmem:$0x1970];
	v42 =	vperm.xlane v2, v41;
	[tilespmem:$0x5B40] =	vst v39  }
0x423: {  	v44 =	vperm.xlane v1, v41;
	[tilespmem:$0x7B40] =	vst v40  }
0x424: {  	v46 =	vand.u32 $0xF, v38;
	v45 =	vperm.xlane v0, v41;
	[tilespmem:$0x3B50] =	vst v42  }
0x425: {  	v53 =	vld [tilespmem:$0x1560];
	v47 =	vperm.xlane v2, v46;
	[tilespmem:$0x5B50] =	vst v44  }
0x426: {  	v49 =	vperm.xlane v1, v46;
	[tilespmem:$0x7B50] =	vst v45  }
0x427: {  	v51 =	vand.u32 $0xF, v43;
	v50 =	vperm.xlane v0, v46;
	[tilespmem:$0x3B60] =	vst v47  }
0x428: {  	v48 =	vld [tilespmem:$0x1D00];
	v52 =	vperm.xlane v2, v51;
	[tilespmem:$0x5B60] =	vst v49  }
0x429: {  	v54 =	vperm.xlane v1, v51;
	[tilespmem:$0x7B60] =	vst v50  }
0x42a: {  	v55 =	vperm.xlane v0, v51;
	v61 =	vand.u32 $0xF, v53;
	[tilespmem:$0x3B70] =	vst v52  }
0x42b: {  	v58 =	vld [tilespmem:$0x1D20];
	[tilespmem:$0x5B70] =	vst v54;
	v62 =	vperm.xlane v2, v61  }
0x42c: {  	[tilespmem:$0x7B70] =	vst v55;
	v9 =	vperm.xlane v1, v61  }
0x42d: {  	v10 =	vperm.xlane v0, v61;
	v56 =	vand.u32 $0xF, v48;
	[tilespmem:$0x3760] =	vst v62  }
0x42e: {  	v63 =	vld [tilespmem:$0x1D30];
	[tilespmem:$0x5760] =	vst v9;
	v57 =	vperm.xlane v2, v56  }
0x42f: {  	[tilespmem:$0x7760] =	vst v10;
	v59 =	vperm.xlane v1, v56  }
0x430: {  	v11 =	vand.u32 $0xF, v58;
	v60 =	vperm.xlane v0, v56;
	[tilespmem:$0x3F00] =	vst v57  }
0x431: {  	v13 =	vld [tilespmem:$0x1D40];
	v12 =	vperm.xlane v2, v11;
	[tilespmem:$0x5F00] =	vst v59  }
0x432: {  	v14 =	vperm.xlane v1, v11;
	[tilespmem:$0x7F00] =	vst v60  }
0x433: {  	v16 =	vand.u32 $0xF, v63;
	v15 =	vperm.xlane v0, v11;
	[tilespmem:$0x3F20] =	vst v12  }
0x434: {  	v18 =	vld [tilespmem:$0x1D50];
	v17 =	vperm.xlane v2, v16;
	[tilespmem:$0x5F20] =	vst v14  }
0x435: {  	v26 =	vld [tilespmem:$0x1220];
	v19 =	vperm.xlane v1, v16;
	[tilespmem:$0x7F20] =	vst v15  }
0x436: {  	v22 =	vand.u32 $0xF, v13;
	v21 =	vperm.xlane v0, v16;
	[tilespmem:$0x3F30] =	vst v17  }
0x437: {  	v24 =	vperm.xlane v2, v22;
	[tilespmem:$0x5F30] =	vst v19  }
0x438: {  	v31 =	vld [tilespmem:$0x1200];
	v25 =	vperm.xlane v1, v22;
	[tilespmem:$0x7F30] =	vst v21  }
0x439: {  	v3 =	vand.u32 $0xF, v18;
	v5 =	vperm.xlane v0, v22;
	[tilespmem:$0x3F40] =	vst v24  }
0x43a: {  	v53 =	vld [tilespmem:$0x1D10];
	v7 =	vperm.xlane v2, v3;
	v29 =	vand.u32 $0xF, v26;
	[tilespmem:$0x5F40] =	vst v25  }
0x43b: {  	v32 =	vperm.xlane v0, v29;
	[tilespmem:$0x7F40] =	vst v5  }
0x43c: {  	v33 =	vperm.xlane v1, v29;
	[tilespmem:$0x3F50] =	vst v7  }
0x43d: {  	v20 =	vld [tilespmem:$0x11A0];
	v38 =	vand.u32 $0xF, v31;
	v34 =	vperm.xlane v2, v29;
	[tilespmem:$0x7420] =	vst v32  }
0x43e: {  	v23 =	vld [tilespmem:$0x1230];
	v40 =	vperm.xlane v1, v38;
	[tilespmem:$0x5420] =	vst v33  }
0x43f: {  	v61 =	vand.u32 $0xF, v53;
	v7 =	vperm.xlane v2, v38;
	[tilespmem:$0x3420] =	vst v34  }
0x440: {  	v27 =	vld [tilespmem:$0x1210];
	v62 =	vperm.xlane v2, v61;
	[tilespmem:$0x5400] =	vst v40  }
0x441: {  	v9 =	vperm.xlane v1, v61;
	[tilespmem:$0x3400] =	vst v7  }
0x442: {  	v4 =	vand.u32 $0xF, v20;
	v10 =	vperm.xlane v0, v61;
	[tilespmem:$0x3F10] =	vst v62  }
0x443: {  	v35 =	vld [tilespmem:$0x1DF0];
	v5 =	vand.u32 $0xF, v23;
	v8 =	vperm.xlane v1, v4;
	[tilespmem:$0x5F10] =	vst v9  }
0x444: {  	v28 =	vperm.xlane v1, v5;
	[tilespmem:$0x7F10] =	vst v10  }
0x445: {  	v39 =	vld [tilespmem:$0x1DE0];
	v6 =	vand.u32 $0xF, v27;
	v30 =	vperm.xlane v2, v5;
	[tilespmem:$0x53A0] =	vst v8  }
0x446: {  	v36 =	vperm.xlane v0, v6;
	[tilespmem:$0x5430] =	vst v28  }
0x447: {  	v42 =	vld [tilespmem:$0x1DD0];
	v37 =	vperm.xlane v1, v6;
	[tilespmem:$0x3430] =	vst v30  }
0x448: {  	v41 =	vand.u32 $0xF, v35;
	v6 =	vperm.xlane v2, v6;
	[tilespmem:$0x7410] =	vst v36  }
0x449: {  	v46 =	vld [tilespmem:$0x1DC0];
	v43 =	vperm.xlane v0, v41;
	[tilespmem:$0x5410] =	vst v37  }
0x44a: {  	v45 =	vand.u32 $0xF, v39;
	v44 =	vperm.xlane v1, v41;
	[tilespmem:$0x3410] =	vst v6  }
0x44b: {  	v50 =	vld [tilespmem:$0x1DB0];
	v47 =	vperm.xlane v0, v45;
	[tilespmem:$0x7FF0] =	vst v43  }
0x44c: {  	v49 =	vand.u32 $0xF, v42;
	v48 =	vperm.xlane v1, v45;
	[tilespmem:$0x5FF0] =	vst v44  }
0x44d: {  	v51 =	vperm.xlane v0, v49;
	[tilespmem:$0x7FE0] =	vst v47  }
0x44e: {  	v53 =	vand.u32 $0xF, v46;
	v52 =	vperm.xlane v1, v49;
	[tilespmem:$0x5FE0] =	vst v48  }
0x44f: {  	v54 =	vld [tilespmem:$0x1DA0];
	v55 =	vperm.xlane v0, v53;
	[tilespmem:$0x7FD0] =	vst v51  }
0x450: {  	v57 =	vand.u32 $0xF, v50;
	v56 =	vperm.xlane v1, v53;
	[tilespmem:$0x5FD0] =	vst v52  }
0x451: {  	v59 =	vperm.xlane v0, v57;
	[tilespmem:$0x7FC0] =	vst v55  }
0x452: {  	v60 =	vperm.xlane v1, v57;
	[tilespmem:$0x5FC0] =	vst v56  }
0x453: {  	v58 =	vld [tilespmem:$0x1D90];
	v5 =	vperm.xlane v0, v5;
	[tilespmem:$0x7FB0] =	vst v59  }
0x454: {  	v61 =	vand.u32 $0xF, v54;
	v7 =	vperm.xlane v2, v45;
	[tilespmem:$0x5FB0] =	vst v60  }
0x455: {  	v18 =	vld [tilespmem:$0x19E0];
	v63 =	vperm.xlane v0, v61;
	[tilespmem:$0x7430] =	vst v5  }
0x456: {  	v12 =	vperm.xlane v1, v61;
	[tilespmem:$0x3FE0] =	vst v7  }
0x457: {  	v10 =	vperm.xlane v0, v38;
	[tilespmem:$0x7FA0] =	vst v63  }
0x458: {  	v22 =	vld [tilespmem:$0x19D0];
	v13 =	vand.u32 $0xF, v58;
	v6 =	vperm.xlane v2, v41;
	[tilespmem:$0x5FA0] =	vst v12  }
0x459: {  	v15 =	vperm.xlane v0, v13;
	[tilespmem:$0x7400] =	vst v10  }
0x45a: {  	v26 =	vld [tilespmem:$0x19C0];
	v25 =	vand.u32 $0xF, v18;
	v16 =	vperm.xlane v1, v13;
	[tilespmem:$0x3FF0] =	vst v6  }
0x45b: {  	v27 =	vperm.xlane v0, v25;
	[tilespmem:$0x7F90] =	vst v15  }
0x45c: {  	v28 =	vperm.xlane v1, v25;
	[tilespmem:$0x5F90] =	vst v16  }
0x45d: {  	v29 =	vand.u32 $0xF, v22;
	v7 =	vperm.xlane v2, v53;
	[tilespmem:$0x7BE0] =	vst v27  }
0x45e: {  	v14 =	vld [tilespmem:$0x19F0];
	v31 =	vperm.xlane v0, v29;
	[tilespmem:$0x5BE0] =	vst v28  }
0x45f: {  	v33 =	vand.u32 $0xF, v26;
	v32 =	vperm.xlane v1, v29;
	[tilespmem:$0x3FC0] =	vst v7  }
0x460: {  	v42 =	vld [tilespmem:$0x1980];
	v35 =	vperm.xlane v0, v33;
	[tilespmem:$0x7BD0] =	vst v31  }
0x461: {  	v36 =	vperm.xlane v1, v33;
	[tilespmem:$0x5BD0] =	vst v32  }
0x462: {  	v46 =	vld [tilespmem:$0x15F0];
	v6 =	vperm.xlane v2, v49;
	[tilespmem:$0x7BC0] =	vst v35  }
0x463: {  	v21 =	vand.u32 $0xF, v14;
	v7 =	vperm.xlane v2, v61;
	[tilespmem:$0x5BC0] =	vst v36  }
0x464: {  	v23 =	vperm.xlane v0, v21;
	[tilespmem:$0x3FD0] =	vst v6  }
0x465: {  	v34 =	vld [tilespmem:$0x19A0];
	v49 =	vand.u32 $0xF, v42;
	v24 =	vperm.xlane v1, v21;
	[tilespmem:$0x3FA0] =	vst v7  }
0x466: {  	v51 =	vperm.xlane v0, v49;
	[tilespmem:$0x7BF0] =	vst v23  }
0x467: {  	v54 =	vld [tilespmem:$0x15D0];
	v53 =	vand.u32 $0xF, v46;
	v52 =	vperm.xlane v1, v49;
	[tilespmem:$0x5BF0] =	vst v24  }
0x468: {  	v55 =	vperm.xlane v0, v53;
	[tilespmem:$0x7B80] =	vst v51  }
0x469: {  	v50 =	vld [tilespmem:$0x15E0];
	v56 =	vperm.xlane v1, v53;
	[tilespmem:$0x5B80] =	vst v52  }
0x46a: {  	v41 =	vand.u32 $0xF, v34;
	v6 =	vperm.xlane v2, v57;
	[tilespmem:$0x77F0] =	vst v55  }
0x46b: {  	v43 =	vperm.xlane v0, v41;
	[tilespmem:$0x57F0] =	vst v56  }
0x46c: {  	v61 =	vand.u32 $0xF, v54;
	v44 =	vperm.xlane v1, v41;
	[tilespmem:$0x3FB0] =	vst v6  }
0x46d: {  	v63 =	vperm.xlane v0, v61;
	[tilespmem:$0x7BA0] =	vst v43  }
0x46e: {  	v62 =	vld [tilespmem:$0x1D80];
	v57 =	vand.u32 $0xF, v50;
	v12 =	vperm.xlane v1, v61;
	[tilespmem:$0x5BA0] =	vst v44  }
0x46f: {  	v59 =	vperm.xlane v0, v57;
	[tilespmem:$0x77D0] =	vst v63  }
0x470: {  	v60 =	vperm.xlane v1, v57;
	[tilespmem:$0x57D0] =	vst v12  }
0x471: {  	v30 =	vld [tilespmem:$0x19B0];
	v52 =	vperm.xlane v0, v4;
	[tilespmem:$0x77E0] =	vst v59  }
0x472: {  	v4 =	vperm.xlane v2, v4;
	[tilespmem:$0x57E0] =	vst v60  }
0x473: {  	v38 =	vld [tilespmem:$0x1990];
	v17 =	vand.u32 $0xF, v62;
	v6 =	vperm.xlane v2, v13;
	[tilespmem:$0x73A0] =	vst v52  }
0x474: {  	v19 =	vperm.xlane v0, v17;
	[tilespmem:$0x33A0] =	vst v4  }
0x475: {  	v26 =	vld [tilespmem:$0x11F0];
	v20 =	vperm.xlane v1, v17;
	[tilespmem:$0x3F90] =	vst v6  }
0x476: {  	v37 =	vand.u32 $0xF, v30;
	v7 =	vperm.xlane v2, v17;
	[tilespmem:$0x7F80] =	vst v19  }
0x477: {  	v39 =	vperm.xlane v0, v37;
	[tilespmem:$0x5F80] =	vst v20  }
0x478: {  	v58 =	vld [tilespmem:$0x15C0];
	v45 =	vand.u32 $0xF, v38;
	v40 =	vperm.xlane v1, v37;
	[tilespmem:$0x3F80] =	vst v7  }
0x479: {  	v47 =	vperm.xlane v0, v45;
	[tilespmem:$0x7BB0] =	vst v39  }
0x47a: {  	v8 =	vand.u32 $0xF, v26;
	v48 =	vperm.xlane v1, v45;
	[tilespmem:$0x5BB0] =	vst v40  }
0x47b: {  	v34 =	vperm.xlane v0, v8;
	[tilespmem:$0x7B90] =	vst v47  }
0x47c: {  	v14 =	vld [tilespmem:$0x15A0];
	v36 =	vperm.xlane v1, v8;
	[tilespmem:$0x5B90] =	vst v48  }
0x47d: {  	v13 =	vand.u32 $0xF, v58;
	v8 =	vperm.xlane v2, v8;
	[tilespmem:$0x73F0] =	vst v34  }
0x47e: {  	v18 =	vld [tilespmem:$0x1590];
	v15 =	vperm.xlane v0, v13;
	[tilespmem:$0x53F0] =	vst v36  }
0x47f: {  	v16 =	vperm.xlane v1, v13;
	[tilespmem:$0x33F0] =	vst v8  }
0x480: {  	v6 =	vperm.xlane v2, v21;
	[tilespmem:$0x77C0] =	vst v15  }
0x481: {  	v7 =	vperm.xlane v2, v25;
	v21 =	vand.u32 $0xF, v14;
	[tilespmem:$0x57C0] =	vst v16  }
0x482: {  	v62 =	vld [tilespmem:$0x15B0];
	v23 =	vperm.xlane v0, v21;
	[tilespmem:$0x3BF0] =	vst v6  }
0x483: {  	v25 =	vand.u32 $0xF, v18;
	v24 =	vperm.xlane v1, v21;
	[tilespmem:$0x3BE0] =	vst v7  }
0x484: {  	v22 =	vld [tilespmem:$0x1580];
	v27 =	vperm.xlane v0, v25;
	[tilespmem:$0x77A0] =	vst v23  }
0x485: {  	v28 =	vperm.xlane v1, v25;
	[tilespmem:$0x57A0] =	vst v24  }
0x486: {  	v55 =	vld [tilespmem:$0x1D70];
	v6 =	vperm.xlane v2, v29;
	[tilespmem:$0x7790] =	vst v27  }
0x487: {  	v7 =	vperm.xlane v2, v33;
	v17 =	vand.u32 $0xF, v62;
	[tilespmem:$0x5790] =	vst v28  }
0x488: {  	v19 =	vperm.xlane v0, v17;
	[tilespmem:$0x3BD0] =	vst v6  }
0x489: {  	v29 =	vand.u32 $0xF, v22;
	v20 =	vperm.xlane v1, v17;
	[tilespmem:$0x3BC0] =	vst v7  }
0x48a: {  	v31 =	vperm.xlane v0, v29;
	[tilespmem:$0x77B0] =	vst v19  }
0x48b: {  	v30 =	vld [tilespmem:$0x11E0];
	v5 =	vand.u32 $0xF, v55;
	v32 =	vperm.xlane v1, v29;
	[tilespmem:$0x57B0] =	vst v20  }
0x48c: {  	v12 =	vperm.xlane v2, v5;
	[tilespmem:$0x7780] =	vst v31  }
0x48d: {  	v14 =	vperm.xlane v0, v5;
	[tilespmem:$0x5780] =	vst v32  }
0x48e: {  	v5 =	vperm.xlane v1, v5;
	[tilespmem:$0x3F70] =	vst v12  }
0x48f: {  	v6 =	vperm.xlane v2, v37;
	[tilespmem:$0x7F70] =	vst v14  }
0x490: {  	v7 =	vperm.xlane v2, v41;
	v37 =	vand.u32 $0xF, v30;
	[tilespmem:$0x5F70] =	vst v5  }
0x491: {  	v39 =	vperm.xlane v0, v37;
	[tilespmem:$0x3BB0] =	vst v6  }
0x492: {  	v40 =	vperm.xlane v1, v37;
	[tilespmem:$0x3BA0] =	vst v7  }
0x493: {  	v33 =	vld [tilespmem:$0x11C0];
	v19 =	vperm.xlane v0, v3;
	[tilespmem:$0x73E0] =	vst v39  }
0x494: {  	v3 =	vperm.xlane v1, v3;
	[tilespmem:$0x53E0] =	vst v40  }
0x495: {  	v6 =	vperm.xlane v2, v45;
	[tilespmem:$0x7F50] =	vst v19  }
0x496: {  	v51 =	vld [tilespmem:$0x1240];
	v7 =	vperm.xlane v2, v49;
	[tilespmem:$0x5F50] =	vst v3  }
0x497: {  	[tilespmem:$0x3B90] =	vst v6;
	v6 =	vperm.xlane v2, v53  }
0x498: {  	v38 =	vand.u32 $0xF, v33;
	[tilespmem:$0x3B80] =	vst v7;
	v7 =	vperm.xlane v2, v57  }
0x499: {  	v11 =	vperm.xlane v2, v38;
	[tilespmem:$0x37F0] =	vst v6  }
0x49a: {  	v45 =	vperm.xlane v0, v38;
	[tilespmem:$0x37E0] =	vst v7  }
0x49b: {  	v41 =	vld [tilespmem:$0x11B0];
	v47 =	vperm.xlane v1, v38;
	v57 =	vand.u32 $0xF, v51;
	[tilespmem:$0x33C0] =	vst v11  }
0x49c: {  	v59 =	vperm.xlane v2, v57;
	[tilespmem:$0x73C0] =	vst v45  }
0x49d: {  	v18 =	vperm.xlane v1, v57;
	[tilespmem:$0x53C0] =	vst v47  }
0x49e: {  	v4 =	vperm.xlane v0, v57;
	[tilespmem:$0x3440] =	vst v59  }
0x49f: {  	v6 =	vperm.xlane v2, v61;
	[tilespmem:$0x5440] =	vst v18  }
0x4a0: {  	v49 =	vld [tilespmem:$0x1190];
	v46 =	vand.u32 $0xF, v41;
	v7 =	vperm.xlane v2, v13;
	[tilespmem:$0x7440] =	vst v4  }
0x4a1: {  	v48 =	vperm.xlane v0, v46;
	[tilespmem:$0x37D0] =	vst v6  }
0x4a2: {  	v50 =	vperm.xlane v1, v46;
	[tilespmem:$0x37C0] =	vst v7  }
0x4a3: {  	v8 =	vperm.xlane v2, v46;
	[tilespmem:$0x73B0] =	vst v48  }
0x4a4: {  	v53 =	vld [tilespmem:$0x1180];
	v6 =	vperm.xlane v2, v17;
	[tilespmem:$0x53B0] =	vst v50  }
0x4a5: {  	v54 =	vand.u32 $0xF, v49;
	v7 =	vperm.xlane v2, v21;
	[tilespmem:$0x33B0] =	vst v8  }
0x4a6: {  	v56 =	vperm.xlane v1, v54;
	[tilespmem:$0x37B0] =	vst v6  }
0x4a7: {  	v58 =	vperm.xlane v0, v54;
	[tilespmem:$0x37A0] =	vst v7  }
0x4a8: {  	v61 =	vld [tilespmem:$0x1D60];
	v6 =	vperm.xlane v2, v25;
	[tilespmem:$0x5390] =	vst v56  }
0x4a9: {  	v60 =	vand.u32 $0xF, v53;
	v7 =	vperm.xlane v2, v29;
	[tilespmem:$0x7390] =	vst v58  }
0x4aa: {  	v35 =	vld [tilespmem:$0x11D0];
	v62 =	vperm.xlane v0, v60;
	[tilespmem:$0x3790] =	vst v6  }
0x4ab: {  	v63 =	vperm.xlane v1, v60;
	[tilespmem:$0x3780] =	vst v7  }
0x4ac: {  	v13 =	vperm.xlane v2, v60;
	[tilespmem:$0x7380] =	vst v62  }
0x4ad: {  	v15 =	vand.u32 $0xF, v61;
	v6 =	vperm.xlane v2, v37;
	[tilespmem:$0x5380] =	vst v63  }
0x4ae: {  	[tilespmem:$0x3380] =	vst v13;
	v16 =	vperm.xlane v0, v15  }
0x4af: {  	v17 =	vld [tilespmem:$0x1250];
	v7 =	vand.u32 $0xF, v35;
	v8 =	vperm.xlane v1, v15;
	[tilespmem:$0x33E0] =	vst v6  }
0x4b0: {  	v42 =	vperm.xlane v0, v7;
	[tilespmem:$0x7F60] =	vst v16  }
0x4b1: {  	v43 =	vperm.xlane v1, v7;
	[tilespmem:$0x5F60] =	vst v8  }
0x4b2: {  	v6 =	vperm.xlane v2, v54;
	[tilespmem:$0x73D0] =	vst v42  }
0x4b3: {  	v44 =	vperm.xlane v2, v7;
	[tilespmem:$0x53D0] =	vst v43  }
0x4b4: {  	v5 =	vand.u32 $0xF, v17;
	[tilespmem:$0x3390] =	vst v6;
	v6 =	vperm.xlane v2, v15  }
0x4b5: {  	v20 =	vperm.xlane v2, v5;
	[tilespmem:$0x33D0] =	vst v44  }
0x4b6: {  	[tilespmem:$0x3F60] =	vst v6  }
0x4b7: {  	[tilespmem:$0x3450] =	vst v20  }
0x4b8: {  	v3 =	vld [tilespmem:$0x1260];
	_ =	sdelay $0x2  }
0x4b9: {  	v21 =	vld [tilespmem:$0x1270]  }
0x4ba: {  	v22 =	vperm.xlane v1, v5  }
0x4bb: {  	v5 =	vperm.xlane v0, v5;
	v3 =	vand.u32 $0xF, v3  }
0x4bc: {  	[tilespmem:$0x5450] =	vst v22;
	v24 =	vld [tilespmem:$0x1600];
	v23 =	vperm.xlane v2, v3  }
0x4bd: {  	[tilespmem:$0x7450] =	vst v5;
	v25 =	vperm.xlane v1, v3  }
0x4be: {  	v4 =	vand.u32 $0xF, v21;
	v3 =	vperm.xlane v0, v3;
	[tilespmem:$0x3460] =	vst v23  }
0x4bf: {  	v27 =	vld [tilespmem:$0x1610];
	v26 =	vperm.xlane v2, v4;
	[tilespmem:$0x5460] =	vst v25  }
0x4c0: {  	v28 =	vperm.xlane v1, v4;
	[tilespmem:$0x7460] =	vst v3  }
0x4c1: {  	v29 =	vand.u32 $0xF, v24;
	v4 =	vperm.xlane v0, v4;
	[tilespmem:$0x3470] =	vst v26  }
0x4c2: {  	v31 =	vld [tilespmem:$0x1620];
	v30 =	vperm.xlane v2, v29;
	[tilespmem:$0x5470] =	vst v28  }
0x4c3: {  	v32 =	vperm.xlane v1, v29;
	[tilespmem:$0x7470] =	vst v4  }
0x4c4: {  	v34 =	vand.u32 $0xF, v27;
	v33 =	vperm.xlane v0, v29;
	[tilespmem:$0x3800] =	vst v30  }
0x4c5: {  	v36 =	vld [tilespmem:$0x1630];
	v35 =	vperm.xlane v2, v34;
	[tilespmem:$0x5800] =	vst v32  }
0x4c6: {  	v37 =	vperm.xlane v1, v34;
	[tilespmem:$0x7800] =	vst v33  }
0x4c7: {  	v39 =	vand.u32 $0xF, v31;
	v38 =	vperm.xlane v0, v34;
	[tilespmem:$0x3810] =	vst v35  }
0x4c8: {  	v41 =	vld [tilespmem:$0x1640];
	v40 =	vperm.xlane v2, v39;
	[tilespmem:$0x5810] =	vst v37  }
0x4c9: {  	v42 =	vperm.xlane v1, v39;
	[tilespmem:$0x7810] =	vst v38  }
0x4ca: {  	v44 =	vand.u32 $0xF, v36;
	v43 =	vperm.xlane v0, v39;
	[tilespmem:$0x3820] =	vst v40  }
0x4cb: {  	v46 =	vld [tilespmem:$0x1650];
	v45 =	vperm.xlane v2, v44;
	[tilespmem:$0x5820] =	vst v42  }
0x4cc: {  	v47 =	vperm.xlane v1, v44;
	[tilespmem:$0x7820] =	vst v43  }
0x4cd: {  	v49 =	vand.u32 $0xF, v41;
	v48 =	vperm.xlane v0, v44;
	[tilespmem:$0x3830] =	vst v45  }
0x4ce: {  	v51 =	vld [tilespmem:$0x1660];
	v50 =	vperm.xlane v2, v49;
	[tilespmem:$0x5830] =	vst v47  }
0x4cf: {  	v52 =	vperm.xlane v1, v49;
	[tilespmem:$0x7830] =	vst v48  }
0x4d0: {  	v54 =	vand.u32 $0xF, v46;
	v53 =	vperm.xlane v0, v49;
	[tilespmem:$0x3840] =	vst v50  }
0x4d1: {  	v56 =	vld [tilespmem:$0x1670];
	v55 =	vperm.xlane v2, v54;
	[tilespmem:$0x5840] =	vst v52  }
0x4d2: {  	v57 =	vperm.xlane v1, v54;
	[tilespmem:$0x7840] =	vst v53  }
0x4d3: {  	v59 =	vand.u32 $0xF, v51;
	v58 =	vperm.xlane v0, v54;
	[tilespmem:$0x3850] =	vst v55  }
0x4d4: {  	v61 =	vld [tilespmem:$0x1A00];
	v60 =	vperm.xlane v2, v59;
	[tilespmem:$0x5850] =	vst v57  }
0x4d5: {  	v62 =	vperm.xlane v1, v59;
	[tilespmem:$0x7850] =	vst v58  }
0x4d6: {  	v9 =	vand.u32 $0xF, v56;
	v63 =	vperm.xlane v0, v59;
	[tilespmem:$0x3860] =	vst v60  }
0x4d7: {  	v11 =	vld [tilespmem:$0x1A10];
	v10 =	vperm.xlane v2, v9;
	[tilespmem:$0x5860] =	vst v62  }
0x4d8: {  	v12 =	vperm.xlane v1, v9;
	[tilespmem:$0x7860] =	vst v63  }
0x4d9: {  	v16 =	vld [tilespmem:$0x1A20];
	v14 =	vand.u32 $0xF, v61;
	v13 =	vperm.xlane v0, v9;
	[tilespmem:$0x3870] =	vst v10  }
0x4da: {  	v15 =	vperm.xlane v2, v14;
	[tilespmem:$0x5870] =	vst v12  }
0x4db: {  	v17 =	vperm.xlane v1, v14;
	[tilespmem:$0x7870] =	vst v13  }
0x4dc: {  	v19 =	vand.u32 $0xF, v11;
	v18 =	vperm.xlane v0, v14;
	[tilespmem:$0x3C00] =	vst v15  }
0x4dd: {  	v21 =	vld [tilespmem:$0x1A30];
	v20 =	vperm.xlane v2, v19;
	[tilespmem:$0x5C00] =	vst v17  }
0x4de: {  	v24 =	vand.u32 $0xF, v16;
	v22 =	vperm.xlane v1, v19;
	[tilespmem:$0x7C00] =	vst v18  }
0x4df: {  	v27 =	vperm.xlane v1, v24;
	[tilespmem:$0x3C10] =	vst v20  }
0x4e0: {  	v31 =	vld [tilespmem:$0x1A50];
	v23 =	vperm.xlane v0, v19;
	[tilespmem:$0x5C10] =	vst v22  }
0x4e1: {  	v25 =	vperm.xlane v2, v24;
	[tilespmem:$0x5C20] =	vst v27  }
0x4e2: {  	v28 =	vperm.xlane v0, v24;
	[tilespmem:$0x7C10] =	vst v23;
	v29 =	vand.u32 $0xF, v21  }
0x4e3: {  	v36 =	vld [tilespmem:$0x1A60];
	[tilespmem:$0x3C20] =	vst v25;
	v30 =	vperm.xlane v2, v29  }
0x4e4: {  	[tilespmem:$0x7C20] =	vst v28;
	v32 =	vperm.xlane v1, v29  }
0x4e5: {  	v39 =	vand.u32 $0xF, v31;
	v33 =	vperm.xlane v0, v29;
	[tilespmem:$0x3C30] =	vst v30  }
0x4e6: {  	v41 =	vld [tilespmem:$0x1A70];
	v40 =	vperm.xlane v2, v39;
	[tilespmem:$0x5C30] =	vst v32  }
0x4e7: {  	v42 =	vperm.xlane v1, v39;
	[tilespmem:$0x7C30] =	vst v33  }
0x4e8: {  	v44 =	vand.u32 $0xF, v36;
	v43 =	vperm.xlane v0, v39;
	[tilespmem:$0x3C50] =	vst v40  }
0x4e9: {  	v46 =	vld [tilespmem:$0x1E00];
	v45 =	vperm.xlane v2, v44;
	[tilespmem:$0x5C50] =	vst v42  }
0x4ea: {  	v47 =	vperm.xlane v1, v44;
	[tilespmem:$0x7C50] =	vst v43  }
0x4eb: {  	v49 =	vand.u32 $0xF, v41;
	v48 =	vperm.xlane v0, v44;
	[tilespmem:$0x3C60] =	vst v45  }
0x4ec: {  	v51 =	vld [tilespmem:$0x1E10];
	v50 =	vperm.xlane v2, v49;
	[tilespmem:$0x5C60] =	vst v47  }
0x4ed: {  	v52 =	vperm.xlane v1, v49;
	[tilespmem:$0x7C60] =	vst v48  }
0x4ee: {  	v54 =	vand.u32 $0xF, v46;
	v53 =	vperm.xlane v0, v49;
	[tilespmem:$0x3C70] =	vst v50  }
0x4ef: {  	v56 =	vld [tilespmem:$0x1E20];
	v55 =	vperm.xlane v2, v54;
	[tilespmem:$0x5C70] =	vst v52  }
0x4f0: {  	v57 =	vperm.xlane v1, v54;
	[tilespmem:$0x7C70] =	vst v53  }
0x4f1: {  	v59 =	vand.u32 $0xF, v51;
	v58 =	vperm.xlane v0, v54;
	[tilespmem:$0x4000] =	vst v55  }
0x4f2: {  	v61 =	vld [tilespmem:$0x1E30];
	v60 =	vperm.xlane v2, v59;
	[tilespmem:$0x6000] =	vst v57  }
0x4f3: {  	v62 =	vperm.xlane v1, v59;
	[tilespmem:$0x8000] =	vst v58  }
0x4f4: {  	v9 =	vand.u32 $0xF, v56;
	v63 =	vperm.xlane v0, v59;
	[tilespmem:$0x4010] =	vst v60  }
0x4f5: {  	v11 =	vld [tilespmem:$0x1E40];
	v10 =	vperm.xlane v2, v9;
	[tilespmem:$0x6010] =	vst v62  }
0x4f6: {  	v12 =	vperm.xlane v1, v9;
	[tilespmem:$0x8010] =	vst v63  }
0x4f7: {  	v14 =	vand.u32 $0xF, v61;
	v13 =	vperm.xlane v0, v9;
	[tilespmem:$0x4020] =	vst v10  }
0x4f8: {  	v16 =	vld [tilespmem:$0x1E50];
	v15 =	vperm.xlane v2, v14;
	[tilespmem:$0x6020] =	vst v12  }
0x4f9: {  	v17 =	vperm.xlane v1, v14;
	[tilespmem:$0x8020] =	vst v13  }
0x4fa: {  	v19 =	vand.u32 $0xF, v11;
	v18 =	vperm.xlane v0, v14;
	[tilespmem:$0x4030] =	vst v15  }
0x4fb: {  	v26 =	vld [tilespmem:$0x1A40];
	v20 =	vperm.xlane v2, v19;
	[tilespmem:$0x6030] =	vst v17  }
0x4fc: {  	v22 =	vperm.xlane v1, v19;
	[tilespmem:$0x8030] =	vst v18  }
0x4fd: {  	v24 =	vand.u32 $0xF, v16;
	v23 =	vperm.xlane v0, v19;
	[tilespmem:$0x4040] =	vst v20  }
0x4fe: {  	v21 =	vld [tilespmem:$0x1E60];
	v25 =	vperm.xlane v2, v24;
	[tilespmem:$0x6040] =	vst v22  }
0x4ff: {  	v27 =	vperm.xlane v1, v24;
	[tilespmem:$0x8040] =	vst v23  }
0x500: {  	v28 =	vperm.xlane v0, v24;
	v34 =	vand.u32 $0xF, v26;
	[tilespmem:$0x4050] =	vst v25  }
0x501: {  	v31 =	vld [tilespmem:$0x1280];
	[tilespmem:$0x6050] =	vst v27;
	v35 =	vperm.xlane v2, v34  }
0x502: {  	[tilespmem:$0x8050] =	vst v28;
	v37 =	vperm.xlane v1, v34  }
0x503: {  	v38 =	vperm.xlane v0, v34;
	v29 =	vand.u32 $0xF, v21;
	[tilespmem:$0x3C40] =	vst v35  }
0x504: {  	v36 =	vld [tilespmem:$0x1290];
	[tilespmem:$0x5C40] =	vst v37;
	v30 =	vperm.xlane v2, v29  }
0x505: {  	[tilespmem:$0x7C40] =	vst v38;
	v32 =	vperm.xlane v1, v29  }
0x506: {  	v39 =	vand.u32 $0xF, v31;
	v33 =	vperm.xlane v0, v29;
	[tilespmem:$0x4060] =	vst v30  }
0x507: {  	v41 =	vld [tilespmem:$0x12A0];
	v40 =	vperm.xlane v2, v39;
	[tilespmem:$0x6060] =	vst v32  }
0x508: {  	v42 =	vperm.xlane v1, v39;
	[tilespmem:$0x8060] =	vst v33  }
0x509: {  	v44 =	vand.u32 $0xF, v36;
	v43 =	vperm.xlane v0, v39;
	[tilespmem:$0x3480] =	vst v40  }
0x50a: {  	v46 =	vld [tilespmem:$0x12B0];
	v45 =	vperm.xlane v2, v44;
	[tilespmem:$0x5480] =	vst v42  }
0x50b: {  	v47 =	vperm.xlane v1, v44;
	[tilespmem:$0x7480] =	vst v43  }
0x50c: {  	v49 =	vand.u32 $0xF, v41;
	v48 =	vperm.xlane v0, v44;
	[tilespmem:$0x3490] =	vst v45  }
0x50d: {  	v51 =	vld [tilespmem:$0x12C0];
	v50 =	vperm.xlane v2, v49;
	[tilespmem:$0x5490] =	vst v47  }
0x50e: {  	v52 =	vperm.xlane v1, v49;
	[tilespmem:$0x7490] =	vst v48  }
0x50f: {  	v54 =	vand.u32 $0xF, v46;
	v53 =	vperm.xlane v0, v49;
	[tilespmem:$0x34A0] =	vst v50  }
0x510: {  	v56 =	vld [tilespmem:$0x12D0];
	v55 =	vperm.xlane v2, v54;
	[tilespmem:$0x54A0] =	vst v52  }
0x511: {  	v57 =	vperm.xlane v1, v54;
	[tilespmem:$0x74A0] =	vst v53  }
0x512: {  	v59 =	vand.u32 $0xF, v51;
	v58 =	vperm.xlane v0, v54;
	[tilespmem:$0x34B0] =	vst v55  }
0x513: {  	v61 =	vld [tilespmem:$0x12E0];
	v60 =	vperm.xlane v2, v59;
	[tilespmem:$0x54B0] =	vst v57  }
0x514: {  	v62 =	vperm.xlane v1, v59;
	[tilespmem:$0x74B0] =	vst v58  }
0x515: {  	v9 =	vand.u32 $0xF, v56;
	v63 =	vperm.xlane v0, v59;
	[tilespmem:$0x34C0] =	vst v60  }
0x516: {  	v11 =	vld [tilespmem:$0x12F0];
	v10 =	vperm.xlane v2, v9;
	[tilespmem:$0x54C0] =	vst v62  }
0x517: {  	v12 =	vperm.xlane v1, v9;
	[tilespmem:$0x74C0] =	vst v63  }
0x518: {  	v14 =	vand.u32 $0xF, v61;
	v13 =	vperm.xlane v0, v9;
	[tilespmem:$0x34D0] =	vst v10  }
0x519: {  	v16 =	vld [tilespmem:$0x1680];
	v15 =	vperm.xlane v2, v14;
	[tilespmem:$0x54D0] =	vst v12  }
0x51a: {  	v17 =	vperm.xlane v1, v14;
	[tilespmem:$0x74D0] =	vst v13  }
0x51b: {  	v19 =	vand.u32 $0xF, v11;
	v18 =	vperm.xlane v0, v14;
	[tilespmem:$0x34E0] =	vst v15  }
0x51c: {  	v26 =	vld [tilespmem:$0x1E70];
	v20 =	vperm.xlane v2, v19;
	[tilespmem:$0x54E0] =	vst v17  }
0x51d: {  	v22 =	vperm.xlane v1, v19;
	[tilespmem:$0x74E0] =	vst v18  }
0x51e: {  	v24 =	vand.u32 $0xF, v16;
	v23 =	vperm.xlane v0, v19;
	[tilespmem:$0x34F0] =	vst v20  }
0x51f: {  	v21 =	vld [tilespmem:$0x1690];
	v25 =	vperm.xlane v2, v24;
	[tilespmem:$0x54F0] =	vst v22  }
0x520: {  	v27 =	vperm.xlane v1, v24;
	[tilespmem:$0x74F0] =	vst v23  }
0x521: {  	v28 =	vperm.xlane v0, v24;
	v34 =	vand.u32 $0xF, v26;
	[tilespmem:$0x3880] =	vst v25  }
0x522: {  	v31 =	vld [tilespmem:$0x16B0];
	[tilespmem:$0x5880] =	vst v27;
	v35 =	vperm.xlane v2, v34  }
0x523: {  	[tilespmem:$0x7880] =	vst v28;
	v37 =	vperm.xlane v1, v34  }
0x524: {  	v38 =	vperm.xlane v0, v34;
	v29 =	vand.u32 $0xF, v21;
	[tilespmem:$0x4070] =	vst v35  }
0x525: {  	v36 =	vld [tilespmem:$0x16C0];
	[tilespmem:$0x6070] =	vst v37;
	v30 =	vperm.xlane v2, v29  }
0x526: {  	[tilespmem:$0x8070] =	vst v38;
	v32 =	vperm.xlane v1, v29  }
0x527: {  	v39 =	vand.u32 $0xF, v31;
	v33 =	vperm.xlane v0, v29;
	[tilespmem:$0x3890] =	vst v30  }
0x528: {  	v41 =	vld [tilespmem:$0x16D0];
	v40 =	vperm.xlane v2, v39;
	[tilespmem:$0x5890] =	vst v32  }
0x529: {  	v42 =	vperm.xlane v1, v39;
	[tilespmem:$0x7890] =	vst v33  }
0x52a: {  	v44 =	vand.u32 $0xF, v36;
	v43 =	vperm.xlane v0, v39;
	[tilespmem:$0x38B0] =	vst v40  }
0x52b: {  	v46 =	vld [tilespmem:$0x16E0];
	v45 =	vperm.xlane v2, v44;
	[tilespmem:$0x58B0] =	vst v42  }
0x52c: {  	v47 =	vperm.xlane v1, v44;
	[tilespmem:$0x78B0] =	vst v43  }
0x52d: {  	v49 =	vand.u32 $0xF, v41;
	v48 =	vperm.xlane v0, v44;
	[tilespmem:$0x38C0] =	vst v45  }
0x52e: {  	v51 =	vld [tilespmem:$0x16F0];
	v50 =	vperm.xlane v2, v49;
	[tilespmem:$0x58C0] =	vst v47  }
0x52f: {  	v52 =	vperm.xlane v1, v49;
	[tilespmem:$0x78C0] =	vst v48  }
0x530: {  	v54 =	vand.u32 $0xF, v46;
	v53 =	vperm.xlane v0, v49;
	[tilespmem:$0x38D0] =	vst v50  }
0x531: {  	v56 =	vld [tilespmem:$0x1A80];
	v55 =	vperm.xlane v2, v54;
	[tilespmem:$0x58D0] =	vst v52  }
0x532: {  	v57 =	vperm.xlane v1, v54;
	[tilespmem:$0x78D0] =	vst v53  }
0x533: {  	v59 =	vand.u32 $0xF, v51;
	v58 =	vperm.xlane v0, v54;
	[tilespmem:$0x38E0] =	vst v55  }
0x534: {  	v61 =	vld [tilespmem:$0x1A90];
	v60 =	vperm.xlane v2, v59;
	[tilespmem:$0x58E0] =	vst v57  }
0x535: {  	v62 =	vperm.xlane v1, v59;
	[tilespmem:$0x78E0] =	vst v58  }
0x536: {  	v9 =	vand.u32 $0xF, v56;
	v63 =	vperm.xlane v0, v59;
	[tilespmem:$0x38F0] =	vst v60  }
0x537: {  	v11 =	vld [tilespmem:$0x1AA0];
	v10 =	vperm.xlane v2, v9;
	[tilespmem:$0x58F0] =	vst v62  }
0x538: {  	v12 =	vperm.xlane v1, v9;
	[tilespmem:$0x78F0] =	vst v63  }
0x539: {  	v14 =	vand.u32 $0xF, v61;
	v13 =	vperm.xlane v0, v9;
	[tilespmem:$0x3C80] =	vst v10  }
0x53a: {  	v16 =	vld [tilespmem:$0x1AB0];
	v15 =	vperm.xlane v2, v14;
	[tilespmem:$0x5C80] =	vst v12  }
0x53b: {  	v17 =	vperm.xlane v1, v14;
	[tilespmem:$0x7C80] =	vst v13  }
0x53c: {  	v19 =	vand.u32 $0xF, v11;
	v18 =	vperm.xlane v0, v14;
	[tilespmem:$0x3C90] =	vst v15  }
0x53d: {  	v26 =	vld [tilespmem:$0x16A0];
	v20 =	vperm.xlane v2, v19;
	[tilespmem:$0x5C90] =	vst v17  }
0x53e: {  	v22 =	vperm.xlane v1, v19;
	[tilespmem:$0x7C90] =	vst v18  }
0x53f: {  	v24 =	vand.u32 $0xF, v16;
	v23 =	vperm.xlane v0, v19;
	[tilespmem:$0x3CA0] =	vst v20  }
0x540: {  	v21 =	vld [tilespmem:$0x1AC0];
	v25 =	vperm.xlane v2, v24;
	[tilespmem:$0x5CA0] =	vst v22  }
0x541: {  	v27 =	vperm.xlane v1, v24;
	[tilespmem:$0x7CA0] =	vst v23  }
0x542: {  	v28 =	vperm.xlane v0, v24;
	v34 =	vand.u32 $0xF, v26;
	[tilespmem:$0x3CB0] =	vst v25  }
0x543: {  	v31 =	vld [tilespmem:$0x1AE0];
	[tilespmem:$0x5CB0] =	vst v27;
	v35 =	vperm.xlane v2, v34  }
0x544: {  	[tilespmem:$0x7CB0] =	vst v28;
	v37 =	vperm.xlane v1, v34  }
0x545: {  	v38 =	vperm.xlane v0, v34;
	v29 =	vand.u32 $0xF, v21;
	[tilespmem:$0x38A0] =	vst v35  }
0x546: {  	v36 =	vld [tilespmem:$0x1AF0];
	[tilespmem:$0x58A0] =	vst v37;
	v30 =	vperm.xlane v2, v29  }
0x547: {  	[tilespmem:$0x78A0] =	vst v38;
	v32 =	vperm.xlane v1, v29  }
0x548: {  	v39 =	vand.u32 $0xF, v31;
	v33 =	vperm.xlane v0, v29;
	[tilespmem:$0x3CC0] =	vst v30  }
0x549: {  	v41 =	vld [tilespmem:$0x1E80];
	v40 =	vperm.xlane v2, v39;
	[tilespmem:$0x5CC0] =	vst v32  }
0x54a: {  	v42 =	vperm.xlane v1, v39;
	[tilespmem:$0x7CC0] =	vst v33  }
0x54b: {  	v44 =	vand.u32 $0xF, v36;
	v43 =	vperm.xlane v0, v39;
	[tilespmem:$0x3CE0] =	vst v40  }
0x54c: {  	v46 =	vld [tilespmem:$0x1E90];
	v45 =	vperm.xlane v2, v44;
	[tilespmem:$0x5CE0] =	vst v42  }
0x54d: {  	v47 =	vperm.xlane v1, v44;
	[tilespmem:$0x7CE0] =	vst v43  }
0x54e: {  	v49 =	vand.u32 $0xF, v41;
	v48 =	vperm.xlane v0, v44;
	[tilespmem:$0x3CF0] =	vst v45  }
0x54f: {  	v51 =	vld [tilespmem:$0x1EA0];
	v50 =	vperm.xlane v2, v49;
	[tilespmem:$0x5CF0] =	vst v47  }
0x550: {  	v52 =	vperm.xlane v1, v49;
	[tilespmem:$0x7CF0] =	vst v48  }
0x551: {  	v54 =	vand.u32 $0xF, v46;
	v53 =	vperm.xlane v0, v49;
	[tilespmem:$0x4080] =	vst v50  }
0x552: {  	v56 =	vld [tilespmem:$0x1EB0];
	v55 =	vperm.xlane v2, v54;
	[tilespmem:$0x6080] =	vst v52  }
0x553: {  	v57 =	vperm.xlane v1, v54;
	[tilespmem:$0x8080] =	vst v53  }
0x554: {  	v59 =	vand.u32 $0xF, v51;
	v58 =	vperm.xlane v0, v54;
	[tilespmem:$0x4090] =	vst v55  }
0x555: {  	v61 =	vld [tilespmem:$0x1EC0];
	v60 =	vperm.xlane v2, v59;
	[tilespmem:$0x6090] =	vst v57  }
0x556: {  	v62 =	vperm.xlane v1, v59;
	[tilespmem:$0x8090] =	vst v58  }
0x557: {  	v9 =	vand.u32 $0xF, v56;
	v63 =	vperm.xlane v0, v59;
	[tilespmem:$0x40A0] =	vst v60  }
0x558: {  	v11 =	vld [tilespmem:$0x1ED0];
	v10 =	vperm.xlane v2, v9;
	[tilespmem:$0x60A0] =	vst v62  }
0x559: {  	v12 =	vperm.xlane v1, v9;
	[tilespmem:$0x80A0] =	vst v63  }
0x55a: {  	v14 =	vand.u32 $0xF, v61;
	v13 =	vperm.xlane v0, v9;
	[tilespmem:$0x40B0] =	vst v10  }
0x55b: {  	v16 =	vld [tilespmem:$0x1EE0];
	v15 =	vperm.xlane v2, v14;
	[tilespmem:$0x60B0] =	vst v12  }
0x55c: {  	v17 =	vperm.xlane v1, v14;
	[tilespmem:$0x80B0] =	vst v13  }
0x55d: {  	v19 =	vand.u32 $0xF, v11;
	v18 =	vperm.xlane v0, v14;
	[tilespmem:$0x40C0] =	vst v15  }
0x55e: {  	v26 =	vld [tilespmem:$0x1AD0];
	v20 =	vperm.xlane v2, v19;
	[tilespmem:$0x60C0] =	vst v17  }
0x55f: {  	v22 =	vperm.xlane v1, v19;
	[tilespmem:$0x80C0] =	vst v18  }
0x560: {  	v24 =	vand.u32 $0xF, v16;
	v23 =	vperm.xlane v0, v19;
	[tilespmem:$0x40D0] =	vst v20  }
0x561: {  	v21 =	vld [tilespmem:$0x1EF0];
	v25 =	vperm.xlane v2, v24;
	[tilespmem:$0x60D0] =	vst v22  }
0x562: {  	v27 =	vperm.xlane v1, v24;
	[tilespmem:$0x80D0] =	vst v23  }
0x563: {  	v28 =	vperm.xlane v0, v24;
	v34 =	vand.u32 $0xF, v26;
	[tilespmem:$0x40E0] =	vst v25  }
0x564: {  	v31 =	vld [tilespmem:$0x1310];
	[tilespmem:$0x60E0] =	vst v27;
	v35 =	vperm.xlane v2, v34  }
0x565: {  	[tilespmem:$0x80E0] =	vst v28;
	v37 =	vperm.xlane v1, v34  }
0x566: {  	v38 =	vperm.xlane v0, v34;
	v29 =	vand.u32 $0xF, v21;
	[tilespmem:$0x3CD0] =	vst v35  }
0x567: {  	v36 =	vld [tilespmem:$0x1320];
	[tilespmem:$0x5CD0] =	vst v37;
	v30 =	vperm.xlane v2, v29  }
0x568: {  	[tilespmem:$0x7CD0] =	vst v38;
	v32 =	vperm.xlane v1, v29  }
0x569: {  	v39 =	vand.u32 $0xF, v31;
	v33 =	vperm.xlane v0, v29;
	[tilespmem:$0x40F0] =	vst v30  }
0x56a: {  	v41 =	vld [tilespmem:$0x1330];
	v40 =	vperm.xlane v2, v39;
	[tilespmem:$0x60F0] =	vst v32  }
0x56b: {  	v42 =	vperm.xlane v1, v39;
	[tilespmem:$0x80F0] =	vst v33  }
0x56c: {  	v44 =	vand.u32 $0xF, v36;
	v43 =	vperm.xlane v0, v39;
	[tilespmem:$0x3510] =	vst v40  }
0x56d: {  	v46 =	vld [tilespmem:$0x1340];
	v45 =	vperm.xlane v2, v44;
	[tilespmem:$0x5510] =	vst v42  }
0x56e: {  	v47 =	vperm.xlane v1, v44;
	[tilespmem:$0x7510] =	vst v43  }
0x56f: {  	v49 =	vand.u32 $0xF, v41;
	v48 =	vperm.xlane v0, v44;
	[tilespmem:$0x3520] =	vst v45  }
0x570: {  	v51 =	vld [tilespmem:$0x1350];
	v50 =	vperm.xlane v2, v49;
	[tilespmem:$0x5520] =	vst v47  }
0x571: {  	v52 =	vperm.xlane v1, v49;
	[tilespmem:$0x7520] =	vst v48  }
0x572: {  	v54 =	vand.u32 $0xF, v46;
	v53 =	vperm.xlane v0, v49;
	[tilespmem:$0x3530] =	vst v50  }
0x573: {  	v56 =	vld [tilespmem:$0x1360];
	v55 =	vperm.xlane v2, v54;
	[tilespmem:$0x5530] =	vst v52  }
0x574: {  	v57 =	vperm.xlane v1, v54;
	[tilespmem:$0x7530] =	vst v53  }
0x575: {  	v59 =	vand.u32 $0xF, v51;
	v58 =	vperm.xlane v0, v54;
	[tilespmem:$0x3540] =	vst v55  }
0x576: {  	v61 =	vld [tilespmem:$0x1370];
	v60 =	vperm.xlane v2, v59;
	[tilespmem:$0x5540] =	vst v57  }
0x577: {  	v62 =	vperm.xlane v1, v59;
	[tilespmem:$0x7540] =	vst v58  }
0x578: {  	v9 =	vand.u32 $0xF, v56;
	v63 =	vperm.xlane v0, v59;
	[tilespmem:$0x3550] =	vst v60  }
0x579: {  	v11 =	vld [tilespmem:$0x1700];
	v10 =	vperm.xlane v2, v9;
	[tilespmem:$0x5550] =	vst v62  }
0x57a: {  	v12 =	vperm.xlane v1, v9;
	[tilespmem:$0x7550] =	vst v63  }
0x57b: {  	v14 =	vand.u32 $0xF, v61;
	v13 =	vperm.xlane v0, v9;
	[tilespmem:$0x3560] =	vst v10  }
0x57c: {  	v16 =	vld [tilespmem:$0x1710];
	v15 =	vperm.xlane v2, v14;
	[tilespmem:$0x5560] =	vst v12  }
0x57d: {  	v17 =	vperm.xlane v1, v14;
	[tilespmem:$0x7560] =	vst v13  }
0x57e: {  	v19 =	vand.u32 $0xF, v11;
	v18 =	vperm.xlane v0, v14;
	[tilespmem:$0x3570] =	vst v15  }
0x57f: {  	v26 =	vld [tilespmem:$0x1300];
	v20 =	vperm.xlane v2, v19;
	[tilespmem:$0x5570] =	vst v17  }
0x580: {  	v22 =	vperm.xlane v1, v19;
	[tilespmem:$0x7570] =	vst v18  }
0x581: {  	v24 =	vand.u32 $0xF, v16;
	v23 =	vperm.xlane v0, v19;
	[tilespmem:$0x3900] =	vst v20  }
0x582: {  	v21 =	vld [tilespmem:$0x1720];
	v25 =	vperm.xlane v2, v24;
	[tilespmem:$0x5900] =	vst v22  }
0x583: {  	v27 =	vperm.xlane v1, v24;
	[tilespmem:$0x7900] =	vst v23  }
0x584: {  	v28 =	vperm.xlane v0, v24;
	v34 =	vand.u32 $0xF, v26;
	[tilespmem:$0x3910] =	vst v25  }
0x585: {  	v31 =	vld [tilespmem:$0x1740];
	[tilespmem:$0x5910] =	vst v27;
	v35 =	vperm.xlane v2, v34  }
0x586: {  	[tilespmem:$0x7910] =	vst v28;
	v37 =	vperm.xlane v1, v34  }
0x587: {  	v38 =	vperm.xlane v0, v34;
	v29 =	vand.u32 $0xF, v21;
	[tilespmem:$0x3500] =	vst v35  }
0x588: {  	v36 =	vld [tilespmem:$0x1750];
	[tilespmem:$0x5500] =	vst v37;
	v30 =	vperm.xlane v2, v29  }
0x589: {  	[tilespmem:$0x7500] =	vst v38;
	v32 =	vperm.xlane v1, v29  }
0x58a: {  	v39 =	vand.u32 $0xF, v31;
	v33 =	vperm.xlane v0, v29;
	[tilespmem:$0x3920] =	vst v30  }
0x58b: {  	v41 =	vld [tilespmem:$0x1760];
	v40 =	vperm.xlane v2, v39;
	[tilespmem:$0x5920] =	vst v32  }
0x58c: {  	v42 =	vperm.xlane v1, v39;
	[tilespmem:$0x7920] =	vst v33  }
0x58d: {  	v44 =	vand.u32 $0xF, v36;
	v43 =	vperm.xlane v0, v39;
	[tilespmem:$0x3940] =	vst v40  }
0x58e: {  	v46 =	vld [tilespmem:$0x1770];
	v45 =	vperm.xlane v2, v44;
	[tilespmem:$0x5940] =	vst v42  }
0x58f: {  	v47 =	vperm.xlane v1, v44;
	[tilespmem:$0x7940] =	vst v43  }
0x590: {  	v49 =	vand.u32 $0xF, v41;
	v48 =	vperm.xlane v0, v44;
	[tilespmem:$0x3950] =	vst v45  }
0x591: {  	v51 =	vld [tilespmem:$0x1B00];
	v50 =	vperm.xlane v2, v49;
	[tilespmem:$0x5950] =	vst v47  }
0x592: {  	v52 =	vperm.xlane v1, v49;
	[tilespmem:$0x7950] =	vst v48  }
0x593: {  	v54 =	vand.u32 $0xF, v46;
	v53 =	vperm.xlane v0, v49;
	[tilespmem:$0x3960] =	vst v50  }
0x594: {  	v56 =	vld [tilespmem:$0x1B10];
	v55 =	vperm.xlane v2, v54;
	[tilespmem:$0x5960] =	vst v52  }
0x595: {  	v57 =	vperm.xlane v1, v54;
	[tilespmem:$0x7960] =	vst v53  }
0x596: {  	v59 =	vand.u32 $0xF, v51;
	v58 =	vperm.xlane v0, v54;
	[tilespmem:$0x3970] =	vst v55  }
0x597: {  	v61 =	vld [tilespmem:$0x1B20];
	v60 =	vperm.xlane v2, v59;
	[tilespmem:$0x5970] =	vst v57  }
0x598: {  	v62 =	vperm.xlane v1, v59;
	[tilespmem:$0x7970] =	vst v58  }
0x599: {  	v9 =	vand.u32 $0xF, v56;
	v63 =	vperm.xlane v0, v59;
	[tilespmem:$0x3D00] =	vst v60  }
0x59a: {  	v11 =	vld [tilespmem:$0x1B30];
	v10 =	vperm.xlane v2, v9;
	[tilespmem:$0x5D00] =	vst v62  }
0x59b: {  	v12 =	vperm.xlane v1, v9;
	[tilespmem:$0x7D00] =	vst v63  }
0x59c: {  	v14 =	vand.u32 $0xF, v61;
	v13 =	vperm.xlane v0, v9;
	[tilespmem:$0x3D10] =	vst v10  }
0x59d: {  	v16 =	vld [tilespmem:$0x1B40];
	v15 =	vperm.xlane v2, v14;
	[tilespmem:$0x5D10] =	vst v12  }
0x59e: {  	v17 =	vperm.xlane v1, v14;
	[tilespmem:$0x7D10] =	vst v13  }
0x59f: {  	v19 =	vand.u32 $0xF, v11;
	v18 =	vperm.xlane v0, v14;
	[tilespmem:$0x3D20] =	vst v15  }
0x5a0: {  	v26 =	vld [tilespmem:$0x1730];
	v20 =	vperm.xlane v2, v19;
	[tilespmem:$0x5D20] =	vst v17  }
0x5a1: {  	v22 =	vperm.xlane v1, v19;
	[tilespmem:$0x7D20] =	vst v18  }
0x5a2: {  	v24 =	vand.u32 $0xF, v16;
	v23 =	vperm.xlane v0, v19;
	[tilespmem:$0x3D30] =	vst v20  }
0x5a3: {  	v21 =	vld [tilespmem:$0x1B50];
	v25 =	vperm.xlane v2, v24;
	[tilespmem:$0x5D30] =	vst v22  }
0x5a4: {  	v27 =	vperm.xlane v1, v24;
	[tilespmem:$0x7D30] =	vst v23  }
0x5a5: {  	v28 =	vperm.xlane v0, v24;
	v34 =	vand.u32 $0xF, v26;
	[tilespmem:$0x3D40] =	vst v25  }
0x5a6: {  	v31 =	vld [tilespmem:$0x1B70];
	[tilespmem:$0x5D40] =	vst v27;
	v35 =	vperm.xlane v2, v34  }
0x5a7: {  	[tilespmem:$0x7D40] =	vst v28;
	v37 =	vperm.xlane v1, v34  }
0x5a8: {  	v38 =	vperm.xlane v0, v34;
	v29 =	vand.u32 $0xF, v21;
	[tilespmem:$0x3930] =	vst v35  }
0x5a9: {  	v36 =	vld [tilespmem:$0x1F00];
	[tilespmem:$0x5930] =	vst v37;
	v30 =	vperm.xlane v2, v29  }
0x5aa: {  	[tilespmem:$0x7930] =	vst v38;
	v32 =	vperm.xlane v1, v29  }
0x5ab: {  	v39 =	vand.u32 $0xF, v31;
	v33 =	vperm.xlane v0, v29;
	[tilespmem:$0x3D50] =	vst v30  }
0x5ac: {  	v41 =	vld [tilespmem:$0x1F10];
	v40 =	vperm.xlane v2, v39;
	[tilespmem:$0x5D50] =	vst v32  }
0x5ad: {  	v42 =	vperm.xlane v1, v39;
	[tilespmem:$0x7D50] =	vst v33  }
0x5ae: {  	v44 =	vand.u32 $0xF, v36;
	v43 =	vperm.xlane v0, v39;
	[tilespmem:$0x3D70] =	vst v40  }
0x5af: {  	v46 =	vld [tilespmem:$0x1F20];
	v45 =	vperm.xlane v2, v44;
	[tilespmem:$0x5D70] =	vst v42  }
0x5b0: {  	v51 =	vld [tilespmem:$0x1FE0];
	v47 =	vperm.xlane v1, v44;
	[tilespmem:$0x7D70] =	vst v43  }
0x5b1: {  	v50 =	vand.u32 $0xF, v41;
	v49 =	vperm.xlane v0, v44;
	[tilespmem:$0x4100] =	vst v45  }
0x5b2: {  	v52 =	vperm.xlane v2, v50;
	[tilespmem:$0x6100] =	vst v47  }
0x5b3: {  	v26 =	vld [tilespmem:$0x1B60];
	v53 =	vperm.xlane v1, v50;
	[tilespmem:$0x8100] =	vst v49  }
0x5b4: {  	v3 =	vand.u32 $0xF, v46;
	v54 =	vperm.xlane v0, v50;
	[tilespmem:$0x4110] =	vst v52  }
0x5b5: {  	v4 =	vand.u32 $0xF, v51;
	v7 =	vperm.xlane v2, v3;
	[tilespmem:$0x6110] =	vst v53  }
0x5b6: {  	v48 =	vld [tilespmem:$0x1FD0];
	v6 =	vperm.xlane v1, v4;
	[tilespmem:$0x8110] =	vst v54  }
0x5b7: {  	v58 =	vperm.xlane v2, v4;
	[tilespmem:$0x4120] =	vst v7  }
0x5b8: {  	v55 =	vld [tilespmem:$0x1FC0];
	v4 =	vperm.xlane v0, v4;
	v34 =	vand.u32 $0xF, v26;
	[tilespmem:$0x61E0] =	vst v6  }
0x5b9: {  	[tilespmem:$0x41E0] =	vst v58;
	v35 =	vperm.xlane v2, v34  }
0x5ba: {  	[tilespmem:$0x81E0] =	vst v4;
	v37 =	vperm.xlane v1, v34  }
0x5bb: {  	v8 =	vand.u32 $0xF, v48;
	v38 =	vperm.xlane v0, v34;
	[tilespmem:$0x3D60] =	vst v35  }
0x5bc: {  	v57 =	vld [tilespmem:$0x1FB0];
	v56 =	vperm.xlane v1, v8;
	[tilespmem:$0x5D60] =	vst v37  }
0x5bd: {  	v5 =	vand.u32 $0xF, v55;
	v59 =	vperm.xlane v0, v8;
	[tilespmem:$0x7D60] =	vst v38  }
0x5be: {  	v60 =	vperm.xlane v0, v5;
	[tilespmem:$0x61D0] =	vst v56  }
0x5bf: {  	v61 =	vld [tilespmem:$0x1FA0];
	v8 =	vperm.xlane v2, v8;
	[tilespmem:$0x81D0] =	vst v59  }
0x5c0: {  	v62 =	vperm.xlane v1, v5;
	[tilespmem:$0x81C0] =	vst v60  }
0x5c1: {  	v7 =	vand.u32 $0xF, v57;
	v5 =	vperm.xlane v2, v5;
	[tilespmem:$0x41D0] =	vst v8  }
0x5c2: {  	v27 =	vld [tilespmem:$0x1BC0];
	v12 =	vperm.xlane v0, v7;
	[tilespmem:$0x61C0] =	vst v62  }
0x5c3: {  	v14 =	vperm.xlane v1, v7;
	[tilespmem:$0x41C0] =	vst v5  }
0x5c4: {  	v63 =	vld [tilespmem:$0x1BE0];
	v6 =	vand.u32 $0xF, v61;
	v7 =	vperm.xlane v2, v7;
	[tilespmem:$0x81B0] =	vst v12  }
0x5c5: {  	v13 =	vld [tilespmem:$0x1F90];
	v15 =	vperm.xlane v0, v6;
	[tilespmem:$0x61B0] =	vst v14  }
0x5c6: {  	v17 =	vperm.xlane v1, v6;
	[tilespmem:$0x41B0] =	vst v7  }
0x5c7: {  	v32 =	vand.u32 $0xF, v27;
	v6 =	vperm.xlane v2, v6;
	[tilespmem:$0x81A0] =	vst v15  }
0x5c8: {  	v16 =	vld [tilespmem:$0x1F80];
	v9 =	vperm.xlane v0, v32;
	[tilespmem:$0x61A0] =	vst v17  }
0x5c9: {  	v8 =	vand.u32 $0xF, v63;
	[tilespmem:$0x41A0] =	vst v6;
	v35 =	vperm.xlane v1, v32  }
0x5ca: {  	v5 =	vand.u32 $0xF, v13;
	[tilespmem:$0x7DC0] =	vst v9;
	v18 =	vperm.xlane v1, v8  }
0x5cb: {  	v19 =	vld [tilespmem:$0x1BF0];
	v20 =	vperm.xlane v0, v5;
	[tilespmem:$0x5DC0] =	vst v35  }
0x5cc: {  	v21 =	vperm.xlane v1, v5;
	[tilespmem:$0x5DE0] =	vst v18  }
0x5cd: {  	v7 =	vand.u32 $0xF, v16;
	v5 =	vperm.xlane v2, v5;
	[tilespmem:$0x8190] =	vst v20  }
0x5ce: {  	v22 =	vperm.xlane v0, v7;
	[tilespmem:$0x6190] =	vst v21  }
0x5cf: {  	v24 =	vperm.xlane v1, v7;
	[tilespmem:$0x4190] =	vst v5  }
0x5d0: {  	v6 =	vand.u32 $0xF, v19;
	v7 =	vperm.xlane v2, v7;
	[tilespmem:$0x8180] =	vst v22  }
0x5d1: {  	v48 =	vld [tilespmem:$0x17D0];
	v25 =	vperm.xlane v0, v6;
	[tilespmem:$0x6180] =	vst v24  }
0x5d2: {  	v26 =	vperm.xlane v1, v6;
	[tilespmem:$0x4180] =	vst v7  }
0x5d3: {  	v23 =	vld [tilespmem:$0x1BD0];
	v6 =	vperm.xlane v2, v6;
	[tilespmem:$0x7DF0] =	vst v25  }
0x5d4: {  	v28 =	vperm.xlane v0, v8;
	v8 =	vperm.xlane v2, v8;
	[tilespmem:$0x5DF0] =	vst v26  }
0x5d5: {  	[tilespmem:$0x3DF0] =	vst v6  }
0x5d6: {  	v30 =	vld [tilespmem:$0x1BB0];
	v53 =	vand.u32 $0xF, v48;
	[tilespmem:$0x3DE0] =	vst v8;
	v8 =	vperm.xlane v2, v32  }
0x5d7: {  	[tilespmem:$0x7DE0] =	vst v28;
	v9 =	vperm.xlane v0, v53  }
0x5d8: {  	v5 =	vand.u32 $0xF, v23;
	v56 =	vperm.xlane v1, v53;
	[tilespmem:$0x3DC0] =	vst v8  }
0x5d9: {  	v33 =	vld [tilespmem:$0x17F0];
	v29 =	vperm.xlane v0, v5;
	[tilespmem:$0x79D0] =	vst v9  }
0x5da: {  	v31 =	vperm.xlane v1, v5;
	[tilespmem:$0x59D0] =	vst v56  }
0x5db: {  	v7 =	vand.u32 $0xF, v30;
	v5 =	vperm.xlane v2, v5;
	[tilespmem:$0x7DD0] =	vst v29  }
0x5dc: {  	v37 =	vld [tilespmem:$0x1B90];
	v36 =	vperm.xlane v0, v7;
	[tilespmem:$0x5DD0] =	vst v31  }
0x5dd: {  	v38 =	vperm.xlane v1, v7;
	[tilespmem:$0x3DD0] =	vst v5  }
0x5de: {  	v6 =	vand.u32 $0xF, v33;
	v7 =	vperm.xlane v2, v7;
	[tilespmem:$0x7DB0] =	vst v36  }
0x5df: {  	v39 =	vperm.xlane v1, v6;
	[tilespmem:$0x5DB0] =	vst v38  }
0x5e0: {  	v17 =	vld [tilespmem:$0x13E0];
	v49 =	vperm.xlane v0, v6;
	[tilespmem:$0x3DB0] =	vst v7  }
0x5e1: {  	v6 =	vperm.xlane v2, v6;
	v8 =	vand.u32 $0xF, v37;
	[tilespmem:$0x59F0] =	vst v39  }
0x5e2: {  	v34 =	vld [tilespmem:$0x1BA0];
	v43 =	vperm.xlane v0, v8;
	[tilespmem:$0x79F0] =	vst v49  }
0x5e3: {  	v45 =	vperm.xlane v1, v8;
	[tilespmem:$0x39F0] =	vst v6  }
0x5e4: {  	v8 =	vperm.xlane v2, v8;
	[tilespmem:$0x7D90] =	vst v43  }
0x5e5: {  	v40 =	vld [tilespmem:$0x1B80];
	v22 =	vand.u32 $0xF, v17;
	v6 =	vperm.xlane v2, v53;
	[tilespmem:$0x5D90] =	vst v45  }
0x5e6: {  	v9 =	vperm.xlane v0, v22;
	[tilespmem:$0x3D90] =	vst v8  }
0x5e7: {  	v5 =	vand.u32 $0xF, v34;
	v25 =	vperm.xlane v1, v22;
	[tilespmem:$0x39D0] =	vst v6  }
0x5e8: {  	v51 =	vld [tilespmem:$0x17C0];
	v41 =	vperm.xlane v0, v5;
	[tilespmem:$0x75E0] =	vst v9  }
0x5e9: {  	v42 =	vperm.xlane v1, v5;
	[tilespmem:$0x55E0] =	vst v25  }
0x5ea: {  	v7 =	vand.u32 $0xF, v40;
	v5 =	vperm.xlane v2, v5;
	[tilespmem:$0x7DA0] =	vst v41  }
0x5eb: {  	v58 =	vld [tilespmem:$0x17A0];
	v46 =	vperm.xlane v0, v7;
	[tilespmem:$0x5DA0] =	vst v42  }
0x5ec: {  	v47 =	vperm.xlane v1, v7;
	[tilespmem:$0x3DA0] =	vst v5  }
0x5ed: {  	v7 =	vperm.xlane v2, v7;
	v8 =	vand.u32 $0xF, v51;
	[tilespmem:$0x7D80] =	vst v46  }
0x5ee: {  	v44 =	vld [tilespmem:$0x17E0];
	[tilespmem:$0x5D80] =	vst v47;
	v57 =	vperm.xlane v0, v8  }
0x5ef: {  	[tilespmem:$0x3D80] =	vst v7;
	v59 =	vperm.xlane v1, v8  }
0x5f0: {  	v6 =	vand.u32 $0xF, v58;
	v8 =	vperm.xlane v2, v8;
	[tilespmem:$0x79C0] =	vst v57  }
0x5f1: {  	v54 =	vld [tilespmem:$0x1780];
	v12 =	vperm.xlane v0, v6;
	[tilespmem:$0x59C0] =	vst v59  }
0x5f2: {  	v14 =	vperm.xlane v1, v6;
	[tilespmem:$0x39C0] =	vst v8  }
0x5f3: {  	v5 =	vand.u32 $0xF, v44;
	v6 =	vperm.xlane v2, v6;
	[tilespmem:$0x79A0] =	vst v12  }
0x5f4: {  	v61 =	vld [tilespmem:$0x1790];
	v50 =	vperm.xlane v0, v5;
	[tilespmem:$0x59A0] =	vst v14  }
0x5f5: {  	v52 =	vperm.xlane v1, v5;
	[tilespmem:$0x39A0] =	vst v6  }
0x5f6: {  	v7 =	vand.u32 $0xF, v54;
	v5 =	vperm.xlane v2, v5;
	[tilespmem:$0x79E0] =	vst v50  }
0x5f7: {  	v60 =	vperm.xlane v1, v7;
	[tilespmem:$0x59E0] =	vst v52  }
0x5f8: {  	v20 =	vld [tilespmem:$0x13D0];
	v18 =	vperm.xlane v0, v7;
	[tilespmem:$0x39E0] =	vst v5  }
0x5f9: {  	v7 =	vperm.xlane v2, v7;
	v8 =	vand.u32 $0xF, v61;
	[tilespmem:$0x5980] =	vst v60  }
0x5fa: {  	v15 =	vperm.xlane v0, v8;
	[tilespmem:$0x7980] =	vst v18  }
0x5fb: {  	v38 =	vld [tilespmem:$0x1F70];
	v16 =	vperm.xlane v1, v8;
	[tilespmem:$0x3980] =	vst v7  }
0x5fc: {  	v8 =	vperm.xlane v2, v8;
	[tilespmem:$0x7990] =	vst v15  }
0x5fd: {  	v55 =	vld [tilespmem:$0x17B0];
	v6 =	vand.u32 $0xF, v20;
	v7 =	vperm.xlane v2, v22;
	[tilespmem:$0x5990] =	vst v16  }
0x5fe: {  	v26 =	vperm.xlane v0, v6;
	[tilespmem:$0x3990] =	vst v8  }
0x5ff: {  	v28 =	vperm.xlane v1, v6;
	[tilespmem:$0x35E0] =	vst v7  }
0x600: {  	v51 =	vld [tilespmem:$0x1F40];
	v44 =	vand.u32 $0xF, v38;
	v6 =	vperm.xlane v2, v6;
	[tilespmem:$0x75D0] =	vst v26  }
0x601: {  	v45 =	vperm.xlane v0, v44;
	[tilespmem:$0x55D0] =	vst v28  }
0x602: {  	v5 =	vand.u32 $0xF, v55;
	v47 =	vperm.xlane v1, v44;
	[tilespmem:$0x35D0] =	vst v6  }
0x603: {  	v23 =	vld [tilespmem:$0x1390];
	v62 =	vperm.xlane v0, v5;
	[tilespmem:$0x8170] =	vst v45  }
0x604: {  	v27 =	vld [tilespmem:$0x13B0];
	v63 =	vperm.xlane v1, v5;
	[tilespmem:$0x6170] =	vst v47  }
0x605: {  	v5 =	vperm.xlane v2, v5;
	v56 =	vand.u32 $0xF, v51;
	[tilespmem:$0x79B0] =	vst v62  }
0x606: {  	v58 =	vperm.xlane v0, v56;
	[tilespmem:$0x59B0] =	vst v63  }
0x607: {  	v30 =	vld [tilespmem:$0x13A0];
	v59 =	vperm.xlane v1, v56;
	[tilespmem:$0x39B0] =	vst v5  }
0x608: {  	v8 =	vand.u32 $0xF, v23;
	v4 =	vperm.xlane v2, v56;
	[tilespmem:$0x8140] =	vst v58  }
0x609: {  	v7 =	vand.u32 $0xF, v27;
	v29 =	vperm.xlane v1, v8;
	[tilespmem:$0x6140] =	vst v59  }
0x60a: {  	v33 =	vperm.xlane v0, v7;
	[tilespmem:$0x4140] =	vst v4  }
0x60b: {  	v35 =	vperm.xlane v1, v7;
	[tilespmem:$0x5590] =	vst v29  }
0x60c: {  	v46 =	vld [tilespmem:$0x1F50];
	v6 =	vand.u32 $0xF, v30;
	v7 =	vperm.xlane v2, v7;
	[tilespmem:$0x75B0] =	vst v33  }
0x60d: {  	v36 =	vperm.xlane v0, v6;
	[tilespmem:$0x55B0] =	vst v35  }
0x60e: {  	v37 =	vperm.xlane v1, v6;
	[tilespmem:$0x35B0] =	vst v7  }
0x60f: {  	v13 =	vld [tilespmem:$0x13F0];
	v6 =	vperm.xlane v2, v6;
	[tilespmem:$0x75A0] =	vst v36  }
0x610: {  	v39 =	vperm.xlane v0, v8;
	[tilespmem:$0x55A0] =	vst v37  }
0x611: {  	v52 =	vand.u32 $0xF, v46;
	v41 =	vperm.xlane v2, v8;
	[tilespmem:$0x35A0] =	vst v6  }
0x612: {  	v42 =	vld [tilespmem:$0x1F60];
	v53 =	vperm.xlane v0, v52;
	[tilespmem:$0x7590] =	vst v39  }
0x613: {  	v54 =	vperm.xlane v1, v52;
	[tilespmem:$0x3590] =	vst v41  }
0x614: {  	v5 =	vand.u32 $0xF, v13;
	v62 =	vperm.xlane v0, v3;
	[tilespmem:$0x8150] =	vst v53  }
0x615: {  	v19 =	vperm.xlane v0, v5;
	[tilespmem:$0x6150] =	vst v54  }
0x616: {  	v24 =	vld [tilespmem:$0x13C0];
	v21 =	vperm.xlane v1, v5;
	[tilespmem:$0x8120] =	vst v62  }
0x617: {  	v55 =	vld [tilespmem:$0x1F30];
	v8 =	vand.u32 $0xF, v42;
	v5 =	vperm.xlane v2, v5;
	[tilespmem:$0x75F0] =	vst v19  }
0x618: {  	v48 =	vperm.xlane v0, v8;
	[tilespmem:$0x55F0] =	vst v21  }
0x619: {  	v50 =	vperm.xlane v1, v8;
	[tilespmem:$0x35F0] =	vst v5  }
0x61a: {  	v8 =	vperm.xlane v2, v8;
	[tilespmem:$0x8160] =	vst v48  }
0x61b: {  	v34 =	vld [tilespmem:$0x1380];
	v7 =	vperm.xlane v2, v44;
	[tilespmem:$0x6160] =	vst v50  }
0x61c: {  	v6 =	vperm.xlane v2, v52;
	v60 =	vand.u32 $0xF, v55;
	v5 =	vand.u32 $0xF, v24;
	[tilespmem:$0x4160] =	vst v8  }
0x61d: {  	v61 =	vperm.xlane v1, v60;
	v31 =	vperm.xlane v0, v5;
	[tilespmem:$0x4170] =	vst v7  }
0x61e: {  	v32 =	vperm.xlane v1, v5;
	v5 =	vperm.xlane v2, v5;
	[tilespmem:$0x4150] =	vst v6  }
0x61f: {  	v49 =	vld [tilespmem:$0x1FF0];
	[tilespmem:$0x6130] =	vst v61  }
0x620: {  	[tilespmem:$0x35C0] =	vst v5;
	v5 =	vand.u32 $0xF, v34  }
0x621: {  	v7 =	vperm.xlane v0, v60;
	[tilespmem:$0x75C0] =	vst v31;
	v40 =	vperm.xlane v1, v5  }
0x622: {  	[tilespmem:$0x55C0] =	vst v32;
	v43 =	vperm.xlane v0, v5;
	v5 =	vperm.xlane v2, v5  }
0x623: {  	[tilespmem:$0x8130] =	vst v7  }
0x624: {  	[tilespmem:$0x3580] =	vst v5;
	v5 =	vand.u32 $0xF, v49  }
0x625: {  	[tilespmem:$0x5580] =	vst v40;
	v57 =	vperm.xlane v2, v5  }
0x626: {  	[tilespmem:$0x7580] =	vst v43;
	v2 =	vperm.xlane v2, v60  }
0x627: {  	v63 =	vperm.xlane v1, v5;
	[tilespmem:$0x41F0] =	vst v57  }
0x628: {  	v1 =	vperm.xlane v1, v3;
	[tilespmem:$0x4130] =	vst v2  }
0x629: {  	v0 =	vperm.xlane v0, v5;
	[tilespmem:$0x61F0] =	vst v63  }
0x62a: {  	[tilespmem:$0x6120] =	vst v1  }
0x62b: {  	[tilespmem:$0x81F0] =	vst v0  }
0x62c: {  	[hbm4b:s4+s3] =	stream.linear.scatter [tilespmem:s11], [sflag:$0x1], $0x2000, $0x38;
	[tilespmem:$0x8200] =	vst v63  }
0x62d: {  	_ =	swait.ge [sflag:s10], $0x2000  }
0x62e: {  	[sflag:s10] =	ssyncset.done $0x0  }
0x62f: {  	[sflag:s10] =	ssyncadd.s32 $0xFFFFE000  }
0x630: {  	[hbm4b:s6+s3] =	stream.linear.scatter [tilespmem:s12], [sflag:$0x1], $0x2000, $0x38;
	[tilespmem:$0x8200] =	vst v63  }
0x631: {  	_ =	swait.ge [sflag:s10], $0x2000  }
0x632: {  	p0 =	sne.s32 s8, $0x1;
	[sflag:s10] =	ssyncset.done $0x0  }
.Ltmp0:
0x633: {  	[sflag:s10] =	ssyncadd.s32 $0xFFFFE000;
	(pc) =	sbr.rel @p0 .LBB2_1-.Ltmp0, $4  }
0x634: {  	[hbm4b:s7+s3] =	stream.linear.scatter [tilespmem:s13], [sflag:$0x1], $0x2000, $0x38;
	[tilespmem:$0x8200] =	vst v63  }
0x635: {  	_ =	swait.ge [sflag:s10], $0x2000  }
0x636: {  	[sflag:s10] =	ssyncset.done $0x0  }
0x637: {  	s8 =	sadd.s32 $0xFFFFFFFF, s8;
	[sflag:s10] =	ssyncadd.s32 $0xFFFFE000  }
0x638: {  	_ =	sfence.sel $0x180000  }
0x639: {  	[bflag:$0x0] =	sbarrier.arrive $0xFFFF  }
0x63a: {  	p0 =	sne.s32 s2, $0x0;
	_ =	strace $0x90000047  }
0x63b: {  	s0 =	sadd.s32 @!p0 $0x100000, s0;
	[bflag:$0x2] =	sbarrier.arrive $0xFFFF  }
0x63c: {  	[sflag:s0] =	ssyncadd.tile.s32 @!p0 $0x1;
	_ =	shalt  }
.Lfunc_end2:
_tile_overlayer_lowered:
.L_overlay_start_2:
0x63d: {  	(tag) =	ssettag $0x2  }
0x63e: {  	s0 =	rddreg [dreg:$0x0];
	s2 =	stileid.u32  }
0x63f: {  	s1 =	rddreg [dreg:$0x1];
	p0 =	sne.s32 s2, $0x0  }
0x640: {  	s3 =	rddreg [dreg:$0x2];
	[bflag:$0x3] =	sbarrier.arrive $0xFFFF;
	s2 =	simm.s32 @!p0 $0x1C01  }
0x641: {  	[timem:s3], [sflag:s2] =	dma.local @!p0 [hbm:s0], s1  }
0x642: {  	s0 =	simm.s32 @!p0 $0x1  }
0x643: {  	_ =	swait.ge @!p0 [sflag:s0], s1  }
0x644: {  	s1 =	ssub.s32 @!p0 $0x0, s1;
	[sflag:s0] =	ssyncset.done @!p0 $0x0  }
0x645: {  	[sflag:s0] =	ssyncadd.s32 @!p0 s1  }
0x646: {  	[bflag:$0x3] =	sbarrier.arrive $0xFFFF  }
0x647: {  	_ =	shalt  }

</sc_bundles>
